<compile_context>
chip_gen: v7x
topology: tpu7x:2x2x1
jax: 0.10.2.dev20260603
libtpu: 0.0.44.dev20260713+nightly
codegen_flags: <defaults>
</compile_context>

<pallas_src>
import jax
import jax.numpy as jnp
from jax import lax
from jax.experimental import pallas as pl
from jax.experimental.pallas import tpu as pltpu
from jax.experimental.pallas import tpu_sc as plsc

B = 1024
HIST = 200
D = 32
NSAMP = 64
NC, NS = 2, 16
NW = NC * NS
BW = B // NW
LP = 208
NBLK = LP // 16
S1 = 104
S2 = HIST - S1
VW = 128


def _sc_body(dtq_hbm, dtc_hbm, tlq_hbm, tlc_hbm, llq_hbm, llc_hbm,
             wordv_hbm, docv_hbm, labv_hbm,
             outdoc_hbm, labout_hbm, nzout_hbm,
             dtq_v, dtc_v, tlq_v, tlc_v, llq_v, llc_v,
             w_a, w_b, d_v, lab_v, labpack_v, nzpack_v, out_v, wts_v,
             sem1, sem2, sem3, sem4, semd):
    wid = lax.axis_index("c") * NS + lax.axis_index("s")
    base = wid * BW
    dbase = wid * (BW + NSAMP)
    lane = lax.broadcasted_iota(jnp.int32, (16,), 0)
    lane16 = lane + 16

    pltpu.sync_copy(dtq_hbm.at[pl.ds(pl.multiple_of(base * HIST, 8), BW * HIST)],
                    dtq_v)
    pltpu.sync_copy(dtc_hbm.at[pl.ds(pl.multiple_of(base * HIST, 8), BW * HIST)],
                    dtc_v)
    pltpu.sync_copy(tlq_hbm, tlq_v)
    pltpu.sync_copy(tlc_hbm, tlc_v)
    pltpu.sync_copy(llq_hbm, llq_v)
    pltpu.sync_copy(llc_hbm, llc_v)

    pltpu.async_copy(
        docv_hbm.at[tlq_v.at[pl.ds(pl.multiple_of(dbase, 8), BW + NSAMP)]],
        d_v, semd).wait()
    pltpu.async_copy(labv_hbm.at[llq_v.at[pl.ds(pl.multiple_of(base, 8), BW)]],
                     lab_v, semd).wait()

    for r in range(BW):
        rfull = jnp.full((16,), r, jnp.int32)
        cb = plsc.load_gather(llc_v, [jnp.full((16,), base + r, jnp.int32)])
        v0 = plsc.load_gather(lab_v, [rfull, cb + lane])
        v1 = plsc.load_gather(lab_v, [rfull, cb + lane16])
        plsc.store_scatter(labpack_v, [(r * D) + lane], v0)
        plsc.store_scatter(labpack_v, [(r * D) + lane16], v1)
    pltpu.sync_copy(labpack_v,
                    labout_hbm.at[pl.ds(pl.multiple_of(base * D, 8), BW * D)])

    for r in range(NSAMP):
        rfull = jnp.full((16,), BW + r, jnp.int32)
        cb = plsc.load_gather(tlc_v, [jnp.full((16,), dbase + BW + r, jnp.int32)])
        v0 = plsc.load_gather(d_v, [rfull, cb + lane])
        v1 = plsc.load_gather(d_v, [rfull, cb + lane16])
        plsc.store_scatter(nzpack_v, [(r * D) + lane], v0)
        plsc.store_scatter(nzpack_v, [(r * D) + lane16], v1)

    @pl.when(lax.axis_index("s") == 0)
    def _():
        half = NSAMP * D // 2
        hoff = pl.multiple_of(lax.axis_index("c") * half, 8)
        pltpu.sync_copy(nzpack_v.at[pl.ds(hoff, half)],
                        nzout_hbm.at[pl.ds(hoff, half)])

    rows_c = [blk * 16 + lane for blk in range(NBLK)]
    tail_mask = lane < (HIST - 16 * (NBLK - 1))

    chunks = [(0, 56), (56, 48), (104, 48), (152, 48)]

    def start_gather(b, w_v, sa, sb):
        off = pl.multiple_of(b * HIST, 8)
        for n, (o, c) in enumerate(chunks):
            pltpu.async_copy(wordv_hbm.at[dtq_v.at[pl.ds(off + o, c)]],
                             w_v.at[pl.ds(o, c)], sa if n % 2 == 0 else sb)

    def wait_gather(w_v, sa, sb):
        for n, (o, c) in enumerate(chunks):
            pltpu.make_async_copy(wordv_hbm.at[dtq_v.at[pl.ds(o, c)]],
                                  w_v.at[pl.ds(o, c)],
                                  sa if n % 2 == 0 else sb).wait()

    def attend(b, w_v):
        bfull = jnp.full((16,), b, jnp.int32)
        offv = jnp.full((16,), b * HIST, jnp.int32)
        cbs = [plsc.load_gather(dtc_v, [offv + (blk * 16) + lane])
               for blk in range(NBLK)]
        tlcb = plsc.load_gather(tlc_v, [jnp.full((16,), dbase, jnp.int32) + bfull])

        def j_body(j, sc):
            dj = plsc.load_gather(d_v, [bfull, tlcb + j])
            return tuple(sc[k] + plsc.load_gather(w_v, [rows_c[k], cbs[k] + j]) * dj
                         for k in range(NBLK))

        sc0 = tuple(jnp.zeros((16,), jnp.float32) for _ in range(NBLK))
        sc = list(lax.fori_loop(0, D, j_body, sc0))
        sc[NBLK - 1] = jnp.where(tail_mask, sc[NBLK - 1], -1e30)

        m = sc[0]
        for k in range(1, NBLK):
            m = jnp.maximum(m, sc[k])
        mm = jnp.max(m)
        es = [jnp.exp(s - mm) for s in sc]
        tot = es[0]
        for k in range(1, NBLK):
            tot = tot + es[k]
        inv = 1.0 / jnp.full((16,), jnp.sum(tot), jnp.float32)
        for k in range(NBLK):
            plsc.store_scatter(wts_v, [(k * 16) + lane], es[k] * inv)

        def l_body(i, acc):
            a0, a1 = acc
            for u in range(4):
                l = i * 4 + u
                lfull = jnp.full((16,), l, jnp.int32)
                wt = plsc.load_gather(wts_v, [lfull])
                cb = plsc.load_gather(dtc_v, [offv + lfull])
                a0 = a0 + wt * plsc.load_gather(w_v, [lfull, cb + lane])
                a1 = a1 + wt * plsc.load_gather(w_v, [lfull, cb + lane16])
            return (a0, a1)

        a0, a1 = lax.fori_loop(0, HIST // 4, l_body,
                               (jnp.zeros((16,), jnp.float32),
                                jnp.zeros((16,), jnp.float32)))
        bd = b * D
        plsc.store_scatter(out_v, [bd + lane], a0)
        plsc.store_scatter(out_v, [bd + lane16], a1)

    start_gather(0, w_a, sem1, sem2)

    def b_body(i, carry):
        b0 = i * 2
        start_gather(b0 + 1, w_b, sem3, sem4)
        wait_gather(w_a, sem1, sem2)
        attend(b0, w_a)
        start_gather(jnp.minimum(b0 + 2, BW - 1), w_a, sem1, sem2)
        wait_gather(w_b, sem3, sem4)
        attend(b0 + 1, w_b)
        return carry

    lax.fori_loop(0, BW // 2, b_body, 0)
    wait_gather(w_a, sem1, sem2)
    pltpu.sync_copy(out_v,
                    outdoc_hbm.at[pl.ds(pl.multiple_of(base * D, 8), BW * D)])


def _sc_call(dtq, dtc, tlq, tlc, llq, llc, wordv, docv, labv):
    mesh = plsc.VectorSubcoreMesh(core_axis_name="c", subcore_axis_name="s",
                                  num_cores=NC, num_subcores=NS)
    out_types = (jax.ShapeDtypeStruct((B * D,), jnp.float32),
                 jax.ShapeDtypeStruct((B * D,), jnp.float32),
                 jax.ShapeDtypeStruct((NSAMP * D,), jnp.float32))
    scratch = [
        pltpu.VMEM((BW * HIST,), jnp.int32),
        pltpu.VMEM((BW * HIST,), jnp.int32),
        pltpu.VMEM((NW * (BW + NSAMP),), jnp.int32),
        pltpu.VMEM((NW * (BW + NSAMP),), jnp.int32),
        pltpu.VMEM((B,), jnp.int32),
        pltpu.VMEM((B,), jnp.int32),
        pltpu.VMEM((LP, VW), jnp.float32),
        pltpu.VMEM((LP, VW), jnp.float32),
        pltpu.VMEM((BW + NSAMP, VW), jnp.float32),
        pltpu.VMEM((BW, VW), jnp.float32),
        pltpu.VMEM((BW * D,), jnp.float32),
        pltpu.VMEM((NSAMP * D,), jnp.float32),
        pltpu.VMEM((BW * D,), jnp.float32),
        pltpu.VMEM((LP,), jnp.float32),
        pltpu.SemaphoreType.DMA,
        pltpu.SemaphoreType.DMA,
        pltpu.SemaphoreType.DMA,
        pltpu.SemaphoreType.DMA,
        pltpu.SemaphoreType.DMA,
    ]
    k = pl.kernel(_sc_body, out_type=out_types, mesh=mesh,
                  scratch_types=scratch,
                  compiler_params=pltpu.CompilerParams(
                      needs_layout_passes=False))
    return k(dtq, dtc, tlq, tlc, llq, llc, wordv, docv, labv)


XB = 8192
XR = XB // 4


def _xpose_body(in_ref, out_ref):
    x = in_ref[...]
    stack = jnp.concatenate([x[:, p * XR:(p + 1) * XR] for p in range(4)],
                            axis=0)
    out_ref[...] = jnp.swapaxes(stack, 0, 1)


def _to_rowmajor(table):
    t_t = table.T
    v = t_t.shape[1]
    steps = -(-v // XB)
    return pl.pallas_call(
        _xpose_body,
        grid=(steps,),
        in_specs=[pl.BlockSpec((D, XB), lambda t: (0, t))],
        out_specs=pl.BlockSpec((XR, VW), lambda t: (t, 0)),
        out_shape=jax.ShapeDtypeStruct((steps * XR, VW), jnp.float32),
    )(t_t)


def _vq(i):
    return ((i >> 13) << 11) + (i & (XR - 1))


def _vc(i):
    return ((i >> 11) & 3) << 5


def _score_body(y_ref, x0_ref, lab_ref, out_ref):
    y = y_ref[...]
    lab = lab_ref[...]
    x0 = x0_ref[...]
    dn = (((1,), (1,)), ((), ()))
    s = lax.dot_general(y, lab, dn, preferred_element_type=jnp.float32)
    s0 = lax.dot_general(x0, lab, dn, preferred_element_type=jnp.float32)
    out_ref[...] = jnp.maximum(s - s0 + 1.0, 0.0)


def kernel(dt, tl, ll, num_sampled, opt, noise_ids, word_table, doc_table,
           label_table):
    del num_sampled, opt
    wordv = _to_rowmajor(word_table)
    docv = _to_rowmajor(doc_table)
    labv = _to_rowmajor(label_table)
    dtf = dt.reshape(-1)
    tlq2 = jnp.concatenate(
        [_vq(tl).reshape(NW, BW),
         jnp.broadcast_to(_vq(noise_ids), (NW, NSAMP))], axis=1).reshape(-1)
    tlc2 = jnp.concatenate(
        [_vc(tl).reshape(NW, BW),
         jnp.broadcast_to(_vc(noise_ids), (NW, NSAMP))], axis=1).reshape(-1)
    outdoc, labr, nzrows = _sc_call(
        _vq(dtf), _vc(dtf),
        tlq2, tlc2,
        _vq(ll), _vc(ll),
        wordv, docv, labv)
    outdoc = outdoc.reshape(B, D)
    labr = labr.reshape(B, D)
    nzrows = nzrows.reshape(NSAMP, D)
    y = jnp.concatenate([outdoc[1:], nzrows], axis=0)
    x0 = outdoc[0:1]
    return pl.pallas_call(
        _score_body,
        out_shape=jax.ShapeDtypeStruct((B + NSAMP - 1, B), jnp.float32),
    )(y, x0, labr)

# --- scband reference (transcript-rebuilt; emitter-appended) ---
"""Pipeline reference for scband-knowledge-embed-6622839571292 (READ-ONLY COPY).

The authoritative reference and input builder live on the scoring server;
editing this copy changes nothing except your own understanding.
"""

import jax, jax.numpy as jnp
import numpy as np

NUM_WORDS = 1000000
NUM_DOCS = 100000
NUM_LABELS = 100000
EMBED = 32
BATCH = 1024
HIST = 200
NUM_SAMPLED = 64


def setup_inputs(seed: int = 0) -> dict:
    key = jax.random.key(seed)
    k1, k2, k3, k4, k5, k6, k7 = jax.random.split(key, 7)
    dt = jax.random.randint(k1, (BATCH, HIST), 0, NUM_WORDS, dtype=jnp.int32)
    tl = jax.random.randint(k2, (BATCH,), 0, NUM_DOCS, dtype=jnp.int32)
    ll = jax.random.randint(k3, (BATCH,), 0, NUM_DOCS, dtype=jnp.int32)
    noise_ids = jax.random.randint(k4, (NUM_SAMPLED,), 0, NUM_DOCS, dtype=jnp.int32)
    # learned parameters, init uniform(-1, 1) as in the torch module
    word_table = jax.random.uniform(k5, (NUM_WORDS, EMBED), minval=-1.0, maxval=1.0, dtype=jnp.float32)
    doc_table = jax.random.uniform(k6, (NUM_DOCS, EMBED), minval=-1.0, maxval=1.0, dtype=jnp.float32)
    label_table = jax.random.uniform(k7, (NUM_DOCS, EMBED), minval=-1.0, maxval=1.0, dtype=jnp.float32)
    return {
        "dt": dt,
        "tl": tl,
        "ll": ll,
        "num_sampled": NUM_SAMPLED,
        "opt": 0,
        "noise_ids": noise_ids,
        "word_table": word_table,
        "doc_table": doc_table,
        "label_table": label_table,
    }


def reference(dt, tl, ll, num_sampled, opt, noise_ids, word_table, doc_table, label_table):
    # word embedding lookup: [B, L, D]
    w = jnp.take(word_table, dt, axis=0)
    # doc embedding lookup: [B, D]
    d = jnp.take(doc_table, tl, axis=0)
    # dot-product attention of each word against its doc embedding
    attn_scores = jnp.einsum('bld,bd->bl', w, d)
    weights = jax.nn.softmax(attn_scores, axis=-1)
    # attention-pooled doc representation: weights.unsqueeze(1).bmm(w).squeeze(1)
    output_doc = jnp.einsum('bl,bld->bd', weights, w)
    # concatenate with noise doc embeddings (negative samples)
    x = jnp.concatenate([output_doc, jnp.take(doc_table, noise_ids, axis=0)], axis=0)
    # score against label embeddings: [B + num_sampled, B]
    lab = jnp.take(label_table, ll, axis=0)
    scores = jnp.matmul(x, lab.T)
    # hinge loss: relu(scores[1:] - scores[0] + 1)
    loss = jax.nn.relu(scores[1:] - scores[0] + 1.0)
    return loss

if __name__ == "__main__":
    import jax
    _d = setup_inputs()
    print(jax.jit(kernel)(*tuple(_d.values())))

</pallas_src>

<mosaic_0001>
#map = affine_map<(d0, d1) -> (0)>
#map1 = affine_map<(d0, d1) -> (0, 0)>
module attributes {stable_mosaic.version = 14 : i64} {
  func.func @_sc_body(%arg0: i32, %arg1: i32, %arg2: memref<204800xi32, #tpu.memory_space<hbm>>, %arg3: memref<204800xi32, #tpu.memory_space<hbm>>, %arg4: memref<3072xi32, #tpu.memory_space<hbm>>, %arg5: memref<3072xi32, #tpu.memory_space<hbm>>, %arg6: memref<1024xi32, #tpu.memory_space<hbm>>, %arg7: memref<1024xi32, #tpu.memory_space<hbm>>, %arg8: memref<251904x128xf32, #tpu.memory_space<hbm>>, %arg9: memref<26624x128xf32, #tpu.memory_space<hbm>>, %arg10: memref<26624x128xf32, #tpu.memory_space<hbm>>, %arg11: memref<32768xf32, #tpu.memory_space<hbm>>, %arg12: memref<32768xf32, #tpu.memory_space<hbm>>, %arg13: memref<2048xf32, #tpu.memory_space<hbm>>, %arg14: memref<6400xi32, #tpu.memory_space<vmem>>, %arg15: memref<6400xi32, #tpu.memory_space<vmem>>, %arg16: memref<3072xi32, #tpu.memory_space<vmem>>, %arg17: memref<3072xi32, #tpu.memory_space<vmem>>, %arg18: memref<1024xi32, #tpu.memory_space<vmem>>, %arg19: memref<1024xi32, #tpu.memory_space<vmem>>, %arg20: memref<208x128xf32, #tpu.memory_space<vmem>>, %arg21: memref<208x128xf32, #tpu.memory_space<vmem>>, %arg22: memref<96x128xf32, #tpu.memory_space<vmem>>, %arg23: memref<32x128xf32, #tpu.memory_space<vmem>>, %arg24: memref<1024xf32, #tpu.memory_space<vmem>>, %arg25: memref<2048xf32, #tpu.memory_space<vmem>>, %arg26: memref<1024xf32, #tpu.memory_space<vmem>>, %arg27: memref<208xf32, #tpu.memory_space<vmem>>, %arg28: memref<!tpu.dma_semaphore, #tpu.memory_space<semaphore_mem>>, %arg29: memref<!tpu.dma_semaphore, #tpu.memory_space<semaphore_mem>>, %arg30: memref<!tpu.dma_semaphore, #tpu.memory_space<semaphore_mem>>, %arg31: memref<!tpu.dma_semaphore, #tpu.memory_space<semaphore_mem>>, %arg32: memref<!tpu.dma_semaphore, #tpu.memory_space<semaphore_mem>>) attributes {dimension_semantics = [#tpu.dimension_semantics<core_parallel>, #tpu.dimension_semantics<subcore_parallel>], iteration_bounds = array<i64: 2, 16>, scalar_prefetch = 0 : i64, scratch_operands = 19 : i64, tpu.core_type = #tpu.core_type<sc_vector_subcore>, window_params = [{transform_indices = #map}, {transform_indices = #map}, {transform_indices = #map}, {transform_indices = #map}, {transform_indices = #map}, {transform_indices = #map}, {transform_indices = #map1}, {transform_indices = #map1}, {transform_indices = #map1}, {transform_indices = #map}, {transform_indices = #map}, {transform_indices = #map}]} {
    %mul3A = arith.constant 16 : i32
    %mul3A_0 = arith.muli %arg0, %mul3A : i32
    %add3A = arith.addi %mul3A_0, %arg1 : i32
    %mul3A_1 = arith.constant 32 : i32
    %mul3A_2 = arith.muli %add3A, %mul3A_1 : i32
    %mul3A_3 = arith.constant 96 : i32
    %mul3A_4 = arith.muli %add3A, %mul3A_3 : i32
    %iota3A = tpu.iota {dimensions = array<i32: 0>} : vector<16xi32>
    %add3A_5 = arith.constant 16 : i32
    %add3A_6 = vector.broadcast %add3A_5 : i32 to vector<16xi32>
    %add3A_7 = arith.addi %iota3A, %add3A_6 : vector<16xi32>
    %mul3A_8 = arith.constant 200 : i32
    %mul3A_9 = arith.muli %mul3A_2, %mul3A_8 : i32
    %multiple_of3A = tpu.assume_multiple %mul3A_9, 8 : i32
    "tpu.region"() ({
      %run_scoped3A = tpu.sem_alloc : memref<!tpu.dma_semaphore, #tpu.memory_space<semaphore_mem>>
      %dma_start3A_1815 = tpu.memref_slice %arg2[%multiple_of3A] : memref<204800xi32, #tpu.memory_space<hbm>> -> memref<6400xi32, #tpu.memory_space<hbm>>
      %dma_start3A_1816 = tpu.memref_slice %arg2[%multiple_of3A] : memref<204800xi32, #tpu.memory_space<hbm>> -> memref<6400xi32, #tpu.memory_space<hbm>>
      tpu.enqueue_dma source(%dma_start3A_1816 : memref<6400xi32, #tpu.memory_space<hbm>>) target(%arg14 : memref<6400xi32, #tpu.memory_space<vmem>>) target_semaphore(%run_scoped3A : memref<!tpu.dma_semaphore, #tpu.memory_space<semaphore_mem>>)
      %dma_wait3A_1817 = tpu.memref_slice %arg2[%multiple_of3A] : memref<204800xi32, #tpu.memory_space<hbm>> -> memref<6400xi32, #tpu.memory_space<hbm>>
      %dma_wait3A_1818 = tpu.memref_slice %arg2[%multiple_of3A] : memref<204800xi32, #tpu.memory_space<hbm>> -> memref<6400xi32, #tpu.memory_space<hbm>>
      tpu.wait_dma2 semaphore(%run_scoped3A : memref<!tpu.dma_semaphore, #tpu.memory_space<semaphore_mem>>) src(%dma_wait3A_1818 : memref<6400xi32, #tpu.memory_space<hbm>>) dst(%arg14 : memref<6400xi32, #tpu.memory_space<vmem>>)
      tpu.yield
    }) : () -> ()
    %mul3A_10 = arith.constant 200 : i32
    %mul3A_11 = arith.muli %mul3A_2, %mul3A_10 : i32
    %multiple_of3A_12 = tpu.assume_multiple %mul3A_11, 8 : i32
    "tpu.region"() ({
      %run_scoped3A = tpu.sem_alloc : memref<!tpu.dma_semaphore, #tpu.memory_space<semaphore_mem>>
      %dma_start3A_1815 = tpu.memref_slice %arg3[%multiple_of3A_12] : memref<204800xi32, #tpu.memory_space<hbm>> -> memref<6400xi32, #tpu.memory_space<hbm>>
      %dma_start3A_1816 = tpu.memref_slice %arg3[%multiple_of3A_12] : memref<204800xi32, #tpu.memory_space<hbm>> -> memref<6400xi32, #tpu.memory_space<hbm>>
      tpu.enqueue_dma source(%dma_start3A_1816 : memref<6400xi32, #tpu.memory_space<hbm>>) target(%arg15 : memref<6400xi32, #tpu.memory_space<vmem>>) target_semaphore(%run_scoped3A : memref<!tpu.dma_semaphore, #tpu.memory_space<semaphore_mem>>)
      %dma_wait3A_1817 = tpu.memref_slice %arg3[%multiple_of3A_12] : memref<204800xi32, #tpu.memory_space<hbm>> -> memref<6400xi32, #tpu.memory_space<hbm>>
      %dma_wait3A_1818 = tpu.memref_slice %arg3[%multiple_of3A_12] : memref<204800xi32, #tpu.memory_space<hbm>> -> memref<6400xi32, #tpu.memory_space<hbm>>
      tpu.wait_dma2 semaphore(%run_scoped3A : memref<!tpu.dma_semaphore, #tpu.memory_space<semaphore_mem>>) src(%dma_wait3A_1818 : memref<6400xi32, #tpu.memory_space<hbm>>) dst(%arg15 : memref<6400xi32, #tpu.memory_space<vmem>>)
      tpu.yield
    }) : () -> ()
    "tpu.region"() ({
      %run_scoped3A = tpu.sem_alloc : memref<!tpu.dma_semaphore, #tpu.memory_space<semaphore_mem>>
      tpu.enqueue_dma source(%arg4 : memref<3072xi32, #tpu.memory_space<hbm>>) target(%arg16 : memref<3072xi32, #tpu.memory_space<vmem>>) target_semaphore(%run_scoped3A : memref<!tpu.dma_semaphore, #tpu.memory_space<semaphore_mem>>)
      tpu.wait_dma2 semaphore(%run_scoped3A : memref<!tpu.dma_semaphore, #tpu.memory_space<semaphore_mem>>) src(%arg4 : memref<3072xi32, #tpu.memory_space<hbm>>) dst(%arg16 : memref<3072xi32, #tpu.memory_space<vmem>>)
      tpu.yield
    }) : () -> ()
    "tpu.region"() ({
      %run_scoped3A = tpu.sem_alloc : memref<!tpu.dma_semaphore, #tpu.memory_space<semaphore_mem>>
      tpu.enqueue_dma source(%arg5 : memref<3072xi32, #tpu.memory_space<hbm>>) target(%arg17 : memref<3072xi32, #tpu.memory_space<vmem>>) target_semaphore(%run_scoped3A : memref<!tpu.dma_semaphore, #tpu.memory_space<semaphore_mem>>)
      tpu.wait_dma2 semaphore(%run_scoped3A : memref<!tpu.dma_semaphore, #tpu.memory_space<semaphore_mem>>) src(%arg5 : memref<3072xi32, #tpu.memory_space<hbm>>) dst(%arg17 : memref<3072xi32, #tpu.memory_space<vmem>>)
      tpu.yield
    }) : () -> ()
    "tpu.region"() ({
      %run_scoped3A = tpu.sem_alloc : memref<!tpu.dma_semaphore, #tpu.memory_space<semaphore_mem>>
      tpu.enqueue_dma source(%arg6 : memref<1024xi32, #tpu.memory_space<hbm>>) target(%arg18 : memref<1024xi32, #tpu.memory_space<vmem>>) target_semaphore(%run_scoped3A : memref<!tpu.dma_semaphore, #tpu.memory_space<semaphore_mem>>)
      tpu.wait_dma2 semaphore(%run_scoped3A : memref<!tpu.dma_semaphore, #tpu.memory_space<semaphore_mem>>) src(%arg6 : memref<1024xi32, #tpu.memory_space<hbm>>) dst(%arg18 : memref<1024xi32, #tpu.memory_space<vmem>>)
      tpu.yield
    }) : () -> ()
    "tpu.region"() ({
      %run_scoped3A = tpu.sem_alloc : memref<!tpu.dma_semaphore, #tpu.memory_space<semaphore_mem>>
      tpu.enqueue_dma source(%arg7 : memref<1024xi32, #tpu.memory_space<hbm>>) target(%arg19 : memref<1024xi32, #tpu.memory_space<vmem>>) target_semaphore(%run_scoped3A : memref<!tpu.dma_semaphore, #tpu.memory_space<semaphore_mem>>)
      tpu.wait_dma2 semaphore(%run_scoped3A : memref<!tpu.dma_semaphore, #tpu.memory_space<semaphore_mem>>) src(%arg7 : memref<1024xi32, #tpu.memory_space<hbm>>) dst(%arg19 : memref<1024xi32, #tpu.memory_space<vmem>>)
      tpu.yield
    }) : () -> ()
    %multiple_of3A_13 = tpu.assume_multiple %mul3A_4, 8 : i32
    %dma_start3A = tpu.memref_slice %arg16[%multiple_of3A_13] : memref<3072xi32, #tpu.memory_space<vmem>> -> memref<96xi32, #tpu.memory_space<vmem>>
    %dma_start3A_14 = arith.constant 0 : i32
    %dma_start3A_15 = arith.constant 0 : i32
    %dma_start3A_16 = tpu.memref_slice %arg9[%dma_start3A_14, %dma_start3A_15] : memref<26624x128xf32, #tpu.memory_space<hbm>> -> memref<26624x128xf32, #tpu.memory_space<hbm>>
    tpu.enqueue_indirect_dma source(%dma_start3A_16 : memref<26624x128xf32, #tpu.memory_space<hbm>>) target(%arg22 : memref<96x128xf32, #tpu.memory_space<vmem>>) offsets(%dma_start3A : memref<96xi32, #tpu.memory_space<vmem>>) semaphore(%arg32 : memref<!tpu.dma_semaphore, #tpu.memory_space<semaphore_mem>>)
    %dma_wait3A = tpu.memref_slice %arg16[%multiple_of3A_13] : memref<3072xi32, #tpu.memory_space<vmem>> -> memref<96xi32, #tpu.memory_space<vmem>>
    %dma_wait3A_17 = arith.constant 0 : i32
    %dma_wait3A_18 = arith.constant 0 : i32
    %dma_wait3A_19 = tpu.memref_slice %arg9[%dma_wait3A_17, %dma_wait3A_18] : memref<26624x128xf32, #tpu.memory_space<hbm>> -> memref<26624x128xf32, #tpu.memory_space<hbm>>
    tpu.wait_indirect_dma semaphore(%arg32 : memref<!tpu.dma_semaphore, #tpu.memory_space<semaphore_mem>>) src(%dma_wait3A_19 : memref<26624x128xf32, #tpu.memory_space<hbm>>) dst(%arg22 : memref<96x128xf32, #tpu.memory_space<vmem>>)
    %multiple_of3A_20 = tpu.assume_multiple %mul3A_2, 8 : i32
    %dma_start3A_21 = tpu.memref_slice %arg18[%multiple_of3A_20] : memref<1024xi32, #tpu.memory_space<vmem>> -> memref<32xi32, #tpu.memory_space<vmem>>
    %dma_start3A_22 = arith.constant 0 : i32
    %dma_start3A_23 = arith.constant 0 : i32
    %dma_start3A_24 = tpu.memref_slice %arg10[%dma_start3A_22, %dma_start3A_23] : memref<26624x128xf32, #tpu.memory_space<hbm>> -> memref<26624x128xf32, #tpu.memory_space<hbm>>
    tpu.enqueue_indirect_dma source(%dma_start3A_24 : memref<26624x128xf32, #tpu.memory_space<hbm>>) target(%arg23 : memref<32x128xf32, #tpu.memory_space<vmem>>) offsets(%dma_start3A_21 : memref<32xi32, #tpu.memory_space<vmem>>) semaphore(%arg32 : memref<!tpu.dma_semaphore, #tpu.memory_space<semaphore_mem>>)
    %dma_wait3A_25 = tpu.memref_slice %arg18[%multiple_of3A_20] : memref<1024xi32, #tpu.memory_space<vmem>> -> memref<32xi32, #tpu.memory_space<vmem>>
    %dma_wait3A_26 = arith.constant 0 : i32
    %dma_wait3A_27 = arith.constant 0 : i32
    %dma_wait3A_28 = tpu.memref_slice %arg10[%dma_wait3A_26, %dma_wait3A_27] : memref<26624x128xf32, #tpu.memory_space<hbm>> -> memref<26624x128xf32, #tpu.memory_space<hbm>>
    tpu.wait_indirect_dma semaphore(%arg32 : memref<!tpu.dma_semaphore, #tpu.memory_space<semaphore_mem>>) src(%dma_wait3A_28 : memref<26624x128xf32, #tpu.memory_space<hbm>>) dst(%arg23 : memref<32x128xf32, #tpu.memory_space<vmem>>)
    %broadcast_in_dim3A = arith.constant 0 : i32
    %broadcast_in_dim3A_29 = vector.broadcast %broadcast_in_dim3A : i32 to vector<16xi32>
    %add3A_30 = arith.constant 0 : i32
    %add3A_31 = arith.addi %mul3A_2, %add3A_30 : i32
    %broadcast_in_dim3A_32 = vector.broadcast %add3A_31 : i32 to vector<16xi32>
    %gather3A = tpu.vector_load_idx %arg19[%broadcast_in_dim3A_32] : memref<1024xi32, #tpu.memory_space<vmem>>[vector<16xi32>], vector<16xi32>,
    %add3A_33 = arith.addi %gather3A, %iota3A : vector<16xi32>
    %gather3A_34 = tpu.vector_load_idx %arg23[%broadcast_in_dim3A_29, %add3A_33] : memref<32x128xf32, #tpu.memory_space<vmem>>[vector<16xi32>, vector<16xi32>], vector<16xf32>,
    %add3A_35 = arith.addi %gather3A, %add3A_7 : vector<16xi32>
    %gather3A_36 = tpu.vector_load_idx %arg23[%broadcast_in_dim3A_29, %add3A_35] : memref<32x128xf32, #tpu.memory_space<vmem>>[vector<16xi32>, vector<16xi32>], vector<16xf32>,
    %add3A_37 = arith.constant 0 : i32
    %add3A_38 = vector.broadcast %add3A_37 : i32 to vector<16xi32>
    %add3A_39 = arith.addi %add3A_38, %iota3A : vector<16xi32>
    tpu.vector_store_idx %arg24[%add3A_39], %gather3A_34 : memref<1024xf32, #tpu.memory_space<vmem>>[vector<16xi32>], vector<16xf32>,
    %add3A_40 = arith.constant 0 : i32
    %add3A_41 = vector.broadcast %add3A_40 : i32 to vector<16xi32>
    %add3A_42 = arith.addi %add3A_41, %add3A_7 : vector<16xi32>
    tpu.vector_store_idx %arg24[%add3A_42], %gather3A_36 : memref<1024xf32, #tpu.memory_space<vmem>>[vector<16xi32>], vector<16xf32>,
    %broadcast_in_dim3A_43 = arith.constant 1 : i32
    %broadcast_in_dim3A_44 = vector.broadcast %broadcast_in_dim3A_43 : i32 to vector<16xi32>
    %add3A_45 = arith.constant 1 : i32
    %add3A_46 = arith.addi %mul3A_2, %add3A_45 : i32
    %broadcast_in_dim3A_47 = vector.broadcast %add3A_46 : i32 to vector<16xi32>
    %gather3A_48 = tpu.vector_load_idx %arg19[%broadcast_in_dim3A_47] : memref<1024xi32, #tpu.memory_space<vmem>>[vector<16xi32>], vector<16xi32>,
    %add3A_49 = arith.addi %gather3A_48, %iota3A : vector<16xi32>
    %gather3A_50 = tpu.vector_load_idx %arg23[%broadcast_in_dim3A_44, %add3A_49] : memref<32x128xf32, #tpu.memory_space<vmem>>[vector<16xi32>, vector<16xi32>], vector<16xf32>,
    %add3A_51 = arith.addi %gather3A_48, %add3A_7 : vector<16xi32>
    %gather3A_52 = tpu.vector_load_idx %arg23[%broadcast_in_dim3A_44, %add3A_51] : memref<32x128xf32, #tpu.memory_space<vmem>>[vector<16xi32>, vector<16xi32>], vector<16xf32>,
    %add3A_53 = arith.constant 32 : i32
    %add3A_54 = vector.broadcast %add3A_53 : i32 to vector<16xi32>
    %add3A_55 = arith.addi %add3A_54, %iota3A : vector<16xi32>
    tpu.vector_store_idx %arg24[%add3A_55], %gather3A_50 : memref<1024xf32, #tpu.memory_space<vmem>>[vector<16xi32>], vector<16xf32>,
    %add3A_56 = arith.constant 32 : i32
    %add3A_57 = vector.broadcast %add3A_56 : i32 to vector<16xi32>
    %add3A_58 = arith.addi %add3A_57, %add3A_7 : vector<16xi32>
    tpu.vector_store_idx %arg24[%add3A_58], %gather3A_52 : memref<1024xf32, #tpu.memory_space<vmem>>[vector<16xi32>], vector<16xf32>,
    %broadcast_in_dim3A_59 = arith.constant 2 : i32
    %broadcast_in_dim3A_60 = vector.broadcast %broadcast_in_dim3A_59 : i32 to vector<16xi32>
    %add3A_61 = arith.constant 2 : i32
    %add3A_62 = arith.addi %mul3A_2, %add3A_61 : i32
    %broadcast_in_dim3A_63 = vector.broadcast %add3A_62 : i32 to vector<16xi32>
    %gather3A_64 = tpu.vector_load_idx %arg19[%broadcast_in_dim3A_63] : memref<1024xi32, #tpu.memory_space<vmem>>[vector<16xi32>], vector<16xi32>,
    %add3A_65 = arith.addi %gather3A_64, %iota3A : vector<16xi32>
    %gather3A_66 = tpu.vector_load_idx %arg23[%broadcast_in_dim3A_60, %add3A_65] : memref<32x128xf32, #tpu.memory_space<vmem>>[vector<16xi32>, vector<16xi32>], vector<16xf32>,
    %add3A_67 = arith.addi %gather3A_64, %add3A_7 : vector<16xi32>
    %gather3A_68 = tpu.vector_load_idx %arg23[%broadcast_in_dim3A_60, %add3A_67] : memref<32x128xf32, #tpu.memory_space<vmem>>[vector<16xi32>, vector<16xi32>], vector<16xf32>,
    %add3A_69 = arith.constant 64 : i32
    %add3A_70 = vector.broadcast %add3A_69 : i32 to vector<16xi32>
    %add3A_71 = arith.addi %add3A_70, %iota3A : vector<16xi32>
    tpu.vector_store_idx %arg24[%add3A_71], %gather3A_66 : memref<1024xf32, #tpu.memory_space<vmem>>[vector<16xi32>], vector<16xf32>,
    %add3A_72 = arith.constant 64 : i32
    %add3A_73 = vector.broadcast %add3A_72 : i32 to vector<16xi32>
    %add3A_74 = arith.addi %add3A_73, %add3A_7 : vector<16xi32>
    tpu.vector_store_idx %arg24[%add3A_74], %gather3A_68 : memref<1024xf32, #tpu.memory_space<vmem>>[vector<16xi32>], vector<16xf32>,
    %broadcast_in_dim3A_75 = arith.constant 3 : i32
    %broadcast_in_dim3A_76 = vector.broadcast %broadcast_in_dim3A_75 : i32 to vector<16xi32>
    %add3A_77 = arith.constant 3 : i32
    %add3A_78 = arith.addi %mul3A_2, %add3A_77 : i32
    %broadcast_in_dim3A_79 = vector.broadcast %add3A_78 : i32 to vector<16xi32>
    %gather3A_80 = tpu.vector_load_idx %arg19[%broadcast_in_dim3A_79] : memref<1024xi32, #tpu.memory_space<vmem>>[vector<16xi32>], vector<16xi32>,
    %add3A_81 = arith.addi %gather3A_80, %iota3A : vector<16xi32>
    %gather3A_82 = tpu.vector_load_idx %arg23[%broadcast_in_dim3A_76, %add3A_81] : memref<32x128xf32, #tpu.memory_space<vmem>>[vector<16xi32>, vector<16xi32>], vector<16xf32>,
    %add3A_83 = arith.addi %gather3A_80, %add3A_7 : vector<16xi32>
    %gather3A_84 = tpu.vector_load_idx %arg23[%broadcast_in_dim3A_76, %add3A_83] : memref<32x128xf32, #tpu.memory_space<vmem>>[vector<16xi32>, vector<16xi32>], vector<16xf32>,
    %add3A_85 = arith.constant 96 : i32
    %add3A_86 = vector.broadcast %add3A_85 : i32 to vector<16xi32>
    %add3A_87 = arith.addi %add3A_86, %iota3A : vector<16xi32>
    tpu.vector_store_idx %arg24[%add3A_87], %gather3A_82 : memref<1024xf32, #tpu.memory_space<vmem>>[vector<16xi32>], vector<16xf32>,
    %add3A_88 = arith.constant 96 : i32
    %add3A_89 = vector.broadcast %add3A_88 : i32 to vector<16xi32>
    %add3A_90 = arith.addi %add3A_89, %add3A_7 : vector<16xi32>
    tpu.vector_store_idx %arg24[%add3A_90], %gather3A_84 : memref<1024xf32, #tpu.memory_space<vmem>>[vector<16xi32>], vector<16xf32>,
    %broadcast_in_dim3A_91 = arith.constant 4 : i32
    %broadcast_in_dim3A_92 = vector.broadcast %broadcast_in_dim3A_91 : i32 to vector<16xi32>
    %add3A_93 = arith.constant 4 : i32
    %add3A_94 = arith.addi %mul3A_2, %add3A_93 : i32
    %broadcast_in_dim3A_95 = vector.broadcast %add3A_94 : i32 to vector<16xi32>
    %gather3A_96 = tpu.vector_load_idx %arg19[%broadcast_in_dim3A_95] : memref<1024xi32, #tpu.memory_space<vmem>>[vector<16xi32>], vector<16xi32>,
    %add3A_97 = arith.addi %gather3A_96, %iota3A : vector<16xi32>
    %gather3A_98 = tpu.vector_load_idx %arg23[%broadcast_in_dim3A_92, %add3A_97] : memref<32x128xf32, #tpu.memory_space<vmem>>[vector<16xi32>, vector<16xi32>], vector<16xf32>,
    %add3A_99 = arith.addi %gather3A_96, %add3A_7 : vector<16xi32>
    %gather3A_100 = tpu.vector_load_idx %arg23[%broadcast_in_dim3A_92, %add3A_99] : memref<32x128xf32, #tpu.memory_space<vmem>>[vector<16xi32>, vector<16xi32>], vector<16xf32>,
    %add3A_101 = arith.constant 128 : i32
    %add3A_102 = vector.broadcast %add3A_101 : i32 to vector<16xi32>
    %add3A_103 = arith.addi %add3A_102, %iota3A : vector<16xi32>
    tpu.vector_store_idx %arg24[%add3A_103], %gather3A_98 : memref<1024xf32, #tpu.memory_space<vmem>>[vector<16xi32>], vector<16xf32>,
    %add3A_104 = arith.constant 128 : i32
    %add3A_105 = vector.broadcast %add3A_104 : i32 to vector<16xi32>
    %add3A_106 = arith.addi %add3A_105, %add3A_7 : vector<16xi32>
    tpu.vector_store_idx %arg24[%add3A_106], %gather3A_100 : memref<1024xf32, #tpu.memory_space<vmem>>[vector<16xi32>], vector<16xf32>,
    %broadcast_in_dim3A_107 = arith.constant 5 : i32
    %broadcast_in_dim3A_108 = vector.broadcast %broadcast_in_dim3A_107 : i32 to vector<16xi32>
    %add3A_109 = arith.constant 5 : i32
    %add3A_110 = arith.addi %mul3A_2, %add3A_109 : i32
    %broadcast_in_dim3A_111 = vector.broadcast %add3A_110 : i32 to vector<16xi32>
    %gather3A_112 = tpu.vector_load_idx %arg19[%broadcast_in_dim3A_111] : memref<1024xi32, #tpu.memory_space<vmem>>[vector<16xi32>], vector<16xi32>,
    %add3A_113 = arith.addi %gather3A_112, %iota3A : vector<16xi32>
    %gather3A_114 = tpu.vector_load_idx %arg23[%broadcast_in_dim3A_108, %add3A_113] : memref<32x128xf32, #tpu.memory_space<vmem>>[vector<16xi32>, vector<16xi32>], vector<16xf32>,
    %add3A_115 = arith.addi %gather3A_112, %add3A_7 : vector<16xi32>
    %gather3A_116 = tpu.vector_load_idx %arg23[%broadcast_in_dim3A_108, %add3A_115] : memref<32x128xf32, #tpu.memory_space<vmem>>[vector<16xi32>, vector<16xi32>], vector<16xf32>,
    %add3A_117 = arith.constant 160 : i32
    %add3A_118 = vector.broadcast %add3A_117 : i32 to vector<16xi32>
    %add3A_119 = arith.addi %add3A_118, %iota3A : vector<16xi32>
    tpu.vector_store_idx %arg24[%add3A_119], %gather3A_114 : memref<1024xf32, #tpu.memory_space<vmem>>[vector<16xi32>], vector<16xf32>,
    %add3A_120 = arith.constant 160 : i32
    %add3A_121 = vector.broadcast %add3A_120 : i32 to vector<16xi32>
    %add3A_122 = arith.addi %add3A_121, %add3A_7 : vector<16xi32>
    tpu.vector_store_idx %arg24[%add3A_122], %gather3A_116 : memref<1024xf32, #tpu.memory_space<vmem>>[vector<16xi32>], vector<16xf32>,
    %broadcast_in_dim3A_123 = arith.constant 6 : i32
    %broadcast_in_dim3A_124 = vector.broadcast %broadcast_in_dim3A_123 : i32 to vector<16xi32>
    %add3A_125 = arith.constant 6 : i32
    %add3A_126 = arith.addi %mul3A_2, %add3A_125 : i32
    %broadcast_in_dim3A_127 = vector.broadcast %add3A_126 : i32 to vector<16xi32>
    %gather3A_128 = tpu.vector_load_idx %arg19[%broadcast_in_dim3A_127] : memref<1024xi32, #tpu.memory_space<vmem>>[vector<16xi32>], vector<16xi32>,
    %add3A_129 = arith.addi %gather3A_128, %iota3A : vector<16xi32>
    %gather3A_130 = tpu.vector_load_idx %arg23[%broadcast_in_dim3A_124, %add3A_129] : memref<32x128xf32, #tpu.memory_space<vmem>>[vector<16xi32>, vector<16xi32>], vector<16xf32>,
    %add3A_131 = arith.addi %gather3A_128, %add3A_7 : vector<16xi32>
    %gather3A_132 = tpu.vector_load_idx %arg23[%broadcast_in_dim3A_124, %add3A_131] : memref<32x128xf32, #tpu.memory_space<vmem>>[vector<16xi32>, vector<16xi32>], vector<16xf32>,
    %add3A_133 = arith.constant 192 : i32
    %add3A_134 = vector.broadcast %add3A_133 : i32 to vector<16xi32>
    %add3A_135 = arith.addi %add3A_134, %iota3A : vector<16xi32>
    tpu.vector_store_idx %arg24[%add3A_135], %gather3A_130 : memref<1024xf32, #tpu.memory_space<vmem>>[vector<16xi32>], vector<16xf32>,
    %add3A_136 = arith.constant 192 : i32
    %add3A_137 = vector.broadcast %add3A_136 : i32 to vector<16xi32>
    %add3A_138 = arith.addi %add3A_137, %add3A_7 : vector<16xi32>
    tpu.vector_store_idx %arg24[%add3A_138], %gather3A_132 : memref<1024xf32, #tpu.memory_space<vmem>>[vector<16xi32>], vector<16xf32>,
    %broadcast_in_dim3A_139 = arith.constant 7 : i32
    %broadcast_in_dim3A_140 = vector.broadcast %broadcast_in_dim3A_139 : i32 to vector<16xi32>
    %add3A_141 = arith.constant 7 : i32
    %add3A_142 = arith.addi %mul3A_2, %add3A_141 : i32
    %broadcast_in_dim3A_143 = vector.broadcast %add3A_142 : i32 to vector<16xi32>
    %gather3A_144 = tpu.vector_load_idx %arg19[%broadcast_in_dim3A_143] : memref<1024xi32, #tpu.memory_space<vmem>>[vector<16xi32>], vector<16xi32>,
    %add3A_145 = arith.addi %gather3A_144, %iota3A : vector<16xi32>
    %gather3A_146 = tpu.vector_load_idx %arg23[%broadcast_in_dim3A_140, %add3A_145] : memref<32x128xf32, #tpu.memory_space<vmem>>[vector<16xi32>, vector<16xi32>], vector<16xf32>,
    %add3A_147 = arith.addi %gather3A_144, %add3A_7 : vector<16xi32>
    %gather3A_148 = tpu.vector_load_idx %arg23[%broadcast_in_dim3A_140, %add3A_147] : memref<32x128xf32, #tpu.memory_space<vmem>>[vector<16xi32>, vector<16xi32>], vector<16xf32>,
    %add3A_149 = arith.constant 224 : i32
    %add3A_150 = vector.broadcast %add3A_149 : i32 to vector<16xi32>
    %add3A_151 = arith.addi %add3A_150, %iota3A : vector<16xi32>
    tpu.vector_store_idx %arg24[%add3A_151], %gather3A_146 : memref<1024xf32, #tpu.memory_space<vmem>>[vector<16xi32>], vector<16xf32>,
    %add3A_152 = arith.constant 224 : i32
    %add3A_153 = vector.broadcast %add3A_152 : i32 to vector<16xi32>
    %add3A_154 = arith.addi %add3A_153, %add3A_7 : vector<16xi32>
    tpu.vector_store_idx %arg24[%add3A_154], %gather3A_148 : memref<1024xf32, #tpu.memory_space<vmem>>[vector<16xi32>], vector<16xf32>,
    %broadcast_in_dim3A_155 = arith.constant 8 : i32
    %broadcast_in_dim3A_156 = vector.broadcast %broadcast_in_dim3A_155 : i32 to vector<16xi32>
    %add3A_157 = arith.constant 8 : i32
    %add3A_158 = arith.addi %mul3A_2, %add3A_157 : i32
    %broadcast_in_dim3A_159 = vector.broadcast %add3A_158 : i32 to vector<16xi32>
    %gather3A_160 = tpu.vector_load_idx %arg19[%broadcast_in_dim3A_159] : memref<1024xi32, #tpu.memory_space<vmem>>[vector<16xi32>], vector<16xi32>,
    %add3A_161 = arith.addi %gather3A_160, %iota3A : vector<16xi32>
    %gather3A_162 = tpu.vector_load_idx %arg23[%broadcast_in_dim3A_156, %add3A_161] : memref<32x128xf32, #tpu.memory_space<vmem>>[vector<16xi32>, vector<16xi32>], vector<16xf32>,
    %add3A_163 = arith.addi %gather3A_160, %add3A_7 : vector<16xi32>
    %gather3A_164 = tpu.vector_load_idx %arg23[%broadcast_in_dim3A_156, %add3A_163] : memref<32x128xf32, #tpu.memory_space<vmem>>[vector<16xi32>, vector<16xi32>], vector<16xf32>,
    %add3A_165 = arith.constant 256 : i32
    %add3A_166 = vector.broadcast %add3A_165 : i32 to vector<16xi32>
    %add3A_167 = arith.addi %add3A_166, %iota3A : vector<16xi32>
    tpu.vector_store_idx %arg24[%add3A_167], %gather3A_162 : memref<1024xf32, #tpu.memory_space<vmem>>[vector<16xi32>], vector<16xf32>,
    %add3A_168 = arith.constant 256 : i32
    %add3A_169 = vector.broadcast %add3A_168 : i32 to vector<16xi32>
    %add3A_170 = arith.addi %add3A_169, %add3A_7 : vector<16xi32>
    tpu.vector_store_idx %arg24[%add3A_170], %gather3A_164 : memref<1024xf32, #tpu.memory_space<vmem>>[vector<16xi32>], vector<16xf32>,
    %broadcast_in_dim3A_171 = arith.constant 9 : i32
    %broadcast_in_dim3A_172 = vector.broadcast %broadcast_in_dim3A_171 : i32 to vector<16xi32>
    %add3A_173 = arith.constant 9 : i32
    %add3A_174 = arith.addi %mul3A_2, %add3A_173 : i32
    %broadcast_in_dim3A_175 = vector.broadcast %add3A_174 : i32 to vector<16xi32>
    %gather3A_176 = tpu.vector_load_idx %arg19[%broadcast_in_dim3A_175] : memref<1024xi32, #tpu.memory_space<vmem>>[vector<16xi32>], vector<16xi32>,
    %add3A_177 = arith.addi %gather3A_176, %iota3A : vector<16xi32>
    %gather3A_178 = tpu.vector_load_idx %arg23[%broadcast_in_dim3A_172, %add3A_177] : memref<32x128xf32, #tpu.memory_space<vmem>>[vector<16xi32>, vector<16xi32>], vector<16xf32>,
    %add3A_179 = arith.addi %gather3A_176, %add3A_7 : vector<16xi32>
    %gather3A_180 = tpu.vector_load_idx %arg23[%broadcast_in_dim3A_172, %add3A_179] : memref<32x128xf32, #tpu.memory_space<vmem>>[vector<16xi32>, vector<16xi32>], vector<16xf32>,
    %add3A_181 = arith.constant 288 : i32
    %add3A_182 = vector.broadcast %add3A_181 : i32 to vector<16xi32>
    %add3A_183 = arith.addi %add3A_182, %iota3A : vector<16xi32>
    tpu.vector_store_idx %arg24[%add3A_183], %gather3A_178 : memref<1024xf32, #tpu.memory_space<vmem>>[vector<16xi32>], vector<16xf32>,
    %add3A_184 = arith.constant 288 : i32
    %add3A_185 = vector.broadcast %add3A_184 : i32 to vector<16xi32>
    %add3A_186 = arith.addi %add3A_185, %add3A_7 : vector<16xi32>
    tpu.vector_store_idx %arg24[%add3A_186], %gather3A_180 : memref<1024xf32, #tpu.memory_space<vmem>>[vector<16xi32>], vector<16xf32>,
    %broadcast_in_dim3A_187 = arith.constant 10 : i32
    %broadcast_in_dim3A_188 = vector.broadcast %broadcast_in_dim3A_187 : i32 to vector<16xi32>
    %add3A_189 = arith.constant 10 : i32
    %add3A_190 = arith.addi %mul3A_2, %add3A_189 : i32
    %broadcast_in_dim3A_191 = vector.broadcast %add3A_190 : i32 to vector<16xi32>
    %gather3A_192 = tpu.vector_load_idx %arg19[%broadcast_in_dim3A_191] : memref<1024xi32, #tpu.memory_space<vmem>>[vector<16xi32>], vector<16xi32>,
    %add3A_193 = arith.addi %gather3A_192, %iota3A : vector<16xi32>
    %gather3A_194 = tpu.vector_load_idx %arg23[%broadcast_in_dim3A_188, %add3A_193] : memref<32x128xf32, #tpu.memory_space<vmem>>[vector<16xi32>, vector<16xi32>], vector<16xf32>,
    %add3A_195 = arith.addi %gather3A_192, %add3A_7 : vector<16xi32>
    %gather3A_196 = tpu.vector_load_idx %arg23[%broadcast_in_dim3A_188, %add3A_195] : memref<32x128xf32, #tpu.memory_space<vmem>>[vector<16xi32>, vector<16xi32>], vector<16xf32>,
    %add3A_197 = arith.constant 320 : i32
    %add3A_198 = vector.broadcast %add3A_197 : i32 to vector<16xi32>
    %add3A_199 = arith.addi %add3A_198, %iota3A : vector<16xi32>
    tpu.vector_store_idx %arg24[%add3A_199], %gather3A_194 : memref<1024xf32, #tpu.memory_space<vmem>>[vector<16xi32>], vector<16xf32>,
    %add3A_200 = arith.constant 320 : i32
    %add3A_201 = vector.broadcast %add3A_200 : i32 to vector<16xi32>
    %add3A_202 = arith.addi %add3A_201, %add3A_7 : vector<16xi32>
    tpu.vector_store_idx %arg24[%add3A_202], %gather3A_196 : memref<1024xf32, #tpu.memory_space<vmem>>[vector<16xi32>], vector<16xf32>,
    %broadcast_in_dim3A_203 = arith.constant 11 : i32
    %broadcast_in_dim3A_204 = vector.broadcast %broadcast_in_dim3A_203 : i32 to vector<16xi32>
    %add3A_205 = arith.constant 11 : i32
    %add3A_206 = arith.addi %mul3A_2, %add3A_205 : i32
    %broadcast_in_dim3A_207 = vector.broadcast %add3A_206 : i32 to vector<16xi32>
    %gather3A_208 = tpu.vector_load_idx %arg19[%broadcast_in_dim3A_207] : memref<1024xi32, #tpu.memory_space<vmem>>[vector<16xi32>], vector<16xi32>,
    %add3A_209 = arith.addi %gather3A_208, %iota3A : vector<16xi32>
    %gather3A_210 = tpu.vector_load_idx %arg23[%broadcast_in_dim3A_204, %add3A_209] : memref<32x128xf32, #tpu.memory_space<vmem>>[vector<16xi32>, vector<16xi32>], vector<16xf32>,
    %add3A_211 = arith.addi %gather3A_208, %add3A_7 : vector<16xi32>
    %gather3A_212 = tpu.vector_load_idx %arg23[%broadcast_in_dim3A_204, %add3A_211] : memref<32x128xf32, #tpu.memory_space<vmem>>[vector<16xi32>, vector<16xi32>], vector<16xf32>,
    %add3A_213 = arith.constant 352 : i32
    %add3A_214 = vector.broadcast %add3A_213 : i32 to vector<16xi32>
    %add3A_215 = arith.addi %add3A_214, %iota3A : vector<16xi32>
    tpu.vector_store_idx %arg24[%add3A_215], %gather3A_210 : memref<1024xf32, #tpu.memory_space<vmem>>[vector<16xi32>], vector<16xf32>,
    %add3A_216 = arith.constant 352 : i32
    %add3A_217 = vector.broadcast %add3A_216 : i32 to vector<16xi32>
    %add3A_218 = arith.addi %add3A_217, %add3A_7 : vector<16xi32>
    tpu.vector_store_idx %arg24[%add3A_218], %gather3A_212 : memref<1024xf32, #tpu.memory_space<vmem>>[vector<16xi32>], vector<16xf32>,
    %broadcast_in_dim3A_219 = arith.constant 12 : i32
    %broadcast_in_dim3A_220 = vector.broadcast %broadcast_in_dim3A_219 : i32 to vector<16xi32>
    %add3A_221 = arith.constant 12 : i32
    %add3A_222 = arith.addi %mul3A_2, %add3A_221 : i32
    %broadcast_in_dim3A_223 = vector.broadcast %add3A_222 : i32 to vector<16xi32>
    %gather3A_224 = tpu.vector_load_idx %arg19[%broadcast_in_dim3A_223] : memref<1024xi32, #tpu.memory_space<vmem>>[vector<16xi32>], vector<16xi32>,
    %add3A_225 = arith.addi %gather3A_224, %iota3A : vector<16xi32>
    %gather3A_226 = tpu.vector_load_idx %arg23[%broadcast_in_dim3A_220, %add3A_225] : memref<32x128xf32, #tpu.memory_space<vmem>>[vector<16xi32>, vector<16xi32>], vector<16xf32>,
    %add3A_227 = arith.addi %gather3A_224, %add3A_7 : vector<16xi32>
    %gather3A_228 = tpu.vector_load_idx %arg23[%broadcast_in_dim3A_220, %add3A_227] : memref<32x128xf32, #tpu.memory_space<vmem>>[vector<16xi32>, vector<16xi32>], vector<16xf32>,
    %add3A_229 = arith.constant 384 : i32
    %add3A_230 = vector.broadcast %add3A_229 : i32 to vector<16xi32>
    %add3A_231 = arith.addi %add3A_230, %iota3A : vector<16xi32>
    tpu.vector_store_idx %arg24[%add3A_231], %gather3A_226 : memref<1024xf32, #tpu.memory_space<vmem>>[vector<16xi32>], vector<16xf32>,
    %add3A_232 = arith.constant 384 : i32
    %add3A_233 = vector.broadcast %add3A_232 : i32 to vector<16xi32>
    %add3A_234 = arith.addi %add3A_233, %add3A_7 : vector<16xi32>
    tpu.vector_store_idx %arg24[%add3A_234], %gather3A_228 : memref<1024xf32, #tpu.memory_space<vmem>>[vector<16xi32>], vector<16xf32>,
    %broadcast_in_dim3A_235 = arith.constant 13 : i32
    %broadcast_in_dim3A_236 = vector.broadcast %broadcast_in_dim3A_235 : i32 to vector<16xi32>
    %add3A_237 = arith.constant 13 : i32
    %add3A_238 = arith.addi %mul3A_2, %add3A_237 : i32
    %broadcast_in_dim3A_239 = vector.broadcast %add3A_238 : i32 to vector<16xi32>
    %gather3A_240 = tpu.vector_load_idx %arg19[%broadcast_in_dim3A_239] : memref<1024xi32, #tpu.memory_space<vmem>>[vector<16xi32>], vector<16xi32>,
    %add3A_241 = arith.addi %gather3A_240, %iota3A : vector<16xi32>
    %gather3A_242 = tpu.vector_load_idx %arg23[%broadcast_in_dim3A_236, %add3A_241] : memref<32x128xf32, #tpu.memory_space<vmem>>[vector<16xi32>, vector<16xi32>], vector<16xf32>,
    %add3A_243 = arith.addi %gather3A_240, %add3A_7 : vector<16xi32>
    %gather3A_244 = tpu.vector_load_idx %arg23[%broadcast_in_dim3A_236, %add3A_243] : memref<32x128xf32, #tpu.memory_space<vmem>>[vector<16xi32>, vector<16xi32>], vector<16xf32>,
    %add3A_245 = arith.constant 416 : i32
    %add3A_246 = vector.broadcast %add3A_245 : i32 to vector<16xi32>
    %add3A_247 = arith.addi %add3A_246, %iota3A : vector<16xi32>
    tpu.vector_store_idx %arg24[%add3A_247], %gather3A_242 : memref<1024xf32, #tpu.memory_space<vmem>>[vector<16xi32>], vector<16xf32>,
    %add3A_248 = arith.constant 416 : i32
    %add3A_249 = vector.broadcast %add3A_248 : i32 to vector<16xi32>
    %add3A_250 = arith.addi %add3A_249, %add3A_7 : vector<16xi32>
    tpu.vector_store_idx %arg24[%add3A_250], %gather3A_244 : memref<1024xf32, #tpu.memory_space<vmem>>[vector<16xi32>], vector<16xf32>,
    %broadcast_in_dim3A_251 = arith.constant 14 : i32
    %broadcast_in_dim3A_252 = vector.broadcast %broadcast_in_dim3A_251 : i32 to vector<16xi32>
    %add3A_253 = arith.constant 14 : i32
    %add3A_254 = arith.addi %mul3A_2, %add3A_253 : i32
    %broadcast_in_dim3A_255 = vector.broadcast %add3A_254 : i32 to vector<16xi32>
    %gather3A_256 = tpu.vector_load_idx %arg19[%broadcast_in_dim3A_255] : memref<1024xi32, #tpu.memory_space<vmem>>[vector<16xi32>], vector<16xi32>,
    %add3A_257 = arith.addi %gather3A_256, %iota3A : vector<16xi32>
    %gather3A_258 = tpu.vector_load_idx %arg23[%broadcast_in_dim3A_252, %add3A_257] : memref<32x128xf32, #tpu.memory_space<vmem>>[vector<16xi32>, vector<16xi32>], vector<16xf32>,
    %add3A_259 = arith.addi %gather3A_256, %add3A_7 : vector<16xi32>
    %gather3A_260 = tpu.vector_load_idx %arg23[%broadcast_in_dim3A_252, %add3A_259] : memref<32x128xf32, #tpu.memory_space<vmem>>[vector<16xi32>, vector<16xi32>], vector<16xf32>,
    %add3A_261 = arith.constant 448 : i32
    %add3A_262 = vector.broadcast %add3A_261 : i32 to vector<16xi32>
    %add3A_263 = arith.addi %add3A_262, %iota3A : vector<16xi32>
    tpu.vector_store_idx %arg24[%add3A_263], %gather3A_258 : memref<1024xf32, #tpu.memory_space<vmem>>[vector<16xi32>], vector<16xf32>,
    %add3A_264 = arith.constant 448 : i32
    %add3A_265 = vector.broadcast %add3A_264 : i32 to vector<16xi32>
    %add3A_266 = arith.addi %add3A_265, %add3A_7 : vector<16xi32>
    tpu.vector_store_idx %arg24[%add3A_266], %gather3A_260 : memref<1024xf32, #tpu.memory_space<vmem>>[vector<16xi32>], vector<16xf32>,
    %broadcast_in_dim3A_267 = arith.constant 15 : i32
    %broadcast_in_dim3A_268 = vector.broadcast %broadcast_in_dim3A_267 : i32 to vector<16xi32>
    %add3A_269 = arith.constant 15 : i32
    %add3A_270 = arith.addi %mul3A_2, %add3A_269 : i32
    %broadcast_in_dim3A_271 = vector.broadcast %add3A_270 : i32 to vector<16xi32>
    %gather3A_272 = tpu.vector_load_idx %arg19[%broadcast_in_dim3A_271] : memref<1024xi32, #tpu.memory_space<vmem>>[vector<16xi32>], vector<16xi32>,
    %add3A_273 = arith.addi %gather3A_272, %iota3A : vector<16xi32>
    %gather3A_274 = tpu.vector_load_idx %arg23[%broadcast_in_dim3A_268, %add3A_273] : memref<32x128xf32, #tpu.memory_space<vmem>>[vector<16xi32>, vector<16xi32>], vector<16xf32>,
    %add3A_275 = arith.addi %gather3A_272, %add3A_7 : vector<16xi32>
    %gather3A_276 = tpu.vector_load_idx %arg23[%broadcast_in_dim3A_268, %add3A_275] : memref<32x128xf32, #tpu.memory_space<vmem>>[vector<16xi32>, vector<16xi32>], vector<16xf32>,
    %add3A_277 = arith.constant 480 : i32
    %add3A_278 = vector.broadcast %add3A_277 : i32 to vector<16xi32>
    %add3A_279 = arith.addi %add3A_278, %iota3A : vector<16xi32>
    tpu.vector_store_idx %arg24[%add3A_279], %gather3A_274 : memref<1024xf32, #tpu.memory_space<vmem>>[vector<16xi32>], vector<16xf32>,
    %add3A_280 = arith.constant 480 : i32
    %add3A_281 = vector.broadcast %add3A_280 : i32 to vector<16xi32>
    %add3A_282 = arith.addi %add3A_281, %add3A_7 : vector<16xi32>
    tpu.vector_store_idx %arg24[%add3A_282], %gather3A_276 : memref<1024xf32, #tpu.memory_space<vmem>>[vector<16xi32>], vector<16xf32>,
    %broadcast_in_dim3A_283 = arith.constant 16 : i32
    %broadcast_in_dim3A_284 = vector.broadcast %broadcast_in_dim3A_283 : i32 to vector<16xi32>
    %add3A_285 = arith.constant 16 : i32
    %add3A_286 = arith.addi %mul3A_2, %add3A_285 : i32
    %broadcast_in_dim3A_287 = vector.broadcast %add3A_286 : i32 to vector<16xi32>
    %gather3A_288 = tpu.vector_load_idx %arg19[%broadcast_in_dim3A_287] : memref<1024xi32, #tpu.memory_space<vmem>>[vector<16xi32>], vector<16xi32>,
    %add3A_289 = arith.addi %gather3A_288, %iota3A : vector<16xi32>
    %gather3A_290 = tpu.vector_load_idx %arg23[%broadcast_in_dim3A_284, %add3A_289] : memref<32x128xf32, #tpu.memory_space<vmem>>[vector<16xi32>, vector<16xi32>], vector<16xf32>,
    %add3A_291 = arith.addi %gather3A_288, %add3A_7 : vector<16xi32>
    %gather3A_292 = tpu.vector_load_idx %arg23[%broadcast_in_dim3A_284, %add3A_291] : memref<32x128xf32, #tpu.memory_space<vmem>>[vector<16xi32>, vector<16xi32>], vector<16xf32>,
    %add3A_293 = arith.constant 512 : i32
    %add3A_294 = vector.broadcast %add3A_293 : i32 to vector<16xi32>
    %add3A_295 = arith.addi %add3A_294, %iota3A : vector<16xi32>
    tpu.vector_store_idx %arg24[%add3A_295], %gather3A_290 : memref<1024xf32, #tpu.memory_space<vmem>>[vector<16xi32>], vector<16xf32>,
    %add3A_296 = arith.constant 512 : i32
    %add3A_297 = vector.broadcast %add3A_296 : i32 to vector<16xi32>
    %add3A_298 = arith.addi %add3A_297, %add3A_7 : vector<16xi32>
    tpu.vector_store_idx %arg24[%add3A_298], %gather3A_292 : memref<1024xf32, #tpu.memory_space<vmem>>[vector<16xi32>], vector<16xf32>,
    %broadcast_in_dim3A_299 = arith.constant 17 : i32
    %broadcast_in_dim3A_300 = vector.broadcast %broadcast_in_dim3A_299 : i32 to vector<16xi32>
    %add3A_301 = arith.constant 17 : i32
    %add3A_302 = arith.addi %mul3A_2, %add3A_301 : i32
    %broadcast_in_dim3A_303 = vector.broadcast %add3A_302 : i32 to vector<16xi32>
    %gather3A_304 = tpu.vector_load_idx %arg19[%broadcast_in_dim3A_303] : memref<1024xi32, #tpu.memory_space<vmem>>[vector<16xi32>], vector<16xi32>,
    %add3A_305 = arith.addi %gather3A_304, %iota3A : vector<16xi32>
    %gather3A_306 = tpu.vector_load_idx %arg23[%broadcast_in_dim3A_300, %add3A_305] : memref<32x128xf32, #tpu.memory_space<vmem>>[vector<16xi32>, vector<16xi32>], vector<16xf32>,
    %add3A_307 = arith.addi %gather3A_304, %add3A_7 : vector<16xi32>
    %gather3A_308 = tpu.vector_load_idx %arg23[%broadcast_in_dim3A_300, %add3A_307] : memref<32x128xf32, #tpu.memory_space<vmem>>[vector<16xi32>, vector<16xi32>], vector<16xf32>,
    %add3A_309 = arith.constant 544 : i32
    %add3A_310 = vector.broadcast %add3A_309 : i32 to vector<16xi32>
    %add3A_311 = arith.addi %add3A_310, %iota3A : vector<16xi32>
    tpu.vector_store_idx %arg24[%add3A_311], %gather3A_306 : memref<1024xf32, #tpu.memory_space<vmem>>[vector<16xi32>], vector<16xf32>,
    %add3A_312 = arith.constant 544 : i32
    %add3A_313 = vector.broadcast %add3A_312 : i32 to vector<16xi32>
    %add3A_314 = arith.addi %add3A_313, %add3A_7 : vector<16xi32>
    tpu.vector_store_idx %arg24[%add3A_314], %gather3A_308 : memref<1024xf32, #tpu.memory_space<vmem>>[vector<16xi32>], vector<16xf32>,
    %broadcast_in_dim3A_315 = arith.constant 18 : i32
    %broadcast_in_dim3A_316 = vector.broadcast %broadcast_in_dim3A_315 : i32 to vector<16xi32>
    %add3A_317 = arith.constant 18 : i32
    %add3A_318 = arith.addi %mul3A_2, %add3A_317 : i32
    %broadcast_in_dim3A_319 = vector.broadcast %add3A_318 : i32 to vector<16xi32>
    %gather3A_320 = tpu.vector_load_idx %arg19[%broadcast_in_dim3A_319] : memref<1024xi32, #tpu.memory_space<vmem>>[vector<16xi32>], vector<16xi32>,
    %add3A_321 = arith.addi %gather3A_320, %iota3A : vector<16xi32>
    %gather3A_322 = tpu.vector_load_idx %arg23[%broadcast_in_dim3A_316, %add3A_321] : memref<32x128xf32, #tpu.memory_space<vmem>>[vector<16xi32>, vector<16xi32>], vector<16xf32>,
    %add3A_323 = arith.addi %gather3A_320, %add3A_7 : vector<16xi32>
    %gather3A_324 = tpu.vector_load_idx %arg23[%broadcast_in_dim3A_316, %add3A_323] : memref<32x128xf32, #tpu.memory_space<vmem>>[vector<16xi32>, vector<16xi32>], vector<16xf32>,
    %add3A_325 = arith.constant 576 : i32
    %add3A_326 = vector.broadcast %add3A_325 : i32 to vector<16xi32>
    %add3A_327 = arith.addi %add3A_326, %iota3A : vector<16xi32>
    tpu.vector_store_idx %arg24[%add3A_327], %gather3A_322 : memref<1024xf32, #tpu.memory_space<vmem>>[vector<16xi32>], vector<16xf32>,
    %add3A_328 = arith.constant 576 : i32
    %add3A_329 = vector.broadcast %add3A_328 : i32 to vector<16xi32>
    %add3A_330 = arith.addi %add3A_329, %add3A_7 : vector<16xi32>
    tpu.vector_store_idx %arg24[%add3A_330], %gather3A_324 : memref<1024xf32, #tpu.memory_space<vmem>>[vector<16xi32>], vector<16xf32>,
    %broadcast_in_dim3A_331 = arith.constant 19 : i32
    %broadcast_in_dim3A_332 = vector.broadcast %broadcast_in_dim3A_331 : i32 to vector<16xi32>
    %add3A_333 = arith.constant 19 : i32
    %add3A_334 = arith.addi %mul3A_2, %add3A_333 : i32
    %broadcast_in_dim3A_335 = vector.broadcast %add3A_334 : i32 to vector<16xi32>
    %gather3A_336 = tpu.vector_load_idx %arg19[%broadcast_in_dim3A_335] : memref<1024xi32, #tpu.memory_space<vmem>>[vector<16xi32>], vector<16xi32>,
    %add3A_337 = arith.addi %gather3A_336, %iota3A : vector<16xi32>
    %gather3A_338 = tpu.vector_load_idx %arg23[%broadcast_in_dim3A_332, %add3A_337] : memref<32x128xf32, #tpu.memory_space<vmem>>[vector<16xi32>, vector<16xi32>], vector<16xf32>,
    %add3A_339 = arith.addi %gather3A_336, %add3A_7 : vector<16xi32>
    %gather3A_340 = tpu.vector_load_idx %arg23[%broadcast_in_dim3A_332, %add3A_339] : memref<32x128xf32, #tpu.memory_space<vmem>>[vector<16xi32>, vector<16xi32>], vector<16xf32>,
    %add3A_341 = arith.constant 608 : i32
    %add3A_342 = vector.broadcast %add3A_341 : i32 to vector<16xi32>
    %add3A_343 = arith.addi %add3A_342, %iota3A : vector<16xi32>
    tpu.vector_store_idx %arg24[%add3A_343], %gather3A_338 : memref<1024xf32, #tpu.memory_space<vmem>>[vector<16xi32>], vector<16xf32>,
    %add3A_344 = arith.constant 608 : i32
    %add3A_345 = vector.broadcast %add3A_344 : i32 to vector<16xi32>
    %add3A_346 = arith.addi %add3A_345, %add3A_7 : vector<16xi32>
    tpu.vector_store_idx %arg24[%add3A_346], %gather3A_340 : memref<1024xf32, #tpu.memory_space<vmem>>[vector<16xi32>], vector<16xf32>,
    %broadcast_in_dim3A_347 = arith.constant 20 : i32
    %broadcast_in_dim3A_348 = vector.broadcast %broadcast_in_dim3A_347 : i32 to vector<16xi32>
    %add3A_349 = arith.constant 20 : i32
    %add3A_350 = arith.addi %mul3A_2, %add3A_349 : i32
    %broadcast_in_dim3A_351 = vector.broadcast %add3A_350 : i32 to vector<16xi32>
    %gather3A_352 = tpu.vector_load_idx %arg19[%broadcast_in_dim3A_351] : memref<1024xi32, #tpu.memory_space<vmem>>[vector<16xi32>], vector<16xi32>,
    %add3A_353 = arith.addi %gather3A_352, %iota3A : vector<16xi32>
    %gather3A_354 = tpu.vector_load_idx %arg23[%broadcast_in_dim3A_348, %add3A_353] : memref<32x128xf32, #tpu.memory_space<vmem>>[vector<16xi32>, vector<16xi32>], vector<16xf32>,
    %add3A_355 = arith.addi %gather3A_352, %add3A_7 : vector<16xi32>
    %gather3A_356 = tpu.vector_load_idx %arg23[%broadcast_in_dim3A_348, %add3A_355] : memref<32x128xf32, #tpu.memory_space<vmem>>[vector<16xi32>, vector<16xi32>], vector<16xf32>,
    %add3A_357 = arith.constant 640 : i32
    %add3A_358 = vector.broadcast %add3A_357 : i32 to vector<16xi32>
    %add3A_359 = arith.addi %add3A_358, %iota3A : vector<16xi32>
    tpu.vector_store_idx %arg24[%add3A_359], %gather3A_354 : memref<1024xf32, #tpu.memory_space<vmem>>[vector<16xi32>], vector<16xf32>,
    %add3A_360 = arith.constant 640 : i32
    %add3A_361 = vector.broadcast %add3A_360 : i32 to vector<16xi32>
    %add3A_362 = arith.addi %add3A_361, %add3A_7 : vector<16xi32>
    tpu.vector_store_idx %arg24[%add3A_362], %gather3A_356 : memref<1024xf32, #tpu.memory_space<vmem>>[vector<16xi32>], vector<16xf32>,
    %broadcast_in_dim3A_363 = arith.constant 21 : i32
    %broadcast_in_dim3A_364 = vector.broadcast %broadcast_in_dim3A_363 : i32 to vector<16xi32>
    %add3A_365 = arith.constant 21 : i32
    %add3A_366 = arith.addi %mul3A_2, %add3A_365 : i32
    %broadcast_in_dim3A_367 = vector.broadcast %add3A_366 : i32 to vector<16xi32>
    %gather3A_368 = tpu.vector_load_idx %arg19[%broadcast_in_dim3A_367] : memref<1024xi32, #tpu.memory_space<vmem>>[vector<16xi32>], vector<16xi32>,
    %add3A_369 = arith.addi %gather3A_368, %iota3A : vector<16xi32>
    %gather3A_370 = tpu.vector_load_idx %arg23[%broadcast_in_dim3A_364, %add3A_369] : memref<32x128xf32, #tpu.memory_space<vmem>>[vector<16xi32>, vector<16xi32>], vector<16xf32>,
    %add3A_371 = arith.addi %gather3A_368, %add3A_7 : vector<16xi32>
    %gather3A_372 = tpu.vector_load_idx %arg23[%broadcast_in_dim3A_364, %add3A_371] : memref<32x128xf32, #tpu.memory_space<vmem>>[vector<16xi32>, vector<16xi32>], vector<16xf32>,
    %add3A_373 = arith.constant 672 : i32
    %add3A_374 = vector.broadcast %add3A_373 : i32 to vector<16xi32>
    %add3A_375 = arith.addi %add3A_374, %iota3A : vector<16xi32>
    tpu.vector_store_idx %arg24[%add3A_375], %gather3A_370 : memref<1024xf32, #tpu.memory_space<vmem>>[vector<16xi32>], vector<16xf32>,
    %add3A_376 = arith.constant 672 : i32
    %add3A_377 = vector.broadcast %add3A_376 : i32 to vector<16xi32>
    %add3A_378 = arith.addi %add3A_377, %add3A_7 : vector<16xi32>
    tpu.vector_store_idx %arg24[%add3A_378], %gather3A_372 : memref<1024xf32, #tpu.memory_space<vmem>>[vector<16xi32>], vector<16xf32>,
    %broadcast_in_dim3A_379 = arith.constant 22 : i32
    %broadcast_in_dim3A_380 = vector.broadcast %broadcast_in_dim3A_379 : i32 to vector<16xi32>
    %add3A_381 = arith.constant 22 : i32
    %add3A_382 = arith.addi %mul3A_2, %add3A_381 : i32
    %broadcast_in_dim3A_383 = vector.broadcast %add3A_382 : i32 to vector<16xi32>
    %gather3A_384 = tpu.vector_load_idx %arg19[%broadcast_in_dim3A_383] : memref<1024xi32, #tpu.memory_space<vmem>>[vector<16xi32>], vector<16xi32>,
    %add3A_385 = arith.addi %gather3A_384, %iota3A : vector<16xi32>
    %gather3A_386 = tpu.vector_load_idx %arg23[%broadcast_in_dim3A_380, %add3A_385] : memref<32x128xf32, #tpu.memory_space<vmem>>[vector<16xi32>, vector<16xi32>], vector<16xf32>,
    %add3A_387 = arith.addi %gather3A_384, %add3A_7 : vector<16xi32>
    %gather3A_388 = tpu.vector_load_idx %arg23[%broadcast_in_dim3A_380, %add3A_387] : memref<32x128xf32, #tpu.memory_space<vmem>>[vector<16xi32>, vector<16xi32>], vector<16xf32>,
    %add3A_389 = arith.constant 704 : i32
    %add3A_390 = vector.broadcast %add3A_389 : i32 to vector<16xi32>
    %add3A_391 = arith.addi %add3A_390, %iota3A : vector<16xi32>
    tpu.vector_store_idx %arg24[%add3A_391], %gather3A_386 : memref<1024xf32, #tpu.memory_space<vmem>>[vector<16xi32>], vector<16xf32>,
    %add3A_392 = arith.constant 704 : i32
    %add3A_393 = vector.broadcast %add3A_392 : i32 to vector<16xi32>
    %add3A_394 = arith.addi %add3A_393, %add3A_7 : vector<16xi32>
    tpu.vector_store_idx %arg24[%add3A_394], %gather3A_388 : memref<1024xf32, #tpu.memory_space<vmem>>[vector<16xi32>], vector<16xf32>,
    %broadcast_in_dim3A_395 = arith.constant 23 : i32
    %broadcast_in_dim3A_396 = vector.broadcast %broadcast_in_dim3A_395 : i32 to vector<16xi32>
    %add3A_397 = arith.constant 23 : i32
    %add3A_398 = arith.addi %mul3A_2, %add3A_397 : i32
    %broadcast_in_dim3A_399 = vector.broadcast %add3A_398 : i32 to vector<16xi32>
    %gather3A_400 = tpu.vector_load_idx %arg19[%broadcast_in_dim3A_399] : memref<1024xi32, #tpu.memory_space<vmem>>[vector<16xi32>], vector<16xi32>,
    %add3A_401 = arith.addi %gather3A_400, %iota3A : vector<16xi32>
    %gather3A_402 = tpu.vector_load_idx %arg23[%broadcast_in_dim3A_396, %add3A_401] : memref<32x128xf32, #tpu.memory_space<vmem>>[vector<16xi32>, vector<16xi32>], vector<16xf32>,
    %add3A_403 = arith.addi %gather3A_400, %add3A_7 : vector<16xi32>
    %gather3A_404 = tpu.vector_load_idx %arg23[%broadcast_in_dim3A_396, %add3A_403] : memref<32x128xf32, #tpu.memory_space<vmem>>[vector<16xi32>, vector<16xi32>], vector<16xf32>,
    %add3A_405 = arith.constant 736 : i32
    %add3A_406 = vector.broadcast %add3A_405 : i32 to vector<16xi32>
    %add3A_407 = arith.addi %add3A_406, %iota3A : vector<16xi32>
    tpu.vector_store_idx %arg24[%add3A_407], %gather3A_402 : memref<1024xf32, #tpu.memory_space<vmem>>[vector<16xi32>], vector<16xf32>,
    %add3A_408 = arith.constant 736 : i32
    %add3A_409 = vector.broadcast %add3A_408 : i32 to vector<16xi32>
    %add3A_410 = arith.addi %add3A_409, %add3A_7 : vector<16xi32>
    tpu.vector_store_idx %arg24[%add3A_410], %gather3A_404 : memref<1024xf32, #tpu.memory_space<vmem>>[vector<16xi32>], vector<16xf32>,
    %broadcast_in_dim3A_411 = arith.constant 24 : i32
    %broadcast_in_dim3A_412 = vector.broadcast %broadcast_in_dim3A_411 : i32 to vector<16xi32>
    %add3A_413 = arith.constant 24 : i32
    %add3A_414 = arith.addi %mul3A_2, %add3A_413 : i32
    %broadcast_in_dim3A_415 = vector.broadcast %add3A_414 : i32 to vector<16xi32>
    %gather3A_416 = tpu.vector_load_idx %arg19[%broadcast_in_dim3A_415] : memref<1024xi32, #tpu.memory_space<vmem>>[vector<16xi32>], vector<16xi32>,
    %add3A_417 = arith.addi %gather3A_416, %iota3A : vector<16xi32>
    %gather3A_418 = tpu.vector_load_idx %arg23[%broadcast_in_dim3A_412, %add3A_417] : memref<32x128xf32, #tpu.memory_space<vmem>>[vector<16xi32>, vector<16xi32>], vector<16xf32>,
    %add3A_419 = arith.addi %gather3A_416, %add3A_7 : vector<16xi32>
    %gather3A_420 = tpu.vector_load_idx %arg23[%broadcast_in_dim3A_412, %add3A_419] : memref<32x128xf32, #tpu.memory_space<vmem>>[vector<16xi32>, vector<16xi32>], vector<16xf32>,
    %add3A_421 = arith.constant 768 : i32
    %add3A_422 = vector.broadcast %add3A_421 : i32 to vector<16xi32>
    %add3A_423 = arith.addi %add3A_422, %iota3A : vector<16xi32>
    tpu.vector_store_idx %arg24[%add3A_423], %gather3A_418 : memref<1024xf32, #tpu.memory_space<vmem>>[vector<16xi32>], vector<16xf32>,
    %add3A_424 = arith.constant 768 : i32
    %add3A_425 = vector.broadcast %add3A_424 : i32 to vector<16xi32>
    %add3A_426 = arith.addi %add3A_425, %add3A_7 : vector<16xi32>
    tpu.vector_store_idx %arg24[%add3A_426], %gather3A_420 : memref<1024xf32, #tpu.memory_space<vmem>>[vector<16xi32>], vector<16xf32>,
    %broadcast_in_dim3A_427 = arith.constant 25 : i32
    %broadcast_in_dim3A_428 = vector.broadcast %broadcast_in_dim3A_427 : i32 to vector<16xi32>
    %add3A_429 = arith.constant 25 : i32
    %add3A_430 = arith.addi %mul3A_2, %add3A_429 : i32
    %broadcast_in_dim3A_431 = vector.broadcast %add3A_430 : i32 to vector<16xi32>
    %gather3A_432 = tpu.vector_load_idx %arg19[%broadcast_in_dim3A_431] : memref<1024xi32, #tpu.memory_space<vmem>>[vector<16xi32>], vector<16xi32>,
    %add3A_433 = arith.addi %gather3A_432, %iota3A : vector<16xi32>
    %gather3A_434 = tpu.vector_load_idx %arg23[%broadcast_in_dim3A_428, %add3A_433] : memref<32x128xf32, #tpu.memory_space<vmem>>[vector<16xi32>, vector<16xi32>], vector<16xf32>,
    %add3A_435 = arith.addi %gather3A_432, %add3A_7 : vector<16xi32>
    %gather3A_436 = tpu.vector_load_idx %arg23[%broadcast_in_dim3A_428, %add3A_435] : memref<32x128xf32, #tpu.memory_space<vmem>>[vector<16xi32>, vector<16xi32>], vector<16xf32>,
    %add3A_437 = arith.constant 800 : i32
    %add3A_438 = vector.broadcast %add3A_437 : i32 to vector<16xi32>
    %add3A_439 = arith.addi %add3A_438, %iota3A : vector<16xi32>
    tpu.vector_store_idx %arg24[%add3A_439], %gather3A_434 : memref<1024xf32, #tpu.memory_space<vmem>>[vector<16xi32>], vector<16xf32>,
    %add3A_440 = arith.constant 800 : i32
    %add3A_441 = vector.broadcast %add3A_440 : i32 to vector<16xi32>
    %add3A_442 = arith.addi %add3A_441, %add3A_7 : vector<16xi32>
    tpu.vector_store_idx %arg24[%add3A_442], %gather3A_436 : memref<1024xf32, #tpu.memory_space<vmem>>[vector<16xi32>], vector<16xf32>,
    %broadcast_in_dim3A_443 = arith.constant 26 : i32
    %broadcast_in_dim3A_444 = vector.broadcast %broadcast_in_dim3A_443 : i32 to vector<16xi32>
    %add3A_445 = arith.constant 26 : i32
    %add3A_446 = arith.addi %mul3A_2, %add3A_445 : i32
    %broadcast_in_dim3A_447 = vector.broadcast %add3A_446 : i32 to vector<16xi32>
    %gather3A_448 = tpu.vector_load_idx %arg19[%broadcast_in_dim3A_447] : memref<1024xi32, #tpu.memory_space<vmem>>[vector<16xi32>], vector<16xi32>,
    %add3A_449 = arith.addi %gather3A_448, %iota3A : vector<16xi32>
    %gather3A_450 = tpu.vector_load_idx %arg23[%broadcast_in_dim3A_444, %add3A_449] : memref<32x128xf32, #tpu.memory_space<vmem>>[vector<16xi32>, vector<16xi32>], vector<16xf32>,
    %add3A_451 = arith.addi %gather3A_448, %add3A_7 : vector<16xi32>
    %gather3A_452 = tpu.vector_load_idx %arg23[%broadcast_in_dim3A_444, %add3A_451] : memref<32x128xf32, #tpu.memory_space<vmem>>[vector<16xi32>, vector<16xi32>], vector<16xf32>,
    %add3A_453 = arith.constant 832 : i32
    %add3A_454 = vector.broadcast %add3A_453 : i32 to vector<16xi32>
    %add3A_455 = arith.addi %add3A_454, %iota3A : vector<16xi32>
    tpu.vector_store_idx %arg24[%add3A_455], %gather3A_450 : memref<1024xf32, #tpu.memory_space<vmem>>[vector<16xi32>], vector<16xf32>,
    %add3A_456 = arith.constant 832 : i32
    %add3A_457 = vector.broadcast %add3A_456 : i32 to vector<16xi32>
    %add3A_458 = arith.addi %add3A_457, %add3A_7 : vector<16xi32>
    tpu.vector_store_idx %arg24[%add3A_458], %gather3A_452 : memref<1024xf32, #tpu.memory_space<vmem>>[vector<16xi32>], vector<16xf32>,
    %broadcast_in_dim3A_459 = arith.constant 27 : i32
    %broadcast_in_dim3A_460 = vector.broadcast %broadcast_in_dim3A_459 : i32 to vector<16xi32>
    %add3A_461 = arith.constant 27 : i32
    %add3A_462 = arith.addi %mul3A_2, %add3A_461 : i32
    %broadcast_in_dim3A_463 = vector.broadcast %add3A_462 : i32 to vector<16xi32>
    %gather3A_464 = tpu.vector_load_idx %arg19[%broadcast_in_dim3A_463] : memref<1024xi32, #tpu.memory_space<vmem>>[vector<16xi32>], vector<16xi32>,
    %add3A_465 = arith.addi %gather3A_464, %iota3A : vector<16xi32>
    %gather3A_466 = tpu.vector_load_idx %arg23[%broadcast_in_dim3A_460, %add3A_465] : memref<32x128xf32, #tpu.memory_space<vmem>>[vector<16xi32>, vector<16xi32>], vector<16xf32>,
    %add3A_467 = arith.addi %gather3A_464, %add3A_7 : vector<16xi32>
    %gather3A_468 = tpu.vector_load_idx %arg23[%broadcast_in_dim3A_460, %add3A_467] : memref<32x128xf32, #tpu.memory_space<vmem>>[vector<16xi32>, vector<16xi32>], vector<16xf32>,
    %add3A_469 = arith.constant 864 : i32
    %add3A_470 = vector.broadcast %add3A_469 : i32 to vector<16xi32>
    %add3A_471 = arith.addi %add3A_470, %iota3A : vector<16xi32>
    tpu.vector_store_idx %arg24[%add3A_471], %gather3A_466 : memref<1024xf32, #tpu.memory_space<vmem>>[vector<16xi32>], vector<16xf32>,
    %add3A_472 = arith.constant 864 : i32
    %add3A_473 = vector.broadcast %add3A_472 : i32 to vector<16xi32>
    %add3A_474 = arith.addi %add3A_473, %add3A_7 : vector<16xi32>
    tpu.vector_store_idx %arg24[%add3A_474], %gather3A_468 : memref<1024xf32, #tpu.memory_space<vmem>>[vector<16xi32>], vector<16xf32>,
    %broadcast_in_dim3A_475 = arith.constant 28 : i32
    %broadcast_in_dim3A_476 = vector.broadcast %broadcast_in_dim3A_475 : i32 to vector<16xi32>
    %add3A_477 = arith.constant 28 : i32
    %add3A_478 = arith.addi %mul3A_2, %add3A_477 : i32
    %broadcast_in_dim3A_479 = vector.broadcast %add3A_478 : i32 to vector<16xi32>
    %gather3A_480 = tpu.vector_load_idx %arg19[%broadcast_in_dim3A_479] : memref<1024xi32, #tpu.memory_space<vmem>>[vector<16xi32>], vector<16xi32>,
    %add3A_481 = arith.addi %gather3A_480, %iota3A : vector<16xi32>
    %gather3A_482 = tpu.vector_load_idx %arg23[%broadcast_in_dim3A_476, %add3A_481] : memref<32x128xf32, #tpu.memory_space<vmem>>[vector<16xi32>, vector<16xi32>], vector<16xf32>,
    %add3A_483 = arith.addi %gather3A_480, %add3A_7 : vector<16xi32>
    %gather3A_484 = tpu.vector_load_idx %arg23[%broadcast_in_dim3A_476, %add3A_483] : memref<32x128xf32, #tpu.memory_space<vmem>>[vector<16xi32>, vector<16xi32>], vector<16xf32>,
    %add3A_485 = arith.constant 896 : i32
    %add3A_486 = vector.broadcast %add3A_485 : i32 to vector<16xi32>
    %add3A_487 = arith.addi %add3A_486, %iota3A : vector<16xi32>
    tpu.vector_store_idx %arg24[%add3A_487], %gather3A_482 : memref<1024xf32, #tpu.memory_space<vmem>>[vector<16xi32>], vector<16xf32>,
    %add3A_488 = arith.constant 896 : i32
    %add3A_489 = vector.broadcast %add3A_488 : i32 to vector<16xi32>
    %add3A_490 = arith.addi %add3A_489, %add3A_7 : vector<16xi32>
    tpu.vector_store_idx %arg24[%add3A_490], %gather3A_484 : memref<1024xf32, #tpu.memory_space<vmem>>[vector<16xi32>], vector<16xf32>,
    %broadcast_in_dim3A_491 = arith.constant 29 : i32
    %broadcast_in_dim3A_492 = vector.broadcast %broadcast_in_dim3A_491 : i32 to vector<16xi32>
    %add3A_493 = arith.constant 29 : i32
    %add3A_494 = arith.addi %mul3A_2, %add3A_493 : i32
    %broadcast_in_dim3A_495 = vector.broadcast %add3A_494 : i32 to vector<16xi32>
    %gather3A_496 = tpu.vector_load_idx %arg19[%broadcast_in_dim3A_495] : memref<1024xi32, #tpu.memory_space<vmem>>[vector<16xi32>], vector<16xi32>,
    %add3A_497 = arith.addi %gather3A_496, %iota3A : vector<16xi32>
    %gather3A_498 = tpu.vector_load_idx %arg23[%broadcast_in_dim3A_492, %add3A_497] : memref<32x128xf32, #tpu.memory_space<vmem>>[vector<16xi32>, vector<16xi32>], vector<16xf32>,
    %add3A_499 = arith.addi %gather3A_496, %add3A_7 : vector<16xi32>
    %gather3A_500 = tpu.vector_load_idx %arg23[%broadcast_in_dim3A_492, %add3A_499] : memref<32x128xf32, #tpu.memory_space<vmem>>[vector<16xi32>, vector<16xi32>], vector<16xf32>,
    %add3A_501 = arith.constant 928 : i32
    %add3A_502 = vector.broadcast %add3A_501 : i32 to vector<16xi32>
    %add3A_503 = arith.addi %add3A_502, %iota3A : vector<16xi32>
    tpu.vector_store_idx %arg24[%add3A_503], %gather3A_498 : memref<1024xf32, #tpu.memory_space<vmem>>[vector<16xi32>], vector<16xf32>,
    %add3A_504 = arith.constant 928 : i32
    %add3A_505 = vector.broadcast %add3A_504 : i32 to vector<16xi32>
    %add3A_506 = arith.addi %add3A_505, %add3A_7 : vector<16xi32>
    tpu.vector_store_idx %arg24[%add3A_506], %gather3A_500 : memref<1024xf32, #tpu.memory_space<vmem>>[vector<16xi32>], vector<16xf32>,
    %broadcast_in_dim3A_507 = arith.constant 30 : i32
    %broadcast_in_dim3A_508 = vector.broadcast %broadcast_in_dim3A_507 : i32 to vector<16xi32>
    %add3A_509 = arith.constant 30 : i32
    %add3A_510 = arith.addi %mul3A_2, %add3A_509 : i32
    %broadcast_in_dim3A_511 = vector.broadcast %add3A_510 : i32 to vector<16xi32>
    %gather3A_512 = tpu.vector_load_idx %arg19[%broadcast_in_dim3A_511] : memref<1024xi32, #tpu.memory_space<vmem>>[vector<16xi32>], vector<16xi32>,
    %add3A_513 = arith.addi %gather3A_512, %iota3A : vector<16xi32>
    %gather3A_514 = tpu.vector_load_idx %arg23[%broadcast_in_dim3A_508, %add3A_513] : memref<32x128xf32, #tpu.memory_space<vmem>>[vector<16xi32>, vector<16xi32>], vector<16xf32>,
    %add3A_515 = arith.addi %gather3A_512, %add3A_7 : vector<16xi32>
    %gather3A_516 = tpu.vector_load_idx %arg23[%broadcast_in_dim3A_508, %add3A_515] : memref<32x128xf32, #tpu.memory_space<vmem>>[vector<16xi32>, vector<16xi32>], vector<16xf32>,
    %add3A_517 = arith.constant 960 : i32
    %add3A_518 = vector.broadcast %add3A_517 : i32 to vector<16xi32>
    %add3A_519 = arith.addi %add3A_518, %iota3A : vector<16xi32>
    tpu.vector_store_idx %arg24[%add3A_519], %gather3A_514 : memref<1024xf32, #tpu.memory_space<vmem>>[vector<16xi32>], vector<16xf32>,
    %add3A_520 = arith.constant 960 : i32
    %add3A_521 = vector.broadcast %add3A_520 : i32 to vector<16xi32>
    %add3A_522 = arith.addi %add3A_521, %add3A_7 : vector<16xi32>
    tpu.vector_store_idx %arg24[%add3A_522], %gather3A_516 : memref<1024xf32, #tpu.memory_space<vmem>>[vector<16xi32>], vector<16xf32>,
    %broadcast_in_dim3A_523 = arith.constant 31 : i32
    %broadcast_in_dim3A_524 = vector.broadcast %broadcast_in_dim3A_523 : i32 to vector<16xi32>
    %add3A_525 = arith.constant 31 : i32
    %add3A_526 = arith.addi %mul3A_2, %add3A_525 : i32
    %broadcast_in_dim3A_527 = vector.broadcast %add3A_526 : i32 to vector<16xi32>
    %gather3A_528 = tpu.vector_load_idx %arg19[%broadcast_in_dim3A_527] : memref<1024xi32, #tpu.memory_space<vmem>>[vector<16xi32>], vector<16xi32>,
    %add3A_529 = arith.addi %gather3A_528, %iota3A : vector<16xi32>
    %gather3A_530 = tpu.vector_load_idx %arg23[%broadcast_in_dim3A_524, %add3A_529] : memref<32x128xf32, #tpu.memory_space<vmem>>[vector<16xi32>, vector<16xi32>], vector<16xf32>,
    %add3A_531 = arith.addi %gather3A_528, %add3A_7 : vector<16xi32>
    %gather3A_532 = tpu.vector_load_idx %arg23[%broadcast_in_dim3A_524, %add3A_531] : memref<32x128xf32, #tpu.memory_space<vmem>>[vector<16xi32>, vector<16xi32>], vector<16xf32>,
    %add3A_533 = arith.constant 992 : i32
    %add3A_534 = vector.broadcast %add3A_533 : i32 to vector<16xi32>
    %add3A_535 = arith.addi %add3A_534, %iota3A : vector<16xi32>
    tpu.vector_store_idx %arg24[%add3A_535], %gather3A_530 : memref<1024xf32, #tpu.memory_space<vmem>>[vector<16xi32>], vector<16xf32>,
    %add3A_536 = arith.constant 992 : i32
    %add3A_537 = vector.broadcast %add3A_536 : i32 to vector<16xi32>
    %add3A_538 = arith.addi %add3A_537, %add3A_7 : vector<16xi32>
    tpu.vector_store_idx %arg24[%add3A_538], %gather3A_532 : memref<1024xf32, #tpu.memory_space<vmem>>[vector<16xi32>], vector<16xf32>,
    %mul3A_539 = arith.constant 32 : i32
    %mul3A_540 = arith.muli %mul3A_2, %mul3A_539 : i32
    %multiple_of3A_541 = tpu.assume_multiple %mul3A_540, 8 : i32
    "tpu.region"() ({
      %run_scoped3A = tpu.sem_alloc : memref<!tpu.dma_semaphore, #tpu.memory_space<semaphore_mem>>
      %dma_start3A_1815 = tpu.memref_slice %arg12[%multiple_of3A_541] : memref<32768xf32, #tpu.memory_space<hbm>> -> memref<1024xf32, #tpu.memory_space<hbm>>
      %dma_start3A_1816 = tpu.memref_slice %arg12[%multiple_of3A_541] : memref<32768xf32, #tpu.memory_space<hbm>> -> memref<1024xf32, #tpu.memory_space<hbm>>
      tpu.enqueue_dma source(%arg24 : memref<1024xf32, #tpu.memory_space<vmem>>) target(%dma_start3A_1816 : memref<1024xf32, #tpu.memory_space<hbm>>) target_semaphore(%run_scoped3A : memref<!tpu.dma_semaphore, #tpu.memory_space<semaphore_mem>>)
      %dma_wait3A_1817 = tpu.memref_slice %arg12[%multiple_of3A_541] : memref<32768xf32, #tpu.memory_space<hbm>> -> memref<1024xf32, #tpu.memory_space<hbm>>
      %dma_wait3A_1818 = tpu.memref_slice %arg12[%multiple_of3A_541] : memref<32768xf32, #tpu.memory_space<hbm>> -> memref<1024xf32, #tpu.memory_space<hbm>>
      tpu.wait_dma2 semaphore(%run_scoped3A : memref<!tpu.dma_semaphore, #tpu.memory_space<semaphore_mem>>) src(%arg24 : memref<1024xf32, #tpu.memory_space<vmem>>) dst(%dma_wait3A_1818 : memref<1024xf32, #tpu.memory_space<hbm>>)
      tpu.yield
    }) : () -> ()
    %broadcast_in_dim3A_542 = arith.constant 32 : i32
    %broadcast_in_dim3A_543 = vector.broadcast %broadcast_in_dim3A_542 : i32 to vector<16xi32>
    %add3A_544 = arith.constant 32 : i32
    %add3A_545 = arith.addi %mul3A_4, %add3A_544 : i32
    %add3A_546 = arith.constant 0 : i32
    %add3A_547 = arith.addi %add3A_545, %add3A_546 : i32
    %broadcast_in_dim3A_548 = vector.broadcast %add3A_547 : i32 to vector<16xi32>
    %gather3A_549 = tpu.vector_load_idx %arg17[%broadcast_in_dim3A_548] : memref<3072xi32, #tpu.memory_space<vmem>>[vector<16xi32>], vector<16xi32>,
    %add3A_550 = arith.addi %gather3A_549, %iota3A : vector<16xi32>
    %gather3A_551 = tpu.vector_load_idx %arg22[%broadcast_in_dim3A_543, %add3A_550] : memref<96x128xf32, #tpu.memory_space<vmem>>[vector<16xi32>, vector<16xi32>], vector<16xf32>,
    %add3A_552 = arith.addi %gather3A_549, %add3A_7 : vector<16xi32>
    %gather3A_553 = tpu.vector_load_idx %arg22[%broadcast_in_dim3A_543, %add3A_552] : memref<96x128xf32, #tpu.memory_space<vmem>>[vector<16xi32>, vector<16xi32>], vector<16xf32>,
    %add3A_554 = arith.constant 0 : i32
    %add3A_555 = vector.broadcast %add3A_554 : i32 to vector<16xi32>
    %add3A_556 = arith.addi %add3A_555, %iota3A : vector<16xi32>
    tpu.vector_store_idx %arg25[%add3A_556], %gather3A_551 : memref<2048xf32, #tpu.memory_space<vmem>>[vector<16xi32>], vector<16xf32>,
    %add3A_557 = arith.constant 0 : i32
    %add3A_558 = vector.broadcast %add3A_557 : i32 to vector<16xi32>
    %add3A_559 = arith.addi %add3A_558, %add3A_7 : vector<16xi32>
    tpu.vector_store_idx %arg25[%add3A_559], %gather3A_553 : memref<2048xf32, #tpu.memory_space<vmem>>[vector<16xi32>], vector<16xf32>,
    %broadcast_in_dim3A_560 = arith.constant 33 : i32
    %broadcast_in_dim3A_561 = vector.broadcast %broadcast_in_dim3A_560 : i32 to vector<16xi32>
    %add3A_562 = arith.constant 32 : i32
    %add3A_563 = arith.addi %mul3A_4, %add3A_562 : i32
    %add3A_564 = arith.constant 1 : i32
    %add3A_565 = arith.addi %add3A_563, %add3A_564 : i32
    %broadcast_in_dim3A_566 = vector.broadcast %add3A_565 : i32 to vector<16xi32>
    %gather3A_567 = tpu.vector_load_idx %arg17[%broadcast_in_dim3A_566] : memref<3072xi32, #tpu.memory_space<vmem>>[vector<16xi32>], vector<16xi32>,
    %add3A_568 = arith.addi %gather3A_567, %iota3A : vector<16xi32>
    %gather3A_569 = tpu.vector_load_idx %arg22[%broadcast_in_dim3A_561, %add3A_568] : memref<96x128xf32, #tpu.memory_space<vmem>>[vector<16xi32>, vector<16xi32>], vector<16xf32>,
    %add3A_570 = arith.addi %gather3A_567, %add3A_7 : vector<16xi32>
    %gather3A_571 = tpu.vector_load_idx %arg22[%broadcast_in_dim3A_561, %add3A_570] : memref<96x128xf32, #tpu.memory_space<vmem>>[vector<16xi32>, vector<16xi32>], vector<16xf32>,
    %add3A_572 = arith.constant 32 : i32
    %add3A_573 = vector.broadcast %add3A_572 : i32 to vector<16xi32>
    %add3A_574 = arith.addi %add3A_573, %iota3A : vector<16xi32>
    tpu.vector_store_idx %arg25[%add3A_574], %gather3A_569 : memref<2048xf32, #tpu.memory_space<vmem>>[vector<16xi32>], vector<16xf32>,
    %add3A_575 = arith.constant 32 : i32
    %add3A_576 = vector.broadcast %add3A_575 : i32 to vector<16xi32>
    %add3A_577 = arith.addi %add3A_576, %add3A_7 : vector<16xi32>
    tpu.vector_store_idx %arg25[%add3A_577], %gather3A_571 : memref<2048xf32, #tpu.memory_space<vmem>>[vector<16xi32>], vector<16xf32>,
    %broadcast_in_dim3A_578 = arith.constant 34 : i32
    %broadcast_in_dim3A_579 = vector.broadcast %broadcast_in_dim3A_578 : i32 to vector<16xi32>
    %add3A_580 = arith.constant 32 : i32
    %add3A_581 = arith.addi %mul3A_4, %add3A_580 : i32
    %add3A_582 = arith.constant 2 : i32
    %add3A_583 = arith.addi %add3A_581, %add3A_582 : i32
    %broadcast_in_dim3A_584 = vector.broadcast %add3A_583 : i32 to vector<16xi32>
    %gather3A_585 = tpu.vector_load_idx %arg17[%broadcast_in_dim3A_584] : memref<3072xi32, #tpu.memory_space<vmem>>[vector<16xi32>], vector<16xi32>,
    %add3A_586 = arith.addi %gather3A_585, %iota3A : vector<16xi32>
    %gather3A_587 = tpu.vector_load_idx %arg22[%broadcast_in_dim3A_579, %add3A_586] : memref<96x128xf32, #tpu.memory_space<vmem>>[vector<16xi32>, vector<16xi32>], vector<16xf32>,
    %add3A_588 = arith.addi %gather3A_585, %add3A_7 : vector<16xi32>
    %gather3A_589 = tpu.vector_load_idx %arg22[%broadcast_in_dim3A_579, %add3A_588] : memref<96x128xf32, #tpu.memory_space<vmem>>[vector<16xi32>, vector<16xi32>], vector<16xf32>,
    %add3A_590 = arith.constant 64 : i32
    %add3A_591 = vector.broadcast %add3A_590 : i32 to vector<16xi32>
    %add3A_592 = arith.addi %add3A_591, %iota3A : vector<16xi32>
    tpu.vector_store_idx %arg25[%add3A_592], %gather3A_587 : memref<2048xf32, #tpu.memory_space<vmem>>[vector<16xi32>], vector<16xf32>,
    %add3A_593 = arith.constant 64 : i32
    %add3A_594 = vector.broadcast %add3A_593 : i32 to vector<16xi32>
    %add3A_595 = arith.addi %add3A_594, %add3A_7 : vector<16xi32>
    tpu.vector_store_idx %arg25[%add3A_595], %gather3A_589 : memref<2048xf32, #tpu.memory_space<vmem>>[vector<16xi32>], vector<16xf32>,
    %broadcast_in_dim3A_596 = arith.constant 35 : i32
    %broadcast_in_dim3A_597 = vector.broadcast %broadcast_in_dim3A_596 : i32 to vector<16xi32>
    %add3A_598 = arith.constant 32 : i32
    %add3A_599 = arith.addi %mul3A_4, %add3A_598 : i32
    %add3A_600 = arith.constant 3 : i32
    %add3A_601 = arith.addi %add3A_599, %add3A_600 : i32
    %broadcast_in_dim3A_602 = vector.broadcast %add3A_601 : i32 to vector<16xi32>
    %gather3A_603 = tpu.vector_load_idx %arg17[%broadcast_in_dim3A_602] : memref<3072xi32, #tpu.memory_space<vmem>>[vector<16xi32>], vector<16xi32>,
    %add3A_604 = arith.addi %gather3A_603, %iota3A : vector<16xi32>
    %gather3A_605 = tpu.vector_load_idx %arg22[%broadcast_in_dim3A_597, %add3A_604] : memref<96x128xf32, #tpu.memory_space<vmem>>[vector<16xi32>, vector<16xi32>], vector<16xf32>,
    %add3A_606 = arith.addi %gather3A_603, %add3A_7 : vector<16xi32>
    %gather3A_607 = tpu.vector_load_idx %arg22[%broadcast_in_dim3A_597, %add3A_606] : memref<96x128xf32, #tpu.memory_space<vmem>>[vector<16xi32>, vector<16xi32>], vector<16xf32>,
    %add3A_608 = arith.constant 96 : i32
    %add3A_609 = vector.broadcast %add3A_608 : i32 to vector<16xi32>
    %add3A_610 = arith.addi %add3A_609, %iota3A : vector<16xi32>
    tpu.vector_store_idx %arg25[%add3A_610], %gather3A_605 : memref<2048xf32, #tpu.memory_space<vmem>>[vector<16xi32>], vector<16xf32>,
    %add3A_611 = arith.constant 96 : i32
    %add3A_612 = vector.broadcast %add3A_611 : i32 to vector<16xi32>
    %add3A_613 = arith.addi %add3A_612, %add3A_7 : vector<16xi32>
    tpu.vector_store_idx %arg25[%add3A_613], %gather3A_607 : memref<2048xf32, #tpu.memory_space<vmem>>[vector<16xi32>], vector<16xf32>,
    %broadcast_in_dim3A_614 = arith.constant 36 : i32
    %broadcast_in_dim3A_615 = vector.broadcast %broadcast_in_dim3A_614 : i32 to vector<16xi32>
    %add3A_616 = arith.constant 32 : i32
    %add3A_617 = arith.addi %mul3A_4, %add3A_616 : i32
    %add3A_618 = arith.constant 4 : i32
    %add3A_619 = arith.addi %add3A_617, %add3A_618 : i32
    %broadcast_in_dim3A_620 = vector.broadcast %add3A_619 : i32 to vector<16xi32>
    %gather3A_621 = tpu.vector_load_idx %arg17[%broadcast_in_dim3A_620] : memref<3072xi32, #tpu.memory_space<vmem>>[vector<16xi32>], vector<16xi32>,
    %add3A_622 = arith.addi %gather3A_621, %iota3A : vector<16xi32>
    %gather3A_623 = tpu.vector_load_idx %arg22[%broadcast_in_dim3A_615, %add3A_622] : memref<96x128xf32, #tpu.memory_space<vmem>>[vector<16xi32>, vector<16xi32>], vector<16xf32>,
    %add3A_624 = arith.addi %gather3A_621, %add3A_7 : vector<16xi32>
    %gather3A_625 = tpu.vector_load_idx %arg22[%broadcast_in_dim3A_615, %add3A_624] : memref<96x128xf32, #tpu.memory_space<vmem>>[vector<16xi32>, vector<16xi32>], vector<16xf32>,
    %add3A_626 = arith.constant 128 : i32
    %add3A_627 = vector.broadcast %add3A_626 : i32 to vector<16xi32>
    %add3A_628 = arith.addi %add3A_627, %iota3A : vector<16xi32>
    tpu.vector_store_idx %arg25[%add3A_628], %gather3A_623 : memref<2048xf32, #tpu.memory_space<vmem>>[vector<16xi32>], vector<16xf32>,
    %add3A_629 = arith.constant 128 : i32
    %add3A_630 = vector.broadcast %add3A_629 : i32 to vector<16xi32>
    %add3A_631 = arith.addi %add3A_630, %add3A_7 : vector<16xi32>
    tpu.vector_store_idx %arg25[%add3A_631], %gather3A_625 : memref<2048xf32, #tpu.memory_space<vmem>>[vector<16xi32>], vector<16xf32>,
    %broadcast_in_dim3A_632 = arith.constant 37 : i32
    %broadcast_in_dim3A_633 = vector.broadcast %broadcast_in_dim3A_632 : i32 to vector<16xi32>
    %add3A_634 = arith.constant 32 : i32
    %add3A_635 = arith.addi %mul3A_4, %add3A_634 : i32
    %add3A_636 = arith.constant 5 : i32
    %add3A_637 = arith.addi %add3A_635, %add3A_636 : i32
    %broadcast_in_dim3A_638 = vector.broadcast %add3A_637 : i32 to vector<16xi32>
    %gather3A_639 = tpu.vector_load_idx %arg17[%broadcast_in_dim3A_638] : memref<3072xi32, #tpu.memory_space<vmem>>[vector<16xi32>], vector<16xi32>,
    %add3A_640 = arith.addi %gather3A_639, %iota3A : vector<16xi32>
    %gather3A_641 = tpu.vector_load_idx %arg22[%broadcast_in_dim3A_633, %add3A_640] : memref<96x128xf32, #tpu.memory_space<vmem>>[vector<16xi32>, vector<16xi32>], vector<16xf32>,
    %add3A_642 = arith.addi %gather3A_639, %add3A_7 : vector<16xi32>
    %gather3A_643 = tpu.vector_load_idx %arg22[%broadcast_in_dim3A_633, %add3A_642] : memref<96x128xf32, #tpu.memory_space<vmem>>[vector<16xi32>, vector<16xi32>], vector<16xf32>,
    %add3A_644 = arith.constant 160 : i32
    %add3A_645 = vector.broadcast %add3A_644 : i32 to vector<16xi32>
    %add3A_646 = arith.addi %add3A_645, %iota3A : vector<16xi32>
    tpu.vector_store_idx %arg25[%add3A_646], %gather3A_641 : memref<2048xf32, #tpu.memory_space<vmem>>[vector<16xi32>], vector<16xf32>,
    %add3A_647 = arith.constant 160 : i32
    %add3A_648 = vector.broadcast %add3A_647 : i32 to vector<16xi32>
    %add3A_649 = arith.addi %add3A_648, %add3A_7 : vector<16xi32>
    tpu.vector_store_idx %arg25[%add3A_649], %gather3A_643 : memref<2048xf32, #tpu.memory_space<vmem>>[vector<16xi32>], vector<16xf32>,
    %broadcast_in_dim3A_650 = arith.constant 38 : i32
    %broadcast_in_dim3A_651 = vector.broadcast %broadcast_in_dim3A_650 : i32 to vector<16xi32>
    %add3A_652 = arith.constant 32 : i32
    %add3A_653 = arith.addi %mul3A_4, %add3A_652 : i32
    %add3A_654 = arith.constant 6 : i32
    %add3A_655 = arith.addi %add3A_653, %add3A_654 : i32
    %broadcast_in_dim3A_656 = vector.broadcast %add3A_655 : i32 to vector<16xi32>
    %gather3A_657 = tpu.vector_load_idx %arg17[%broadcast_in_dim3A_656] : memref<3072xi32, #tpu.memory_space<vmem>>[vector<16xi32>], vector<16xi32>,
    %add3A_658 = arith.addi %gather3A_657, %iota3A : vector<16xi32>
    %gather3A_659 = tpu.vector_load_idx %arg22[%broadcast_in_dim3A_651, %add3A_658] : memref<96x128xf32, #tpu.memory_space<vmem>>[vector<16xi32>, vector<16xi32>], vector<16xf32>,
    %add3A_660 = arith.addi %gather3A_657, %add3A_7 : vector<16xi32>
    %gather3A_661 = tpu.vector_load_idx %arg22[%broadcast_in_dim3A_651, %add3A_660] : memref<96x128xf32, #tpu.memory_space<vmem>>[vector<16xi32>, vector<16xi32>], vector<16xf32>,
    %add3A_662 = arith.constant 192 : i32
    %add3A_663 = vector.broadcast %add3A_662 : i32 to vector<16xi32>
    %add3A_664 = arith.addi %add3A_663, %iota3A : vector<16xi32>
    tpu.vector_store_idx %arg25[%add3A_664], %gather3A_659 : memref<2048xf32, #tpu.memory_space<vmem>>[vector<16xi32>], vector<16xf32>,
    %add3A_665 = arith.constant 192 : i32
    %add3A_666 = vector.broadcast %add3A_665 : i32 to vector<16xi32>
    %add3A_667 = arith.addi %add3A_666, %add3A_7 : vector<16xi32>
    tpu.vector_store_idx %arg25[%add3A_667], %gather3A_661 : memref<2048xf32, #tpu.memory_space<vmem>>[vector<16xi32>], vector<16xf32>,
    %broadcast_in_dim3A_668 = arith.constant 39 : i32
    %broadcast_in_dim3A_669 = vector.broadcast %broadcast_in_dim3A_668 : i32 to vector<16xi32>
    %add3A_670 = arith.constant 32 : i32
    %add3A_671 = arith.addi %mul3A_4, %add3A_670 : i32
    %add3A_672 = arith.constant 7 : i32
    %add3A_673 = arith.addi %add3A_671, %add3A_672 : i32
    %broadcast_in_dim3A_674 = vector.broadcast %add3A_673 : i32 to vector<16xi32>
    %gather3A_675 = tpu.vector_load_idx %arg17[%broadcast_in_dim3A_674] : memref<3072xi32, #tpu.memory_space<vmem>>[vector<16xi32>], vector<16xi32>,
    %add3A_676 = arith.addi %gather3A_675, %iota3A : vector<16xi32>
    %gather3A_677 = tpu.vector_load_idx %arg22[%broadcast_in_dim3A_669, %add3A_676] : memref<96x128xf32, #tpu.memory_space<vmem>>[vector<16xi32>, vector<16xi32>], vector<16xf32>,
    %add3A_678 = arith.addi %gather3A_675, %add3A_7 : vector<16xi32>
    %gather3A_679 = tpu.vector_load_idx %arg22[%broadcast_in_dim3A_669, %add3A_678] : memref<96x128xf32, #tpu.memory_space<vmem>>[vector<16xi32>, vector<16xi32>], vector<16xf32>,
    %add3A_680 = arith.constant 224 : i32
    %add3A_681 = vector.broadcast %add3A_680 : i32 to vector<16xi32>
    %add3A_682 = arith.addi %add3A_681, %iota3A : vector<16xi32>
    tpu.vector_store_idx %arg25[%add3A_682], %gather3A_677 : memref<2048xf32, #tpu.memory_space<vmem>>[vector<16xi32>], vector<16xf32>,
    %add3A_683 = arith.constant 224 : i32
    %add3A_684 = vector.broadcast %add3A_683 : i32 to vector<16xi32>
    %add3A_685 = arith.addi %add3A_684, %add3A_7 : vector<16xi32>
    tpu.vector_store_idx %arg25[%add3A_685], %gather3A_679 : memref<2048xf32, #tpu.memory_space<vmem>>[vector<16xi32>], vector<16xf32>,
    %broadcast_in_dim3A_686 = arith.constant 40 : i32
    %broadcast_in_dim3A_687 = vector.broadcast %broadcast_in_dim3A_686 : i32 to vector<16xi32>
    %add3A_688 = arith.constant 32 : i32
    %add3A_689 = arith.addi %mul3A_4, %add3A_688 : i32
    %add3A_690 = arith.constant 8 : i32
    %add3A_691 = arith.addi %add3A_689, %add3A_690 : i32
    %broadcast_in_dim3A_692 = vector.broadcast %add3A_691 : i32 to vector<16xi32>
    %gather3A_693 = tpu.vector_load_idx %arg17[%broadcast_in_dim3A_692] : memref<3072xi32, #tpu.memory_space<vmem>>[vector<16xi32>], vector<16xi32>,
    %add3A_694 = arith.addi %gather3A_693, %iota3A : vector<16xi32>
    %gather3A_695 = tpu.vector_load_idx %arg22[%broadcast_in_dim3A_687, %add3A_694] : memref<96x128xf32, #tpu.memory_space<vmem>>[vector<16xi32>, vector<16xi32>], vector<16xf32>,
    %add3A_696 = arith.addi %gather3A_693, %add3A_7 : vector<16xi32>
    %gather3A_697 = tpu.vector_load_idx %arg22[%broadcast_in_dim3A_687, %add3A_696] : memref<96x128xf32, #tpu.memory_space<vmem>>[vector<16xi32>, vector<16xi32>], vector<16xf32>,
    %add3A_698 = arith.constant 256 : i32
    %add3A_699 = vector.broadcast %add3A_698 : i32 to vector<16xi32>
    %add3A_700 = arith.addi %add3A_699, %iota3A : vector<16xi32>
    tpu.vector_store_idx %arg25[%add3A_700], %gather3A_695 : memref<2048xf32, #tpu.memory_space<vmem>>[vector<16xi32>], vector<16xf32>,
    %add3A_701 = arith.constant 256 : i32
    %add3A_702 = vector.broadcast %add3A_701 : i32 to vector<16xi32>
    %add3A_703 = arith.addi %add3A_702, %add3A_7 : vector<16xi32>
    tpu.vector_store_idx %arg25[%add3A_703], %gather3A_697 : memref<2048xf32, #tpu.memory_space<vmem>>[vector<16xi32>], vector<16xf32>,
    %broadcast_in_dim3A_704 = arith.constant 41 : i32
    %broadcast_in_dim3A_705 = vector.broadcast %broadcast_in_dim3A_704 : i32 to vector<16xi32>
    %add3A_706 = arith.constant 32 : i32
    %add3A_707 = arith.addi %mul3A_4, %add3A_706 : i32
    %add3A_708 = arith.constant 9 : i32
    %add3A_709 = arith.addi %add3A_707, %add3A_708 : i32
    %broadcast_in_dim3A_710 = vector.broadcast %add3A_709 : i32 to vector<16xi32>
    %gather3A_711 = tpu.vector_load_idx %arg17[%broadcast_in_dim3A_710] : memref<3072xi32, #tpu.memory_space<vmem>>[vector<16xi32>], vector<16xi32>,
    %add3A_712 = arith.addi %gather3A_711, %iota3A : vector<16xi32>
    %gather3A_713 = tpu.vector_load_idx %arg22[%broadcast_in_dim3A_705, %add3A_712] : memref<96x128xf32, #tpu.memory_space<vmem>>[vector<16xi32>, vector<16xi32>], vector<16xf32>,
    %add3A_714 = arith.addi %gather3A_711, %add3A_7 : vector<16xi32>
    %gather3A_715 = tpu.vector_load_idx %arg22[%broadcast_in_dim3A_705, %add3A_714] : memref<96x128xf32, #tpu.memory_space<vmem>>[vector<16xi32>, vector<16xi32>], vector<16xf32>,
    %add3A_716 = arith.constant 288 : i32
    %add3A_717 = vector.broadcast %add3A_716 : i32 to vector<16xi32>
    %add3A_718 = arith.addi %add3A_717, %iota3A : vector<16xi32>
    tpu.vector_store_idx %arg25[%add3A_718], %gather3A_713 : memref<2048xf32, #tpu.memory_space<vmem>>[vector<16xi32>], vector<16xf32>,
    %add3A_719 = arith.constant 288 : i32
    %add3A_720 = vector.broadcast %add3A_719 : i32 to vector<16xi32>
    %add3A_721 = arith.addi %add3A_720, %add3A_7 : vector<16xi32>
    tpu.vector_store_idx %arg25[%add3A_721], %gather3A_715 : memref<2048xf32, #tpu.memory_space<vmem>>[vector<16xi32>], vector<16xf32>,
    %broadcast_in_dim3A_722 = arith.constant 42 : i32
    %broadcast_in_dim3A_723 = vector.broadcast %broadcast_in_dim3A_722 : i32 to vector<16xi32>
    %add3A_724 = arith.constant 32 : i32
    %add3A_725 = arith.addi %mul3A_4, %add3A_724 : i32
    %add3A_726 = arith.constant 10 : i32
    %add3A_727 = arith.addi %add3A_725, %add3A_726 : i32
    %broadcast_in_dim3A_728 = vector.broadcast %add3A_727 : i32 to vector<16xi32>
    %gather3A_729 = tpu.vector_load_idx %arg17[%broadcast_in_dim3A_728] : memref<3072xi32, #tpu.memory_space<vmem>>[vector<16xi32>], vector<16xi32>,
    %add3A_730 = arith.addi %gather3A_729, %iota3A : vector<16xi32>
    %gather3A_731 = tpu.vector_load_idx %arg22[%broadcast_in_dim3A_723, %add3A_730] : memref<96x128xf32, #tpu.memory_space<vmem>>[vector<16xi32>, vector<16xi32>], vector<16xf32>,
    %add3A_732 = arith.addi %gather3A_729, %add3A_7 : vector<16xi32>
    %gather3A_733 = tpu.vector_load_idx %arg22[%broadcast_in_dim3A_723, %add3A_732] : memref<96x128xf32, #tpu.memory_space<vmem>>[vector<16xi32>, vector<16xi32>], vector<16xf32>,
    %add3A_734 = arith.constant 320 : i32
    %add3A_735 = vector.broadcast %add3A_734 : i32 to vector<16xi32>
    %add3A_736 = arith.addi %add3A_735, %iota3A : vector<16xi32>
    tpu.vector_store_idx %arg25[%add3A_736], %gather3A_731 : memref<2048xf32, #tpu.memory_space<vmem>>[vector<16xi32>], vector<16xf32>,
    %add3A_737 = arith.constant 320 : i32
    %add3A_738 = vector.broadcast %add3A_737 : i32 to vector<16xi32>
    %add3A_739 = arith.addi %add3A_738, %add3A_7 : vector<16xi32>
    tpu.vector_store_idx %arg25[%add3A_739], %gather3A_733 : memref<2048xf32, #tpu.memory_space<vmem>>[vector<16xi32>], vector<16xf32>,
    %broadcast_in_dim3A_740 = arith.constant 43 : i32
    %broadcast_in_dim3A_741 = vector.broadcast %broadcast_in_dim3A_740 : i32 to vector<16xi32>
    %add3A_742 = arith.constant 32 : i32
    %add3A_743 = arith.addi %mul3A_4, %add3A_742 : i32
    %add3A_744 = arith.constant 11 : i32
    %add3A_745 = arith.addi %add3A_743, %add3A_744 : i32
    %broadcast_in_dim3A_746 = vector.broadcast %add3A_745 : i32 to vector<16xi32>
    %gather3A_747 = tpu.vector_load_idx %arg17[%broadcast_in_dim3A_746] : memref<3072xi32, #tpu.memory_space<vmem>>[vector<16xi32>], vector<16xi32>,
    %add3A_748 = arith.addi %gather3A_747, %iota3A : vector<16xi32>
    %gather3A_749 = tpu.vector_load_idx %arg22[%broadcast_in_dim3A_741, %add3A_748] : memref<96x128xf32, #tpu.memory_space<vmem>>[vector<16xi32>, vector<16xi32>], vector<16xf32>,
    %add3A_750 = arith.addi %gather3A_747, %add3A_7 : vector<16xi32>
    %gather3A_751 = tpu.vector_load_idx %arg22[%broadcast_in_dim3A_741, %add3A_750] : memref<96x128xf32, #tpu.memory_space<vmem>>[vector<16xi32>, vector<16xi32>], vector<16xf32>,
    %add3A_752 = arith.constant 352 : i32
    %add3A_753 = vector.broadcast %add3A_752 : i32 to vector<16xi32>
    %add3A_754 = arith.addi %add3A_753, %iota3A : vector<16xi32>
    tpu.vector_store_idx %arg25[%add3A_754], %gather3A_749 : memref<2048xf32, #tpu.memory_space<vmem>>[vector<16xi32>], vector<16xf32>,
    %add3A_755 = arith.constant 352 : i32
    %add3A_756 = vector.broadcast %add3A_755 : i32 to vector<16xi32>
    %add3A_757 = arith.addi %add3A_756, %add3A_7 : vector<16xi32>
    tpu.vector_store_idx %arg25[%add3A_757], %gather3A_751 : memref<2048xf32, #tpu.memory_space<vmem>>[vector<16xi32>], vector<16xf32>,
    %broadcast_in_dim3A_758 = arith.constant 44 : i32
    %broadcast_in_dim3A_759 = vector.broadcast %broadcast_in_dim3A_758 : i32 to vector<16xi32>
    %add3A_760 = arith.constant 32 : i32
    %add3A_761 = arith.addi %mul3A_4, %add3A_760 : i32
    %add3A_762 = arith.constant 12 : i32
    %add3A_763 = arith.addi %add3A_761, %add3A_762 : i32
    %broadcast_in_dim3A_764 = vector.broadcast %add3A_763 : i32 to vector<16xi32>
    %gather3A_765 = tpu.vector_load_idx %arg17[%broadcast_in_dim3A_764] : memref<3072xi32, #tpu.memory_space<vmem>>[vector<16xi32>], vector<16xi32>,
    %add3A_766 = arith.addi %gather3A_765, %iota3A : vector<16xi32>
    %gather3A_767 = tpu.vector_load_idx %arg22[%broadcast_in_dim3A_759, %add3A_766] : memref<96x128xf32, #tpu.memory_space<vmem>>[vector<16xi32>, vector<16xi32>], vector<16xf32>,
    %add3A_768 = arith.addi %gather3A_765, %add3A_7 : vector<16xi32>
    %gather3A_769 = tpu.vector_load_idx %arg22[%broadcast_in_dim3A_759, %add3A_768] : memref<96x128xf32, #tpu.memory_space<vmem>>[vector<16xi32>, vector<16xi32>], vector<16xf32>,
    %add3A_770 = arith.constant 384 : i32
    %add3A_771 = vector.broadcast %add3A_770 : i32 to vector<16xi32>
    %add3A_772 = arith.addi %add3A_771, %iota3A : vector<16xi32>
    tpu.vector_store_idx %arg25[%add3A_772], %gather3A_767 : memref<2048xf32, #tpu.memory_space<vmem>>[vector<16xi32>], vector<16xf32>,
    %add3A_773 = arith.constant 384 : i32
    %add3A_774 = vector.broadcast %add3A_773 : i32 to vector<16xi32>
    %add3A_775 = arith.addi %add3A_774, %add3A_7 : vector<16xi32>
    tpu.vector_store_idx %arg25[%add3A_775], %gather3A_769 : memref<2048xf32, #tpu.memory_space<vmem>>[vector<16xi32>], vector<16xf32>,
    %broadcast_in_dim3A_776 = arith.constant 45 : i32
    %broadcast_in_dim3A_777 = vector.broadcast %broadcast_in_dim3A_776 : i32 to vector<16xi32>
    %add3A_778 = arith.constant 32 : i32
    %add3A_779 = arith.addi %mul3A_4, %add3A_778 : i32
    %add3A_780 = arith.constant 13 : i32
    %add3A_781 = arith.addi %add3A_779, %add3A_780 : i32
    %broadcast_in_dim3A_782 = vector.broadcast %add3A_781 : i32 to vector<16xi32>
    %gather3A_783 = tpu.vector_load_idx %arg17[%broadcast_in_dim3A_782] : memref<3072xi32, #tpu.memory_space<vmem>>[vector<16xi32>], vector<16xi32>,
    %add3A_784 = arith.addi %gather3A_783, %iota3A : vector<16xi32>
    %gather3A_785 = tpu.vector_load_idx %arg22[%broadcast_in_dim3A_777, %add3A_784] : memref<96x128xf32, #tpu.memory_space<vmem>>[vector<16xi32>, vector<16xi32>], vector<16xf32>,
    %add3A_786 = arith.addi %gather3A_783, %add3A_7 : vector<16xi32>
    %gather3A_787 = tpu.vector_load_idx %arg22[%broadcast_in_dim3A_777, %add3A_786] : memref<96x128xf32, #tpu.memory_space<vmem>>[vector<16xi32>, vector<16xi32>], vector<16xf32>,
    %add3A_788 = arith.constant 416 : i32
    %add3A_789 = vector.broadcast %add3A_788 : i32 to vector<16xi32>
    %add3A_790 = arith.addi %add3A_789, %iota3A : vector<16xi32>
    tpu.vector_store_idx %arg25[%add3A_790], %gather3A_785 : memref<2048xf32, #tpu.memory_space<vmem>>[vector<16xi32>], vector<16xf32>,
    %add3A_791 = arith.constant 416 : i32
    %add3A_792 = vector.broadcast %add3A_791 : i32 to vector<16xi32>
    %add3A_793 = arith.addi %add3A_792, %add3A_7 : vector<16xi32>
    tpu.vector_store_idx %arg25[%add3A_793], %gather3A_787 : memref<2048xf32, #tpu.memory_space<vmem>>[vector<16xi32>], vector<16xf32>,
    %broadcast_in_dim3A_794 = arith.constant 46 : i32
    %broadcast_in_dim3A_795 = vector.broadcast %broadcast_in_dim3A_794 : i32 to vector<16xi32>
    %add3A_796 = arith.constant 32 : i32
    %add3A_797 = arith.addi %mul3A_4, %add3A_796 : i32
    %add3A_798 = arith.constant 14 : i32
    %add3A_799 = arith.addi %add3A_797, %add3A_798 : i32
    %broadcast_in_dim3A_800 = vector.broadcast %add3A_799 : i32 to vector<16xi32>
    %gather3A_801 = tpu.vector_load_idx %arg17[%broadcast_in_dim3A_800] : memref<3072xi32, #tpu.memory_space<vmem>>[vector<16xi32>], vector<16xi32>,
    %add3A_802 = arith.addi %gather3A_801, %iota3A : vector<16xi32>
    %gather3A_803 = tpu.vector_load_idx %arg22[%broadcast_in_dim3A_795, %add3A_802] : memref<96x128xf32, #tpu.memory_space<vmem>>[vector<16xi32>, vector<16xi32>], vector<16xf32>,
    %add3A_804 = arith.addi %gather3A_801, %add3A_7 : vector<16xi32>
    %gather3A_805 = tpu.vector_load_idx %arg22[%broadcast_in_dim3A_795, %add3A_804] : memref<96x128xf32, #tpu.memory_space<vmem>>[vector<16xi32>, vector<16xi32>], vector<16xf32>,
    %add3A_806 = arith.constant 448 : i32
    %add3A_807 = vector.broadcast %add3A_806 : i32 to vector<16xi32>
    %add3A_808 = arith.addi %add3A_807, %iota3A : vector<16xi32>
    tpu.vector_store_idx %arg25[%add3A_808], %gather3A_803 : memref<2048xf32, #tpu.memory_space<vmem>>[vector<16xi32>], vector<16xf32>,
    %add3A_809 = arith.constant 448 : i32
    %add3A_810 = vector.broadcast %add3A_809 : i32 to vector<16xi32>
    %add3A_811 = arith.addi %add3A_810, %add3A_7 : vector<16xi32>
    tpu.vector_store_idx %arg25[%add3A_811], %gather3A_805 : memref<2048xf32, #tpu.memory_space<vmem>>[vector<16xi32>], vector<16xf32>,
    %broadcast_in_dim3A_812 = arith.constant 47 : i32
    %broadcast_in_dim3A_813 = vector.broadcast %broadcast_in_dim3A_812 : i32 to vector<16xi32>
    %add3A_814 = arith.constant 32 : i32
    %add3A_815 = arith.addi %mul3A_4, %add3A_814 : i32
    %add3A_816 = arith.constant 15 : i32
    %add3A_817 = arith.addi %add3A_815, %add3A_816 : i32
    %broadcast_in_dim3A_818 = vector.broadcast %add3A_817 : i32 to vector<16xi32>
    %gather3A_819 = tpu.vector_load_idx %arg17[%broadcast_in_dim3A_818] : memref<3072xi32, #tpu.memory_space<vmem>>[vector<16xi32>], vector<16xi32>,
    %add3A_820 = arith.addi %gather3A_819, %iota3A : vector<16xi32>
    %gather3A_821 = tpu.vector_load_idx %arg22[%broadcast_in_dim3A_813, %add3A_820] : memref<96x128xf32, #tpu.memory_space<vmem>>[vector<16xi32>, vector<16xi32>], vector<16xf32>,
    %add3A_822 = arith.addi %gather3A_819, %add3A_7 : vector<16xi32>
    %gather3A_823 = tpu.vector_load_idx %arg22[%broadcast_in_dim3A_813, %add3A_822] : memref<96x128xf32, #tpu.memory_space<vmem>>[vector<16xi32>, vector<16xi32>], vector<16xf32>,
    %add3A_824 = arith.constant 480 : i32
    %add3A_825 = vector.broadcast %add3A_824 : i32 to vector<16xi32>
    %add3A_826 = arith.addi %add3A_825, %iota3A : vector<16xi32>
    tpu.vector_store_idx %arg25[%add3A_826], %gather3A_821 : memref<2048xf32, #tpu.memory_space<vmem>>[vector<16xi32>], vector<16xf32>,
    %add3A_827 = arith.constant 480 : i32
    %add3A_828 = vector.broadcast %add3A_827 : i32 to vector<16xi32>
    %add3A_829 = arith.addi %add3A_828, %add3A_7 : vector<16xi32>
    tpu.vector_store_idx %arg25[%add3A_829], %gather3A_823 : memref<2048xf32, #tpu.memory_space<vmem>>[vector<16xi32>], vector<16xf32>,
    %broadcast_in_dim3A_830 = arith.constant 48 : i32
    %broadcast_in_dim3A_831 = vector.broadcast %broadcast_in_dim3A_830 : i32 to vector<16xi32>
    %add3A_832 = arith.constant 32 : i32
    %add3A_833 = arith.addi %mul3A_4, %add3A_832 : i32
    %add3A_834 = arith.constant 16 : i32
    %add3A_835 = arith.addi %add3A_833, %add3A_834 : i32
    %broadcast_in_dim3A_836 = vector.broadcast %add3A_835 : i32 to vector<16xi32>
    %gather3A_837 = tpu.vector_load_idx %arg17[%broadcast_in_dim3A_836] : memref<3072xi32, #tpu.memory_space<vmem>>[vector<16xi32>], vector<16xi32>,
    %add3A_838 = arith.addi %gather3A_837, %iota3A : vector<16xi32>
    %gather3A_839 = tpu.vector_load_idx %arg22[%broadcast_in_dim3A_831, %add3A_838] : memref<96x128xf32, #tpu.memory_space<vmem>>[vector<16xi32>, vector<16xi32>], vector<16xf32>,
    %add3A_840 = arith.addi %gather3A_837, %add3A_7 : vector<16xi32>
    %gather3A_841 = tpu.vector_load_idx %arg22[%broadcast_in_dim3A_831, %add3A_840] : memref<96x128xf32, #tpu.memory_space<vmem>>[vector<16xi32>, vector<16xi32>], vector<16xf32>,
    %add3A_842 = arith.constant 512 : i32
    %add3A_843 = vector.broadcast %add3A_842 : i32 to vector<16xi32>
    %add3A_844 = arith.addi %add3A_843, %iota3A : vector<16xi32>
    tpu.vector_store_idx %arg25[%add3A_844], %gather3A_839 : memref<2048xf32, #tpu.memory_space<vmem>>[vector<16xi32>], vector<16xf32>,
    %add3A_845 = arith.constant 512 : i32
    %add3A_846 = vector.broadcast %add3A_845 : i32 to vector<16xi32>
    %add3A_847 = arith.addi %add3A_846, %add3A_7 : vector<16xi32>
    tpu.vector_store_idx %arg25[%add3A_847], %gather3A_841 : memref<2048xf32, #tpu.memory_space<vmem>>[vector<16xi32>], vector<16xf32>,
    %broadcast_in_dim3A_848 = arith.constant 49 : i32
    %broadcast_in_dim3A_849 = vector.broadcast %broadcast_in_dim3A_848 : i32 to vector<16xi32>
    %add3A_850 = arith.constant 32 : i32
    %add3A_851 = arith.addi %mul3A_4, %add3A_850 : i32
    %add3A_852 = arith.constant 17 : i32
    %add3A_853 = arith.addi %add3A_851, %add3A_852 : i32
    %broadcast_in_dim3A_854 = vector.broadcast %add3A_853 : i32 to vector<16xi32>
    %gather3A_855 = tpu.vector_load_idx %arg17[%broadcast_in_dim3A_854] : memref<3072xi32, #tpu.memory_space<vmem>>[vector<16xi32>], vector<16xi32>,
    %add3A_856 = arith.addi %gather3A_855, %iota3A : vector<16xi32>
    %gather3A_857 = tpu.vector_load_idx %arg22[%broadcast_in_dim3A_849, %add3A_856] : memref<96x128xf32, #tpu.memory_space<vmem>>[vector<16xi32>, vector<16xi32>], vector<16xf32>,
    %add3A_858 = arith.addi %gather3A_855, %add3A_7 : vector<16xi32>
    %gather3A_859 = tpu.vector_load_idx %arg22[%broadcast_in_dim3A_849, %add3A_858] : memref<96x128xf32, #tpu.memory_space<vmem>>[vector<16xi32>, vector<16xi32>], vector<16xf32>,
    %add3A_860 = arith.constant 544 : i32
    %add3A_861 = vector.broadcast %add3A_860 : i32 to vector<16xi32>
    %add3A_862 = arith.addi %add3A_861, %iota3A : vector<16xi32>
    tpu.vector_store_idx %arg25[%add3A_862], %gather3A_857 : memref<2048xf32, #tpu.memory_space<vmem>>[vector<16xi32>], vector<16xf32>,
    %add3A_863 = arith.constant 544 : i32
    %add3A_864 = vector.broadcast %add3A_863 : i32 to vector<16xi32>
    %add3A_865 = arith.addi %add3A_864, %add3A_7 : vector<16xi32>
    tpu.vector_store_idx %arg25[%add3A_865], %gather3A_859 : memref<2048xf32, #tpu.memory_space<vmem>>[vector<16xi32>], vector<16xf32>,
    %broadcast_in_dim3A_866 = arith.constant 50 : i32
    %broadcast_in_dim3A_867 = vector.broadcast %broadcast_in_dim3A_866 : i32 to vector<16xi32>
    %add3A_868 = arith.constant 32 : i32
    %add3A_869 = arith.addi %mul3A_4, %add3A_868 : i32
    %add3A_870 = arith.constant 18 : i32
    %add3A_871 = arith.addi %add3A_869, %add3A_870 : i32
    %broadcast_in_dim3A_872 = vector.broadcast %add3A_871 : i32 to vector<16xi32>
    %gather3A_873 = tpu.vector_load_idx %arg17[%broadcast_in_dim3A_872] : memref<3072xi32, #tpu.memory_space<vmem>>[vector<16xi32>], vector<16xi32>,
    %add3A_874 = arith.addi %gather3A_873, %iota3A : vector<16xi32>
    %gather3A_875 = tpu.vector_load_idx %arg22[%broadcast_in_dim3A_867, %add3A_874] : memref<96x128xf32, #tpu.memory_space<vmem>>[vector<16xi32>, vector<16xi32>], vector<16xf32>,
    %add3A_876 = arith.addi %gather3A_873, %add3A_7 : vector<16xi32>
    %gather3A_877 = tpu.vector_load_idx %arg22[%broadcast_in_dim3A_867, %add3A_876] : memref<96x128xf32, #tpu.memory_space<vmem>>[vector<16xi32>, vector<16xi32>], vector<16xf32>,
    %add3A_878 = arith.constant 576 : i32
    %add3A_879 = vector.broadcast %add3A_878 : i32 to vector<16xi32>
    %add3A_880 = arith.addi %add3A_879, %iota3A : vector<16xi32>
    tpu.vector_store_idx %arg25[%add3A_880], %gather3A_875 : memref<2048xf32, #tpu.memory_space<vmem>>[vector<16xi32>], vector<16xf32>,
    %add3A_881 = arith.constant 576 : i32
    %add3A_882 = vector.broadcast %add3A_881 : i32 to vector<16xi32>
    %add3A_883 = arith.addi %add3A_882, %add3A_7 : vector<16xi32>
    tpu.vector_store_idx %arg25[%add3A_883], %gather3A_877 : memref<2048xf32, #tpu.memory_space<vmem>>[vector<16xi32>], vector<16xf32>,
    %broadcast_in_dim3A_884 = arith.constant 51 : i32
    %broadcast_in_dim3A_885 = vector.broadcast %broadcast_in_dim3A_884 : i32 to vector<16xi32>
    %add3A_886 = arith.constant 32 : i32
    %add3A_887 = arith.addi %mul3A_4, %add3A_886 : i32
    %add3A_888 = arith.constant 19 : i32
    %add3A_889 = arith.addi %add3A_887, %add3A_888 : i32
    %broadcast_in_dim3A_890 = vector.broadcast %add3A_889 : i32 to vector<16xi32>
    %gather3A_891 = tpu.vector_load_idx %arg17[%broadcast_in_dim3A_890] : memref<3072xi32, #tpu.memory_space<vmem>>[vector<16xi32>], vector<16xi32>,
    %add3A_892 = arith.addi %gather3A_891, %iota3A : vector<16xi32>
    %gather3A_893 = tpu.vector_load_idx %arg22[%broadcast_in_dim3A_885, %add3A_892] : memref<96x128xf32, #tpu.memory_space<vmem>>[vector<16xi32>, vector<16xi32>], vector<16xf32>,
    %add3A_894 = arith.addi %gather3A_891, %add3A_7 : vector<16xi32>
    %gather3A_895 = tpu.vector_load_idx %arg22[%broadcast_in_dim3A_885, %add3A_894] : memref<96x128xf32, #tpu.memory_space<vmem>>[vector<16xi32>, vector<16xi32>], vector<16xf32>,
    %add3A_896 = arith.constant 608 : i32
    %add3A_897 = vector.broadcast %add3A_896 : i32 to vector<16xi32>
    %add3A_898 = arith.addi %add3A_897, %iota3A : vector<16xi32>
    tpu.vector_store_idx %arg25[%add3A_898], %gather3A_893 : memref<2048xf32, #tpu.memory_space<vmem>>[vector<16xi32>], vector<16xf32>,
    %add3A_899 = arith.constant 608 : i32
    %add3A_900 = vector.broadcast %add3A_899 : i32 to vector<16xi32>
    %add3A_901 = arith.addi %add3A_900, %add3A_7 : vector<16xi32>
    tpu.vector_store_idx %arg25[%add3A_901], %gather3A_895 : memref<2048xf32, #tpu.memory_space<vmem>>[vector<16xi32>], vector<16xf32>,
    %broadcast_in_dim3A_902 = arith.constant 52 : i32
    %broadcast_in_dim3A_903 = vector.broadcast %broadcast_in_dim3A_902 : i32 to vector<16xi32>
    %add3A_904 = arith.constant 32 : i32
    %add3A_905 = arith.addi %mul3A_4, %add3A_904 : i32
    %add3A_906 = arith.constant 20 : i32
    %add3A_907 = arith.addi %add3A_905, %add3A_906 : i32
    %broadcast_in_dim3A_908 = vector.broadcast %add3A_907 : i32 to vector<16xi32>
    %gather3A_909 = tpu.vector_load_idx %arg17[%broadcast_in_dim3A_908] : memref<3072xi32, #tpu.memory_space<vmem>>[vector<16xi32>], vector<16xi32>,
    %add3A_910 = arith.addi %gather3A_909, %iota3A : vector<16xi32>
    %gather3A_911 = tpu.vector_load_idx %arg22[%broadcast_in_dim3A_903, %add3A_910] : memref<96x128xf32, #tpu.memory_space<vmem>>[vector<16xi32>, vector<16xi32>], vector<16xf32>,
    %add3A_912 = arith.addi %gather3A_909, %add3A_7 : vector<16xi32>
    %gather3A_913 = tpu.vector_load_idx %arg22[%broadcast_in_dim3A_903, %add3A_912] : memref<96x128xf32, #tpu.memory_space<vmem>>[vector<16xi32>, vector<16xi32>], vector<16xf32>,
    %add3A_914 = arith.constant 640 : i32
    %add3A_915 = vector.broadcast %add3A_914 : i32 to vector<16xi32>
    %add3A_916 = arith.addi %add3A_915, %iota3A : vector<16xi32>
    tpu.vector_store_idx %arg25[%add3A_916], %gather3A_911 : memref<2048xf32, #tpu.memory_space<vmem>>[vector<16xi32>], vector<16xf32>,
    %add3A_917 = arith.constant 640 : i32
    %add3A_918 = vector.broadcast %add3A_917 : i32 to vector<16xi32>
    %add3A_919 = arith.addi %add3A_918, %add3A_7 : vector<16xi32>
    tpu.vector_store_idx %arg25[%add3A_919], %gather3A_913 : memref<2048xf32, #tpu.memory_space<vmem>>[vector<16xi32>], vector<16xf32>,
    %broadcast_in_dim3A_920 = arith.constant 53 : i32
    %broadcast_in_dim3A_921 = vector.broadcast %broadcast_in_dim3A_920 : i32 to vector<16xi32>
    %add3A_922 = arith.constant 32 : i32
    %add3A_923 = arith.addi %mul3A_4, %add3A_922 : i32
    %add3A_924 = arith.constant 21 : i32
    %add3A_925 = arith.addi %add3A_923, %add3A_924 : i32
    %broadcast_in_dim3A_926 = vector.broadcast %add3A_925 : i32 to vector<16xi32>
    %gather3A_927 = tpu.vector_load_idx %arg17[%broadcast_in_dim3A_926] : memref<3072xi32, #tpu.memory_space<vmem>>[vector<16xi32>], vector<16xi32>,
    %add3A_928 = arith.addi %gather3A_927, %iota3A : vector<16xi32>
    %gather3A_929 = tpu.vector_load_idx %arg22[%broadcast_in_dim3A_921, %add3A_928] : memref<96x128xf32, #tpu.memory_space<vmem>>[vector<16xi32>, vector<16xi32>], vector<16xf32>,
    %add3A_930 = arith.addi %gather3A_927, %add3A_7 : vector<16xi32>
    %gather3A_931 = tpu.vector_load_idx %arg22[%broadcast_in_dim3A_921, %add3A_930] : memref<96x128xf32, #tpu.memory_space<vmem>>[vector<16xi32>, vector<16xi32>], vector<16xf32>,
    %add3A_932 = arith.constant 672 : i32
    %add3A_933 = vector.broadcast %add3A_932 : i32 to vector<16xi32>
    %add3A_934 = arith.addi %add3A_933, %iota3A : vector<16xi32>
    tpu.vector_store_idx %arg25[%add3A_934], %gather3A_929 : memref<2048xf32, #tpu.memory_space<vmem>>[vector<16xi32>], vector<16xf32>,
    %add3A_935 = arith.constant 672 : i32
    %add3A_936 = vector.broadcast %add3A_935 : i32 to vector<16xi32>
    %add3A_937 = arith.addi %add3A_936, %add3A_7 : vector<16xi32>
    tpu.vector_store_idx %arg25[%add3A_937], %gather3A_931 : memref<2048xf32, #tpu.memory_space<vmem>>[vector<16xi32>], vector<16xf32>,
    %broadcast_in_dim3A_938 = arith.constant 54 : i32
    %broadcast_in_dim3A_939 = vector.broadcast %broadcast_in_dim3A_938 : i32 to vector<16xi32>
    %add3A_940 = arith.constant 32 : i32
    %add3A_941 = arith.addi %mul3A_4, %add3A_940 : i32
    %add3A_942 = arith.constant 22 : i32
    %add3A_943 = arith.addi %add3A_941, %add3A_942 : i32
    %broadcast_in_dim3A_944 = vector.broadcast %add3A_943 : i32 to vector<16xi32>
    %gather3A_945 = tpu.vector_load_idx %arg17[%broadcast_in_dim3A_944] : memref<3072xi32, #tpu.memory_space<vmem>>[vector<16xi32>], vector<16xi32>,
    %add3A_946 = arith.addi %gather3A_945, %iota3A : vector<16xi32>
    %gather3A_947 = tpu.vector_load_idx %arg22[%broadcast_in_dim3A_939, %add3A_946] : memref<96x128xf32, #tpu.memory_space<vmem>>[vector<16xi32>, vector<16xi32>], vector<16xf32>,
    %add3A_948 = arith.addi %gather3A_945, %add3A_7 : vector<16xi32>
    %gather3A_949 = tpu.vector_load_idx %arg22[%broadcast_in_dim3A_939, %add3A_948] : memref<96x128xf32, #tpu.memory_space<vmem>>[vector<16xi32>, vector<16xi32>], vector<16xf32>,
    %add3A_950 = arith.constant 704 : i32
    %add3A_951 = vector.broadcast %add3A_950 : i32 to vector<16xi32>
    %add3A_952 = arith.addi %add3A_951, %iota3A : vector<16xi32>
    tpu.vector_store_idx %arg25[%add3A_952], %gather3A_947 : memref<2048xf32, #tpu.memory_space<vmem>>[vector<16xi32>], vector<16xf32>,
    %add3A_953 = arith.constant 704 : i32
    %add3A_954 = vector.broadcast %add3A_953 : i32 to vector<16xi32>
    %add3A_955 = arith.addi %add3A_954, %add3A_7 : vector<16xi32>
    tpu.vector_store_idx %arg25[%add3A_955], %gather3A_949 : memref<2048xf32, #tpu.memory_space<vmem>>[vector<16xi32>], vector<16xf32>,
    %broadcast_in_dim3A_956 = arith.constant 55 : i32
    %broadcast_in_dim3A_957 = vector.broadcast %broadcast_in_dim3A_956 : i32 to vector<16xi32>
    %add3A_958 = arith.constant 32 : i32
    %add3A_959 = arith.addi %mul3A_4, %add3A_958 : i32
    %add3A_960 = arith.constant 23 : i32
    %add3A_961 = arith.addi %add3A_959, %add3A_960 : i32
    %broadcast_in_dim3A_962 = vector.broadcast %add3A_961 : i32 to vector<16xi32>
    %gather3A_963 = tpu.vector_load_idx %arg17[%broadcast_in_dim3A_962] : memref<3072xi32, #tpu.memory_space<vmem>>[vector<16xi32>], vector<16xi32>,
    %add3A_964 = arith.addi %gather3A_963, %iota3A : vector<16xi32>
    %gather3A_965 = tpu.vector_load_idx %arg22[%broadcast_in_dim3A_957, %add3A_964] : memref<96x128xf32, #tpu.memory_space<vmem>>[vector<16xi32>, vector<16xi32>], vector<16xf32>,
    %add3A_966 = arith.addi %gather3A_963, %add3A_7 : vector<16xi32>
    %gather3A_967 = tpu.vector_load_idx %arg22[%broadcast_in_dim3A_957, %add3A_966] : memref<96x128xf32, #tpu.memory_space<vmem>>[vector<16xi32>, vector<16xi32>], vector<16xf32>,
    %add3A_968 = arith.constant 736 : i32
    %add3A_969 = vector.broadcast %add3A_968 : i32 to vector<16xi32>
    %add3A_970 = arith.addi %add3A_969, %iota3A : vector<16xi32>
    tpu.vector_store_idx %arg25[%add3A_970], %gather3A_965 : memref<2048xf32, #tpu.memory_space<vmem>>[vector<16xi32>], vector<16xf32>,
    %add3A_971 = arith.constant 736 : i32
    %add3A_972 = vector.broadcast %add3A_971 : i32 to vector<16xi32>
    %add3A_973 = arith.addi %add3A_972, %add3A_7 : vector<16xi32>
    tpu.vector_store_idx %arg25[%add3A_973], %gather3A_967 : memref<2048xf32, #tpu.memory_space<vmem>>[vector<16xi32>], vector<16xf32>,
    %broadcast_in_dim3A_974 = arith.constant 56 : i32
    %broadcast_in_dim3A_975 = vector.broadcast %broadcast_in_dim3A_974 : i32 to vector<16xi32>
    %add3A_976 = arith.constant 32 : i32
    %add3A_977 = arith.addi %mul3A_4, %add3A_976 : i32
    %add3A_978 = arith.constant 24 : i32
    %add3A_979 = arith.addi %add3A_977, %add3A_978 : i32
    %broadcast_in_dim3A_980 = vector.broadcast %add3A_979 : i32 to vector<16xi32>
    %gather3A_981 = tpu.vector_load_idx %arg17[%broadcast_in_dim3A_980] : memref<3072xi32, #tpu.memory_space<vmem>>[vector<16xi32>], vector<16xi32>,
    %add3A_982 = arith.addi %gather3A_981, %iota3A : vector<16xi32>
    %gather3A_983 = tpu.vector_load_idx %arg22[%broadcast_in_dim3A_975, %add3A_982] : memref<96x128xf32, #tpu.memory_space<vmem>>[vector<16xi32>, vector<16xi32>], vector<16xf32>,
    %add3A_984 = arith.addi %gather3A_981, %add3A_7 : vector<16xi32>
    %gather3A_985 = tpu.vector_load_idx %arg22[%broadcast_in_dim3A_975, %add3A_984] : memref<96x128xf32, #tpu.memory_space<vmem>>[vector<16xi32>, vector<16xi32>], vector<16xf32>,
    %add3A_986 = arith.constant 768 : i32
    %add3A_987 = vector.broadcast %add3A_986 : i32 to vector<16xi32>
    %add3A_988 = arith.addi %add3A_987, %iota3A : vector<16xi32>
    tpu.vector_store_idx %arg25[%add3A_988], %gather3A_983 : memref<2048xf32, #tpu.memory_space<vmem>>[vector<16xi32>], vector<16xf32>,
    %add3A_989 = arith.constant 768 : i32
    %add3A_990 = vector.broadcast %add3A_989 : i32 to vector<16xi32>
    %add3A_991 = arith.addi %add3A_990, %add3A_7 : vector<16xi32>
    tpu.vector_store_idx %arg25[%add3A_991], %gather3A_985 : memref<2048xf32, #tpu.memory_space<vmem>>[vector<16xi32>], vector<16xf32>,
    %broadcast_in_dim3A_992 = arith.constant 57 : i32
    %broadcast_in_dim3A_993 = vector.broadcast %broadcast_in_dim3A_992 : i32 to vector<16xi32>
    %add3A_994 = arith.constant 32 : i32
    %add3A_995 = arith.addi %mul3A_4, %add3A_994 : i32
    %add3A_996 = arith.constant 25 : i32
    %add3A_997 = arith.addi %add3A_995, %add3A_996 : i32
    %broadcast_in_dim3A_998 = vector.broadcast %add3A_997 : i32 to vector<16xi32>
    %gather3A_999 = tpu.vector_load_idx %arg17[%broadcast_in_dim3A_998] : memref<3072xi32, #tpu.memory_space<vmem>>[vector<16xi32>], vector<16xi32>,
    %add3A_1000 = arith.addi %gather3A_999, %iota3A : vector<16xi32>
    %gather3A_1001 = tpu.vector_load_idx %arg22[%broadcast_in_dim3A_993, %add3A_1000] : memref<96x128xf32, #tpu.memory_space<vmem>>[vector<16xi32>, vector<16xi32>], vector<16xf32>,
    %add3A_1002 = arith.addi %gather3A_999, %add3A_7 : vector<16xi32>
    %gather3A_1003 = tpu.vector_load_idx %arg22[%broadcast_in_dim3A_993, %add3A_1002] : memref<96x128xf32, #tpu.memory_space<vmem>>[vector<16xi32>, vector<16xi32>], vector<16xf32>,
    %add3A_1004 = arith.constant 800 : i32
    %add3A_1005 = vector.broadcast %add3A_1004 : i32 to vector<16xi32>
    %add3A_1006 = arith.addi %add3A_1005, %iota3A : vector<16xi32>
    tpu.vector_store_idx %arg25[%add3A_1006], %gather3A_1001 : memref<2048xf32, #tpu.memory_space<vmem>>[vector<16xi32>], vector<16xf32>,
    %add3A_1007 = arith.constant 800 : i32
    %add3A_1008 = vector.broadcast %add3A_1007 : i32 to vector<16xi32>
    %add3A_1009 = arith.addi %add3A_1008, %add3A_7 : vector<16xi32>
    tpu.vector_store_idx %arg25[%add3A_1009], %gather3A_1003 : memref<2048xf32, #tpu.memory_space<vmem>>[vector<16xi32>], vector<16xf32>,
    %broadcast_in_dim3A_1010 = arith.constant 58 : i32
    %broadcast_in_dim3A_1011 = vector.broadcast %broadcast_in_dim3A_1010 : i32 to vector<16xi32>
    %add3A_1012 = arith.constant 32 : i32
    %add3A_1013 = arith.addi %mul3A_4, %add3A_1012 : i32
    %add3A_1014 = arith.constant 26 : i32
    %add3A_1015 = arith.addi %add3A_1013, %add3A_1014 : i32
    %broadcast_in_dim3A_1016 = vector.broadcast %add3A_1015 : i32 to vector<16xi32>
    %gather3A_1017 = tpu.vector_load_idx %arg17[%broadcast_in_dim3A_1016] : memref<3072xi32, #tpu.memory_space<vmem>>[vector<16xi32>], vector<16xi32>,
    %add3A_1018 = arith.addi %gather3A_1017, %iota3A : vector<16xi32>
    %gather3A_1019 = tpu.vector_load_idx %arg22[%broadcast_in_dim3A_1011, %add3A_1018] : memref<96x128xf32, #tpu.memory_space<vmem>>[vector<16xi32>, vector<16xi32>], vector<16xf32>,
    %add3A_1020 = arith.addi %gather3A_1017, %add3A_7 : vector<16xi32>
    %gather3A_1021 = tpu.vector_load_idx %arg22[%broadcast_in_dim3A_1011, %add3A_1020] : memref<96x128xf32, #tpu.memory_space<vmem>>[vector<16xi32>, vector<16xi32>], vector<16xf32>,
    %add3A_1022 = arith.constant 832 : i32
    %add3A_1023 = vector.broadcast %add3A_1022 : i32 to vector<16xi32>
    %add3A_1024 = arith.addi %add3A_1023, %iota3A : vector<16xi32>
    tpu.vector_store_idx %arg25[%add3A_1024], %gather3A_1019 : memref<2048xf32, #tpu.memory_space<vmem>>[vector<16xi32>], vector<16xf32>,
    %add3A_1025 = arith.constant 832 : i32
    %add3A_1026 = vector.broadcast %add3A_1025 : i32 to vector<16xi32>
    %add3A_1027 = arith.addi %add3A_1026, %add3A_7 : vector<16xi32>
    tpu.vector_store_idx %arg25[%add3A_1027], %gather3A_1021 : memref<2048xf32, #tpu.memory_space<vmem>>[vector<16xi32>], vector<16xf32>,
    %broadcast_in_dim3A_1028 = arith.constant 59 : i32
    %broadcast_in_dim3A_1029 = vector.broadcast %broadcast_in_dim3A_1028 : i32 to vector<16xi32>
    %add3A_1030 = arith.constant 32 : i32
    %add3A_1031 = arith.addi %mul3A_4, %add3A_1030 : i32
    %add3A_1032 = arith.constant 27 : i32
    %add3A_1033 = arith.addi %add3A_1031, %add3A_1032 : i32
    %broadcast_in_dim3A_1034 = vector.broadcast %add3A_1033 : i32 to vector<16xi32>
    %gather3A_1035 = tpu.vector_load_idx %arg17[%broadcast_in_dim3A_1034] : memref<3072xi32, #tpu.memory_space<vmem>>[vector<16xi32>], vector<16xi32>,
    %add3A_1036 = arith.addi %gather3A_1035, %iota3A : vector<16xi32>
    %gather3A_1037 = tpu.vector_load_idx %arg22[%broadcast_in_dim3A_1029, %add3A_1036] : memref<96x128xf32, #tpu.memory_space<vmem>>[vector<16xi32>, vector<16xi32>], vector<16xf32>,
    %add3A_1038 = arith.addi %gather3A_1035, %add3A_7 : vector<16xi32>
    %gather3A_1039 = tpu.vector_load_idx %arg22[%broadcast_in_dim3A_1029, %add3A_1038] : memref<96x128xf32, #tpu.memory_space<vmem>>[vector<16xi32>, vector<16xi32>], vector<16xf32>,
    %add3A_1040 = arith.constant 864 : i32
    %add3A_1041 = vector.broadcast %add3A_1040 : i32 to vector<16xi32>
    %add3A_1042 = arith.addi %add3A_1041, %iota3A : vector<16xi32>
    tpu.vector_store_idx %arg25[%add3A_1042], %gather3A_1037 : memref<2048xf32, #tpu.memory_space<vmem>>[vector<16xi32>], vector<16xf32>,
    %add3A_1043 = arith.constant 864 : i32
    %add3A_1044 = vector.broadcast %add3A_1043 : i32 to vector<16xi32>
    %add3A_1045 = arith.addi %add3A_1044, %add3A_7 : vector<16xi32>
    tpu.vector_store_idx %arg25[%add3A_1045], %gather3A_1039 : memref<2048xf32, #tpu.memory_space<vmem>>[vector<16xi32>], vector<16xf32>,
    %broadcast_in_dim3A_1046 = arith.constant 60 : i32
    %broadcast_in_dim3A_1047 = vector.broadcast %broadcast_in_dim3A_1046 : i32 to vector<16xi32>
    %add3A_1048 = arith.constant 32 : i32
    %add3A_1049 = arith.addi %mul3A_4, %add3A_1048 : i32
    %add3A_1050 = arith.constant 28 : i32
    %add3A_1051 = arith.addi %add3A_1049, %add3A_1050 : i32
    %broadcast_in_dim3A_1052 = vector.broadcast %add3A_1051 : i32 to vector<16xi32>
    %gather3A_1053 = tpu.vector_load_idx %arg17[%broadcast_in_dim3A_1052] : memref<3072xi32, #tpu.memory_space<vmem>>[vector<16xi32>], vector<16xi32>,
    %add3A_1054 = arith.addi %gather3A_1053, %iota3A : vector<16xi32>
    %gather3A_1055 = tpu.vector_load_idx %arg22[%broadcast_in_dim3A_1047, %add3A_1054] : memref<96x128xf32, #tpu.memory_space<vmem>>[vector<16xi32>, vector<16xi32>], vector<16xf32>,
    %add3A_1056 = arith.addi %gather3A_1053, %add3A_7 : vector<16xi32>
    %gather3A_1057 = tpu.vector_load_idx %arg22[%broadcast_in_dim3A_1047, %add3A_1056] : memref<96x128xf32, #tpu.memory_space<vmem>>[vector<16xi32>, vector<16xi32>], vector<16xf32>,
    %add3A_1058 = arith.constant 896 : i32
    %add3A_1059 = vector.broadcast %add3A_1058 : i32 to vector<16xi32>
    %add3A_1060 = arith.addi %add3A_1059, %iota3A : vector<16xi32>
    tpu.vector_store_idx %arg25[%add3A_1060], %gather3A_1055 : memref<2048xf32, #tpu.memory_space<vmem>>[vector<16xi32>], vector<16xf32>,
    %add3A_1061 = arith.constant 896 : i32
    %add3A_1062 = vector.broadcast %add3A_1061 : i32 to vector<16xi32>
    %add3A_1063 = arith.addi %add3A_1062, %add3A_7 : vector<16xi32>
    tpu.vector_store_idx %arg25[%add3A_1063], %gather3A_1057 : memref<2048xf32, #tpu.memory_space<vmem>>[vector<16xi32>], vector<16xf32>,
    %broadcast_in_dim3A_1064 = arith.constant 61 : i32
    %broadcast_in_dim3A_1065 = vector.broadcast %broadcast_in_dim3A_1064 : i32 to vector<16xi32>
    %add3A_1066 = arith.constant 32 : i32
    %add3A_1067 = arith.addi %mul3A_4, %add3A_1066 : i32
    %add3A_1068 = arith.constant 29 : i32
    %add3A_1069 = arith.addi %add3A_1067, %add3A_1068 : i32
    %broadcast_in_dim3A_1070 = vector.broadcast %add3A_1069 : i32 to vector<16xi32>
    %gather3A_1071 = tpu.vector_load_idx %arg17[%broadcast_in_dim3A_1070] : memref<3072xi32, #tpu.memory_space<vmem>>[vector<16xi32>], vector<16xi32>,
    %add3A_1072 = arith.addi %gather3A_1071, %iota3A : vector<16xi32>
    %gather3A_1073 = tpu.vector_load_idx %arg22[%broadcast_in_dim3A_1065, %add3A_1072] : memref<96x128xf32, #tpu.memory_space<vmem>>[vector<16xi32>, vector<16xi32>], vector<16xf32>,
    %add3A_1074 = arith.addi %gather3A_1071, %add3A_7 : vector<16xi32>
    %gather3A_1075 = tpu.vector_load_idx %arg22[%broadcast_in_dim3A_1065, %add3A_1074] : memref<96x128xf32, #tpu.memory_space<vmem>>[vector<16xi32>, vector<16xi32>], vector<16xf32>,
    %add3A_1076 = arith.constant 928 : i32
    %add3A_1077 = vector.broadcast %add3A_1076 : i32 to vector<16xi32>
    %add3A_1078 = arith.addi %add3A_1077, %iota3A : vector<16xi32>
    tpu.vector_store_idx %arg25[%add3A_1078], %gather3A_1073 : memref<2048xf32, #tpu.memory_space<vmem>>[vector<16xi32>], vector<16xf32>,
    %add3A_1079 = arith.constant 928 : i32
    %add3A_1080 = vector.broadcast %add3A_1079 : i32 to vector<16xi32>
    %add3A_1081 = arith.addi %add3A_1080, %add3A_7 : vector<16xi32>
    tpu.vector_store_idx %arg25[%add3A_1081], %gather3A_1075 : memref<2048xf32, #tpu.memory_space<vmem>>[vector<16xi32>], vector<16xf32>,
    %broadcast_in_dim3A_1082 = arith.constant 62 : i32
    %broadcast_in_dim3A_1083 = vector.broadcast %broadcast_in_dim3A_1082 : i32 to vector<16xi32>
    %add3A_1084 = arith.constant 32 : i32
    %add3A_1085 = arith.addi %mul3A_4, %add3A_1084 : i32
    %add3A_1086 = arith.constant 30 : i32
    %add3A_1087 = arith.addi %add3A_1085, %add3A_1086 : i32
    %broadcast_in_dim3A_1088 = vector.broadcast %add3A_1087 : i32 to vector<16xi32>
    %gather3A_1089 = tpu.vector_load_idx %arg17[%broadcast_in_dim3A_1088] : memref<3072xi32, #tpu.memory_space<vmem>>[vector<16xi32>], vector<16xi32>,
    %add3A_1090 = arith.addi %gather3A_1089, %iota3A : vector<16xi32>
    %gather3A_1091 = tpu.vector_load_idx %arg22[%broadcast_in_dim3A_1083, %add3A_1090] : memref<96x128xf32, #tpu.memory_space<vmem>>[vector<16xi32>, vector<16xi32>], vector<16xf32>,
    %add3A_1092 = arith.addi %gather3A_1089, %add3A_7 : vector<16xi32>
    %gather3A_1093 = tpu.vector_load_idx %arg22[%broadcast_in_dim3A_1083, %add3A_1092] : memref<96x128xf32, #tpu.memory_space<vmem>>[vector<16xi32>, vector<16xi32>], vector<16xf32>,
    %add3A_1094 = arith.constant 960 : i32
    %add3A_1095 = vector.broadcast %add3A_1094 : i32 to vector<16xi32>
    %add3A_1096 = arith.addi %add3A_1095, %iota3A : vector<16xi32>
    tpu.vector_store_idx %arg25[%add3A_1096], %gather3A_1091 : memref<2048xf32, #tpu.memory_space<vmem>>[vector<16xi32>], vector<16xf32>,
    %add3A_1097 = arith.constant 960 : i32
    %add3A_1098 = vector.broadcast %add3A_1097 : i32 to vector<16xi32>
    %add3A_1099 = arith.addi %add3A_1098, %add3A_7 : vector<16xi32>
    tpu.vector_store_idx %arg25[%add3A_1099], %gather3A_1093 : memref<2048xf32, #tpu.memory_space<vmem>>[vector<16xi32>], vector<16xf32>,
    %broadcast_in_dim3A_1100 = arith.constant 63 : i32
    %broadcast_in_dim3A_1101 = vector.broadcast %broadcast_in_dim3A_1100 : i32 to vector<16xi32>
    %add3A_1102 = arith.constant 32 : i32
    %add3A_1103 = arith.addi %mul3A_4, %add3A_1102 : i32
    %add3A_1104 = arith.constant 31 : i32
    %add3A_1105 = arith.addi %add3A_1103, %add3A_1104 : i32
    %broadcast_in_dim3A_1106 = vector.broadcast %add3A_1105 : i32 to vector<16xi32>
    %gather3A_1107 = tpu.vector_load_idx %arg17[%broadcast_in_dim3A_1106] : memref<3072xi32, #tpu.memory_space<vmem>>[vector<16xi32>], vector<16xi32>,
    %add3A_1108 = arith.addi %gather3A_1107, %iota3A : vector<16xi32>
    %gather3A_1109 = tpu.vector_load_idx %arg22[%broadcast_in_dim3A_1101, %add3A_1108] : memref<96x128xf32, #tpu.memory_space<vmem>>[vector<16xi32>, vector<16xi32>], vector<16xf32>,
    %add3A_1110 = arith.addi %gather3A_1107, %add3A_7 : vector<16xi32>
    %gather3A_1111 = tpu.vector_load_idx %arg22[%broadcast_in_dim3A_1101, %add3A_1110] : memref<96x128xf32, #tpu.memory_space<vmem>>[vector<16xi32>, vector<16xi32>], vector<16xf32>,
    %add3A_1112 = arith.constant 992 : i32
    %add3A_1113 = vector.broadcast %add3A_1112 : i32 to vector<16xi32>
    %add3A_1114 = arith.addi %add3A_1113, %iota3A : vector<16xi32>
    tpu.vector_store_idx %arg25[%add3A_1114], %gather3A_1109 : memref<2048xf32, #tpu.memory_space<vmem>>[vector<16xi32>], vector<16xf32>,
    %add3A_1115 = arith.constant 992 : i32
    %add3A_1116 = vector.broadcast %add3A_1115 : i32 to vector<16xi32>
    %add3A_1117 = arith.addi %add3A_1116, %add3A_7 : vector<16xi32>
    tpu.vector_store_idx %arg25[%add3A_1117], %gather3A_1111 : memref<2048xf32, #tpu.memory_space<vmem>>[vector<16xi32>], vector<16xf32>,
    %broadcast_in_dim3A_1118 = arith.constant 64 : i32
    %broadcast_in_dim3A_1119 = vector.broadcast %broadcast_in_dim3A_1118 : i32 to vector<16xi32>
    %add3A_1120 = arith.constant 32 : i32
    %add3A_1121 = arith.addi %mul3A_4, %add3A_1120 : i32
    %add3A_1122 = arith.constant 32 : i32
    %add3A_1123 = arith.addi %add3A_1121, %add3A_1122 : i32
    %broadcast_in_dim3A_1124 = vector.broadcast %add3A_1123 : i32 to vector<16xi32>
    %gather3A_1125 = tpu.vector_load_idx %arg17[%broadcast_in_dim3A_1124] : memref<3072xi32, #tpu.memory_space<vmem>>[vector<16xi32>], vector<16xi32>,
    %add3A_1126 = arith.addi %gather3A_1125, %iota3A : vector<16xi32>
    %gather3A_1127 = tpu.vector_load_idx %arg22[%broadcast_in_dim3A_1119, %add3A_1126] : memref<96x128xf32, #tpu.memory_space<vmem>>[vector<16xi32>, vector<16xi32>], vector<16xf32>,
    %add3A_1128 = arith.addi %gather3A_1125, %add3A_7 : vector<16xi32>
    %gather3A_1129 = tpu.vector_load_idx %arg22[%broadcast_in_dim3A_1119, %add3A_1128] : memref<96x128xf32, #tpu.memory_space<vmem>>[vector<16xi32>, vector<16xi32>], vector<16xf32>,
    %add3A_1130 = arith.constant 1024 : i32
    %add3A_1131 = vector.broadcast %add3A_1130 : i32 to vector<16xi32>
    %add3A_1132 = arith.addi %add3A_1131, %iota3A : vector<16xi32>
    tpu.vector_store_idx %arg25[%add3A_1132], %gather3A_1127 : memref<2048xf32, #tpu.memory_space<vmem>>[vector<16xi32>], vector<16xf32>,
    %add3A_1133 = arith.constant 1024 : i32
    %add3A_1134 = vector.broadcast %add3A_1133 : i32 to vector<16xi32>
    %add3A_1135 = arith.addi %add3A_1134, %add3A_7 : vector<16xi32>
    tpu.vector_store_idx %arg25[%add3A_1135], %gather3A_1129 : memref<2048xf32, #tpu.memory_space<vmem>>[vector<16xi32>], vector<16xf32>,
    %broadcast_in_dim3A_1136 = arith.constant 65 : i32
    %broadcast_in_dim3A_1137 = vector.broadcast %broadcast_in_dim3A_1136 : i32 to vector<16xi32>
    %add3A_1138 = arith.constant 32 : i32
    %add3A_1139 = arith.addi %mul3A_4, %add3A_1138 : i32
    %add3A_1140 = arith.constant 33 : i32
    %add3A_1141 = arith.addi %add3A_1139, %add3A_1140 : i32
    %broadcast_in_dim3A_1142 = vector.broadcast %add3A_1141 : i32 to vector<16xi32>
    %gather3A_1143 = tpu.vector_load_idx %arg17[%broadcast_in_dim3A_1142] : memref<3072xi32, #tpu.memory_space<vmem>>[vector<16xi32>], vector<16xi32>,
    %add3A_1144 = arith.addi %gather3A_1143, %iota3A : vector<16xi32>
    %gather3A_1145 = tpu.vector_load_idx %arg22[%broadcast_in_dim3A_1137, %add3A_1144] : memref<96x128xf32, #tpu.memory_space<vmem>>[vector<16xi32>, vector<16xi32>], vector<16xf32>,
    %add3A_1146 = arith.addi %gather3A_1143, %add3A_7 : vector<16xi32>
    %gather3A_1147 = tpu.vector_load_idx %arg22[%broadcast_in_dim3A_1137, %add3A_1146] : memref<96x128xf32, #tpu.memory_space<vmem>>[vector<16xi32>, vector<16xi32>], vector<16xf32>,
    %add3A_1148 = arith.constant 1056 : i32
    %add3A_1149 = vector.broadcast %add3A_1148 : i32 to vector<16xi32>
    %add3A_1150 = arith.addi %add3A_1149, %iota3A : vector<16xi32>
    tpu.vector_store_idx %arg25[%add3A_1150], %gather3A_1145 : memref<2048xf32, #tpu.memory_space<vmem>>[vector<16xi32>], vector<16xf32>,
    %add3A_1151 = arith.constant 1056 : i32
    %add3A_1152 = vector.broadcast %add3A_1151 : i32 to vector<16xi32>
    %add3A_1153 = arith.addi %add3A_1152, %add3A_7 : vector<16xi32>
    tpu.vector_store_idx %arg25[%add3A_1153], %gather3A_1147 : memref<2048xf32, #tpu.memory_space<vmem>>[vector<16xi32>], vector<16xf32>,
    %broadcast_in_dim3A_1154 = arith.constant 66 : i32
    %broadcast_in_dim3A_1155 = vector.broadcast %broadcast_in_dim3A_1154 : i32 to vector<16xi32>
    %add3A_1156 = arith.constant 32 : i32
    %add3A_1157 = arith.addi %mul3A_4, %add3A_1156 : i32
    %add3A_1158 = arith.constant 34 : i32
    %add3A_1159 = arith.addi %add3A_1157, %add3A_1158 : i32
    %broadcast_in_dim3A_1160 = vector.broadcast %add3A_1159 : i32 to vector<16xi32>
    %gather3A_1161 = tpu.vector_load_idx %arg17[%broadcast_in_dim3A_1160] : memref<3072xi32, #tpu.memory_space<vmem>>[vector<16xi32>], vector<16xi32>,
    %add3A_1162 = arith.addi %gather3A_1161, %iota3A : vector<16xi32>
    %gather3A_1163 = tpu.vector_load_idx %arg22[%broadcast_in_dim3A_1155, %add3A_1162] : memref<96x128xf32, #tpu.memory_space<vmem>>[vector<16xi32>, vector<16xi32>], vector<16xf32>,
    %add3A_1164 = arith.addi %gather3A_1161, %add3A_7 : vector<16xi32>
    %gather3A_1165 = tpu.vector_load_idx %arg22[%broadcast_in_dim3A_1155, %add3A_1164] : memref<96x128xf32, #tpu.memory_space<vmem>>[vector<16xi32>, vector<16xi32>], vector<16xf32>,
    %add3A_1166 = arith.constant 1088 : i32
    %add3A_1167 = vector.broadcast %add3A_1166 : i32 to vector<16xi32>
    %add3A_1168 = arith.addi %add3A_1167, %iota3A : vector<16xi32>
    tpu.vector_store_idx %arg25[%add3A_1168], %gather3A_1163 : memref<2048xf32, #tpu.memory_space<vmem>>[vector<16xi32>], vector<16xf32>,
    %add3A_1169 = arith.constant 1088 : i32
    %add3A_1170 = vector.broadcast %add3A_1169 : i32 to vector<16xi32>
    %add3A_1171 = arith.addi %add3A_1170, %add3A_7 : vector<16xi32>
    tpu.vector_store_idx %arg25[%add3A_1171], %gather3A_1165 : memref<2048xf32, #tpu.memory_space<vmem>>[vector<16xi32>], vector<16xf32>,
    %broadcast_in_dim3A_1172 = arith.constant 67 : i32
    %broadcast_in_dim3A_1173 = vector.broadcast %broadcast_in_dim3A_1172 : i32 to vector<16xi32>
    %add3A_1174 = arith.constant 32 : i32
    %add3A_1175 = arith.addi %mul3A_4, %add3A_1174 : i32
    %add3A_1176 = arith.constant 35 : i32
    %add3A_1177 = arith.addi %add3A_1175, %add3A_1176 : i32
    %broadcast_in_dim3A_1178 = vector.broadcast %add3A_1177 : i32 to vector<16xi32>
    %gather3A_1179 = tpu.vector_load_idx %arg17[%broadcast_in_dim3A_1178] : memref<3072xi32, #tpu.memory_space<vmem>>[vector<16xi32>], vector<16xi32>,
    %add3A_1180 = arith.addi %gather3A_1179, %iota3A : vector<16xi32>
    %gather3A_1181 = tpu.vector_load_idx %arg22[%broadcast_in_dim3A_1173, %add3A_1180] : memref<96x128xf32, #tpu.memory_space<vmem>>[vector<16xi32>, vector<16xi32>], vector<16xf32>,
    %add3A_1182 = arith.addi %gather3A_1179, %add3A_7 : vector<16xi32>
    %gather3A_1183 = tpu.vector_load_idx %arg22[%broadcast_in_dim3A_1173, %add3A_1182] : memref<96x128xf32, #tpu.memory_space<vmem>>[vector<16xi32>, vector<16xi32>], vector<16xf32>,
    %add3A_1184 = arith.constant 1120 : i32
    %add3A_1185 = vector.broadcast %add3A_1184 : i32 to vector<16xi32>
    %add3A_1186 = arith.addi %add3A_1185, %iota3A : vector<16xi32>
    tpu.vector_store_idx %arg25[%add3A_1186], %gather3A_1181 : memref<2048xf32, #tpu.memory_space<vmem>>[vector<16xi32>], vector<16xf32>,
    %add3A_1187 = arith.constant 1120 : i32
    %add3A_1188 = vector.broadcast %add3A_1187 : i32 to vector<16xi32>
    %add3A_1189 = arith.addi %add3A_1188, %add3A_7 : vector<16xi32>
    tpu.vector_store_idx %arg25[%add3A_1189], %gather3A_1183 : memref<2048xf32, #tpu.memory_space<vmem>>[vector<16xi32>], vector<16xf32>,
    %broadcast_in_dim3A_1190 = arith.constant 68 : i32
    %broadcast_in_dim3A_1191 = vector.broadcast %broadcast_in_dim3A_1190 : i32 to vector<16xi32>
    %add3A_1192 = arith.constant 32 : i32
    %add3A_1193 = arith.addi %mul3A_4, %add3A_1192 : i32
    %add3A_1194 = arith.constant 36 : i32
    %add3A_1195 = arith.addi %add3A_1193, %add3A_1194 : i32
    %broadcast_in_dim3A_1196 = vector.broadcast %add3A_1195 : i32 to vector<16xi32>
    %gather3A_1197 = tpu.vector_load_idx %arg17[%broadcast_in_dim3A_1196] : memref<3072xi32, #tpu.memory_space<vmem>>[vector<16xi32>], vector<16xi32>,
    %add3A_1198 = arith.addi %gather3A_1197, %iota3A : vector<16xi32>
    %gather3A_1199 = tpu.vector_load_idx %arg22[%broadcast_in_dim3A_1191, %add3A_1198] : memref<96x128xf32, #tpu.memory_space<vmem>>[vector<16xi32>, vector<16xi32>], vector<16xf32>,
    %add3A_1200 = arith.addi %gather3A_1197, %add3A_7 : vector<16xi32>
    %gather3A_1201 = tpu.vector_load_idx %arg22[%broadcast_in_dim3A_1191, %add3A_1200] : memref<96x128xf32, #tpu.memory_space<vmem>>[vector<16xi32>, vector<16xi32>], vector<16xf32>,
    %add3A_1202 = arith.constant 1152 : i32
    %add3A_1203 = vector.broadcast %add3A_1202 : i32 to vector<16xi32>
    %add3A_1204 = arith.addi %add3A_1203, %iota3A : vector<16xi32>
    tpu.vector_store_idx %arg25[%add3A_1204], %gather3A_1199 : memref<2048xf32, #tpu.memory_space<vmem>>[vector<16xi32>], vector<16xf32>,
    %add3A_1205 = arith.constant 1152 : i32
    %add3A_1206 = vector.broadcast %add3A_1205 : i32 to vector<16xi32>
    %add3A_1207 = arith.addi %add3A_1206, %add3A_7 : vector<16xi32>
    tpu.vector_store_idx %arg25[%add3A_1207], %gather3A_1201 : memref<2048xf32, #tpu.memory_space<vmem>>[vector<16xi32>], vector<16xf32>,
    %broadcast_in_dim3A_1208 = arith.constant 69 : i32
    %broadcast_in_dim3A_1209 = vector.broadcast %broadcast_in_dim3A_1208 : i32 to vector<16xi32>
    %add3A_1210 = arith.constant 32 : i32
    %add3A_1211 = arith.addi %mul3A_4, %add3A_1210 : i32
    %add3A_1212 = arith.constant 37 : i32
    %add3A_1213 = arith.addi %add3A_1211, %add3A_1212 : i32
    %broadcast_in_dim3A_1214 = vector.broadcast %add3A_1213 : i32 to vector<16xi32>
    %gather3A_1215 = tpu.vector_load_idx %arg17[%broadcast_in_dim3A_1214] : memref<3072xi32, #tpu.memory_space<vmem>>[vector<16xi32>], vector<16xi32>,
    %add3A_1216 = arith.addi %gather3A_1215, %iota3A : vector<16xi32>
    %gather3A_1217 = tpu.vector_load_idx %arg22[%broadcast_in_dim3A_1209, %add3A_1216] : memref<96x128xf32, #tpu.memory_space<vmem>>[vector<16xi32>, vector<16xi32>], vector<16xf32>,
    %add3A_1218 = arith.addi %gather3A_1215, %add3A_7 : vector<16xi32>
    %gather3A_1219 = tpu.vector_load_idx %arg22[%broadcast_in_dim3A_1209, %add3A_1218] : memref<96x128xf32, #tpu.memory_space<vmem>>[vector<16xi32>, vector<16xi32>], vector<16xf32>,
    %add3A_1220 = arith.constant 1184 : i32
    %add3A_1221 = vector.broadcast %add3A_1220 : i32 to vector<16xi32>
    %add3A_1222 = arith.addi %add3A_1221, %iota3A : vector<16xi32>
    tpu.vector_store_idx %arg25[%add3A_1222], %gather3A_1217 : memref<2048xf32, #tpu.memory_space<vmem>>[vector<16xi32>], vector<16xf32>,
    %add3A_1223 = arith.constant 1184 : i32
    %add3A_1224 = vector.broadcast %add3A_1223 : i32 to vector<16xi32>
    %add3A_1225 = arith.addi %add3A_1224, %add3A_7 : vector<16xi32>
    tpu.vector_store_idx %arg25[%add3A_1225], %gather3A_1219 : memref<2048xf32, #tpu.memory_space<vmem>>[vector<16xi32>], vector<16xf32>,
    %broadcast_in_dim3A_1226 = arith.constant 70 : i32
    %broadcast_in_dim3A_1227 = vector.broadcast %broadcast_in_dim3A_1226 : i32 to vector<16xi32>
    %add3A_1228 = arith.constant 32 : i32
    %add3A_1229 = arith.addi %mul3A_4, %add3A_1228 : i32
    %add3A_1230 = arith.constant 38 : i32
    %add3A_1231 = arith.addi %add3A_1229, %add3A_1230 : i32
    %broadcast_in_dim3A_1232 = vector.broadcast %add3A_1231 : i32 to vector<16xi32>
    %gather3A_1233 = tpu.vector_load_idx %arg17[%broadcast_in_dim3A_1232] : memref<3072xi32, #tpu.memory_space<vmem>>[vector<16xi32>], vector<16xi32>,
    %add3A_1234 = arith.addi %gather3A_1233, %iota3A : vector<16xi32>
    %gather3A_1235 = tpu.vector_load_idx %arg22[%broadcast_in_dim3A_1227, %add3A_1234] : memref<96x128xf32, #tpu.memory_space<vmem>>[vector<16xi32>, vector<16xi32>], vector<16xf32>,
    %add3A_1236 = arith.addi %gather3A_1233, %add3A_7 : vector<16xi32>
    %gather3A_1237 = tpu.vector_load_idx %arg22[%broadcast_in_dim3A_1227, %add3A_1236] : memref<96x128xf32, #tpu.memory_space<vmem>>[vector<16xi32>, vector<16xi32>], vector<16xf32>,
    %add3A_1238 = arith.constant 1216 : i32
    %add3A_1239 = vector.broadcast %add3A_1238 : i32 to vector<16xi32>
    %add3A_1240 = arith.addi %add3A_1239, %iota3A : vector<16xi32>
    tpu.vector_store_idx %arg25[%add3A_1240], %gather3A_1235 : memref<2048xf32, #tpu.memory_space<vmem>>[vector<16xi32>], vector<16xf32>,
    %add3A_1241 = arith.constant 1216 : i32
    %add3A_1242 = vector.broadcast %add3A_1241 : i32 to vector<16xi32>
    %add3A_1243 = arith.addi %add3A_1242, %add3A_7 : vector<16xi32>
    tpu.vector_store_idx %arg25[%add3A_1243], %gather3A_1237 : memref<2048xf32, #tpu.memory_space<vmem>>[vector<16xi32>], vector<16xf32>,
    %broadcast_in_dim3A_1244 = arith.constant 71 : i32
    %broadcast_in_dim3A_1245 = vector.broadcast %broadcast_in_dim3A_1244 : i32 to vector<16xi32>
    %add3A_1246 = arith.constant 32 : i32
    %add3A_1247 = arith.addi %mul3A_4, %add3A_1246 : i32
    %add3A_1248 = arith.constant 39 : i32
    %add3A_1249 = arith.addi %add3A_1247, %add3A_1248 : i32
    %broadcast_in_dim3A_1250 = vector.broadcast %add3A_1249 : i32 to vector<16xi32>
    %gather3A_1251 = tpu.vector_load_idx %arg17[%broadcast_in_dim3A_1250] : memref<3072xi32, #tpu.memory_space<vmem>>[vector<16xi32>], vector<16xi32>,
    %add3A_1252 = arith.addi %gather3A_1251, %iota3A : vector<16xi32>
    %gather3A_1253 = tpu.vector_load_idx %arg22[%broadcast_in_dim3A_1245, %add3A_1252] : memref<96x128xf32, #tpu.memory_space<vmem>>[vector<16xi32>, vector<16xi32>], vector<16xf32>,
    %add3A_1254 = arith.addi %gather3A_1251, %add3A_7 : vector<16xi32>
    %gather3A_1255 = tpu.vector_load_idx %arg22[%broadcast_in_dim3A_1245, %add3A_1254] : memref<96x128xf32, #tpu.memory_space<vmem>>[vector<16xi32>, vector<16xi32>], vector<16xf32>,
    %add3A_1256 = arith.constant 1248 : i32
    %add3A_1257 = vector.broadcast %add3A_1256 : i32 to vector<16xi32>
    %add3A_1258 = arith.addi %add3A_1257, %iota3A : vector<16xi32>
    tpu.vector_store_idx %arg25[%add3A_1258], %gather3A_1253 : memref<2048xf32, #tpu.memory_space<vmem>>[vector<16xi32>], vector<16xf32>,
    %add3A_1259 = arith.constant 1248 : i32
    %add3A_1260 = vector.broadcast %add3A_1259 : i32 to vector<16xi32>
    %add3A_1261 = arith.addi %add3A_1260, %add3A_7 : vector<16xi32>
    tpu.vector_store_idx %arg25[%add3A_1261], %gather3A_1255 : memref<2048xf32, #tpu.memory_space<vmem>>[vector<16xi32>], vector<16xf32>,
    %broadcast_in_dim3A_1262 = arith.constant 72 : i32
    %broadcast_in_dim3A_1263 = vector.broadcast %broadcast_in_dim3A_1262 : i32 to vector<16xi32>
    %add3A_1264 = arith.constant 32 : i32
    %add3A_1265 = arith.addi %mul3A_4, %add3A_1264 : i32
    %add3A_1266 = arith.constant 40 : i32
    %add3A_1267 = arith.addi %add3A_1265, %add3A_1266 : i32
    %broadcast_in_dim3A_1268 = vector.broadcast %add3A_1267 : i32 to vector<16xi32>
    %gather3A_1269 = tpu.vector_load_idx %arg17[%broadcast_in_dim3A_1268] : memref<3072xi32, #tpu.memory_space<vmem>>[vector<16xi32>], vector<16xi32>,
    %add3A_1270 = arith.addi %gather3A_1269, %iota3A : vector<16xi32>
    %gather3A_1271 = tpu.vector_load_idx %arg22[%broadcast_in_dim3A_1263, %add3A_1270] : memref<96x128xf32, #tpu.memory_space<vmem>>[vector<16xi32>, vector<16xi32>], vector<16xf32>,
    %add3A_1272 = arith.addi %gather3A_1269, %add3A_7 : vector<16xi32>
    %gather3A_1273 = tpu.vector_load_idx %arg22[%broadcast_in_dim3A_1263, %add3A_1272] : memref<96x128xf32, #tpu.memory_space<vmem>>[vector<16xi32>, vector<16xi32>], vector<16xf32>,
    %add3A_1274 = arith.constant 1280 : i32
    %add3A_1275 = vector.broadcast %add3A_1274 : i32 to vector<16xi32>
    %add3A_1276 = arith.addi %add3A_1275, %iota3A : vector<16xi32>
    tpu.vector_store_idx %arg25[%add3A_1276], %gather3A_1271 : memref<2048xf32, #tpu.memory_space<vmem>>[vector<16xi32>], vector<16xf32>,
    %add3A_1277 = arith.constant 1280 : i32
    %add3A_1278 = vector.broadcast %add3A_1277 : i32 to vector<16xi32>
    %add3A_1279 = arith.addi %add3A_1278, %add3A_7 : vector<16xi32>
    tpu.vector_store_idx %arg25[%add3A_1279], %gather3A_1273 : memref<2048xf32, #tpu.memory_space<vmem>>[vector<16xi32>], vector<16xf32>,
    %broadcast_in_dim3A_1280 = arith.constant 73 : i32
    %broadcast_in_dim3A_1281 = vector.broadcast %broadcast_in_dim3A_1280 : i32 to vector<16xi32>
    %add3A_1282 = arith.constant 32 : i32
    %add3A_1283 = arith.addi %mul3A_4, %add3A_1282 : i32
    %add3A_1284 = arith.constant 41 : i32
    %add3A_1285 = arith.addi %add3A_1283, %add3A_1284 : i32
    %broadcast_in_dim3A_1286 = vector.broadcast %add3A_1285 : i32 to vector<16xi32>
    %gather3A_1287 = tpu.vector_load_idx %arg17[%broadcast_in_dim3A_1286] : memref<3072xi32, #tpu.memory_space<vmem>>[vector<16xi32>], vector<16xi32>,
    %add3A_1288 = arith.addi %gather3A_1287, %iota3A : vector<16xi32>
    %gather3A_1289 = tpu.vector_load_idx %arg22[%broadcast_in_dim3A_1281, %add3A_1288] : memref<96x128xf32, #tpu.memory_space<vmem>>[vector<16xi32>, vector<16xi32>], vector<16xf32>,
    %add3A_1290 = arith.addi %gather3A_1287, %add3A_7 : vector<16xi32>
    %gather3A_1291 = tpu.vector_load_idx %arg22[%broadcast_in_dim3A_1281, %add3A_1290] : memref<96x128xf32, #tpu.memory_space<vmem>>[vector<16xi32>, vector<16xi32>], vector<16xf32>,
    %add3A_1292 = arith.constant 1312 : i32
    %add3A_1293 = vector.broadcast %add3A_1292 : i32 to vector<16xi32>
    %add3A_1294 = arith.addi %add3A_1293, %iota3A : vector<16xi32>
    tpu.vector_store_idx %arg25[%add3A_1294], %gather3A_1289 : memref<2048xf32, #tpu.memory_space<vmem>>[vector<16xi32>], vector<16xf32>,
    %add3A_1295 = arith.constant 1312 : i32
    %add3A_1296 = vector.broadcast %add3A_1295 : i32 to vector<16xi32>
    %add3A_1297 = arith.addi %add3A_1296, %add3A_7 : vector<16xi32>
    tpu.vector_store_idx %arg25[%add3A_1297], %gather3A_1291 : memref<2048xf32, #tpu.memory_space<vmem>>[vector<16xi32>], vector<16xf32>,
    %broadcast_in_dim3A_1298 = arith.constant 74 : i32
    %broadcast_in_dim3A_1299 = vector.broadcast %broadcast_in_dim3A_1298 : i32 to vector<16xi32>
    %add3A_1300 = arith.constant 32 : i32
    %add3A_1301 = arith.addi %mul3A_4, %add3A_1300 : i32
    %add3A_1302 = arith.constant 42 : i32
    %add3A_1303 = arith.addi %add3A_1301, %add3A_1302 : i32
    %broadcast_in_dim3A_1304 = vector.broadcast %add3A_1303 : i32 to vector<16xi32>
    %gather3A_1305 = tpu.vector_load_idx %arg17[%broadcast_in_dim3A_1304] : memref<3072xi32, #tpu.memory_space<vmem>>[vector<16xi32>], vector<16xi32>,
    %add3A_1306 = arith.addi %gather3A_1305, %iota3A : vector<16xi32>
    %gather3A_1307 = tpu.vector_load_idx %arg22[%broadcast_in_dim3A_1299, %add3A_1306] : memref<96x128xf32, #tpu.memory_space<vmem>>[vector<16xi32>, vector<16xi32>], vector<16xf32>,
    %add3A_1308 = arith.addi %gather3A_1305, %add3A_7 : vector<16xi32>
    %gather3A_1309 = tpu.vector_load_idx %arg22[%broadcast_in_dim3A_1299, %add3A_1308] : memref<96x128xf32, #tpu.memory_space<vmem>>[vector<16xi32>, vector<16xi32>], vector<16xf32>,
    %add3A_1310 = arith.constant 1344 : i32
    %add3A_1311 = vector.broadcast %add3A_1310 : i32 to vector<16xi32>
    %add3A_1312 = arith.addi %add3A_1311, %iota3A : vector<16xi32>
    tpu.vector_store_idx %arg25[%add3A_1312], %gather3A_1307 : memref<2048xf32, #tpu.memory_space<vmem>>[vector<16xi32>], vector<16xf32>,
    %add3A_1313 = arith.constant 1344 : i32
    %add3A_1314 = vector.broadcast %add3A_1313 : i32 to vector<16xi32>
    %add3A_1315 = arith.addi %add3A_1314, %add3A_7 : vector<16xi32>
    tpu.vector_store_idx %arg25[%add3A_1315], %gather3A_1309 : memref<2048xf32, #tpu.memory_space<vmem>>[vector<16xi32>], vector<16xf32>,
    %broadcast_in_dim3A_1316 = arith.constant 75 : i32
    %broadcast_in_dim3A_1317 = vector.broadcast %broadcast_in_dim3A_1316 : i32 to vector<16xi32>
    %add3A_1318 = arith.constant 32 : i32
    %add3A_1319 = arith.addi %mul3A_4, %add3A_1318 : i32
    %add3A_1320 = arith.constant 43 : i32
    %add3A_1321 = arith.addi %add3A_1319, %add3A_1320 : i32
    %broadcast_in_dim3A_1322 = vector.broadcast %add3A_1321 : i32 to vector<16xi32>
    %gather3A_1323 = tpu.vector_load_idx %arg17[%broadcast_in_dim3A_1322] : memref<3072xi32, #tpu.memory_space<vmem>>[vector<16xi32>], vector<16xi32>,
    %add3A_1324 = arith.addi %gather3A_1323, %iota3A : vector<16xi32>
    %gather3A_1325 = tpu.vector_load_idx %arg22[%broadcast_in_dim3A_1317, %add3A_1324] : memref<96x128xf32, #tpu.memory_space<vmem>>[vector<16xi32>, vector<16xi32>], vector<16xf32>,
    %add3A_1326 = arith.addi %gather3A_1323, %add3A_7 : vector<16xi32>
    %gather3A_1327 = tpu.vector_load_idx %arg22[%broadcast_in_dim3A_1317, %add3A_1326] : memref<96x128xf32, #tpu.memory_space<vmem>>[vector<16xi32>, vector<16xi32>], vector<16xf32>,
    %add3A_1328 = arith.constant 1376 : i32
    %add3A_1329 = vector.broadcast %add3A_1328 : i32 to vector<16xi32>
    %add3A_1330 = arith.addi %add3A_1329, %iota3A : vector<16xi32>
    tpu.vector_store_idx %arg25[%add3A_1330], %gather3A_1325 : memref<2048xf32, #tpu.memory_space<vmem>>[vector<16xi32>], vector<16xf32>,
    %add3A_1331 = arith.constant 1376 : i32
    %add3A_1332 = vector.broadcast %add3A_1331 : i32 to vector<16xi32>
    %add3A_1333 = arith.addi %add3A_1332, %add3A_7 : vector<16xi32>
    tpu.vector_store_idx %arg25[%add3A_1333], %gather3A_1327 : memref<2048xf32, #tpu.memory_space<vmem>>[vector<16xi32>], vector<16xf32>,
    %broadcast_in_dim3A_1334 = arith.constant 76 : i32
    %broadcast_in_dim3A_1335 = vector.broadcast %broadcast_in_dim3A_1334 : i32 to vector<16xi32>
    %add3A_1336 = arith.constant 32 : i32
    %add3A_1337 = arith.addi %mul3A_4, %add3A_1336 : i32
    %add3A_1338 = arith.constant 44 : i32
    %add3A_1339 = arith.addi %add3A_1337, %add3A_1338 : i32
    %broadcast_in_dim3A_1340 = vector.broadcast %add3A_1339 : i32 to vector<16xi32>
    %gather3A_1341 = tpu.vector_load_idx %arg17[%broadcast_in_dim3A_1340] : memref<3072xi32, #tpu.memory_space<vmem>>[vector<16xi32>], vector<16xi32>,
    %add3A_1342 = arith.addi %gather3A_1341, %iota3A : vector<16xi32>
    %gather3A_1343 = tpu.vector_load_idx %arg22[%broadcast_in_dim3A_1335, %add3A_1342] : memref<96x128xf32, #tpu.memory_space<vmem>>[vector<16xi32>, vector<16xi32>], vector<16xf32>,
    %add3A_1344 = arith.addi %gather3A_1341, %add3A_7 : vector<16xi32>
    %gather3A_1345 = tpu.vector_load_idx %arg22[%broadcast_in_dim3A_1335, %add3A_1344] : memref<96x128xf32, #tpu.memory_space<vmem>>[vector<16xi32>, vector<16xi32>], vector<16xf32>,
    %add3A_1346 = arith.constant 1408 : i32
    %add3A_1347 = vector.broadcast %add3A_1346 : i32 to vector<16xi32>
    %add3A_1348 = arith.addi %add3A_1347, %iota3A : vector<16xi32>
    tpu.vector_store_idx %arg25[%add3A_1348], %gather3A_1343 : memref<2048xf32, #tpu.memory_space<vmem>>[vector<16xi32>], vector<16xf32>,
    %add3A_1349 = arith.constant 1408 : i32
    %add3A_1350 = vector.broadcast %add3A_1349 : i32 to vector<16xi32>
    %add3A_1351 = arith.addi %add3A_1350, %add3A_7 : vector<16xi32>
    tpu.vector_store_idx %arg25[%add3A_1351], %gather3A_1345 : memref<2048xf32, #tpu.memory_space<vmem>>[vector<16xi32>], vector<16xf32>,
    %broadcast_in_dim3A_1352 = arith.constant 77 : i32
    %broadcast_in_dim3A_1353 = vector.broadcast %broadcast_in_dim3A_1352 : i32 to vector<16xi32>
    %add3A_1354 = arith.constant 32 : i32
    %add3A_1355 = arith.addi %mul3A_4, %add3A_1354 : i32
    %add3A_1356 = arith.constant 45 : i32
    %add3A_1357 = arith.addi %add3A_1355, %add3A_1356 : i32
    %broadcast_in_dim3A_1358 = vector.broadcast %add3A_1357 : i32 to vector<16xi32>
    %gather3A_1359 = tpu.vector_load_idx %arg17[%broadcast_in_dim3A_1358] : memref<3072xi32, #tpu.memory_space<vmem>>[vector<16xi32>], vector<16xi32>,
    %add3A_1360 = arith.addi %gather3A_1359, %iota3A : vector<16xi32>
    %gather3A_1361 = tpu.vector_load_idx %arg22[%broadcast_in_dim3A_1353, %add3A_1360] : memref<96x128xf32, #tpu.memory_space<vmem>>[vector<16xi32>, vector<16xi32>], vector<16xf32>,
    %add3A_1362 = arith.addi %gather3A_1359, %add3A_7 : vector<16xi32>
    %gather3A_1363 = tpu.vector_load_idx %arg22[%broadcast_in_dim3A_1353, %add3A_1362] : memref<96x128xf32, #tpu.memory_space<vmem>>[vector<16xi32>, vector<16xi32>], vector<16xf32>,
    %add3A_1364 = arith.constant 1440 : i32
    %add3A_1365 = vector.broadcast %add3A_1364 : i32 to vector<16xi32>
    %add3A_1366 = arith.addi %add3A_1365, %iota3A : vector<16xi32>
    tpu.vector_store_idx %arg25[%add3A_1366], %gather3A_1361 : memref<2048xf32, #tpu.memory_space<vmem>>[vector<16xi32>], vector<16xf32>,
    %add3A_1367 = arith.constant 1440 : i32
    %add3A_1368 = vector.broadcast %add3A_1367 : i32 to vector<16xi32>
    %add3A_1369 = arith.addi %add3A_1368, %add3A_7 : vector<16xi32>
    tpu.vector_store_idx %arg25[%add3A_1369], %gather3A_1363 : memref<2048xf32, #tpu.memory_space<vmem>>[vector<16xi32>], vector<16xf32>,
    %broadcast_in_dim3A_1370 = arith.constant 78 : i32
    %broadcast_in_dim3A_1371 = vector.broadcast %broadcast_in_dim3A_1370 : i32 to vector<16xi32>
    %add3A_1372 = arith.constant 32 : i32
    %add3A_1373 = arith.addi %mul3A_4, %add3A_1372 : i32
    %add3A_1374 = arith.constant 46 : i32
    %add3A_1375 = arith.addi %add3A_1373, %add3A_1374 : i32
    %broadcast_in_dim3A_1376 = vector.broadcast %add3A_1375 : i32 to vector<16xi32>
    %gather3A_1377 = tpu.vector_load_idx %arg17[%broadcast_in_dim3A_1376] : memref<3072xi32, #tpu.memory_space<vmem>>[vector<16xi32>], vector<16xi32>,
    %add3A_1378 = arith.addi %gather3A_1377, %iota3A : vector<16xi32>
    %gather3A_1379 = tpu.vector_load_idx %arg22[%broadcast_in_dim3A_1371, %add3A_1378] : memref<96x128xf32, #tpu.memory_space<vmem>>[vector<16xi32>, vector<16xi32>], vector<16xf32>,
    %add3A_1380 = arith.addi %gather3A_1377, %add3A_7 : vector<16xi32>
    %gather3A_1381 = tpu.vector_load_idx %arg22[%broadcast_in_dim3A_1371, %add3A_1380] : memref<96x128xf32, #tpu.memory_space<vmem>>[vector<16xi32>, vector<16xi32>], vector<16xf32>,
    %add3A_1382 = arith.constant 1472 : i32
    %add3A_1383 = vector.broadcast %add3A_1382 : i32 to vector<16xi32>
    %add3A_1384 = arith.addi %add3A_1383, %iota3A : vector<16xi32>
    tpu.vector_store_idx %arg25[%add3A_1384], %gather3A_1379 : memref<2048xf32, #tpu.memory_space<vmem>>[vector<16xi32>], vector<16xf32>,
    %add3A_1385 = arith.constant 1472 : i32
    %add3A_1386 = vector.broadcast %add3A_1385 : i32 to vector<16xi32>
    %add3A_1387 = arith.addi %add3A_1386, %add3A_7 : vector<16xi32>
    tpu.vector_store_idx %arg25[%add3A_1387], %gather3A_1381 : memref<2048xf32, #tpu.memory_space<vmem>>[vector<16xi32>], vector<16xf32>,
    %broadcast_in_dim3A_1388 = arith.constant 79 : i32
    %broadcast_in_dim3A_1389 = vector.broadcast %broadcast_in_dim3A_1388 : i32 to vector<16xi32>
    %add3A_1390 = arith.constant 32 : i32
    %add3A_1391 = arith.addi %mul3A_4, %add3A_1390 : i32
    %add3A_1392 = arith.constant 47 : i32
    %add3A_1393 = arith.addi %add3A_1391, %add3A_1392 : i32
    %broadcast_in_dim3A_1394 = vector.broadcast %add3A_1393 : i32 to vector<16xi32>
    %gather3A_1395 = tpu.vector_load_idx %arg17[%broadcast_in_dim3A_1394] : memref<3072xi32, #tpu.memory_space<vmem>>[vector<16xi32>], vector<16xi32>,
    %add3A_1396 = arith.addi %gather3A_1395, %iota3A : vector<16xi32>
    %gather3A_1397 = tpu.vector_load_idx %arg22[%broadcast_in_dim3A_1389, %add3A_1396] : memref<96x128xf32, #tpu.memory_space<vmem>>[vector<16xi32>, vector<16xi32>], vector<16xf32>,
    %add3A_1398 = arith.addi %gather3A_1395, %add3A_7 : vector<16xi32>
    %gather3A_1399 = tpu.vector_load_idx %arg22[%broadcast_in_dim3A_1389, %add3A_1398] : memref<96x128xf32, #tpu.memory_space<vmem>>[vector<16xi32>, vector<16xi32>], vector<16xf32>,
    %add3A_1400 = arith.constant 1504 : i32
    %add3A_1401 = vector.broadcast %add3A_1400 : i32 to vector<16xi32>
    %add3A_1402 = arith.addi %add3A_1401, %iota3A : vector<16xi32>
    tpu.vector_store_idx %arg25[%add3A_1402], %gather3A_1397 : memref<2048xf32, #tpu.memory_space<vmem>>[vector<16xi32>], vector<16xf32>,
    %add3A_1403 = arith.constant 1504 : i32
    %add3A_1404 = vector.broadcast %add3A_1403 : i32 to vector<16xi32>
    %add3A_1405 = arith.addi %add3A_1404, %add3A_7 : vector<16xi32>
    tpu.vector_store_idx %arg25[%add3A_1405], %gather3A_1399 : memref<2048xf32, #tpu.memory_space<vmem>>[vector<16xi32>], vector<16xf32>,
    %broadcast_in_dim3A_1406 = arith.constant 80 : i32
    %broadcast_in_dim3A_1407 = vector.broadcast %broadcast_in_dim3A_1406 : i32 to vector<16xi32>
    %add3A_1408 = arith.constant 32 : i32
    %add3A_1409 = arith.addi %mul3A_4, %add3A_1408 : i32
    %add3A_1410 = arith.constant 48 : i32
    %add3A_1411 = arith.addi %add3A_1409, %add3A_1410 : i32
    %broadcast_in_dim3A_1412 = vector.broadcast %add3A_1411 : i32 to vector<16xi32>
    %gather3A_1413 = tpu.vector_load_idx %arg17[%broadcast_in_dim3A_1412] : memref<3072xi32, #tpu.memory_space<vmem>>[vector<16xi32>], vector<16xi32>,
    %add3A_1414 = arith.addi %gather3A_1413, %iota3A : vector<16xi32>
    %gather3A_1415 = tpu.vector_load_idx %arg22[%broadcast_in_dim3A_1407, %add3A_1414] : memref<96x128xf32, #tpu.memory_space<vmem>>[vector<16xi32>, vector<16xi32>], vector<16xf32>,
    %add3A_1416 = arith.addi %gather3A_1413, %add3A_7 : vector<16xi32>
    %gather3A_1417 = tpu.vector_load_idx %arg22[%broadcast_in_dim3A_1407, %add3A_1416] : memref<96x128xf32, #tpu.memory_space<vmem>>[vector<16xi32>, vector<16xi32>], vector<16xf32>,
    %add3A_1418 = arith.constant 1536 : i32
    %add3A_1419 = vector.broadcast %add3A_1418 : i32 to vector<16xi32>
    %add3A_1420 = arith.addi %add3A_1419, %iota3A : vector<16xi32>
    tpu.vector_store_idx %arg25[%add3A_1420], %gather3A_1415 : memref<2048xf32, #tpu.memory_space<vmem>>[vector<16xi32>], vector<16xf32>,
    %add3A_1421 = arith.constant 1536 : i32
    %add3A_1422 = vector.broadcast %add3A_1421 : i32 to vector<16xi32>
    %add3A_1423 = arith.addi %add3A_1422, %add3A_7 : vector<16xi32>
    tpu.vector_store_idx %arg25[%add3A_1423], %gather3A_1417 : memref<2048xf32, #tpu.memory_space<vmem>>[vector<16xi32>], vector<16xf32>,
    %broadcast_in_dim3A_1424 = arith.constant 81 : i32
    %broadcast_in_dim3A_1425 = vector.broadcast %broadcast_in_dim3A_1424 : i32 to vector<16xi32>
    %add3A_1426 = arith.constant 32 : i32
    %add3A_1427 = arith.addi %mul3A_4, %add3A_1426 : i32
    %add3A_1428 = arith.constant 49 : i32
    %add3A_1429 = arith.addi %add3A_1427, %add3A_1428 : i32
    %broadcast_in_dim3A_1430 = vector.broadcast %add3A_1429 : i32 to vector<16xi32>
    %gather3A_1431 = tpu.vector_load_idx %arg17[%broadcast_in_dim3A_1430] : memref<3072xi32, #tpu.memory_space<vmem>>[vector<16xi32>], vector<16xi32>,
    %add3A_1432 = arith.addi %gather3A_1431, %iota3A : vector<16xi32>
    %gather3A_1433 = tpu.vector_load_idx %arg22[%broadcast_in_dim3A_1425, %add3A_1432] : memref<96x128xf32, #tpu.memory_space<vmem>>[vector<16xi32>, vector<16xi32>], vector<16xf32>,
    %add3A_1434 = arith.addi %gather3A_1431, %add3A_7 : vector<16xi32>
    %gather3A_1435 = tpu.vector_load_idx %arg22[%broadcast_in_dim3A_1425, %add3A_1434] : memref<96x128xf32, #tpu.memory_space<vmem>>[vector<16xi32>, vector<16xi32>], vector<16xf32>,
    %add3A_1436 = arith.constant 1568 : i32
    %add3A_1437 = vector.broadcast %add3A_1436 : i32 to vector<16xi32>
    %add3A_1438 = arith.addi %add3A_1437, %iota3A : vector<16xi32>
    tpu.vector_store_idx %arg25[%add3A_1438], %gather3A_1433 : memref<2048xf32, #tpu.memory_space<vmem>>[vector<16xi32>], vector<16xf32>,
    %add3A_1439 = arith.constant 1568 : i32
    %add3A_1440 = vector.broadcast %add3A_1439 : i32 to vector<16xi32>
    %add3A_1441 = arith.addi %add3A_1440, %add3A_7 : vector<16xi32>
    tpu.vector_store_idx %arg25[%add3A_1441], %gather3A_1435 : memref<2048xf32, #tpu.memory_space<vmem>>[vector<16xi32>], vector<16xf32>,
    %broadcast_in_dim3A_1442 = arith.constant 82 : i32
    %broadcast_in_dim3A_1443 = vector.broadcast %broadcast_in_dim3A_1442 : i32 to vector<16xi32>
    %add3A_1444 = arith.constant 32 : i32
    %add3A_1445 = arith.addi %mul3A_4, %add3A_1444 : i32
    %add3A_1446 = arith.constant 50 : i32
    %add3A_1447 = arith.addi %add3A_1445, %add3A_1446 : i32
    %broadcast_in_dim3A_1448 = vector.broadcast %add3A_1447 : i32 to vector<16xi32>
    %gather3A_1449 = tpu.vector_load_idx %arg17[%broadcast_in_dim3A_1448] : memref<3072xi32, #tpu.memory_space<vmem>>[vector<16xi32>], vector<16xi32>,
    %add3A_1450 = arith.addi %gather3A_1449, %iota3A : vector<16xi32>
    %gather3A_1451 = tpu.vector_load_idx %arg22[%broadcast_in_dim3A_1443, %add3A_1450] : memref<96x128xf32, #tpu.memory_space<vmem>>[vector<16xi32>, vector<16xi32>], vector<16xf32>,
    %add3A_1452 = arith.addi %gather3A_1449, %add3A_7 : vector<16xi32>
    %gather3A_1453 = tpu.vector_load_idx %arg22[%broadcast_in_dim3A_1443, %add3A_1452] : memref<96x128xf32, #tpu.memory_space<vmem>>[vector<16xi32>, vector<16xi32>], vector<16xf32>,
    %add3A_1454 = arith.constant 1600 : i32
    %add3A_1455 = vector.broadcast %add3A_1454 : i32 to vector<16xi32>
    %add3A_1456 = arith.addi %add3A_1455, %iota3A : vector<16xi32>
    tpu.vector_store_idx %arg25[%add3A_1456], %gather3A_1451 : memref<2048xf32, #tpu.memory_space<vmem>>[vector<16xi32>], vector<16xf32>,
    %add3A_1457 = arith.constant 1600 : i32
    %add3A_1458 = vector.broadcast %add3A_1457 : i32 to vector<16xi32>
    %add3A_1459 = arith.addi %add3A_1458, %add3A_7 : vector<16xi32>
    tpu.vector_store_idx %arg25[%add3A_1459], %gather3A_1453 : memref<2048xf32, #tpu.memory_space<vmem>>[vector<16xi32>], vector<16xf32>,
    %broadcast_in_dim3A_1460 = arith.constant 83 : i32
    %broadcast_in_dim3A_1461 = vector.broadcast %broadcast_in_dim3A_1460 : i32 to vector<16xi32>
    %add3A_1462 = arith.constant 32 : i32
    %add3A_1463 = arith.addi %mul3A_4, %add3A_1462 : i32
    %add3A_1464 = arith.constant 51 : i32
    %add3A_1465 = arith.addi %add3A_1463, %add3A_1464 : i32
    %broadcast_in_dim3A_1466 = vector.broadcast %add3A_1465 : i32 to vector<16xi32>
    %gather3A_1467 = tpu.vector_load_idx %arg17[%broadcast_in_dim3A_1466] : memref<3072xi32, #tpu.memory_space<vmem>>[vector<16xi32>], vector<16xi32>,
    %add3A_1468 = arith.addi %gather3A_1467, %iota3A : vector<16xi32>
    %gather3A_1469 = tpu.vector_load_idx %arg22[%broadcast_in_dim3A_1461, %add3A_1468] : memref<96x128xf32, #tpu.memory_space<vmem>>[vector<16xi32>, vector<16xi32>], vector<16xf32>,
    %add3A_1470 = arith.addi %gather3A_1467, %add3A_7 : vector<16xi32>
    %gather3A_1471 = tpu.vector_load_idx %arg22[%broadcast_in_dim3A_1461, %add3A_1470] : memref<96x128xf32, #tpu.memory_space<vmem>>[vector<16xi32>, vector<16xi32>], vector<16xf32>,
    %add3A_1472 = arith.constant 1632 : i32
    %add3A_1473 = vector.broadcast %add3A_1472 : i32 to vector<16xi32>
    %add3A_1474 = arith.addi %add3A_1473, %iota3A : vector<16xi32>
    tpu.vector_store_idx %arg25[%add3A_1474], %gather3A_1469 : memref<2048xf32, #tpu.memory_space<vmem>>[vector<16xi32>], vector<16xf32>,
    %add3A_1475 = arith.constant 1632 : i32
    %add3A_1476 = vector.broadcast %add3A_1475 : i32 to vector<16xi32>
    %add3A_1477 = arith.addi %add3A_1476, %add3A_7 : vector<16xi32>
    tpu.vector_store_idx %arg25[%add3A_1477], %gather3A_1471 : memref<2048xf32, #tpu.memory_space<vmem>>[vector<16xi32>], vector<16xf32>,
    %broadcast_in_dim3A_1478 = arith.constant 84 : i32
    %broadcast_in_dim3A_1479 = vector.broadcast %broadcast_in_dim3A_1478 : i32 to vector<16xi32>
    %add3A_1480 = arith.constant 32 : i32
    %add3A_1481 = arith.addi %mul3A_4, %add3A_1480 : i32
    %add3A_1482 = arith.constant 52 : i32
    %add3A_1483 = arith.addi %add3A_1481, %add3A_1482 : i32
    %broadcast_in_dim3A_1484 = vector.broadcast %add3A_1483 : i32 to vector<16xi32>
    %gather3A_1485 = tpu.vector_load_idx %arg17[%broadcast_in_dim3A_1484] : memref<3072xi32, #tpu.memory_space<vmem>>[vector<16xi32>], vector<16xi32>,
    %add3A_1486 = arith.addi %gather3A_1485, %iota3A : vector<16xi32>
    %gather3A_1487 = tpu.vector_load_idx %arg22[%broadcast_in_dim3A_1479, %add3A_1486] : memref<96x128xf32, #tpu.memory_space<vmem>>[vector<16xi32>, vector<16xi32>], vector<16xf32>,
    %add3A_1488 = arith.addi %gather3A_1485, %add3A_7 : vector<16xi32>
    %gather3A_1489 = tpu.vector_load_idx %arg22[%broadcast_in_dim3A_1479, %add3A_1488] : memref<96x128xf32, #tpu.memory_space<vmem>>[vector<16xi32>, vector<16xi32>], vector<16xf32>,
    %add3A_1490 = arith.constant 1664 : i32
    %add3A_1491 = vector.broadcast %add3A_1490 : i32 to vector<16xi32>
    %add3A_1492 = arith.addi %add3A_1491, %iota3A : vector<16xi32>
    tpu.vector_store_idx %arg25[%add3A_1492], %gather3A_1487 : memref<2048xf32, #tpu.memory_space<vmem>>[vector<16xi32>], vector<16xf32>,
    %add3A_1493 = arith.constant 1664 : i32
    %add3A_1494 = vector.broadcast %add3A_1493 : i32 to vector<16xi32>
    %add3A_1495 = arith.addi %add3A_1494, %add3A_7 : vector<16xi32>
    tpu.vector_store_idx %arg25[%add3A_1495], %gather3A_1489 : memref<2048xf32, #tpu.memory_space<vmem>>[vector<16xi32>], vector<16xf32>,
    %broadcast_in_dim3A_1496 = arith.constant 85 : i32
    %broadcast_in_dim3A_1497 = vector.broadcast %broadcast_in_dim3A_1496 : i32 to vector<16xi32>
    %add3A_1498 = arith.constant 32 : i32
    %add3A_1499 = arith.addi %mul3A_4, %add3A_1498 : i32
    %add3A_1500 = arith.constant 53 : i32
    %add3A_1501 = arith.addi %add3A_1499, %add3A_1500 : i32
    %broadcast_in_dim3A_1502 = vector.broadcast %add3A_1501 : i32 to vector<16xi32>
    %gather3A_1503 = tpu.vector_load_idx %arg17[%broadcast_in_dim3A_1502] : memref<3072xi32, #tpu.memory_space<vmem>>[vector<16xi32>], vector<16xi32>,
    %add3A_1504 = arith.addi %gather3A_1503, %iota3A : vector<16xi32>
    %gather3A_1505 = tpu.vector_load_idx %arg22[%broadcast_in_dim3A_1497, %add3A_1504] : memref<96x128xf32, #tpu.memory_space<vmem>>[vector<16xi32>, vector<16xi32>], vector<16xf32>,
    %add3A_1506 = arith.addi %gather3A_1503, %add3A_7 : vector<16xi32>
    %gather3A_1507 = tpu.vector_load_idx %arg22[%broadcast_in_dim3A_1497, %add3A_1506] : memref<96x128xf32, #tpu.memory_space<vmem>>[vector<16xi32>, vector<16xi32>], vector<16xf32>,
    %add3A_1508 = arith.constant 1696 : i32
    %add3A_1509 = vector.broadcast %add3A_1508 : i32 to vector<16xi32>
    %add3A_1510 = arith.addi %add3A_1509, %iota3A : vector<16xi32>
    tpu.vector_store_idx %arg25[%add3A_1510], %gather3A_1505 : memref<2048xf32, #tpu.memory_space<vmem>>[vector<16xi32>], vector<16xf32>,
    %add3A_1511 = arith.constant 1696 : i32
    %add3A_1512 = vector.broadcast %add3A_1511 : i32 to vector<16xi32>
    %add3A_1513 = arith.addi %add3A_1512, %add3A_7 : vector<16xi32>
    tpu.vector_store_idx %arg25[%add3A_1513], %gather3A_1507 : memref<2048xf32, #tpu.memory_space<vmem>>[vector<16xi32>], vector<16xf32>,
    %broadcast_in_dim3A_1514 = arith.constant 86 : i32
    %broadcast_in_dim3A_1515 = vector.broadcast %broadcast_in_dim3A_1514 : i32 to vector<16xi32>
    %add3A_1516 = arith.constant 32 : i32
    %add3A_1517 = arith.addi %mul3A_4, %add3A_1516 : i32
    %add3A_1518 = arith.constant 54 : i32
    %add3A_1519 = arith.addi %add3A_1517, %add3A_1518 : i32
    %broadcast_in_dim3A_1520 = vector.broadcast %add3A_1519 : i32 to vector<16xi32>
    %gather3A_1521 = tpu.vector_load_idx %arg17[%broadcast_in_dim3A_1520] : memref<3072xi32, #tpu.memory_space<vmem>>[vector<16xi32>], vector<16xi32>,
    %add3A_1522 = arith.addi %gather3A_1521, %iota3A : vector<16xi32>
    %gather3A_1523 = tpu.vector_load_idx %arg22[%broadcast_in_dim3A_1515, %add3A_1522] : memref<96x128xf32, #tpu.memory_space<vmem>>[vector<16xi32>, vector<16xi32>], vector<16xf32>,
    %add3A_1524 = arith.addi %gather3A_1521, %add3A_7 : vector<16xi32>
    %gather3A_1525 = tpu.vector_load_idx %arg22[%broadcast_in_dim3A_1515, %add3A_1524] : memref<96x128xf32, #tpu.memory_space<vmem>>[vector<16xi32>, vector<16xi32>], vector<16xf32>,
    %add3A_1526 = arith.constant 1728 : i32
    %add3A_1527 = vector.broadcast %add3A_1526 : i32 to vector<16xi32>
    %add3A_1528 = arith.addi %add3A_1527, %iota3A : vector<16xi32>
    tpu.vector_store_idx %arg25[%add3A_1528], %gather3A_1523 : memref<2048xf32, #tpu.memory_space<vmem>>[vector<16xi32>], vector<16xf32>,
    %add3A_1529 = arith.constant 1728 : i32
    %add3A_1530 = vector.broadcast %add3A_1529 : i32 to vector<16xi32>
    %add3A_1531 = arith.addi %add3A_1530, %add3A_7 : vector<16xi32>
    tpu.vector_store_idx %arg25[%add3A_1531], %gather3A_1525 : memref<2048xf32, #tpu.memory_space<vmem>>[vector<16xi32>], vector<16xf32>,
    %broadcast_in_dim3A_1532 = arith.constant 87 : i32
    %broadcast_in_dim3A_1533 = vector.broadcast %broadcast_in_dim3A_1532 : i32 to vector<16xi32>
    %add3A_1534 = arith.constant 32 : i32
    %add3A_1535 = arith.addi %mul3A_4, %add3A_1534 : i32
    %add3A_1536 = arith.constant 55 : i32
    %add3A_1537 = arith.addi %add3A_1535, %add3A_1536 : i32
    %broadcast_in_dim3A_1538 = vector.broadcast %add3A_1537 : i32 to vector<16xi32>
    %gather3A_1539 = tpu.vector_load_idx %arg17[%broadcast_in_dim3A_1538] : memref<3072xi32, #tpu.memory_space<vmem>>[vector<16xi32>], vector<16xi32>,
    %add3A_1540 = arith.addi %gather3A_1539, %iota3A : vector<16xi32>
    %gather3A_1541 = tpu.vector_load_idx %arg22[%broadcast_in_dim3A_1533, %add3A_1540] : memref<96x128xf32, #tpu.memory_space<vmem>>[vector<16xi32>, vector<16xi32>], vector<16xf32>,
    %add3A_1542 = arith.addi %gather3A_1539, %add3A_7 : vector<16xi32>
    %gather3A_1543 = tpu.vector_load_idx %arg22[%broadcast_in_dim3A_1533, %add3A_1542] : memref<96x128xf32, #tpu.memory_space<vmem>>[vector<16xi32>, vector<16xi32>], vector<16xf32>,
    %add3A_1544 = arith.constant 1760 : i32
    %add3A_1545 = vector.broadcast %add3A_1544 : i32 to vector<16xi32>
    %add3A_1546 = arith.addi %add3A_1545, %iota3A : vector<16xi32>
    tpu.vector_store_idx %arg25[%add3A_1546], %gather3A_1541 : memref<2048xf32, #tpu.memory_space<vmem>>[vector<16xi32>], vector<16xf32>,
    %add3A_1547 = arith.constant 1760 : i32
    %add3A_1548 = vector.broadcast %add3A_1547 : i32 to vector<16xi32>
    %add3A_1549 = arith.addi %add3A_1548, %add3A_7 : vector<16xi32>
    tpu.vector_store_idx %arg25[%add3A_1549], %gather3A_1543 : memref<2048xf32, #tpu.memory_space<vmem>>[vector<16xi32>], vector<16xf32>,
    %broadcast_in_dim3A_1550 = arith.constant 88 : i32
    %broadcast_in_dim3A_1551 = vector.broadcast %broadcast_in_dim3A_1550 : i32 to vector<16xi32>
    %add3A_1552 = arith.constant 32 : i32
    %add3A_1553 = arith.addi %mul3A_4, %add3A_1552 : i32
    %add3A_1554 = arith.constant 56 : i32
    %add3A_1555 = arith.addi %add3A_1553, %add3A_1554 : i32
    %broadcast_in_dim3A_1556 = vector.broadcast %add3A_1555 : i32 to vector<16xi32>
    %gather3A_1557 = tpu.vector_load_idx %arg17[%broadcast_in_dim3A_1556] : memref<3072xi32, #tpu.memory_space<vmem>>[vector<16xi32>], vector<16xi32>,
    %add3A_1558 = arith.addi %gather3A_1557, %iota3A : vector<16xi32>
    %gather3A_1559 = tpu.vector_load_idx %arg22[%broadcast_in_dim3A_1551, %add3A_1558] : memref<96x128xf32, #tpu.memory_space<vmem>>[vector<16xi32>, vector<16xi32>], vector<16xf32>,
    %add3A_1560 = arith.addi %gather3A_1557, %add3A_7 : vector<16xi32>
    %gather3A_1561 = tpu.vector_load_idx %arg22[%broadcast_in_dim3A_1551, %add3A_1560] : memref<96x128xf32, #tpu.memory_space<vmem>>[vector<16xi32>, vector<16xi32>], vector<16xf32>,
    %add3A_1562 = arith.constant 1792 : i32
    %add3A_1563 = vector.broadcast %add3A_1562 : i32 to vector<16xi32>
    %add3A_1564 = arith.addi %add3A_1563, %iota3A : vector<16xi32>
    tpu.vector_store_idx %arg25[%add3A_1564], %gather3A_1559 : memref<2048xf32, #tpu.memory_space<vmem>>[vector<16xi32>], vector<16xf32>,
    %add3A_1565 = arith.constant 1792 : i32
    %add3A_1566 = vector.broadcast %add3A_1565 : i32 to vector<16xi32>
    %add3A_1567 = arith.addi %add3A_1566, %add3A_7 : vector<16xi32>
    tpu.vector_store_idx %arg25[%add3A_1567], %gather3A_1561 : memref<2048xf32, #tpu.memory_space<vmem>>[vector<16xi32>], vector<16xf32>,
    %broadcast_in_dim3A_1568 = arith.constant 89 : i32
    %broadcast_in_dim3A_1569 = vector.broadcast %broadcast_in_dim3A_1568 : i32 to vector<16xi32>
    %add3A_1570 = arith.constant 32 : i32
    %add3A_1571 = arith.addi %mul3A_4, %add3A_1570 : i32
    %add3A_1572 = arith.constant 57 : i32
    %add3A_1573 = arith.addi %add3A_1571, %add3A_1572 : i32
    %broadcast_in_dim3A_1574 = vector.broadcast %add3A_1573 : i32 to vector<16xi32>
    %gather3A_1575 = tpu.vector_load_idx %arg17[%broadcast_in_dim3A_1574] : memref<3072xi32, #tpu.memory_space<vmem>>[vector<16xi32>], vector<16xi32>,
    %add3A_1576 = arith.addi %gather3A_1575, %iota3A : vector<16xi32>
    %gather3A_1577 = tpu.vector_load_idx %arg22[%broadcast_in_dim3A_1569, %add3A_1576] : memref<96x128xf32, #tpu.memory_space<vmem>>[vector<16xi32>, vector<16xi32>], vector<16xf32>,
    %add3A_1578 = arith.addi %gather3A_1575, %add3A_7 : vector<16xi32>
    %gather3A_1579 = tpu.vector_load_idx %arg22[%broadcast_in_dim3A_1569, %add3A_1578] : memref<96x128xf32, #tpu.memory_space<vmem>>[vector<16xi32>, vector<16xi32>], vector<16xf32>,
    %add3A_1580 = arith.constant 1824 : i32
    %add3A_1581 = vector.broadcast %add3A_1580 : i32 to vector<16xi32>
    %add3A_1582 = arith.addi %add3A_1581, %iota3A : vector<16xi32>
    tpu.vector_store_idx %arg25[%add3A_1582], %gather3A_1577 : memref<2048xf32, #tpu.memory_space<vmem>>[vector<16xi32>], vector<16xf32>,
    %add3A_1583 = arith.constant 1824 : i32
    %add3A_1584 = vector.broadcast %add3A_1583 : i32 to vector<16xi32>
    %add3A_1585 = arith.addi %add3A_1584, %add3A_7 : vector<16xi32>
    tpu.vector_store_idx %arg25[%add3A_1585], %gather3A_1579 : memref<2048xf32, #tpu.memory_space<vmem>>[vector<16xi32>], vector<16xf32>,
    %broadcast_in_dim3A_1586 = arith.constant 90 : i32
    %broadcast_in_dim3A_1587 = vector.broadcast %broadcast_in_dim3A_1586 : i32 to vector<16xi32>
    %add3A_1588 = arith.constant 32 : i32
    %add3A_1589 = arith.addi %mul3A_4, %add3A_1588 : i32
    %add3A_1590 = arith.constant 58 : i32
    %add3A_1591 = arith.addi %add3A_1589, %add3A_1590 : i32
    %broadcast_in_dim3A_1592 = vector.broadcast %add3A_1591 : i32 to vector<16xi32>
    %gather3A_1593 = tpu.vector_load_idx %arg17[%broadcast_in_dim3A_1592] : memref<3072xi32, #tpu.memory_space<vmem>>[vector<16xi32>], vector<16xi32>,
    %add3A_1594 = arith.addi %gather3A_1593, %iota3A : vector<16xi32>
    %gather3A_1595 = tpu.vector_load_idx %arg22[%broadcast_in_dim3A_1587, %add3A_1594] : memref<96x128xf32, #tpu.memory_space<vmem>>[vector<16xi32>, vector<16xi32>], vector<16xf32>,
    %add3A_1596 = arith.addi %gather3A_1593, %add3A_7 : vector<16xi32>
    %gather3A_1597 = tpu.vector_load_idx %arg22[%broadcast_in_dim3A_1587, %add3A_1596] : memref<96x128xf32, #tpu.memory_space<vmem>>[vector<16xi32>, vector<16xi32>], vector<16xf32>,
    %add3A_1598 = arith.constant 1856 : i32
    %add3A_1599 = vector.broadcast %add3A_1598 : i32 to vector<16xi32>
    %add3A_1600 = arith.addi %add3A_1599, %iota3A : vector<16xi32>
    tpu.vector_store_idx %arg25[%add3A_1600], %gather3A_1595 : memref<2048xf32, #tpu.memory_space<vmem>>[vector<16xi32>], vector<16xf32>,
    %add3A_1601 = arith.constant 1856 : i32
    %add3A_1602 = vector.broadcast %add3A_1601 : i32 to vector<16xi32>
    %add3A_1603 = arith.addi %add3A_1602, %add3A_7 : vector<16xi32>
    tpu.vector_store_idx %arg25[%add3A_1603], %gather3A_1597 : memref<2048xf32, #tpu.memory_space<vmem>>[vector<16xi32>], vector<16xf32>,
    %broadcast_in_dim3A_1604 = arith.constant 91 : i32
    %broadcast_in_dim3A_1605 = vector.broadcast %broadcast_in_dim3A_1604 : i32 to vector<16xi32>
    %add3A_1606 = arith.constant 32 : i32
    %add3A_1607 = arith.addi %mul3A_4, %add3A_1606 : i32
    %add3A_1608 = arith.constant 59 : i32
    %add3A_1609 = arith.addi %add3A_1607, %add3A_1608 : i32
    %broadcast_in_dim3A_1610 = vector.broadcast %add3A_1609 : i32 to vector<16xi32>
    %gather3A_1611 = tpu.vector_load_idx %arg17[%broadcast_in_dim3A_1610] : memref<3072xi32, #tpu.memory_space<vmem>>[vector<16xi32>], vector<16xi32>,
    %add3A_1612 = arith.addi %gather3A_1611, %iota3A : vector<16xi32>
    %gather3A_1613 = tpu.vector_load_idx %arg22[%broadcast_in_dim3A_1605, %add3A_1612] : memref<96x128xf32, #tpu.memory_space<vmem>>[vector<16xi32>, vector<16xi32>], vector<16xf32>,
    %add3A_1614 = arith.addi %gather3A_1611, %add3A_7 : vector<16xi32>
    %gather3A_1615 = tpu.vector_load_idx %arg22[%broadcast_in_dim3A_1605, %add3A_1614] : memref<96x128xf32, #tpu.memory_space<vmem>>[vector<16xi32>, vector<16xi32>], vector<16xf32>,
    %add3A_1616 = arith.constant 1888 : i32
    %add3A_1617 = vector.broadcast %add3A_1616 : i32 to vector<16xi32>
    %add3A_1618 = arith.addi %add3A_1617, %iota3A : vector<16xi32>
    tpu.vector_store_idx %arg25[%add3A_1618], %gather3A_1613 : memref<2048xf32, #tpu.memory_space<vmem>>[vector<16xi32>], vector<16xf32>,
    %add3A_1619 = arith.constant 1888 : i32
    %add3A_1620 = vector.broadcast %add3A_1619 : i32 to vector<16xi32>
    %add3A_1621 = arith.addi %add3A_1620, %add3A_7 : vector<16xi32>
    tpu.vector_store_idx %arg25[%add3A_1621], %gather3A_1615 : memref<2048xf32, #tpu.memory_space<vmem>>[vector<16xi32>], vector<16xf32>,
    %broadcast_in_dim3A_1622 = arith.constant 92 : i32
    %broadcast_in_dim3A_1623 = vector.broadcast %broadcast_in_dim3A_1622 : i32 to vector<16xi32>
    %add3A_1624 = arith.constant 32 : i32
    %add3A_1625 = arith.addi %mul3A_4, %add3A_1624 : i32
    %add3A_1626 = arith.constant 60 : i32
    %add3A_1627 = arith.addi %add3A_1625, %add3A_1626 : i32
    %broadcast_in_dim3A_1628 = vector.broadcast %add3A_1627 : i32 to vector<16xi32>
    %gather3A_1629 = tpu.vector_load_idx %arg17[%broadcast_in_dim3A_1628] : memref<3072xi32, #tpu.memory_space<vmem>>[vector<16xi32>], vector<16xi32>,
    %add3A_1630 = arith.addi %gather3A_1629, %iota3A : vector<16xi32>
    %gather3A_1631 = tpu.vector_load_idx %arg22[%broadcast_in_dim3A_1623, %add3A_1630] : memref<96x128xf32, #tpu.memory_space<vmem>>[vector<16xi32>, vector<16xi32>], vector<16xf32>,
    %add3A_1632 = arith.addi %gather3A_1629, %add3A_7 : vector<16xi32>
    %gather3A_1633 = tpu.vector_load_idx %arg22[%broadcast_in_dim3A_1623, %add3A_1632] : memref<96x128xf32, #tpu.memory_space<vmem>>[vector<16xi32>, vector<16xi32>], vector<16xf32>,
    %add3A_1634 = arith.constant 1920 : i32
    %add3A_1635 = vector.broadcast %add3A_1634 : i32 to vector<16xi32>
    %add3A_1636 = arith.addi %add3A_1635, %iota3A : vector<16xi32>
    tpu.vector_store_idx %arg25[%add3A_1636], %gather3A_1631 : memref<2048xf32, #tpu.memory_space<vmem>>[vector<16xi32>], vector<16xf32>,
    %add3A_1637 = arith.constant 1920 : i32
    %add3A_1638 = vector.broadcast %add3A_1637 : i32 to vector<16xi32>
    %add3A_1639 = arith.addi %add3A_1638, %add3A_7 : vector<16xi32>
    tpu.vector_store_idx %arg25[%add3A_1639], %gather3A_1633 : memref<2048xf32, #tpu.memory_space<vmem>>[vector<16xi32>], vector<16xf32>,
    %broadcast_in_dim3A_1640 = arith.constant 93 : i32
    %broadcast_in_dim3A_1641 = vector.broadcast %broadcast_in_dim3A_1640 : i32 to vector<16xi32>
    %add3A_1642 = arith.constant 32 : i32
    %add3A_1643 = arith.addi %mul3A_4, %add3A_1642 : i32
    %add3A_1644 = arith.constant 61 : i32
    %add3A_1645 = arith.addi %add3A_1643, %add3A_1644 : i32
    %broadcast_in_dim3A_1646 = vector.broadcast %add3A_1645 : i32 to vector<16xi32>
    %gather3A_1647 = tpu.vector_load_idx %arg17[%broadcast_in_dim3A_1646] : memref<3072xi32, #tpu.memory_space<vmem>>[vector<16xi32>], vector<16xi32>,
    %add3A_1648 = arith.addi %gather3A_1647, %iota3A : vector<16xi32>
    %gather3A_1649 = tpu.vector_load_idx %arg22[%broadcast_in_dim3A_1641, %add3A_1648] : memref<96x128xf32, #tpu.memory_space<vmem>>[vector<16xi32>, vector<16xi32>], vector<16xf32>,
    %add3A_1650 = arith.addi %gather3A_1647, %add3A_7 : vector<16xi32>
    %gather3A_1651 = tpu.vector_load_idx %arg22[%broadcast_in_dim3A_1641, %add3A_1650] : memref<96x128xf32, #tpu.memory_space<vmem>>[vector<16xi32>, vector<16xi32>], vector<16xf32>,
    %add3A_1652 = arith.constant 1952 : i32
    %add3A_1653 = vector.broadcast %add3A_1652 : i32 to vector<16xi32>
    %add3A_1654 = arith.addi %add3A_1653, %iota3A : vector<16xi32>
    tpu.vector_store_idx %arg25[%add3A_1654], %gather3A_1649 : memref<2048xf32, #tpu.memory_space<vmem>>[vector<16xi32>], vector<16xf32>,
    %add3A_1655 = arith.constant 1952 : i32
    %add3A_1656 = vector.broadcast %add3A_1655 : i32 to vector<16xi32>
    %add3A_1657 = arith.addi %add3A_1656, %add3A_7 : vector<16xi32>
    tpu.vector_store_idx %arg25[%add3A_1657], %gather3A_1651 : memref<2048xf32, #tpu.memory_space<vmem>>[vector<16xi32>], vector<16xf32>,
    %broadcast_in_dim3A_1658 = arith.constant 94 : i32
    %broadcast_in_dim3A_1659 = vector.broadcast %broadcast_in_dim3A_1658 : i32 to vector<16xi32>
    %add3A_1660 = arith.constant 32 : i32
    %add3A_1661 = arith.addi %mul3A_4, %add3A_1660 : i32
    %add3A_1662 = arith.constant 62 : i32
    %add3A_1663 = arith.addi %add3A_1661, %add3A_1662 : i32
    %broadcast_in_dim3A_1664 = vector.broadcast %add3A_1663 : i32 to vector<16xi32>
    %gather3A_1665 = tpu.vector_load_idx %arg17[%broadcast_in_dim3A_1664] : memref<3072xi32, #tpu.memory_space<vmem>>[vector<16xi32>], vector<16xi32>,
    %add3A_1666 = arith.addi %gather3A_1665, %iota3A : vector<16xi32>
    %gather3A_1667 = tpu.vector_load_idx %arg22[%broadcast_in_dim3A_1659, %add3A_1666] : memref<96x128xf32, #tpu.memory_space<vmem>>[vector<16xi32>, vector<16xi32>], vector<16xf32>,
    %add3A_1668 = arith.addi %gather3A_1665, %add3A_7 : vector<16xi32>
    %gather3A_1669 = tpu.vector_load_idx %arg22[%broadcast_in_dim3A_1659, %add3A_1668] : memref<96x128xf32, #tpu.memory_space<vmem>>[vector<16xi32>, vector<16xi32>], vector<16xf32>,
    %add3A_1670 = arith.constant 1984 : i32
    %add3A_1671 = vector.broadcast %add3A_1670 : i32 to vector<16xi32>
    %add3A_1672 = arith.addi %add3A_1671, %iota3A : vector<16xi32>
    tpu.vector_store_idx %arg25[%add3A_1672], %gather3A_1667 : memref<2048xf32, #tpu.memory_space<vmem>>[vector<16xi32>], vector<16xf32>,
    %add3A_1673 = arith.constant 1984 : i32
    %add3A_1674 = vector.broadcast %add3A_1673 : i32 to vector<16xi32>
    %add3A_1675 = arith.addi %add3A_1674, %add3A_7 : vector<16xi32>
    tpu.vector_store_idx %arg25[%add3A_1675], %gather3A_1669 : memref<2048xf32, #tpu.memory_space<vmem>>[vector<16xi32>], vector<16xf32>,
    %broadcast_in_dim3A_1676 = arith.constant 95 : i32
    %broadcast_in_dim3A_1677 = vector.broadcast %broadcast_in_dim3A_1676 : i32 to vector<16xi32>
    %add3A_1678 = arith.constant 32 : i32
    %add3A_1679 = arith.addi %mul3A_4, %add3A_1678 : i32
    %add3A_1680 = arith.constant 63 : i32
    %add3A_1681 = arith.addi %add3A_1679, %add3A_1680 : i32
    %broadcast_in_dim3A_1682 = vector.broadcast %add3A_1681 : i32 to vector<16xi32>
    %gather3A_1683 = tpu.vector_load_idx %arg17[%broadcast_in_dim3A_1682] : memref<3072xi32, #tpu.memory_space<vmem>>[vector<16xi32>], vector<16xi32>,
    %add3A_1684 = arith.addi %gather3A_1683, %iota3A : vector<16xi32>
    %gather3A_1685 = tpu.vector_load_idx %arg22[%broadcast_in_dim3A_1677, %add3A_1684] : memref<96x128xf32, #tpu.memory_space<vmem>>[vector<16xi32>, vector<16xi32>], vector<16xf32>,
    %add3A_1686 = arith.addi %gather3A_1683, %add3A_7 : vector<16xi32>
    %gather3A_1687 = tpu.vector_load_idx %arg22[%broadcast_in_dim3A_1677, %add3A_1686] : memref<96x128xf32, #tpu.memory_space<vmem>>[vector<16xi32>, vector<16xi32>], vector<16xf32>,
    %add3A_1688 = arith.constant 2016 : i32
    %add3A_1689 = vector.broadcast %add3A_1688 : i32 to vector<16xi32>
    %add3A_1690 = arith.addi %add3A_1689, %iota3A : vector<16xi32>
    tpu.vector_store_idx %arg25[%add3A_1690], %gather3A_1685 : memref<2048xf32, #tpu.memory_space<vmem>>[vector<16xi32>], vector<16xf32>,
    %add3A_1691 = arith.constant 2016 : i32
    %add3A_1692 = vector.broadcast %add3A_1691 : i32 to vector<16xi32>
    %add3A_1693 = arith.addi %add3A_1692, %add3A_7 : vector<16xi32>
    tpu.vector_store_idx %arg25[%add3A_1693], %gather3A_1687 : memref<2048xf32, #tpu.memory_space<vmem>>[vector<16xi32>], vector<16xf32>,
    %eq3A = arith.constant 0 : i32
    %eq3A_1694 = arith.cmpi eq, %arg1, %eq3A : i32
    %convert_element_type3A = arith.extui %eq3A_1694 : i1 to i32
    %cond3A = arith.constant 0 : i32
    %cond3A_1695 = arith.cmpi ne, %convert_element_type3A, %cond3A : i32
    scf.if %cond3A_1695 {
      %mul3A_1815 = arith.constant 1024 : i32
      %mul3A_1816 = arith.muli %arg0, %mul3A_1815 : i32
      %multiple_of3A_1817 = tpu.assume_multiple %mul3A_1816, 8 : i32
      "tpu.region"() ({
        %run_scoped3A = tpu.sem_alloc : memref<!tpu.dma_semaphore, #tpu.memory_space<semaphore_mem>>
        %dma_start3A_1818 = tpu.memref_slice %arg25[%multiple_of3A_1817] : memref<2048xf32, #tpu.memory_space<vmem>> -> memref<1024xf32, #tpu.memory_space<vmem>>
        %dma_start3A_1819 = tpu.memref_slice %arg13[%multiple_of3A_1817] : memref<2048xf32, #tpu.memory_space<hbm>> -> memref<1024xf32, #tpu.memory_space<hbm>>
        %dma_start3A_1820 = tpu.memref_slice %arg13[%multiple_of3A_1817] : memref<2048xf32, #tpu.memory_space<hbm>> -> memref<1024xf32, #tpu.memory_space<hbm>>
        %dma_start3A_1821 = tpu.memref_slice %arg25[%multiple_of3A_1817] : memref<2048xf32, #tpu.memory_space<vmem>> -> memref<1024xf32, #tpu.memory_space<vmem>>
        tpu.enqueue_dma source(%dma_start3A_1821 : memref<1024xf32, #tpu.memory_space<vmem>>) target(%dma_start3A_1820 : memref<1024xf32, #tpu.memory_space<hbm>>) target_semaphore(%run_scoped3A : memref<!tpu.dma_semaphore, #tpu.memory_space<semaphore_mem>>)
        %dma_wait3A_1822 = tpu.memref_slice %arg25[%multiple_of3A_1817] : memref<2048xf32, #tpu.memory_space<vmem>> -> memref<1024xf32, #tpu.memory_space<vmem>>
        %dma_wait3A_1823 = tpu.memref_slice %arg13[%multiple_of3A_1817] : memref<2048xf32, #tpu.memory_space<hbm>> -> memref<1024xf32, #tpu.memory_space<hbm>>
        %dma_wait3A_1824 = tpu.memref_slice %arg13[%multiple_of3A_1817] : memref<2048xf32, #tpu.memory_space<hbm>> -> memref<1024xf32, #tpu.memory_space<hbm>>
        %dma_wait3A_1825 = tpu.memref_slice %arg25[%multiple_of3A_1817] : memref<2048xf32, #tpu.memory_space<vmem>> -> memref<1024xf32, #tpu.memory_space<vmem>>
        tpu.wait_dma2 semaphore(%run_scoped3A : memref<!tpu.dma_semaphore, #tpu.memory_space<semaphore_mem>>) src(%dma_wait3A_1825 : memref<1024xf32, #tpu.memory_space<vmem>>) dst(%dma_wait3A_1824 : memref<1024xf32, #tpu.memory_space<hbm>>)
        tpu.yield
      }) : () -> ()
    } else {
    }
    %add3A_1696 = arith.constant 0 : i32
    %add3A_1697 = vector.broadcast %add3A_1696 : i32 to vector<16xi32>
    %add3A_1698 = arith.addi %add3A_1697, %iota3A : vector<16xi32>
    %add3A_1699 = arith.constant 16 : i32
    %add3A_1700 = vector.broadcast %add3A_1699 : i32 to vector<16xi32>
    %add3A_1701 = arith.addi %add3A_1700, %iota3A : vector<16xi32>
    %add3A_1702 = arith.constant 32 : i32
    %add3A_1703 = vector.broadcast %add3A_1702 : i32 to vector<16xi32>
    %add3A_1704 = arith.addi %add3A_1703, %iota3A : vector<16xi32>
    %add3A_1705 = arith.constant 48 : i32
    %add3A_1706 = vector.broadcast %add3A_1705 : i32 to vector<16xi32>
    %add3A_1707 = arith.addi %add3A_1706, %iota3A : vector<16xi32>
    %add3A_1708 = arith.constant 64 : i32
    %add3A_1709 = vector.broadcast %add3A_1708 : i32 to vector<16xi32>
    %add3A_1710 = arith.addi %add3A_1709, %iota3A : vector<16xi32>
    %add3A_1711 = arith.constant 80 : i32
    %add3A_1712 = vector.broadcast %add3A_1711 : i32 to vector<16xi32>
    %add3A_1713 = arith.addi %add3A_1712, %iota3A : vector<16xi32>
    %add3A_1714 = arith.constant 96 : i32
    %add3A_1715 = vector.broadcast %add3A_1714 : i32 to vector<16xi32>
    %add3A_1716 = arith.addi %add3A_1715, %iota3A : vector<16xi32>
    %add3A_1717 = arith.constant 112 : i32
    %add3A_1718 = vector.broadcast %add3A_1717 : i32 to vector<16xi32>
    %add3A_1719 = arith.addi %add3A_1718, %iota3A : vector<16xi32>
    %add3A_1720 = arith.constant 128 : i32
    %add3A_1721 = vector.broadcast %add3A_1720 : i32 to vector<16xi32>
    %add3A_1722 = arith.addi %add3A_1721, %iota3A : vector<16xi32>
    %add3A_1723 = arith.constant 144 : i32
    %add3A_1724 = vector.broadcast %add3A_1723 : i32 to vector<16xi32>
    %add3A_1725 = arith.addi %add3A_1724, %iota3A : vector<16xi32>
    %add3A_1726 = arith.constant 160 : i32
    %add3A_1727 = vector.broadcast %add3A_1726 : i32 to vector<16xi32>
    %add3A_1728 = arith.addi %add3A_1727, %iota3A : vector<16xi32>
    %add3A_1729 = arith.constant 176 : i32
    %add3A_1730 = vector.broadcast %add3A_1729 : i32 to vector<16xi32>
    %add3A_1731 = arith.addi %add3A_1730, %iota3A : vector<16xi32>
    %add3A_1732 = arith.constant 192 : i32
    %add3A_1733 = vector.broadcast %add3A_1732 : i32 to vector<16xi32>
    %add3A_1734 = arith.addi %add3A_1733, %iota3A : vector<16xi32>
    %lt3A = arith.constant 8 : i32
    %lt3A_1735 = vector.broadcast %lt3A : i32 to vector<16xi32>
    %lt3A_1736 = arith.cmpi slt, %iota3A, %lt3A_1735 : vector<16xi32>
    %multiple_of3A_1737 = arith.constant 0 : i32
    %multiple_of3A_1738 = tpu.assume_multiple %multiple_of3A_1737, 8 : i32
    %add3A_1739 = arith.constant 0 : i32
    %add3A_1740 = arith.addi %multiple_of3A_1738, %add3A_1739 : i32
    %dma_start3A_1741 = arith.constant 0 : i32
    %dma_start3A_1742 = arith.constant 0 : i32
    %dma_start3A_1743 = tpu.memref_slice %arg20[%dma_start3A_1741, %dma_start3A_1742] : memref<208x128xf32, #tpu.memory_space<vmem>> -> memref<56x128xf32, #tpu.memory_space<vmem>>
    %dma_start3A_1744 = tpu.memref_slice %arg14[%add3A_1740] : memref<6400xi32, #tpu.memory_space<vmem>> -> memref<56xi32, #tpu.memory_space<vmem>>
    %dma_start3A_1745 = arith.constant 0 : i32
    %dma_start3A_1746 = arith.constant 0 : i32
    %dma_start3A_1747 = tpu.memref_slice %arg8[%dma_start3A_1745, %dma_start3A_1746] : memref<251904x128xf32, #tpu.memory_space<hbm>> -> memref<251904x128xf32, #tpu.memory_space<hbm>>
    tpu.enqueue_indirect_dma source(%dma_start3A_1747 : memref<251904x128xf32, #tpu.memory_space<hbm>>) target(%dma_start3A_1743 : memref<56x128xf32, #tpu.memory_space<vmem>>) offsets(%dma_start3A_1744 : memref<56xi32, #tpu.memory_space<vmem>>) semaphore(%arg28 : memref<!tpu.dma_semaphore, #tpu.memory_space<semaphore_mem>>)
    %add3A_1748 = arith.constant 56 : i32
    %add3A_1749 = arith.addi %multiple_of3A_1738, %add3A_1748 : i32
    %dma_start3A_1750 = arith.constant 56 : i32
    %dma_start3A_1751 = arith.constant 0 : i32
    %dma_start3A_1752 = tpu.memref_slice %arg20[%dma_start3A_1750, %dma_start3A_1751] : memref<208x128xf32, #tpu.memory_space<vmem>> -> memref<48x128xf32, #tpu.memory_space<vmem>>
    %dma_start3A_1753 = tpu.memref_slice %arg14[%add3A_1749] : memref<6400xi32, #tpu.memory_space<vmem>> -> memref<48xi32, #tpu.memory_space<vmem>>
    %dma_start3A_1754 = arith.constant 0 : i32
    %dma_start3A_1755 = arith.constant 0 : i32
    %dma_start3A_1756 = tpu.memref_slice %arg8[%dma_start3A_1754, %dma_start3A_1755] : memref<251904x128xf32, #tpu.memory_space<hbm>> -> memref<251904x128xf32, #tpu.memory_space<hbm>>
    tpu.enqueue_indirect_dma source(%dma_start3A_1756 : memref<251904x128xf32, #tpu.memory_space<hbm>>) target(%dma_start3A_1752 : memref<48x128xf32, #tpu.memory_space<vmem>>) offsets(%dma_start3A_1753 : memref<48xi32, #tpu.memory_space<vmem>>) semaphore(%arg29 : memref<!tpu.dma_semaphore, #tpu.memory_space<semaphore_mem>>)
    %add3A_1757 = arith.constant 104 : i32
    %add3A_1758 = arith.addi %multiple_of3A_1738, %add3A_1757 : i32
    %dma_start3A_1759 = arith.constant 104 : i32
    %dma_start3A_1760 = arith.constant 0 : i32
    %dma_start3A_1761 = tpu.memref_slice %arg20[%dma_start3A_1759, %dma_start3A_1760] : memref<208x128xf32, #tpu.memory_space<vmem>> -> memref<48x128xf32, #tpu.memory_space<vmem>>
    %dma_start3A_1762 = tpu.memref_slice %arg14[%add3A_1758] : memref<6400xi32, #tpu.memory_space<vmem>> -> memref<48xi32, #tpu.memory_space<vmem>>
    %dma_start3A_1763 = arith.constant 0 : i32
    %dma_start3A_1764 = arith.constant 0 : i32
    %dma_start3A_1765 = tpu.memref_slice %arg8[%dma_start3A_1763, %dma_start3A_1764] : memref<251904x128xf32, #tpu.memory_space<hbm>> -> memref<251904x128xf32, #tpu.memory_space<hbm>>
    tpu.enqueue_indirect_dma source(%dma_start3A_1765 : memref<251904x128xf32, #tpu.memory_space<hbm>>) target(%dma_start3A_1761 : memref<48x128xf32, #tpu.memory_space<vmem>>) offsets(%dma_start3A_1762 : memref<48xi32, #tpu.memory_space<vmem>>) semaphore(%arg28 : memref<!tpu.dma_semaphore, #tpu.memory_space<semaphore_mem>>)
    %add3A_1766 = arith.constant 152 : i32
    %add3A_1767 = arith.addi %multiple_of3A_1738, %add3A_1766 : i32
    %dma_start3A_1768 = arith.constant 152 : i32
    %dma_start3A_1769 = arith.constant 0 : i32
    %dma_start3A_1770 = tpu.memref_slice %arg20[%dma_start3A_1768, %dma_start3A_1769] : memref<208x128xf32, #tpu.memory_space<vmem>> -> memref<48x128xf32, #tpu.memory_space<vmem>>
    %dma_start3A_1771 = tpu.memref_slice %arg14[%add3A_1767] : memref<6400xi32, #tpu.memory_space<vmem>> -> memref<48xi32, #tpu.memory_space<vmem>>
    %dma_start3A_1772 = arith.constant 0 : i32
    %dma_start3A_1773 = arith.constant 0 : i32
    %dma_start3A_1774 = tpu.memref_slice %arg8[%dma_start3A_1772, %dma_start3A_1773] : memref<251904x128xf32, #tpu.memory_space<hbm>> -> memref<251904x128xf32, #tpu.memory_space<hbm>>
    tpu.enqueue_indirect_dma source(%dma_start3A_1774 : memref<251904x128xf32, #tpu.memory_space<hbm>>) target(%dma_start3A_1770 : memref<48x128xf32, #tpu.memory_space<vmem>>) offsets(%dma_start3A_1771 : memref<48xi32, #tpu.memory_space<vmem>>) semaphore(%arg29 : memref<!tpu.dma_semaphore, #tpu.memory_space<semaphore_mem>>)
    %scan3A = arith.constant 0 : i32
    %scan3A_1775 = arith.constant 0 : i32
    %scan3A_1776 = arith.constant 16 : i32
    %scan3A_1777 = arith.addi %scan3A_1775, %scan3A_1776 : i32
    %scan3A_1778 = arith.constant 1 : i32
    scf.for %scan3A_1815 = %scan3A_1775 to %scan3A_1777 step %scan3A_1778  : i32 {
      %mul3A_1816 = arith.constant 2 : i32
      %mul3A_1817 = arith.muli %scan3A_1815, %mul3A_1816 : i32
      %add3A_1818 = arith.constant 1 : i32
      %add3A_1819 = arith.addi %mul3A_1817, %add3A_1818 : i32
      %mul3A_1820 = arith.constant 200 : i32
      %mul3A_1821 = arith.muli %add3A_1819, %mul3A_1820 : i32
      %multiple_of3A_1822 = tpu.assume_multiple %mul3A_1821, 8 : i32
      %add3A_1823 = arith.constant 0 : i32
      %add3A_1824 = arith.addi %multiple_of3A_1822, %add3A_1823 : i32
      %dma_start3A_1825 = arith.constant 0 : i32
      %dma_start3A_1826 = arith.constant 0 : i32
      %dma_start3A_1827 = tpu.memref_slice %arg21[%dma_start3A_1825, %dma_start3A_1826] : memref<208x128xf32, #tpu.memory_space<vmem>> -> memref<56x128xf32, #tpu.memory_space<vmem>>
      %dma_start3A_1828 = tpu.memref_slice %arg14[%add3A_1824] : memref<6400xi32, #tpu.memory_space<vmem>> -> memref<56xi32, #tpu.memory_space<vmem>>
      %dma_start3A_1829 = arith.constant 0 : i32
      %dma_start3A_1830 = arith.constant 0 : i32
      %dma_start3A_1831 = tpu.memref_slice %arg8[%dma_start3A_1829, %dma_start3A_1830] : memref<251904x128xf32, #tpu.memory_space<hbm>> -> memref<251904x128xf32, #tpu.memory_space<hbm>>
      tpu.enqueue_indirect_dma source(%dma_start3A_1831 : memref<251904x128xf32, #tpu.memory_space<hbm>>) target(%dma_start3A_1827 : memref<56x128xf32, #tpu.memory_space<vmem>>) offsets(%dma_start3A_1828 : memref<56xi32, #tpu.memory_space<vmem>>) semaphore(%arg30 : memref<!tpu.dma_semaphore, #tpu.memory_space<semaphore_mem>>)
      %add3A_1832 = arith.constant 56 : i32
      %add3A_1833 = arith.addi %multiple_of3A_1822, %add3A_1832 : i32
      %dma_start3A_1834 = arith.constant 56 : i32
      %dma_start3A_1835 = arith.constant 0 : i32
      %dma_start3A_1836 = tpu.memref_slice %arg21[%dma_start3A_1834, %dma_start3A_1835] : memref<208x128xf32, #tpu.memory_space<vmem>> -> memref<48x128xf32, #tpu.memory_space<vmem>>
      %dma_start3A_1837 = tpu.memref_slice %arg14[%add3A_1833] : memref<6400xi32, #tpu.memory_space<vmem>> -> memref<48xi32, #tpu.memory_space<vmem>>
      %dma_start3A_1838 = arith.constant 0 : i32
      %dma_start3A_1839 = arith.constant 0 : i32
      %dma_start3A_1840 = tpu.memref_slice %arg8[%dma_start3A_1838, %dma_start3A_1839] : memref<251904x128xf32, #tpu.memory_space<hbm>> -> memref<251904x128xf32, #tpu.memory_space<hbm>>
      tpu.enqueue_indirect_dma source(%dma_start3A_1840 : memref<251904x128xf32, #tpu.memory_space<hbm>>) target(%dma_start3A_1836 : memref<48x128xf32, #tpu.memory_space<vmem>>) offsets(%dma_start3A_1837 : memref<48xi32, #tpu.memory_space<vmem>>) semaphore(%arg31 : memref<!tpu.dma_semaphore, #tpu.memory_space<semaphore_mem>>)
      %add3A_1841 = arith.constant 104 : i32
      %add3A_1842 = arith.addi %multiple_of3A_1822, %add3A_1841 : i32
      %dma_start3A_1843 = arith.constant 104 : i32
      %dma_start3A_1844 = arith.constant 0 : i32
      %dma_start3A_1845 = tpu.memref_slice %arg21[%dma_start3A_1843, %dma_start3A_1844] : memref<208x128xf32, #tpu.memory_space<vmem>> -> memref<48x128xf32, #tpu.memory_space<vmem>>
      %dma_start3A_1846 = tpu.memref_slice %arg14[%add3A_1842] : memref<6400xi32, #tpu.memory_space<vmem>> -> memref<48xi32, #tpu.memory_space<vmem>>
      %dma_start3A_1847 = arith.constant 0 : i32
      %dma_start3A_1848 = arith.constant 0 : i32
      %dma_start3A_1849 = tpu.memref_slice %arg8[%dma_start3A_1847, %dma_start3A_1848] : memref<251904x128xf32, #tpu.memory_space<hbm>> -> memref<251904x128xf32, #tpu.memory_space<hbm>>
      tpu.enqueue_indirect_dma source(%dma_start3A_1849 : memref<251904x128xf32, #tpu.memory_space<hbm>>) target(%dma_start3A_1845 : memref<48x128xf32, #tpu.memory_space<vmem>>) offsets(%dma_start3A_1846 : memref<48xi32, #tpu.memory_space<vmem>>) semaphore(%arg30 : memref<!tpu.dma_semaphore, #tpu.memory_space<semaphore_mem>>)
      %add3A_1850 = arith.constant 152 : i32
      %add3A_1851 = arith.addi %multiple_of3A_1822, %add3A_1850 : i32
      %dma_start3A_1852 = arith.constant 152 : i32
      %dma_start3A_1853 = arith.constant 0 : i32
      %dma_start3A_1854 = tpu.memref_slice %arg21[%dma_start3A_1852, %dma_start3A_1853] : memref<208x128xf32, #tpu.memory_space<vmem>> -> memref<48x128xf32, #tpu.memory_space<vmem>>
      %dma_start3A_1855 = tpu.memref_slice %arg14[%add3A_1851] : memref<6400xi32, #tpu.memory_space<vmem>> -> memref<48xi32, #tpu.memory_space<vmem>>
      %dma_start3A_1856 = arith.constant 0 : i32
      %dma_start3A_1857 = arith.constant 0 : i32
      %dma_start3A_1858 = tpu.memref_slice %arg8[%dma_start3A_1856, %dma_start3A_1857] : memref<251904x128xf32, #tpu.memory_space<hbm>> -> memref<251904x128xf32, #tpu.memory_space<hbm>>
      tpu.enqueue_indirect_dma source(%dma_start3A_1858 : memref<251904x128xf32, #tpu.memory_space<hbm>>) target(%dma_start3A_1854 : memref<48x128xf32, #tpu.memory_space<vmem>>) offsets(%dma_start3A_1855 : memref<48xi32, #tpu.memory_space<vmem>>) semaphore(%arg31 : memref<!tpu.dma_semaphore, #tpu.memory_space<semaphore_mem>>)
      %dma_wait3A_1859 = arith.constant 0 : i32
      %dma_wait3A_1860 = arith.constant 0 : i32
      %dma_wait3A_1861 = tpu.memref_slice %arg20[%dma_wait3A_1859, %dma_wait3A_1860] : memref<208x128xf32, #tpu.memory_space<vmem>> -> memref<56x128xf32, #tpu.memory_space<vmem>>
      %dma_wait3A_1862 = arith.constant 0 : i32
      %dma_wait3A_1863 = tpu.memref_slice %arg14[%dma_wait3A_1862] : memref<6400xi32, #tpu.memory_space<vmem>> -> memref<56xi32, #tpu.memory_space<vmem>>
      %dma_wait3A_1864 = arith.constant 0 : i32
      %dma_wait3A_1865 = arith.constant 0 : i32
      %dma_wait3A_1866 = tpu.memref_slice %arg8[%dma_wait3A_1864, %dma_wait3A_1865] : memref<251904x128xf32, #tpu.memory_space<hbm>> -> memref<251904x128xf32, #tpu.memory_space<hbm>>
      tpu.wait_indirect_dma semaphore(%arg28 : memref<!tpu.dma_semaphore, #tpu.memory_space<semaphore_mem>>) src(%dma_wait3A_1866 : memref<251904x128xf32, #tpu.memory_space<hbm>>) dst(%dma_wait3A_1861 : memref<56x128xf32, #tpu.memory_space<vmem>>)
      %dma_wait3A_1867 = arith.constant 56 : i32
      %dma_wait3A_1868 = arith.constant 0 : i32
      %dma_wait3A_1869 = tpu.memref_slice %arg20[%dma_wait3A_1867, %dma_wait3A_1868] : memref<208x128xf32, #tpu.memory_space<vmem>> -> memref<48x128xf32, #tpu.memory_space<vmem>>
      %dma_wait3A_1870 = arith.constant 56 : i32
      %dma_wait3A_1871 = tpu.memref_slice %arg14[%dma_wait3A_1870] : memref<6400xi32, #tpu.memory_space<vmem>> -> memref<48xi32, #tpu.memory_space<vmem>>
      %dma_wait3A_1872 = arith.constant 0 : i32
      %dma_wait3A_1873 = arith.constant 0 : i32
      %dma_wait3A_1874 = tpu.memref_slice %arg8[%dma_wait3A_1872, %dma_wait3A_1873] : memref<251904x128xf32, #tpu.memory_space<hbm>> -> memref<251904x128xf32, #tpu.memory_space<hbm>>
      tpu.wait_indirect_dma semaphore(%arg29 : memref<!tpu.dma_semaphore, #tpu.memory_space<semaphore_mem>>) src(%dma_wait3A_1874 : memref<251904x128xf32, #tpu.memory_space<hbm>>) dst(%dma_wait3A_1869 : memref<48x128xf32, #tpu.memory_space<vmem>>)
      %dma_wait3A_1875 = arith.constant 104 : i32
      %dma_wait3A_1876 = arith.constant 0 : i32
      %dma_wait3A_1877 = tpu.memref_slice %arg20[%dma_wait3A_1875, %dma_wait3A_1876] : memref<208x128xf32, #tpu.memory_space<vmem>> -> memref<48x128xf32, #tpu.memory_space<vmem>>
      %dma_wait3A_1878 = arith.constant 104 : i32
      %dma_wait3A_1879 = tpu.memref_slice %arg14[%dma_wait3A_1878] : memref<6400xi32, #tpu.memory_space<vmem>> -> memref<48xi32, #tpu.memory_space<vmem>>
      %dma_wait3A_1880 = arith.constant 0 : i32
      %dma_wait3A_1881 = arith.constant 0 : i32
      %dma_wait3A_1882 = tpu.memref_slice %arg8[%dma_wait3A_1880, %dma_wait3A_1881] : memref<251904x128xf32, #tpu.memory_space<hbm>> -> memref<251904x128xf32, #tpu.memory_space<hbm>>
      tpu.wait_indirect_dma semaphore(%arg28 : memref<!tpu.dma_semaphore, #tpu.memory_space<semaphore_mem>>) src(%dma_wait3A_1882 : memref<251904x128xf32, #tpu.memory_space<hbm>>) dst(%dma_wait3A_1877 : memref<48x128xf32, #tpu.memory_space<vmem>>)
      %dma_wait3A_1883 = arith.constant 152 : i32
      %dma_wait3A_1884 = arith.constant 0 : i32
      %dma_wait3A_1885 = tpu.memref_slice %arg20[%dma_wait3A_1883, %dma_wait3A_1884] : memref<208x128xf32, #tpu.memory_space<vmem>> -> memref<48x128xf32, #tpu.memory_space<vmem>>
      %dma_wait3A_1886 = arith.constant 152 : i32
      %dma_wait3A_1887 = tpu.memref_slice %arg14[%dma_wait3A_1886] : memref<6400xi32, #tpu.memory_space<vmem>> -> memref<48xi32, #tpu.memory_space<vmem>>
      %dma_wait3A_1888 = arith.constant 0 : i32
      %dma_wait3A_1889 = arith.constant 0 : i32
      %dma_wait3A_1890 = tpu.memref_slice %arg8[%dma_wait3A_1888, %dma_wait3A_1889] : memref<251904x128xf32, #tpu.memory_space<hbm>> -> memref<251904x128xf32, #tpu.memory_space<hbm>>
      tpu.wait_indirect_dma semaphore(%arg29 : memref<!tpu.dma_semaphore, #tpu.memory_space<semaphore_mem>>) src(%dma_wait3A_1890 : memref<251904x128xf32, #tpu.memory_space<hbm>>) dst(%dma_wait3A_1885 : memref<48x128xf32, #tpu.memory_space<vmem>>)
      %broadcast_in_dim3A_1891 = vector.broadcast %mul3A_1817 : i32 to vector<16xi32>
      %mul3A_1892 = arith.constant 200 : i32
      %mul3A_1893 = arith.muli %mul3A_1817, %mul3A_1892 : i32
      %broadcast_in_dim3A_1894 = vector.broadcast %mul3A_1893 : i32 to vector<16xi32>
      %add3A_1895 = arith.constant 0 : i32
      %add3A_1896 = vector.broadcast %add3A_1895 : i32 to vector<16xi32>
      %add3A_1897 = arith.addi %broadcast_in_dim3A_1894, %add3A_1896 : vector<16xi32>
      %add3A_1898 = arith.addi %add3A_1897, %iota3A : vector<16xi32>
      %gather3A_1899 = tpu.vector_load_idx %arg15[%add3A_1898] : memref<6400xi32, #tpu.memory_space<vmem>>[vector<16xi32>], vector<16xi32>,
      %add3A_1900 = arith.constant 16 : i32
      %add3A_1901 = vector.broadcast %add3A_1900 : i32 to vector<16xi32>
      %add3A_1902 = arith.addi %broadcast_in_dim3A_1894, %add3A_1901 : vector<16xi32>
      %add3A_1903 = arith.addi %add3A_1902, %iota3A : vector<16xi32>
      %gather3A_1904 = tpu.vector_load_idx %arg15[%add3A_1903] : memref<6400xi32, #tpu.memory_space<vmem>>[vector<16xi32>], vector<16xi32>,
      %add3A_1905 = arith.constant 32 : i32
      %add3A_1906 = vector.broadcast %add3A_1905 : i32 to vector<16xi32>
      %add3A_1907 = arith.addi %broadcast_in_dim3A_1894, %add3A_1906 : vector<16xi32>
      %add3A_1908 = arith.addi %add3A_1907, %iota3A : vector<16xi32>
      %gather3A_1909 = tpu.vector_load_idx %arg15[%add3A_1908] : memref<6400xi32, #tpu.memory_space<vmem>>[vector<16xi32>], vector<16xi32>,
      %add3A_1910 = arith.constant 48 : i32
      %add3A_1911 = vector.broadcast %add3A_1910 : i32 to vector<16xi32>
      %add3A_1912 = arith.addi %broadcast_in_dim3A_1894, %add3A_1911 : vector<16xi32>
      %add3A_1913 = arith.addi %add3A_1912, %iota3A : vector<16xi32>
      %gather3A_1914 = tpu.vector_load_idx %arg15[%add3A_1913] : memref<6400xi32, #tpu.memory_space<vmem>>[vector<16xi32>], vector<16xi32>,
      %add3A_1915 = arith.constant 64 : i32
      %add3A_1916 = vector.broadcast %add3A_1915 : i32 to vector<16xi32>
      %add3A_1917 = arith.addi %broadcast_in_dim3A_1894, %add3A_1916 : vector<16xi32>
      %add3A_1918 = arith.addi %add3A_1917, %iota3A : vector<16xi32>
      %gather3A_1919 = tpu.vector_load_idx %arg15[%add3A_1918] : memref<6400xi32, #tpu.memory_space<vmem>>[vector<16xi32>], vector<16xi32>,
      %add3A_1920 = arith.constant 80 : i32
      %add3A_1921 = vector.broadcast %add3A_1920 : i32 to vector<16xi32>
      %add3A_1922 = arith.addi %broadcast_in_dim3A_1894, %add3A_1921 : vector<16xi32>
      %add3A_1923 = arith.addi %add3A_1922, %iota3A : vector<16xi32>
      %gather3A_1924 = tpu.vector_load_idx %arg15[%add3A_1923] : memref<6400xi32, #tpu.memory_space<vmem>>[vector<16xi32>], vector<16xi32>,
      %add3A_1925 = arith.constant 96 : i32
      %add3A_1926 = vector.broadcast %add3A_1925 : i32 to vector<16xi32>
      %add3A_1927 = arith.addi %broadcast_in_dim3A_1894, %add3A_1926 : vector<16xi32>
      %add3A_1928 = arith.addi %add3A_1927, %iota3A : vector<16xi32>
      %gather3A_1929 = tpu.vector_load_idx %arg15[%add3A_1928] : memref<6400xi32, #tpu.memory_space<vmem>>[vector<16xi32>], vector<16xi32>,
      %add3A_1930 = arith.constant 112 : i32
      %add3A_1931 = vector.broadcast %add3A_1930 : i32 to vector<16xi32>
      %add3A_1932 = arith.addi %broadcast_in_dim3A_1894, %add3A_1931 : vector<16xi32>
      %add3A_1933 = arith.addi %add3A_1932, %iota3A : vector<16xi32>
      %gather3A_1934 = tpu.vector_load_idx %arg15[%add3A_1933] : memref<6400xi32, #tpu.memory_space<vmem>>[vector<16xi32>], vector<16xi32>,
      %add3A_1935 = arith.constant 128 : i32
      %add3A_1936 = vector.broadcast %add3A_1935 : i32 to vector<16xi32>
      %add3A_1937 = arith.addi %broadcast_in_dim3A_1894, %add3A_1936 : vector<16xi32>
      %add3A_1938 = arith.addi %add3A_1937, %iota3A : vector<16xi32>
      %gather3A_1939 = tpu.vector_load_idx %arg15[%add3A_1938] : memref<6400xi32, #tpu.memory_space<vmem>>[vector<16xi32>], vector<16xi32>,
      %add3A_1940 = arith.constant 144 : i32
      %add3A_1941 = vector.broadcast %add3A_1940 : i32 to vector<16xi32>
      %add3A_1942 = arith.addi %broadcast_in_dim3A_1894, %add3A_1941 : vector<16xi32>
      %add3A_1943 = arith.addi %add3A_1942, %iota3A : vector<16xi32>
      %gather3A_1944 = tpu.vector_load_idx %arg15[%add3A_1943] : memref<6400xi32, #tpu.memory_space<vmem>>[vector<16xi32>], vector<16xi32>,
      %add3A_1945 = arith.constant 160 : i32
      %add3A_1946 = vector.broadcast %add3A_1945 : i32 to vector<16xi32>
      %add3A_1947 = arith.addi %broadcast_in_dim3A_1894, %add3A_1946 : vector<16xi32>
      %add3A_1948 = arith.addi %add3A_1947, %iota3A : vector<16xi32>
      %gather3A_1949 = tpu.vector_load_idx %arg15[%add3A_1948] : memref<6400xi32, #tpu.memory_space<vmem>>[vector<16xi32>], vector<16xi32>,
      %add3A_1950 = arith.constant 176 : i32
      %add3A_1951 = vector.broadcast %add3A_1950 : i32 to vector<16xi32>
      %add3A_1952 = arith.addi %broadcast_in_dim3A_1894, %add3A_1951 : vector<16xi32>
      %add3A_1953 = arith.addi %add3A_1952, %iota3A : vector<16xi32>
      %gather3A_1954 = tpu.vector_load_idx %arg15[%add3A_1953] : memref<6400xi32, #tpu.memory_space<vmem>>[vector<16xi32>], vector<16xi32>,
      %add3A_1955 = arith.constant 192 : i32
      %add3A_1956 = vector.broadcast %add3A_1955 : i32 to vector<16xi32>
      %add3A_1957 = arith.addi %broadcast_in_dim3A_1894, %add3A_1956 : vector<16xi32>
      %add3A_1958 = arith.addi %add3A_1957, %iota3A : vector<16xi32>
      %gather3A_1959 = tpu.vector_load_idx %arg15[%add3A_1958] : memref<6400xi32, #tpu.memory_space<vmem>>[vector<16xi32>], vector<16xi32>,
      %broadcast_in_dim3A_1960 = vector.broadcast %mul3A_4 : i32 to vector<16xi32>
      %add3A_1961 = arith.addi %broadcast_in_dim3A_1960, %broadcast_in_dim3A_1891 : vector<16xi32>
      %gather3A_1962 = tpu.vector_load_idx %arg17[%add3A_1961] : memref<3072xi32, #tpu.memory_space<vmem>>[vector<16xi32>], vector<16xi32>,
      %broadcast_in_dim3A_1963 = arith.constant 0.000000e+00 : f32
      %broadcast_in_dim3A_1964 = vector.broadcast %broadcast_in_dim3A_1963 : f32 to vector<16xf32>
      %broadcast_in_dim3A_1965 = arith.constant 0.000000e+00 : f32
      %broadcast_in_dim3A_1966 = vector.broadcast %broadcast_in_dim3A_1965 : f32 to vector<16xf32>
      %broadcast_in_dim3A_1967 = arith.constant 0.000000e+00 : f32
      %broadcast_in_dim3A_1968 = vector.broadcast %broadcast_in_dim3A_1967 : f32 to vector<16xf32>
      %broadcast_in_dim3A_1969 = arith.constant 0.000000e+00 : f32
      %broadcast_in_dim3A_1970 = vector.broadcast %broadcast_in_dim3A_1969 : f32 to vector<16xf32>
      %broadcast_in_dim3A_1971 = arith.constant 0.000000e+00 : f32
      %broadcast_in_dim3A_1972 = vector.broadcast %broadcast_in_dim3A_1971 : f32 to vector<16xf32>
      %broadcast_in_dim3A_1973 = arith.constant 0.000000e+00 : f32
      %broadcast_in_dim3A_1974 = vector.broadcast %broadcast_in_dim3A_1973 : f32 to vector<16xf32>
      %broadcast_in_dim3A_1975 = arith.constant 0.000000e+00 : f32
      %broadcast_in_dim3A_1976 = vector.broadcast %broadcast_in_dim3A_1975 : f32 to vector<16xf32>
      %broadcast_in_dim3A_1977 = arith.constant 0.000000e+00 : f32
      %broadcast_in_dim3A_1978 = vector.broadcast %broadcast_in_dim3A_1977 : f32 to vector<16xf32>
      %broadcast_in_dim3A_1979 = arith.constant 0.000000e+00 : f32
      %broadcast_in_dim3A_1980 = vector.broadcast %broadcast_in_dim3A_1979 : f32 to vector<16xf32>
      %broadcast_in_dim3A_1981 = arith.constant 0.000000e+00 : f32
      %broadcast_in_dim3A_1982 = vector.broadcast %broadcast_in_dim3A_1981 : f32 to vector<16xf32>
      %broadcast_in_dim3A_1983 = arith.constant 0.000000e+00 : f32
      %broadcast_in_dim3A_1984 = vector.broadcast %broadcast_in_dim3A_1983 : f32 to vector<16xf32>
      %broadcast_in_dim3A_1985 = arith.constant 0.000000e+00 : f32
      %broadcast_in_dim3A_1986 = vector.broadcast %broadcast_in_dim3A_1985 : f32 to vector<16xf32>
      %broadcast_in_dim3A_1987 = arith.constant 0.000000e+00 : f32
      %broadcast_in_dim3A_1988 = vector.broadcast %broadcast_in_dim3A_1987 : f32 to vector<16xf32>
      %scan3A_1989 = arith.constant 0 : i32
      %scan3A_1990 = arith.constant 32 : i32
      %scan3A_1991 = arith.addi %scan3A_1989, %scan3A_1990 : i32
      %scan3A_1992 = arith.constant 1 : i32
      %scan3A_1993:13 = scf.for %scan3A_2459 = %scan3A_1989 to %scan3A_1991 step %scan3A_1992 iter_args(%scan3A_2460 = %broadcast_in_dim3A_1964, %scan3A_2461 = %broadcast_in_dim3A_1966, %scan3A_2462 = %broadcast_in_dim3A_1968, %scan3A_2463 = %broadcast_in_dim3A_1970, %scan3A_2464 = %broadcast_in_dim3A_1972, %scan3A_2465 = %broadcast_in_dim3A_1974, %scan3A_2466 = %broadcast_in_dim3A_1976, %scan3A_2467 = %broadcast_in_dim3A_1978, %scan3A_2468 = %broadcast_in_dim3A_1980, %scan3A_2469 = %broadcast_in_dim3A_1982, %scan3A_2470 = %broadcast_in_dim3A_1984, %scan3A_2471 = %broadcast_in_dim3A_1986, %scan3A_2472 = %broadcast_in_dim3A_1988) -> (vector<16xf32>, vector<16xf32>, vector<16xf32>, vector<16xf32>, vector<16xf32>, vector<16xf32>, vector<16xf32>, vector<16xf32>, vector<16xf32>, vector<16xf32>, vector<16xf32>, vector<16xf32>, vector<16xf32>)  : i32 {
        %add3A_2473 = vector.broadcast %scan3A_2459 : i32 to vector<16xi32>
        %add3A_2474 = arith.addi %gather3A_1962, %add3A_2473 : vector<16xi32>
        %gather3A_2475 = tpu.vector_load_idx %arg22[%broadcast_in_dim3A_1891, %add3A_2474] : memref<96x128xf32, #tpu.memory_space<vmem>>[vector<16xi32>, vector<16xi32>], vector<16xf32>,
        %add3A_2476 = vector.broadcast %scan3A_2459 : i32 to vector<16xi32>
        %add3A_2477 = arith.addi %gather3A_1899, %add3A_2476 : vector<16xi32>
        %gather3A_2478 = tpu.vector_load_idx %arg20[%add3A_1698, %add3A_2477] : memref<208x128xf32, #tpu.memory_space<vmem>>[vector<16xi32>, vector<16xi32>], vector<16xf32>,
        %mul3A_2479 = arith.mulf %gather3A_2478, %gather3A_2475 : vector<16xf32>
        %add3A_2480 = arith.addf %scan3A_2460, %mul3A_2479 : vector<16xf32>
        %add3A_2481 = vector.broadcast %scan3A_2459 : i32 to vector<16xi32>
        %add3A_2482 = arith.addi %gather3A_1904, %add3A_2481 : vector<16xi32>
        %gather3A_2483 = tpu.vector_load_idx %arg20[%add3A_1701, %add3A_2482] : memref<208x128xf32, #tpu.memory_space<vmem>>[vector<16xi32>, vector<16xi32>], vector<16xf32>,
        %mul3A_2484 = arith.mulf %gather3A_2483, %gather3A_2475 : vector<16xf32>
        %add3A_2485 = arith.addf %scan3A_2461, %mul3A_2484 : vector<16xf32>
        %add3A_2486 = vector.broadcast %scan3A_2459 : i32 to vector<16xi32>
        %add3A_2487 = arith.addi %gather3A_1909, %add3A_2486 : vector<16xi32>
        %gather3A_2488 = tpu.vector_load_idx %arg20[%add3A_1704, %add3A_2487] : memref<208x128xf32, #tpu.memory_space<vmem>>[vector<16xi32>, vector<16xi32>], vector<16xf32>,
        %mul3A_2489 = arith.mulf %gather3A_2488, %gather3A_2475 : vector<16xf32>
        %add3A_2490 = arith.addf %scan3A_2462, %mul3A_2489 : vector<16xf32>
        %add3A_2491 = vector.broadcast %scan3A_2459 : i32 to vector<16xi32>
        %add3A_2492 = arith.addi %gather3A_1914, %add3A_2491 : vector<16xi32>
        %gather3A_2493 = tpu.vector_load_idx %arg20[%add3A_1707, %add3A_2492] : memref<208x128xf32, #tpu.memory_space<vmem>>[vector<16xi32>, vector<16xi32>], vector<16xf32>,
        %mul3A_2494 = arith.mulf %gather3A_2493, %gather3A_2475 : vector<16xf32>
        %add3A_2495 = arith.addf %scan3A_2463, %mul3A_2494 : vector<16xf32>
        %add3A_2496 = vector.broadcast %scan3A_2459 : i32 to vector<16xi32>
        %add3A_2497 = arith.addi %gather3A_1919, %add3A_2496 : vector<16xi32>
        %gather3A_2498 = tpu.vector_load_idx %arg20[%add3A_1710, %add3A_2497] : memref<208x128xf32, #tpu.memory_space<vmem>>[vector<16xi32>, vector<16xi32>], vector<16xf32>,
        %mul3A_2499 = arith.mulf %gather3A_2498, %gather3A_2475 : vector<16xf32>
        %add3A_2500 = arith.addf %scan3A_2464, %mul3A_2499 : vector<16xf32>
        %add3A_2501 = vector.broadcast %scan3A_2459 : i32 to vector<16xi32>
        %add3A_2502 = arith.addi %gather3A_1924, %add3A_2501 : vector<16xi32>
        %gather3A_2503 = tpu.vector_load_idx %arg20[%add3A_1713, %add3A_2502] : memref<208x128xf32, #tpu.memory_space<vmem>>[vector<16xi32>, vector<16xi32>], vector<16xf32>,
        %mul3A_2504 = arith.mulf %gather3A_2503, %gather3A_2475 : vector<16xf32>
        %add3A_2505 = arith.addf %scan3A_2465, %mul3A_2504 : vector<16xf32>
        %add3A_2506 = vector.broadcast %scan3A_2459 : i32 to vector<16xi32>
        %add3A_2507 = arith.addi %gather3A_1929, %add3A_2506 : vector<16xi32>
        %gather3A_2508 = tpu.vector_load_idx %arg20[%add3A_1716, %add3A_2507] : memref<208x128xf32, #tpu.memory_space<vmem>>[vector<16xi32>, vector<16xi32>], vector<16xf32>,
        %mul3A_2509 = arith.mulf %gather3A_2508, %gather3A_2475 : vector<16xf32>
        %add3A_2510 = arith.addf %scan3A_2466, %mul3A_2509 : vector<16xf32>
        %add3A_2511 = vector.broadcast %scan3A_2459 : i32 to vector<16xi32>
        %add3A_2512 = arith.addi %gather3A_1934, %add3A_2511 : vector<16xi32>
        %gather3A_2513 = tpu.vector_load_idx %arg20[%add3A_1719, %add3A_2512] : memref<208x128xf32, #tpu.memory_space<vmem>>[vector<16xi32>, vector<16xi32>], vector<16xf32>,
        %mul3A_2514 = arith.mulf %gather3A_2513, %gather3A_2475 : vector<16xf32>
        %add3A_2515 = arith.addf %scan3A_2467, %mul3A_2514 : vector<16xf32>
        %add3A_2516 = vector.broadcast %scan3A_2459 : i32 to vector<16xi32>
        %add3A_2517 = arith.addi %gather3A_1939, %add3A_2516 : vector<16xi32>
        %gather3A_2518 = tpu.vector_load_idx %arg20[%add3A_1722, %add3A_2517] : memref<208x128xf32, #tpu.memory_space<vmem>>[vector<16xi32>, vector<16xi32>], vector<16xf32>,
        %mul3A_2519 = arith.mulf %gather3A_2518, %gather3A_2475 : vector<16xf32>
        %add3A_2520 = arith.addf %scan3A_2468, %mul3A_2519 : vector<16xf32>
        %add3A_2521 = vector.broadcast %scan3A_2459 : i32 to vector<16xi32>
        %add3A_2522 = arith.addi %gather3A_1944, %add3A_2521 : vector<16xi32>
        %gather3A_2523 = tpu.vector_load_idx %arg20[%add3A_1725, %add3A_2522] : memref<208x128xf32, #tpu.memory_space<vmem>>[vector<16xi32>, vector<16xi32>], vector<16xf32>,
        %mul3A_2524 = arith.mulf %gather3A_2523, %gather3A_2475 : vector<16xf32>
        %add3A_2525 = arith.addf %scan3A_2469, %mul3A_2524 : vector<16xf32>
        %add3A_2526 = vector.broadcast %scan3A_2459 : i32 to vector<16xi32>
        %add3A_2527 = arith.addi %gather3A_1949, %add3A_2526 : vector<16xi32>
        %gather3A_2528 = tpu.vector_load_idx %arg20[%add3A_1728, %add3A_2527] : memref<208x128xf32, #tpu.memory_space<vmem>>[vector<16xi32>, vector<16xi32>], vector<16xf32>,
        %mul3A_2529 = arith.mulf %gather3A_2528, %gather3A_2475 : vector<16xf32>
        %add3A_2530 = arith.addf %scan3A_2470, %mul3A_2529 : vector<16xf32>
        %add3A_2531 = vector.broadcast %scan3A_2459 : i32 to vector<16xi32>
        %add3A_2532 = arith.addi %gather3A_1954, %add3A_2531 : vector<16xi32>
        %gather3A_2533 = tpu.vector_load_idx %arg20[%add3A_1731, %add3A_2532] : memref<208x128xf32, #tpu.memory_space<vmem>>[vector<16xi32>, vector<16xi32>], vector<16xf32>,
        %mul3A_2534 = arith.mulf %gather3A_2533, %gather3A_2475 : vector<16xf32>
        %add3A_2535 = arith.addf %scan3A_2471, %mul3A_2534 : vector<16xf32>
        %add3A_2536 = vector.broadcast %scan3A_2459 : i32 to vector<16xi32>
        %add3A_2537 = arith.addi %gather3A_1959, %add3A_2536 : vector<16xi32>
        %gather3A_2538 = tpu.vector_load_idx %arg20[%add3A_1734, %add3A_2537] : memref<208x128xf32, #tpu.memory_space<vmem>>[vector<16xi32>, vector<16xi32>], vector<16xf32>,
        %mul3A_2539 = arith.mulf %gather3A_2538, %gather3A_2475 : vector<16xf32>
        %add3A_2540 = arith.addf %scan3A_2472, %mul3A_2539 : vector<16xf32>
        scf.yield %add3A_2480, %add3A_2485, %add3A_2490, %add3A_2495, %add3A_2500, %add3A_2505, %add3A_2510, %add3A_2515, %add3A_2520, %add3A_2525, %add3A_2530, %add3A_2535, %add3A_2540 : vector<16xf32>, vector<16xf32>, vector<16xf32>, vector<16xf32>, vector<16xf32>, vector<16xf32>, vector<16xf32>, vector<16xf32>, vector<16xf32>, vector<16xf32>, vector<16xf32>, vector<16xf32>, vector<16xf32>
      }
      %scan3A_1994 = arith.constant 32 : i32
      %jit3A = arith.constant -1.000000e+30 : f32
      %broadcast_in_dim3A_1995 = vector.broadcast %jit3A : f32 to vector<16xf32>
      %select_n3A = arith.select %lt3A_1736, %scan3A_1993#12, %broadcast_in_dim3A_1995 : vector<16xi1>, vector<16xf32>
      %max3A = arith.maximumf %scan3A_1993#0, %scan3A_1993#1 : vector<16xf32>
      %max3A_1996 = arith.maximumf %max3A, %scan3A_1993#2 : vector<16xf32>
      %max3A_1997 = arith.maximumf %max3A_1996, %scan3A_1993#3 : vector<16xf32>
      %max3A_1998 = arith.maximumf %max3A_1997, %scan3A_1993#4 : vector<16xf32>
      %max3A_1999 = arith.maximumf %max3A_1998, %scan3A_1993#5 : vector<16xf32>
      %max3A_2000 = arith.maximumf %max3A_1999, %scan3A_1993#6 : vector<16xf32>
      %max3A_2001 = arith.maximumf %max3A_2000, %scan3A_1993#7 : vector<16xf32>
      %max3A_2002 = arith.maximumf %max3A_2001, %scan3A_1993#8 : vector<16xf32>
      %max3A_2003 = arith.maximumf %max3A_2002, %scan3A_1993#9 : vector<16xf32>
      %max3A_2004 = arith.maximumf %max3A_2003, %scan3A_1993#10 : vector<16xf32>
      %max3A_2005 = arith.maximumf %max3A_2004, %scan3A_1993#11 : vector<16xf32>
      %max3A_2006 = arith.maximumf %max3A_2005, %select_n3A : vector<16xf32>
      %reduce_max3A = arith.constant true
      %reduce_max3A_2007 = vector.broadcast %reduce_max3A : i1 to vector<16xi1>
      %reduce_max3A_2008 = tpu.scan <max>, %max3A_2006 masked %reduce_max3A_2007 : vector<16xf32>, vector<16xi1> -> vector<16xf32>
      %reduce_max3A_2009 = vector.extract %reduce_max3A_2008[15] : f32 from vector<16xf32>
      %sub3A = vector.broadcast %reduce_max3A_2009 : f32 to vector<16xf32>
      %sub3A_2010 = arith.subf %scan3A_1993#0, %sub3A : vector<16xf32>
      %exp3A = math.exp %sub3A_2010 : vector<16xf32>
      %sub3A_2011 = vector.broadcast %reduce_max3A_2009 : f32 to vector<16xf32>
      %sub3A_2012 = arith.subf %scan3A_1993#1, %sub3A_2011 : vector<16xf32>
      %exp3A_2013 = math.exp %sub3A_2012 : vector<16xf32>
      %sub3A_2014 = vector.broadcast %reduce_max3A_2009 : f32 to vector<16xf32>
      %sub3A_2015 = arith.subf %scan3A_1993#2, %sub3A_2014 : vector<16xf32>
      %exp3A_2016 = math.exp %sub3A_2015 : vector<16xf32>
      %sub3A_2017 = vector.broadcast %reduce_max3A_2009 : f32 to vector<16xf32>
      %sub3A_2018 = arith.subf %scan3A_1993#3, %sub3A_2017 : vector<16xf32>
      %exp3A_2019 = math.exp %sub3A_2018 : vector<16xf32>
      %sub3A_2020 = vector.broadcast %reduce_max3A_2009 : f32 to vector<16xf32>
      %sub3A_2021 = arith.subf %scan3A_1993#4, %sub3A_2020 : vector<16xf32>
      %exp3A_2022 = math.exp %sub3A_2021 : vector<16xf32>
      %sub3A_2023 = vector.broadcast %reduce_max3A_2009 : f32 to vector<16xf32>
      %sub3A_2024 = arith.subf %scan3A_1993#5, %sub3A_2023 : vector<16xf32>
      %exp3A_2025 = math.exp %sub3A_2024 : vector<16xf32>
      %sub3A_2026 = vector.broadcast %reduce_max3A_2009 : f32 to vector<16xf32>
      %sub3A_2027 = arith.subf %scan3A_1993#6, %sub3A_2026 : vector<16xf32>
      %exp3A_2028 = math.exp %sub3A_2027 : vector<16xf32>
      %sub3A_2029 = vector.broadcast %reduce_max3A_2009 : f32 to vector<16xf32>
      %sub3A_2030 = arith.subf %scan3A_1993#7, %sub3A_2029 : vector<16xf32>
      %exp3A_2031 = math.exp %sub3A_2030 : vector<16xf32>
      %sub3A_2032 = vector.broadcast %reduce_max3A_2009 : f32 to vector<16xf32>
      %sub3A_2033 = arith.subf %scan3A_1993#8, %sub3A_2032 : vector<16xf32>
      %exp3A_2034 = math.exp %sub3A_2033 : vector<16xf32>
      %sub3A_2035 = vector.broadcast %reduce_max3A_2009 : f32 to vector<16xf32>
      %sub3A_2036 = arith.subf %scan3A_1993#9, %sub3A_2035 : vector<16xf32>
      %exp3A_2037 = math.exp %sub3A_2036 : vector<16xf32>
      %sub3A_2038 = vector.broadcast %reduce_max3A_2009 : f32 to vector<16xf32>
      %sub3A_2039 = arith.subf %scan3A_1993#10, %sub3A_2038 : vector<16xf32>
      %exp3A_2040 = math.exp %sub3A_2039 : vector<16xf32>
      %sub3A_2041 = vector.broadcast %reduce_max3A_2009 : f32 to vector<16xf32>
      %sub3A_2042 = arith.subf %scan3A_1993#11, %sub3A_2041 : vector<16xf32>
      %exp3A_2043 = math.exp %sub3A_2042 : vector<16xf32>
      %sub3A_2044 = vector.broadcast %reduce_max3A_2009 : f32 to vector<16xf32>
      %sub3A_2045 = arith.subf %select_n3A, %sub3A_2044 : vector<16xf32>
      %exp3A_2046 = math.exp %sub3A_2045 : vector<16xf32>
      %add3A_2047 = arith.addf %exp3A, %exp3A_2013 : vector<16xf32>
      %add3A_2048 = arith.addf %add3A_2047, %exp3A_2016 : vector<16xf32>
      %add3A_2049 = arith.addf %add3A_2048, %exp3A_2019 : vector<16xf32>
      %add3A_2050 = arith.addf %add3A_2049, %exp3A_2022 : vector<16xf32>
      %add3A_2051 = arith.addf %add3A_2050, %exp3A_2025 : vector<16xf32>
      %add3A_2052 = arith.addf %add3A_2051, %exp3A_2028 : vector<16xf32>
      %add3A_2053 = arith.addf %add3A_2052, %exp3A_2031 : vector<16xf32>
      %add3A_2054 = arith.addf %add3A_2053, %exp3A_2034 : vector<16xf32>
      %add3A_2055 = arith.addf %add3A_2054, %exp3A_2037 : vector<16xf32>
      %add3A_2056 = arith.addf %add3A_2055, %exp3A_2040 : vector<16xf32>
      %add3A_2057 = arith.addf %add3A_2056, %exp3A_2043 : vector<16xf32>
      %add3A_2058 = arith.addf %add3A_2057, %exp3A_2046 : vector<16xf32>
      %reduce_sum3A = arith.constant true
      %reduce_sum3A_2059 = vector.broadcast %reduce_sum3A : i1 to vector<16xi1>
      %reduce_sum3A_2060 = tpu.scan <sum>, %add3A_2058 masked %reduce_sum3A_2059 : vector<16xf32>, vector<16xi1> -> vector<16xf32>
      %reduce_sum3A_2061 = vector.extract %reduce_sum3A_2060[15] : f32 from vector<16xf32>
      %broadcast_in_dim3A_2062 = vector.broadcast %reduce_sum3A_2061 : f32 to vector<16xf32>
      %div3A = arith.constant 1.000000e+00 : f32
      %div3A_2063 = vector.broadcast %div3A : f32 to vector<16xf32>
      %div3A_2064 = arith.divf %div3A_2063, %broadcast_in_dim3A_2062 : vector<16xf32>
      %add3A_2065 = arith.constant 0 : i32
      %add3A_2066 = vector.broadcast %add3A_2065 : i32 to vector<16xi32>
      %add3A_2067 = arith.addi %add3A_2066, %iota3A : vector<16xi32>
      %mul3A_2068 = arith.mulf %exp3A, %div3A_2064 : vector<16xf32>
      tpu.vector_store_idx %arg27[%add3A_2067], %mul3A_2068 : memref<208xf32, #tpu.memory_space<vmem>>[vector<16xi32>], vector<16xf32>,
      %add3A_2069 = arith.constant 16 : i32
      %add3A_2070 = vector.broadcast %add3A_2069 : i32 to vector<16xi32>
      %add3A_2071 = arith.addi %add3A_2070, %iota3A : vector<16xi32>
      %mul3A_2072 = arith.mulf %exp3A_2013, %div3A_2064 : vector<16xf32>
      tpu.vector_store_idx %arg27[%add3A_2071], %mul3A_2072 : memref<208xf32, #tpu.memory_space<vmem>>[vector<16xi32>], vector<16xf32>,
      %add3A_2073 = arith.constant 32 : i32
      %add3A_2074 = vector.broadcast %add3A_2073 : i32 to vector<16xi32>
      %add3A_2075 = arith.addi %add3A_2074, %iota3A : vector<16xi32>
      %mul3A_2076 = arith.mulf %exp3A_2016, %div3A_2064 : vector<16xf32>
      tpu.vector_store_idx %arg27[%add3A_2075], %mul3A_2076 : memref<208xf32, #tpu.memory_space<vmem>>[vector<16xi32>], vector<16xf32>,
      %add3A_2077 = arith.constant 48 : i32
      %add3A_2078 = vector.broadcast %add3A_2077 : i32 to vector<16xi32>
      %add3A_2079 = arith.addi %add3A_2078, %iota3A : vector<16xi32>
      %mul3A_2080 = arith.mulf %exp3A_2019, %div3A_2064 : vector<16xf32>
      tpu.vector_store_idx %arg27[%add3A_2079], %mul3A_2080 : memref<208xf32, #tpu.memory_space<vmem>>[vector<16xi32>], vector<16xf32>,
      %add3A_2081 = arith.constant 64 : i32
      %add3A_2082 = vector.broadcast %add3A_2081 : i32 to vector<16xi32>
      %add3A_2083 = arith.addi %add3A_2082, %iota3A : vector<16xi32>
      %mul3A_2084 = arith.mulf %exp3A_2022, %div3A_2064 : vector<16xf32>
      tpu.vector_store_idx %arg27[%add3A_2083], %mul3A_2084 : memref<208xf32, #tpu.memory_space<vmem>>[vector<16xi32>], vector<16xf32>,
      %add3A_2085 = arith.constant 80 : i32
      %add3A_2086 = vector.broadcast %add3A_2085 : i32 to vector<16xi32>
      %add3A_2087 = arith.addi %add3A_2086, %iota3A : vector<16xi32>
      %mul3A_2088 = arith.mulf %exp3A_2025, %div3A_2064 : vector<16xf32>
      tpu.vector_store_idx %arg27[%add3A_2087], %mul3A_2088 : memref<208xf32, #tpu.memory_space<vmem>>[vector<16xi32>], vector<16xf32>,
      %add3A_2089 = arith.constant 96 : i32
      %add3A_2090 = vector.broadcast %add3A_2089 : i32 to vector<16xi32>
      %add3A_2091 = arith.addi %add3A_2090, %iota3A : vector<16xi32>
      %mul3A_2092 = arith.mulf %exp3A_2028, %div3A_2064 : vector<16xf32>
      tpu.vector_store_idx %arg27[%add3A_2091], %mul3A_2092 : memref<208xf32, #tpu.memory_space<vmem>>[vector<16xi32>], vector<16xf32>,
      %add3A_2093 = arith.constant 112 : i32
      %add3A_2094 = vector.broadcast %add3A_2093 : i32 to vector<16xi32>
      %add3A_2095 = arith.addi %add3A_2094, %iota3A : vector<16xi32>
      %mul3A_2096 = arith.mulf %exp3A_2031, %div3A_2064 : vector<16xf32>
      tpu.vector_store_idx %arg27[%add3A_2095], %mul3A_2096 : memref<208xf32, #tpu.memory_space<vmem>>[vector<16xi32>], vector<16xf32>,
      %add3A_2097 = arith.constant 128 : i32
      %add3A_2098 = vector.broadcast %add3A_2097 : i32 to vector<16xi32>
      %add3A_2099 = arith.addi %add3A_2098, %iota3A : vector<16xi32>
      %mul3A_2100 = arith.mulf %exp3A_2034, %div3A_2064 : vector<16xf32>
      tpu.vector_store_idx %arg27[%add3A_2099], %mul3A_2100 : memref<208xf32, #tpu.memory_space<vmem>>[vector<16xi32>], vector<16xf32>,
      %add3A_2101 = arith.constant 144 : i32
      %add3A_2102 = vector.broadcast %add3A_2101 : i32 to vector<16xi32>
      %add3A_2103 = arith.addi %add3A_2102, %iota3A : vector<16xi32>
      %mul3A_2104 = arith.mulf %exp3A_2037, %div3A_2064 : vector<16xf32>
      tpu.vector_store_idx %arg27[%add3A_2103], %mul3A_2104 : memref<208xf32, #tpu.memory_space<vmem>>[vector<16xi32>], vector<16xf32>,
      %add3A_2105 = arith.constant 160 : i32
      %add3A_2106 = vector.broadcast %add3A_2105 : i32 to vector<16xi32>
      %add3A_2107 = arith.addi %add3A_2106, %iota3A : vector<16xi32>
      %mul3A_2108 = arith.mulf %exp3A_2040, %div3A_2064 : vector<16xf32>
      tpu.vector_store_idx %arg27[%add3A_2107], %mul3A_2108 : memref<208xf32, #tpu.memory_space<vmem>>[vector<16xi32>], vector<16xf32>,
      %add3A_2109 = arith.constant 176 : i32
      %add3A_2110 = vector.broadcast %add3A_2109 : i32 to vector<16xi32>
      %add3A_2111 = arith.addi %add3A_2110, %iota3A : vector<16xi32>
      %mul3A_2112 = arith.mulf %exp3A_2043, %div3A_2064 : vector<16xf32>
      tpu.vector_store_idx %arg27[%add3A_2111], %mul3A_2112 : memref<208xf32, #tpu.memory_space<vmem>>[vector<16xi32>], vector<16xf32>,
      %add3A_2113 = arith.constant 192 : i32
      %add3A_2114 = vector.broadcast %add3A_2113 : i32 to vector<16xi32>
      %add3A_2115 = arith.addi %add3A_2114, %iota3A : vector<16xi32>
      %mul3A_2116 = arith.mulf %exp3A_2046, %div3A_2064 : vector<16xf32>
      tpu.vector_store_idx %arg27[%add3A_2115], %mul3A_2116 : memref<208xf32, #tpu.memory_space<vmem>>[vector<16xi32>], vector<16xf32>,
      %broadcast_in_dim3A_2117 = arith.constant 0.000000e+00 : f32
      %broadcast_in_dim3A_2118 = vector.broadcast %broadcast_in_dim3A_2117 : f32 to vector<16xf32>
      %broadcast_in_dim3A_2119 = arith.constant 0.000000e+00 : f32
      %broadcast_in_dim3A_2120 = vector.broadcast %broadcast_in_dim3A_2119 : f32 to vector<16xf32>
      %scan3A_2121 = arith.constant 0 : i32
      %scan3A_2122 = arith.constant 50 : i32
      %scan3A_2123 = arith.addi %scan3A_2121, %scan3A_2122 : i32
      %scan3A_2124 = arith.constant 1 : i32
      %scan3A_2125:2 = scf.for %scan3A_2459 = %scan3A_2121 to %scan3A_2123 step %scan3A_2124 iter_args(%scan3A_2460 = %broadcast_in_dim3A_2118, %scan3A_2461 = %broadcast_in_dim3A_2120) -> (vector<16xf32>, vector<16xf32>)  : i32 {
        %mul3A_2462 = arith.constant 4 : i32
        %mul3A_2463 = arith.muli %scan3A_2459, %mul3A_2462 : i32
        %add3A_2464 = arith.constant 0 : i32
        %add3A_2465 = arith.addi %mul3A_2463, %add3A_2464 : i32
        %broadcast_in_dim3A_2466 = vector.broadcast %add3A_2465 : i32 to vector<16xi32>
        %gather3A_2467 = tpu.vector_load_idx %arg27[%broadcast_in_dim3A_2466] : memref<208xf32, #tpu.memory_space<vmem>>[vector<16xi32>], vector<16xf32>,
        %add3A_2468 = arith.addi %broadcast_in_dim3A_1894, %broadcast_in_dim3A_2466 : vector<16xi32>
        %gather3A_2469 = tpu.vector_load_idx %arg15[%add3A_2468] : memref<6400xi32, #tpu.memory_space<vmem>>[vector<16xi32>], vector<16xi32>,
        %add3A_2470 = arith.addi %gather3A_2469, %iota3A : vector<16xi32>
        %gather3A_2471 = tpu.vector_load_idx %arg20[%broadcast_in_dim3A_2466, %add3A_2470] : memref<208x128xf32, #tpu.memory_space<vmem>>[vector<16xi32>, vector<16xi32>], vector<16xf32>,
        %mul3A_2472 = arith.mulf %gather3A_2467, %gather3A_2471 : vector<16xf32>
        %add3A_2473 = arith.addf %scan3A_2460, %mul3A_2472 : vector<16xf32>
        %add3A_2474 = arith.addi %gather3A_2469, %add3A_7 : vector<16xi32>
        %gather3A_2475 = tpu.vector_load_idx %arg20[%broadcast_in_dim3A_2466, %add3A_2474] : memref<208x128xf32, #tpu.memory_space<vmem>>[vector<16xi32>, vector<16xi32>], vector<16xf32>,
        %mul3A_2476 = arith.mulf %gather3A_2467, %gather3A_2475 : vector<16xf32>
        %add3A_2477 = arith.addf %scan3A_2461, %mul3A_2476 : vector<16xf32>
        %mul3A_2478 = arith.constant 4 : i32
        %mul3A_2479 = arith.muli %scan3A_2459, %mul3A_2478 : i32
        %add3A_2480 = arith.constant 1 : i32
        %add3A_2481 = arith.addi %mul3A_2479, %add3A_2480 : i32
        %broadcast_in_dim3A_2482 = vector.broadcast %add3A_2481 : i32 to vector<16xi32>
        %gather3A_2483 = tpu.vector_load_idx %arg27[%broadcast_in_dim3A_2482] : memref<208xf32, #tpu.memory_space<vmem>>[vector<16xi32>], vector<16xf32>,
        %add3A_2484 = arith.addi %broadcast_in_dim3A_1894, %broadcast_in_dim3A_2482 : vector<16xi32>
        %gather3A_2485 = tpu.vector_load_idx %arg15[%add3A_2484] : memref<6400xi32, #tpu.memory_space<vmem>>[vector<16xi32>], vector<16xi32>,
        %add3A_2486 = arith.addi %gather3A_2485, %iota3A : vector<16xi32>
        %gather3A_2487 = tpu.vector_load_idx %arg20[%broadcast_in_dim3A_2482, %add3A_2486] : memref<208x128xf32, #tpu.memory_space<vmem>>[vector<16xi32>, vector<16xi32>], vector<16xf32>,
        %mul3A_2488 = arith.mulf %gather3A_2483, %gather3A_2487 : vector<16xf32>
        %add3A_2489 = arith.addf %add3A_2473, %mul3A_2488 : vector<16xf32>
        %add3A_2490 = arith.addi %gather3A_2485, %add3A_7 : vector<16xi32>
        %gather3A_2491 = tpu.vector_load_idx %arg20[%broadcast_in_dim3A_2482, %add3A_2490] : memref<208x128xf32, #tpu.memory_space<vmem>>[vector<16xi32>, vector<16xi32>], vector<16xf32>,
        %mul3A_2492 = arith.mulf %gather3A_2483, %gather3A_2491 : vector<16xf32>
        %add3A_2493 = arith.addf %add3A_2477, %mul3A_2492 : vector<16xf32>
        %mul3A_2494 = arith.constant 4 : i32
        %mul3A_2495 = arith.muli %scan3A_2459, %mul3A_2494 : i32
        %add3A_2496 = arith.constant 2 : i32
        %add3A_2497 = arith.addi %mul3A_2495, %add3A_2496 : i32
        %broadcast_in_dim3A_2498 = vector.broadcast %add3A_2497 : i32 to vector<16xi32>
        %gather3A_2499 = tpu.vector_load_idx %arg27[%broadcast_in_dim3A_2498] : memref<208xf32, #tpu.memory_space<vmem>>[vector<16xi32>], vector<16xf32>,
        %add3A_2500 = arith.addi %broadcast_in_dim3A_1894, %broadcast_in_dim3A_2498 : vector<16xi32>
        %gather3A_2501 = tpu.vector_load_idx %arg15[%add3A_2500] : memref<6400xi32, #tpu.memory_space<vmem>>[vector<16xi32>], vector<16xi32>,
        %add3A_2502 = arith.addi %gather3A_2501, %iota3A : vector<16xi32>
        %gather3A_2503 = tpu.vector_load_idx %arg20[%broadcast_in_dim3A_2498, %add3A_2502] : memref<208x128xf32, #tpu.memory_space<vmem>>[vector<16xi32>, vector<16xi32>], vector<16xf32>,
        %mul3A_2504 = arith.mulf %gather3A_2499, %gather3A_2503 : vector<16xf32>
        %add3A_2505 = arith.addf %add3A_2489, %mul3A_2504 : vector<16xf32>
        %add3A_2506 = arith.addi %gather3A_2501, %add3A_7 : vector<16xi32>
        %gather3A_2507 = tpu.vector_load_idx %arg20[%broadcast_in_dim3A_2498, %add3A_2506] : memref<208x128xf32, #tpu.memory_space<vmem>>[vector<16xi32>, vector<16xi32>], vector<16xf32>,
        %mul3A_2508 = arith.mulf %gather3A_2499, %gather3A_2507 : vector<16xf32>
        %add3A_2509 = arith.addf %add3A_2493, %mul3A_2508 : vector<16xf32>
        %mul3A_2510 = arith.constant 4 : i32
        %mul3A_2511 = arith.muli %scan3A_2459, %mul3A_2510 : i32
        %add3A_2512 = arith.constant 3 : i32
        %add3A_2513 = arith.addi %mul3A_2511, %add3A_2512 : i32
        %broadcast_in_dim3A_2514 = vector.broadcast %add3A_2513 : i32 to vector<16xi32>
        %gather3A_2515 = tpu.vector_load_idx %arg27[%broadcast_in_dim3A_2514] : memref<208xf32, #tpu.memory_space<vmem>>[vector<16xi32>], vector<16xf32>,
        %add3A_2516 = arith.addi %broadcast_in_dim3A_1894, %broadcast_in_dim3A_2514 : vector<16xi32>
        %gather3A_2517 = tpu.vector_load_idx %arg15[%add3A_2516] : memref<6400xi32, #tpu.memory_space<vmem>>[vector<16xi32>], vector<16xi32>,
        %add3A_2518 = arith.addi %gather3A_2517, %iota3A : vector<16xi32>
        %gather3A_2519 = tpu.vector_load_idx %arg20[%broadcast_in_dim3A_2514, %add3A_2518] : memref<208x128xf32, #tpu.memory_space<vmem>>[vector<16xi32>, vector<16xi32>], vector<16xf32>,
        %mul3A_2520 = arith.mulf %gather3A_2515, %gather3A_2519 : vector<16xf32>
        %add3A_2521 = arith.addf %add3A_2505, %mul3A_2520 : vector<16xf32>
        %add3A_2522 = arith.addi %gather3A_2517, %add3A_7 : vector<16xi32>
        %gather3A_2523 = tpu.vector_load_idx %arg20[%broadcast_in_dim3A_2514, %add3A_2522] : memref<208x128xf32, #tpu.memory_space<vmem>>[vector<16xi32>, vector<16xi32>], vector<16xf32>,
        %mul3A_2524 = arith.mulf %gather3A_2515, %gather3A_2523 : vector<16xf32>
        %add3A_2525 = arith.addf %add3A_2509, %mul3A_2524 : vector<16xf32>
        scf.yield %add3A_2521, %add3A_2525 : vector<16xf32>, vector<16xf32>
      }
      %scan3A_2126 = arith.constant 50 : i32
      %mul3A_2127 = arith.constant 32 : i32
      %mul3A_2128 = arith.muli %mul3A_1817, %mul3A_2127 : i32
      %add3A_2129 = vector.broadcast %mul3A_2128 : i32 to vector<16xi32>
      %add3A_2130 = arith.addi %add3A_2129, %iota3A : vector<16xi32>
      tpu.vector_store_idx %arg26[%add3A_2130], %scan3A_2125#0 : memref<1024xf32, #tpu.memory_space<vmem>>[vector<16xi32>], vector<16xf32>,
      %add3A_2131 = vector.broadcast %mul3A_2128 : i32 to vector<16xi32>
      %add3A_2132 = arith.addi %add3A_2131, %add3A_7 : vector<16xi32>
      tpu.vector_store_idx %arg26[%add3A_2132], %scan3A_2125#1 : memref<1024xf32, #tpu.memory_space<vmem>>[vector<16xi32>], vector<16xf32>,
      %add3A_2133 = arith.constant 2 : i32
      %add3A_2134 = arith.addi %mul3A_1817, %add3A_2133 : i32
      %min3A = arith.constant 31 : i32
      %min3A_2135 = arith.minsi %add3A_2134, %min3A : i32
      %mul3A_2136 = arith.constant 200 : i32
      %mul3A_2137 = arith.muli %min3A_2135, %mul3A_2136 : i32
      %multiple_of3A_2138 = tpu.assume_multiple %mul3A_2137, 8 : i32
      %add3A_2139 = arith.constant 0 : i32
      %add3A_2140 = arith.addi %multiple_of3A_2138, %add3A_2139 : i32
      %dma_start3A_2141 = arith.constant 0 : i32
      %dma_start3A_2142 = arith.constant 0 : i32
      %dma_start3A_2143 = tpu.memref_slice %arg20[%dma_start3A_2141, %dma_start3A_2142] : memref<208x128xf32, #tpu.memory_space<vmem>> -> memref<56x128xf32, #tpu.memory_space<vmem>>
      %dma_start3A_2144 = tpu.memref_slice %arg14[%add3A_2140] : memref<6400xi32, #tpu.memory_space<vmem>> -> memref<56xi32, #tpu.memory_space<vmem>>
      %dma_start3A_2145 = arith.constant 0 : i32
      %dma_start3A_2146 = arith.constant 0 : i32
      %dma_start3A_2147 = tpu.memref_slice %arg8[%dma_start3A_2145, %dma_start3A_2146] : memref<251904x128xf32, #tpu.memory_space<hbm>> -> memref<251904x128xf32, #tpu.memory_space<hbm>>
      tpu.enqueue_indirect_dma source(%dma_start3A_2147 : memref<251904x128xf32, #tpu.memory_space<hbm>>) target(%dma_start3A_2143 : memref<56x128xf32, #tpu.memory_space<vmem>>) offsets(%dma_start3A_2144 : memref<56xi32, #tpu.memory_space<vmem>>) semaphore(%arg28 : memref<!tpu.dma_semaphore, #tpu.memory_space<semaphore_mem>>)
      %add3A_2148 = arith.constant 56 : i32
      %add3A_2149 = arith.addi %multiple_of3A_2138, %add3A_2148 : i32
      %dma_start3A_2150 = arith.constant 56 : i32
      %dma_start3A_2151 = arith.constant 0 : i32
      %dma_start3A_2152 = tpu.memref_slice %arg20[%dma_start3A_2150, %dma_start3A_2151] : memref<208x128xf32, #tpu.memory_space<vmem>> -> memref<48x128xf32, #tpu.memory_space<vmem>>
      %dma_start3A_2153 = tpu.memref_slice %arg14[%add3A_2149] : memref<6400xi32, #tpu.memory_space<vmem>> -> memref<48xi32, #tpu.memory_space<vmem>>
      %dma_start3A_2154 = arith.constant 0 : i32
      %dma_start3A_2155 = arith.constant 0 : i32
      %dma_start3A_2156 = tpu.memref_slice %arg8[%dma_start3A_2154, %dma_start3A_2155] : memref<251904x128xf32, #tpu.memory_space<hbm>> -> memref<251904x128xf32, #tpu.memory_space<hbm>>
      tpu.enqueue_indirect_dma source(%dma_start3A_2156 : memref<251904x128xf32, #tpu.memory_space<hbm>>) target(%dma_start3A_2152 : memref<48x128xf32, #tpu.memory_space<vmem>>) offsets(%dma_start3A_2153 : memref<48xi32, #tpu.memory_space<vmem>>) semaphore(%arg29 : memref<!tpu.dma_semaphore, #tpu.memory_space<semaphore_mem>>)
      %add3A_2157 = arith.constant 104 : i32
      %add3A_2158 = arith.addi %multiple_of3A_2138, %add3A_2157 : i32
      %dma_start3A_2159 = arith.constant 104 : i32
      %dma_start3A_2160 = arith.constant 0 : i32
      %dma_start3A_2161 = tpu.memref_slice %arg20[%dma_start3A_2159, %dma_start3A_2160] : memref<208x128xf32, #tpu.memory_space<vmem>> -> memref<48x128xf32, #tpu.memory_space<vmem>>
      %dma_start3A_2162 = tpu.memref_slice %arg14[%add3A_2158] : memref<6400xi32, #tpu.memory_space<vmem>> -> memref<48xi32, #tpu.memory_space<vmem>>
      %dma_start3A_2163 = arith.constant 0 : i32
      %dma_start3A_2164 = arith.constant 0 : i32
      %dma_start3A_2165 = tpu.memref_slice %arg8[%dma_start3A_2163, %dma_start3A_2164] : memref<251904x128xf32, #tpu.memory_space<hbm>> -> memref<251904x128xf32, #tpu.memory_space<hbm>>
      tpu.enqueue_indirect_dma source(%dma_start3A_2165 : memref<251904x128xf32, #tpu.memory_space<hbm>>) target(%dma_start3A_2161 : memref<48x128xf32, #tpu.memory_space<vmem>>) offsets(%dma_start3A_2162 : memref<48xi32, #tpu.memory_space<vmem>>) semaphore(%arg28 : memref<!tpu.dma_semaphore, #tpu.memory_space<semaphore_mem>>)
      %add3A_2166 = arith.constant 152 : i32
      %add3A_2167 = arith.addi %multiple_of3A_2138, %add3A_2166 : i32
      %dma_start3A_2168 = arith.constant 152 : i32
      %dma_start3A_2169 = arith.constant 0 : i32
      %dma_start3A_2170 = tpu.memref_slice %arg20[%dma_start3A_2168, %dma_start3A_2169] : memref<208x128xf32, #tpu.memory_space<vmem>> -> memref<48x128xf32, #tpu.memory_space<vmem>>
      %dma_start3A_2171 = tpu.memref_slice %arg14[%add3A_2167] : memref<6400xi32, #tpu.memory_space<vmem>> -> memref<48xi32, #tpu.memory_space<vmem>>
      %dma_start3A_2172 = arith.constant 0 : i32
      %dma_start3A_2173 = arith.constant 0 : i32
      %dma_start3A_2174 = tpu.memref_slice %arg8[%dma_start3A_2172, %dma_start3A_2173] : memref<251904x128xf32, #tpu.memory_space<hbm>> -> memref<251904x128xf32, #tpu.memory_space<hbm>>
      tpu.enqueue_indirect_dma source(%dma_start3A_2174 : memref<251904x128xf32, #tpu.memory_space<hbm>>) target(%dma_start3A_2170 : memref<48x128xf32, #tpu.memory_space<vmem>>) offsets(%dma_start3A_2171 : memref<48xi32, #tpu.memory_space<vmem>>) semaphore(%arg29 : memref<!tpu.dma_semaphore, #tpu.memory_space<semaphore_mem>>)
      %dma_wait3A_2175 = arith.constant 0 : i32
      %dma_wait3A_2176 = arith.constant 0 : i32
      %dma_wait3A_2177 = tpu.memref_slice %arg21[%dma_wait3A_2175, %dma_wait3A_2176] : memref<208x128xf32, #tpu.memory_space<vmem>> -> memref<56x128xf32, #tpu.memory_space<vmem>>
      %dma_wait3A_2178 = arith.constant 0 : i32
      %dma_wait3A_2179 = tpu.memref_slice %arg14[%dma_wait3A_2178] : memref<6400xi32, #tpu.memory_space<vmem>> -> memref<56xi32, #tpu.memory_space<vmem>>
      %dma_wait3A_2180 = arith.constant 0 : i32
      %dma_wait3A_2181 = arith.constant 0 : i32
      %dma_wait3A_2182 = tpu.memref_slice %arg8[%dma_wait3A_2180, %dma_wait3A_2181] : memref<251904x128xf32, #tpu.memory_space<hbm>> -> memref<251904x128xf32, #tpu.memory_space<hbm>>
      tpu.wait_indirect_dma semaphore(%arg30 : memref<!tpu.dma_semaphore, #tpu.memory_space<semaphore_mem>>) src(%dma_wait3A_2182 : memref<251904x128xf32, #tpu.memory_space<hbm>>) dst(%dma_wait3A_2177 : memref<56x128xf32, #tpu.memory_space<vmem>>)
      %dma_wait3A_2183 = arith.constant 56 : i32
      %dma_wait3A_2184 = arith.constant 0 : i32
      %dma_wait3A_2185 = tpu.memref_slice %arg21[%dma_wait3A_2183, %dma_wait3A_2184] : memref<208x128xf32, #tpu.memory_space<vmem>> -> memref<48x128xf32, #tpu.memory_space<vmem>>
      %dma_wait3A_2186 = arith.constant 56 : i32
      %dma_wait3A_2187 = tpu.memref_slice %arg14[%dma_wait3A_2186] : memref<6400xi32, #tpu.memory_space<vmem>> -> memref<48xi32, #tpu.memory_space<vmem>>
      %dma_wait3A_2188 = arith.constant 0 : i32
      %dma_wait3A_2189 = arith.constant 0 : i32
      %dma_wait3A_2190 = tpu.memref_slice %arg8[%dma_wait3A_2188, %dma_wait3A_2189] : memref<251904x128xf32, #tpu.memory_space<hbm>> -> memref<251904x128xf32, #tpu.memory_space<hbm>>
      tpu.wait_indirect_dma semaphore(%arg31 : memref<!tpu.dma_semaphore, #tpu.memory_space<semaphore_mem>>) src(%dma_wait3A_2190 : memref<251904x128xf32, #tpu.memory_space<hbm>>) dst(%dma_wait3A_2185 : memref<48x128xf32, #tpu.memory_space<vmem>>)
      %dma_wait3A_2191 = arith.constant 104 : i32
      %dma_wait3A_2192 = arith.constant 0 : i32
      %dma_wait3A_2193 = tpu.memref_slice %arg21[%dma_wait3A_2191, %dma_wait3A_2192] : memref<208x128xf32, #tpu.memory_space<vmem>> -> memref<48x128xf32, #tpu.memory_space<vmem>>
      %dma_wait3A_2194 = arith.constant 104 : i32
      %dma_wait3A_2195 = tpu.memref_slice %arg14[%dma_wait3A_2194] : memref<6400xi32, #tpu.memory_space<vmem>> -> memref<48xi32, #tpu.memory_space<vmem>>
      %dma_wait3A_2196 = arith.constant 0 : i32
      %dma_wait3A_2197 = arith.constant 0 : i32
      %dma_wait3A_2198 = tpu.memref_slice %arg8[%dma_wait3A_2196, %dma_wait3A_2197] : memref<251904x128xf32, #tpu.memory_space<hbm>> -> memref<251904x128xf32, #tpu.memory_space<hbm>>
      tpu.wait_indirect_dma semaphore(%arg30 : memref<!tpu.dma_semaphore, #tpu.memory_space<semaphore_mem>>) src(%dma_wait3A_2198 : memref<251904x128xf32, #tpu.memory_space<hbm>>) dst(%dma_wait3A_2193 : memref<48x128xf32, #tpu.memory_space<vmem>>)
      %dma_wait3A_2199 = arith.constant 152 : i32
      %dma_wait3A_2200 = arith.constant 0 : i32
      %dma_wait3A_2201 = tpu.memref_slice %arg21[%dma_wait3A_2199, %dma_wait3A_2200] : memref<208x128xf32, #tpu.memory_space<vmem>> -> memref<48x128xf32, #tpu.memory_space<vmem>>
      %dma_wait3A_2202 = arith.constant 152 : i32
      %dma_wait3A_2203 = tpu.memref_slice %arg14[%dma_wait3A_2202] : memref<6400xi32, #tpu.memory_space<vmem>> -> memref<48xi32, #tpu.memory_space<vmem>>
      %dma_wait3A_2204 = arith.constant 0 : i32
      %dma_wait3A_2205 = arith.constant 0 : i32
      %dma_wait3A_2206 = tpu.memref_slice %arg8[%dma_wait3A_2204, %dma_wait3A_2205] : memref<251904x128xf32, #tpu.memory_space<hbm>> -> memref<251904x128xf32, #tpu.memory_space<hbm>>
      tpu.wait_indirect_dma semaphore(%arg31 : memref<!tpu.dma_semaphore, #tpu.memory_space<semaphore_mem>>) src(%dma_wait3A_2206 : memref<251904x128xf32, #tpu.memory_space<hbm>>) dst(%dma_wait3A_2201 : memref<48x128xf32, #tpu.memory_space<vmem>>)
      %add3A_2207 = arith.constant 1 : i32
      %add3A_2208 = arith.addi %mul3A_1817, %add3A_2207 : i32
      %broadcast_in_dim3A_2209 = vector.broadcast %add3A_2208 : i32 to vector<16xi32>
      %mul3A_2210 = arith.constant 200 : i32
      %mul3A_2211 = arith.muli %add3A_2208, %mul3A_2210 : i32
      %broadcast_in_dim3A_2212 = vector.broadcast %mul3A_2211 : i32 to vector<16xi32>
      %add3A_2213 = arith.constant 0 : i32
      %add3A_2214 = vector.broadcast %add3A_2213 : i32 to vector<16xi32>
      %add3A_2215 = arith.addi %broadcast_in_dim3A_2212, %add3A_2214 : vector<16xi32>
      %add3A_2216 = arith.addi %add3A_2215, %iota3A : vector<16xi32>
      %gather3A_2217 = tpu.vector_load_idx %arg15[%add3A_2216] : memref<6400xi32, #tpu.memory_space<vmem>>[vector<16xi32>], vector<16xi32>,
      %add3A_2218 = arith.constant 16 : i32
      %add3A_2219 = vector.broadcast %add3A_2218 : i32 to vector<16xi32>
      %add3A_2220 = arith.addi %broadcast_in_dim3A_2212, %add3A_2219 : vector<16xi32>
      %add3A_2221 = arith.addi %add3A_2220, %iota3A : vector<16xi32>
      %gather3A_2222 = tpu.vector_load_idx %arg15[%add3A_2221] : memref<6400xi32, #tpu.memory_space<vmem>>[vector<16xi32>], vector<16xi32>,
      %add3A_2223 = arith.constant 32 : i32
      %add3A_2224 = vector.broadcast %add3A_2223 : i32 to vector<16xi32>
      %add3A_2225 = arith.addi %broadcast_in_dim3A_2212, %add3A_2224 : vector<16xi32>
      %add3A_2226 = arith.addi %add3A_2225, %iota3A : vector<16xi32>
      %gather3A_2227 = tpu.vector_load_idx %arg15[%add3A_2226] : memref<6400xi32, #tpu.memory_space<vmem>>[vector<16xi32>], vector<16xi32>,
      %add3A_2228 = arith.constant 48 : i32
      %add3A_2229 = vector.broadcast %add3A_2228 : i32 to vector<16xi32>
      %add3A_2230 = arith.addi %broadcast_in_dim3A_2212, %add3A_2229 : vector<16xi32>
      %add3A_2231 = arith.addi %add3A_2230, %iota3A : vector<16xi32>
      %gather3A_2232 = tpu.vector_load_idx %arg15[%add3A_2231] : memref<6400xi32, #tpu.memory_space<vmem>>[vector<16xi32>], vector<16xi32>,
      %add3A_2233 = arith.constant 64 : i32
      %add3A_2234 = vector.broadcast %add3A_2233 : i32 to vector<16xi32>
      %add3A_2235 = arith.addi %broadcast_in_dim3A_2212, %add3A_2234 : vector<16xi32>
      %add3A_2236 = arith.addi %add3A_2235, %iota3A : vector<16xi32>
      %gather3A_2237 = tpu.vector_load_idx %arg15[%add3A_2236] : memref<6400xi32, #tpu.memory_space<vmem>>[vector<16xi32>], vector<16xi32>,
      %add3A_2238 = arith.constant 80 : i32
      %add3A_2239 = vector.broadcast %add3A_2238 : i32 to vector<16xi32>
      %add3A_2240 = arith.addi %broadcast_in_dim3A_2212, %add3A_2239 : vector<16xi32>
      %add3A_2241 = arith.addi %add3A_2240, %iota3A : vector<16xi32>
      %gather3A_2242 = tpu.vector_load_idx %arg15[%add3A_2241] : memref<6400xi32, #tpu.memory_space<vmem>>[vector<16xi32>], vector<16xi32>,
      %add3A_2243 = arith.constant 96 : i32
      %add3A_2244 = vector.broadcast %add3A_2243 : i32 to vector<16xi32>
      %add3A_2245 = arith.addi %broadcast_in_dim3A_2212, %add3A_2244 : vector<16xi32>
      %add3A_2246 = arith.addi %add3A_2245, %iota3A : vector<16xi32>
      %gather3A_2247 = tpu.vector_load_idx %arg15[%add3A_2246] : memref<6400xi32, #tpu.memory_space<vmem>>[vector<16xi32>], vector<16xi32>,
      %add3A_2248 = arith.constant 112 : i32
      %add3A_2249 = vector.broadcast %add3A_2248 : i32 to vector<16xi32>
      %add3A_2250 = arith.addi %broadcast_in_dim3A_2212, %add3A_2249 : vector<16xi32>
      %add3A_2251 = arith.addi %add3A_2250, %iota3A : vector<16xi32>
      %gather3A_2252 = tpu.vector_load_idx %arg15[%add3A_2251] : memref<6400xi32, #tpu.memory_space<vmem>>[vector<16xi32>], vector<16xi32>,
      %add3A_2253 = arith.constant 128 : i32
      %add3A_2254 = vector.broadcast %add3A_2253 : i32 to vector<16xi32>
      %add3A_2255 = arith.addi %broadcast_in_dim3A_2212, %add3A_2254 : vector<16xi32>
      %add3A_2256 = arith.addi %add3A_2255, %iota3A : vector<16xi32>
      %gather3A_2257 = tpu.vector_load_idx %arg15[%add3A_2256] : memref<6400xi32, #tpu.memory_space<vmem>>[vector<16xi32>], vector<16xi32>,
      %add3A_2258 = arith.constant 144 : i32
      %add3A_2259 = vector.broadcast %add3A_2258 : i32 to vector<16xi32>
      %add3A_2260 = arith.addi %broadcast_in_dim3A_2212, %add3A_2259 : vector<16xi32>
      %add3A_2261 = arith.addi %add3A_2260, %iota3A : vector<16xi32>
      %gather3A_2262 = tpu.vector_load_idx %arg15[%add3A_2261] : memref<6400xi32, #tpu.memory_space<vmem>>[vector<16xi32>], vector<16xi32>,
      %add3A_2263 = arith.constant 160 : i32
      %add3A_2264 = vector.broadcast %add3A_2263 : i32 to vector<16xi32>
      %add3A_2265 = arith.addi %broadcast_in_dim3A_2212, %add3A_2264 : vector<16xi32>
      %add3A_2266 = arith.addi %add3A_2265, %iota3A : vector<16xi32>
      %gather3A_2267 = tpu.vector_load_idx %arg15[%add3A_2266] : memref<6400xi32, #tpu.memory_space<vmem>>[vector<16xi32>], vector<16xi32>,
      %add3A_2268 = arith.constant 176 : i32
      %add3A_2269 = vector.broadcast %add3A_2268 : i32 to vector<16xi32>
      %add3A_2270 = arith.addi %broadcast_in_dim3A_2212, %add3A_2269 : vector<16xi32>
      %add3A_2271 = arith.addi %add3A_2270, %iota3A : vector<16xi32>
      %gather3A_2272 = tpu.vector_load_idx %arg15[%add3A_2271] : memref<6400xi32, #tpu.memory_space<vmem>>[vector<16xi32>], vector<16xi32>,
      %add3A_2273 = arith.constant 192 : i32
      %add3A_2274 = vector.broadcast %add3A_2273 : i32 to vector<16xi32>
      %add3A_2275 = arith.addi %broadcast_in_dim3A_2212, %add3A_2274 : vector<16xi32>
      %add3A_2276 = arith.addi %add3A_2275, %iota3A : vector<16xi32>
      %gather3A_2277 = tpu.vector_load_idx %arg15[%add3A_2276] : memref<6400xi32, #tpu.memory_space<vmem>>[vector<16xi32>], vector<16xi32>,
      %broadcast_in_dim3A_2278 = vector.broadcast %mul3A_4 : i32 to vector<16xi32>
      %add3A_2279 = arith.addi %broadcast_in_dim3A_2278, %broadcast_in_dim3A_2209 : vector<16xi32>
      %gather3A_2280 = tpu.vector_load_idx %arg17[%add3A_2279] : memref<3072xi32, #tpu.memory_space<vmem>>[vector<16xi32>], vector<16xi32>,
      %broadcast_in_dim3A_2281 = arith.constant 0.000000e+00 : f32
      %broadcast_in_dim3A_2282 = vector.broadcast %broadcast_in_dim3A_2281 : f32 to vector<16xf32>
      %broadcast_in_dim3A_2283 = arith.constant 0.000000e+00 : f32
      %broadcast_in_dim3A_2284 = vector.broadcast %broadcast_in_dim3A_2283 : f32 to vector<16xf32>
      %broadcast_in_dim3A_2285 = arith.constant 0.000000e+00 : f32
      %broadcast_in_dim3A_2286 = vector.broadcast %broadcast_in_dim3A_2285 : f32 to vector<16xf32>
      %broadcast_in_dim3A_2287 = arith.constant 0.000000e+00 : f32
      %broadcast_in_dim3A_2288 = vector.broadcast %broadcast_in_dim3A_2287 : f32 to vector<16xf32>
      %broadcast_in_dim3A_2289 = arith.constant 0.000000e+00 : f32
      %broadcast_in_dim3A_2290 = vector.broadcast %broadcast_in_dim3A_2289 : f32 to vector<16xf32>
      %broadcast_in_dim3A_2291 = arith.constant 0.000000e+00 : f32
      %broadcast_in_dim3A_2292 = vector.broadcast %broadcast_in_dim3A_2291 : f32 to vector<16xf32>
      %broadcast_in_dim3A_2293 = arith.constant 0.000000e+00 : f32
      %broadcast_in_dim3A_2294 = vector.broadcast %broadcast_in_dim3A_2293 : f32 to vector<16xf32>
      %broadcast_in_dim3A_2295 = arith.constant 0.000000e+00 : f32
      %broadcast_in_dim3A_2296 = vector.broadcast %broadcast_in_dim3A_2295 : f32 to vector<16xf32>
      %broadcast_in_dim3A_2297 = arith.constant 0.000000e+00 : f32
      %broadcast_in_dim3A_2298 = vector.broadcast %broadcast_in_dim3A_2297 : f32 to vector<16xf32>
      %broadcast_in_dim3A_2299 = arith.constant 0.000000e+00 : f32
      %broadcast_in_dim3A_2300 = vector.broadcast %broadcast_in_dim3A_2299 : f32 to vector<16xf32>
      %broadcast_in_dim3A_2301 = arith.constant 0.000000e+00 : f32
      %broadcast_in_dim3A_2302 = vector.broadcast %broadcast_in_dim3A_2301 : f32 to vector<16xf32>
      %broadcast_in_dim3A_2303 = arith.constant 0.000000e+00 : f32
      %broadcast_in_dim3A_2304 = vector.broadcast %broadcast_in_dim3A_2303 : f32 to vector<16xf32>
      %broadcast_in_dim3A_2305 = arith.constant 0.000000e+00 : f32
      %broadcast_in_dim3A_2306 = vector.broadcast %broadcast_in_dim3A_2305 : f32 to vector<16xf32>
      %scan3A_2307 = arith.constant 0 : i32
      %scan3A_2308 = arith.constant 32 : i32
      %scan3A_2309 = arith.addi %scan3A_2307, %scan3A_2308 : i32
      %scan3A_2310 = arith.constant 1 : i32
      %scan3A_2311:13 = scf.for %scan3A_2459 = %scan3A_2307 to %scan3A_2309 step %scan3A_2310 iter_args(%scan3A_2460 = %broadcast_in_dim3A_2282, %scan3A_2461 = %broadcast_in_dim3A_2284, %scan3A_2462 = %broadcast_in_dim3A_2286, %scan3A_2463 = %broadcast_in_dim3A_2288, %scan3A_2464 = %broadcast_in_dim3A_2290, %scan3A_2465 = %broadcast_in_dim3A_2292, %scan3A_2466 = %broadcast_in_dim3A_2294, %scan3A_2467 = %broadcast_in_dim3A_2296, %scan3A_2468 = %broadcast_in_dim3A_2298, %scan3A_2469 = %broadcast_in_dim3A_2300, %scan3A_2470 = %broadcast_in_dim3A_2302, %scan3A_2471 = %broadcast_in_dim3A_2304, %scan3A_2472 = %broadcast_in_dim3A_2306) -> (vector<16xf32>, vector<16xf32>, vector<16xf32>, vector<16xf32>, vector<16xf32>, vector<16xf32>, vector<16xf32>, vector<16xf32>, vector<16xf32>, vector<16xf32>, vector<16xf32>, vector<16xf32>, vector<16xf32>)  : i32 {
        %add3A_2473 = vector.broadcast %scan3A_2459 : i32 to vector<16xi32>
        %add3A_2474 = arith.addi %gather3A_2280, %add3A_2473 : vector<16xi32>
        %gather3A_2475 = tpu.vector_load_idx %arg22[%broadcast_in_dim3A_2209, %add3A_2474] : memref<96x128xf32, #tpu.memory_space<vmem>>[vector<16xi32>, vector<16xi32>], vector<16xf32>,
        %add3A_2476 = vector.broadcast %scan3A_2459 : i32 to vector<16xi32>
        %add3A_2477 = arith.addi %gather3A_2217, %add3A_2476 : vector<16xi32>
        %gather3A_2478 = tpu.vector_load_idx %arg21[%add3A_1698, %add3A_2477] : memref<208x128xf32, #tpu.memory_space<vmem>>[vector<16xi32>, vector<16xi32>], vector<16xf32>,
        %mul3A_2479 = arith.mulf %gather3A_2478, %gather3A_2475 : vector<16xf32>
        %add3A_2480 = arith.addf %scan3A_2460, %mul3A_2479 : vector<16xf32>
        %add3A_2481 = vector.broadcast %scan3A_2459 : i32 to vector<16xi32>
        %add3A_2482 = arith.addi %gather3A_2222, %add3A_2481 : vector<16xi32>
        %gather3A_2483 = tpu.vector_load_idx %arg21[%add3A_1701, %add3A_2482] : memref<208x128xf32, #tpu.memory_space<vmem>>[vector<16xi32>, vector<16xi32>], vector<16xf32>,
        %mul3A_2484 = arith.mulf %gather3A_2483, %gather3A_2475 : vector<16xf32>
        %add3A_2485 = arith.addf %scan3A_2461, %mul3A_2484 : vector<16xf32>
        %add3A_2486 = vector.broadcast %scan3A_2459 : i32 to vector<16xi32>
        %add3A_2487 = arith.addi %gather3A_2227, %add3A_2486 : vector<16xi32>
        %gather3A_2488 = tpu.vector_load_idx %arg21[%add3A_1704, %add3A_2487] : memref<208x128xf32, #tpu.memory_space<vmem>>[vector<16xi32>, vector<16xi32>], vector<16xf32>,
        %mul3A_2489 = arith.mulf %gather3A_2488, %gather3A_2475 : vector<16xf32>
        %add3A_2490 = arith.addf %scan3A_2462, %mul3A_2489 : vector<16xf32>
        %add3A_2491 = vector.broadcast %scan3A_2459 : i32 to vector<16xi32>
        %add3A_2492 = arith.addi %gather3A_2232, %add3A_2491 : vector<16xi32>
        %gather3A_2493 = tpu.vector_load_idx %arg21[%add3A_1707, %add3A_2492] : memref<208x128xf32, #tpu.memory_space<vmem>>[vector<16xi32>, vector<16xi32>], vector<16xf32>,
        %mul3A_2494 = arith.mulf %gather3A_2493, %gather3A_2475 : vector<16xf32>
        %add3A_2495 = arith.addf %scan3A_2463, %mul3A_2494 : vector<16xf32>
        %add3A_2496 = vector.broadcast %scan3A_2459 : i32 to vector<16xi32>
        %add3A_2497 = arith.addi %gather3A_2237, %add3A_2496 : vector<16xi32>
        %gather3A_2498 = tpu.vector_load_idx %arg21[%add3A_1710, %add3A_2497] : memref<208x128xf32, #tpu.memory_space<vmem>>[vector<16xi32>, vector<16xi32>], vector<16xf32>,
        %mul3A_2499 = arith.mulf %gather3A_2498, %gather3A_2475 : vector<16xf32>
        %add3A_2500 = arith.addf %scan3A_2464, %mul3A_2499 : vector<16xf32>
        %add3A_2501 = vector.broadcast %scan3A_2459 : i32 to vector<16xi32>
        %add3A_2502 = arith.addi %gather3A_2242, %add3A_2501 : vector<16xi32>
        %gather3A_2503 = tpu.vector_load_idx %arg21[%add3A_1713, %add3A_2502] : memref<208x128xf32, #tpu.memory_space<vmem>>[vector<16xi32>, vector<16xi32>], vector<16xf32>,
        %mul3A_2504 = arith.mulf %gather3A_2503, %gather3A_2475 : vector<16xf32>
        %add3A_2505 = arith.addf %scan3A_2465, %mul3A_2504 : vector<16xf32>
        %add3A_2506 = vector.broadcast %scan3A_2459 : i32 to vector<16xi32>
        %add3A_2507 = arith.addi %gather3A_2247, %add3A_2506 : vector<16xi32>
        %gather3A_2508 = tpu.vector_load_idx %arg21[%add3A_1716, %add3A_2507] : memref<208x128xf32, #tpu.memory_space<vmem>>[vector<16xi32>, vector<16xi32>], vector<16xf32>,
        %mul3A_2509 = arith.mulf %gather3A_2508, %gather3A_2475 : vector<16xf32>
        %add3A_2510 = arith.addf %scan3A_2466, %mul3A_2509 : vector<16xf32>
        %add3A_2511 = vector.broadcast %scan3A_2459 : i32 to vector<16xi32>
        %add3A_2512 = arith.addi %gather3A_2252, %add3A_2511 : vector<16xi32>
        %gather3A_2513 = tpu.vector_load_idx %arg21[%add3A_1719, %add3A_2512] : memref<208x128xf32, #tpu.memory_space<vmem>>[vector<16xi32>, vector<16xi32>], vector<16xf32>,
        %mul3A_2514 = arith.mulf %gather3A_2513, %gather3A_2475 : vector<16xf32>
        %add3A_2515 = arith.addf %scan3A_2467, %mul3A_2514 : vector<16xf32>
        %add3A_2516 = vector.broadcast %scan3A_2459 : i32 to vector<16xi32>
        %add3A_2517 = arith.addi %gather3A_2257, %add3A_2516 : vector<16xi32>
        %gather3A_2518 = tpu.vector_load_idx %arg21[%add3A_1722, %add3A_2517] : memref<208x128xf32, #tpu.memory_space<vmem>>[vector<16xi32>, vector<16xi32>], vector<16xf32>,
        %mul3A_2519 = arith.mulf %gather3A_2518, %gather3A_2475 : vector<16xf32>
        %add3A_2520 = arith.addf %scan3A_2468, %mul3A_2519 : vector<16xf32>
        %add3A_2521 = vector.broadcast %scan3A_2459 : i32 to vector<16xi32>
        %add3A_2522 = arith.addi %gather3A_2262, %add3A_2521 : vector<16xi32>
        %gather3A_2523 = tpu.vector_load_idx %arg21[%add3A_1725, %add3A_2522] : memref<208x128xf32, #tpu.memory_space<vmem>>[vector<16xi32>, vector<16xi32>], vector<16xf32>,
        %mul3A_2524 = arith.mulf %gather3A_2523, %gather3A_2475 : vector<16xf32>
        %add3A_2525 = arith.addf %scan3A_2469, %mul3A_2524 : vector<16xf32>
        %add3A_2526 = vector.broadcast %scan3A_2459 : i32 to vector<16xi32>
        %add3A_2527 = arith.addi %gather3A_2267, %add3A_2526 : vector<16xi32>
        %gather3A_2528 = tpu.vector_load_idx %arg21[%add3A_1728, %add3A_2527] : memref<208x128xf32, #tpu.memory_space<vmem>>[vector<16xi32>, vector<16xi32>], vector<16xf32>,
        %mul3A_2529 = arith.mulf %gather3A_2528, %gather3A_2475 : vector<16xf32>
        %add3A_2530 = arith.addf %scan3A_2470, %mul3A_2529 : vector<16xf32>
        %add3A_2531 = vector.broadcast %scan3A_2459 : i32 to vector<16xi32>
        %add3A_2532 = arith.addi %gather3A_2272, %add3A_2531 : vector<16xi32>
        %gather3A_2533 = tpu.vector_load_idx %arg21[%add3A_1731, %add3A_2532] : memref<208x128xf32, #tpu.memory_space<vmem>>[vector<16xi32>, vector<16xi32>], vector<16xf32>,
        %mul3A_2534 = arith.mulf %gather3A_2533, %gather3A_2475 : vector<16xf32>
        %add3A_2535 = arith.addf %scan3A_2471, %mul3A_2534 : vector<16xf32>
        %add3A_2536 = vector.broadcast %scan3A_2459 : i32 to vector<16xi32>
        %add3A_2537 = arith.addi %gather3A_2277, %add3A_2536 : vector<16xi32>
        %gather3A_2538 = tpu.vector_load_idx %arg21[%add3A_1734, %add3A_2537] : memref<208x128xf32, #tpu.memory_space<vmem>>[vector<16xi32>, vector<16xi32>], vector<16xf32>,
        %mul3A_2539 = arith.mulf %gather3A_2538, %gather3A_2475 : vector<16xf32>
        %add3A_2540 = arith.addf %scan3A_2472, %mul3A_2539 : vector<16xf32>
        scf.yield %add3A_2480, %add3A_2485, %add3A_2490, %add3A_2495, %add3A_2500, %add3A_2505, %add3A_2510, %add3A_2515, %add3A_2520, %add3A_2525, %add3A_2530, %add3A_2535, %add3A_2540 : vector<16xf32>, vector<16xf32>, vector<16xf32>, vector<16xf32>, vector<16xf32>, vector<16xf32>, vector<16xf32>, vector<16xf32>, vector<16xf32>, vector<16xf32>, vector<16xf32>, vector<16xf32>, vector<16xf32>
      }
      %scan3A_2312 = arith.constant 32 : i32
      %jit3A_2313 = arith.constant -1.000000e+30 : f32
      %broadcast_in_dim3A_2314 = vector.broadcast %jit3A_2313 : f32 to vector<16xf32>
      %select_n3A_2315 = arith.select %lt3A_1736, %scan3A_2311#12, %broadcast_in_dim3A_2314 : vector<16xi1>, vector<16xf32>
      %max3A_2316 = arith.maximumf %scan3A_2311#0, %scan3A_2311#1 : vector<16xf32>
      %max3A_2317 = arith.maximumf %max3A_2316, %scan3A_2311#2 : vector<16xf32>
      %max3A_2318 = arith.maximumf %max3A_2317, %scan3A_2311#3 : vector<16xf32>
      %max3A_2319 = arith.maximumf %max3A_2318, %scan3A_2311#4 : vector<16xf32>
      %max3A_2320 = arith.maximumf %max3A_2319, %scan3A_2311#5 : vector<16xf32>
      %max3A_2321 = arith.maximumf %max3A_2320, %scan3A_2311#6 : vector<16xf32>
      %max3A_2322 = arith.maximumf %max3A_2321, %scan3A_2311#7 : vector<16xf32>
      %max3A_2323 = arith.maximumf %max3A_2322, %scan3A_2311#8 : vector<16xf32>
      %max3A_2324 = arith.maximumf %max3A_2323, %scan3A_2311#9 : vector<16xf32>
      %max3A_2325 = arith.maximumf %max3A_2324, %scan3A_2311#10 : vector<16xf32>
      %max3A_2326 = arith.maximumf %max3A_2325, %scan3A_2311#11 : vector<16xf32>
      %max3A_2327 = arith.maximumf %max3A_2326, %select_n3A_2315 : vector<16xf32>
      %reduce_max3A_2328 = arith.constant true
      %reduce_max3A_2329 = vector.broadcast %reduce_max3A_2328 : i1 to vector<16xi1>
      %reduce_max3A_2330 = tpu.scan <max>, %max3A_2327 masked %reduce_max3A_2329 : vector<16xf32>, vector<16xi1> -> vector<16xf32>
      %reduce_max3A_2331 = vector.extract %reduce_max3A_2330[15] : f32 from vector<16xf32>
      %sub3A_2332 = vector.broadcast %reduce_max3A_2331 : f32 to vector<16xf32>
      %sub3A_2333 = arith.subf %scan3A_2311#0, %sub3A_2332 : vector<16xf32>
      %exp3A_2334 = math.exp %sub3A_2333 : vector<16xf32>
      %sub3A_2335 = vector.broadcast %reduce_max3A_2331 : f32 to vector<16xf32>
      %sub3A_2336 = arith.subf %scan3A_2311#1, %sub3A_2335 : vector<16xf32>
      %exp3A_2337 = math.exp %sub3A_2336 : vector<16xf32>
      %sub3A_2338 = vector.broadcast %reduce_max3A_2331 : f32 to vector<16xf32>
      %sub3A_2339 = arith.subf %scan3A_2311#2, %sub3A_2338 : vector<16xf32>
      %exp3A_2340 = math.exp %sub3A_2339 : vector<16xf32>
      %sub3A_2341 = vector.broadcast %reduce_max3A_2331 : f32 to vector<16xf32>
      %sub3A_2342 = arith.subf %scan3A_2311#3, %sub3A_2341 : vector<16xf32>
      %exp3A_2343 = math.exp %sub3A_2342 : vector<16xf32>
      %sub3A_2344 = vector.broadcast %reduce_max3A_2331 : f32 to vector<16xf32>
      %sub3A_2345 = arith.subf %scan3A_2311#4, %sub3A_2344 : vector<16xf32>
      %exp3A_2346 = math.exp %sub3A_2345 : vector<16xf32>
      %sub3A_2347 = vector.broadcast %reduce_max3A_2331 : f32 to vector<16xf32>
      %sub3A_2348 = arith.subf %scan3A_2311#5, %sub3A_2347 : vector<16xf32>
      %exp3A_2349 = math.exp %sub3A_2348 : vector<16xf32>
      %sub3A_2350 = vector.broadcast %reduce_max3A_2331 : f32 to vector<16xf32>
      %sub3A_2351 = arith.subf %scan3A_2311#6, %sub3A_2350 : vector<16xf32>
      %exp3A_2352 = math.exp %sub3A_2351 : vector<16xf32>
      %sub3A_2353 = vector.broadcast %reduce_max3A_2331 : f32 to vector<16xf32>
      %sub3A_2354 = arith.subf %scan3A_2311#7, %sub3A_2353 : vector<16xf32>
      %exp3A_2355 = math.exp %sub3A_2354 : vector<16xf32>
      %sub3A_2356 = vector.broadcast %reduce_max3A_2331 : f32 to vector<16xf32>
      %sub3A_2357 = arith.subf %scan3A_2311#8, %sub3A_2356 : vector<16xf32>
      %exp3A_2358 = math.exp %sub3A_2357 : vector<16xf32>
      %sub3A_2359 = vector.broadcast %reduce_max3A_2331 : f32 to vector<16xf32>
      %sub3A_2360 = arith.subf %scan3A_2311#9, %sub3A_2359 : vector<16xf32>
      %exp3A_2361 = math.exp %sub3A_2360 : vector<16xf32>
      %sub3A_2362 = vector.broadcast %reduce_max3A_2331 : f32 to vector<16xf32>
      %sub3A_2363 = arith.subf %scan3A_2311#10, %sub3A_2362 : vector<16xf32>
      %exp3A_2364 = math.exp %sub3A_2363 : vector<16xf32>
      %sub3A_2365 = vector.broadcast %reduce_max3A_2331 : f32 to vector<16xf32>
      %sub3A_2366 = arith.subf %scan3A_2311#11, %sub3A_2365 : vector<16xf32>
      %exp3A_2367 = math.exp %sub3A_2366 : vector<16xf32>
      %sub3A_2368 = vector.broadcast %reduce_max3A_2331 : f32 to vector<16xf32>
      %sub3A_2369 = arith.subf %select_n3A_2315, %sub3A_2368 : vector<16xf32>
      %exp3A_2370 = math.exp %sub3A_2369 : vector<16xf32>
      %add3A_2371 = arith.addf %exp3A_2334, %exp3A_2337 : vector<16xf32>
      %add3A_2372 = arith.addf %add3A_2371, %exp3A_2340 : vector<16xf32>
      %add3A_2373 = arith.addf %add3A_2372, %exp3A_2343 : vector<16xf32>
      %add3A_2374 = arith.addf %add3A_2373, %exp3A_2346 : vector<16xf32>
      %add3A_2375 = arith.addf %add3A_2374, %exp3A_2349 : vector<16xf32>
      %add3A_2376 = arith.addf %add3A_2375, %exp3A_2352 : vector<16xf32>
      %add3A_2377 = arith.addf %add3A_2376, %exp3A_2355 : vector<16xf32>
      %add3A_2378 = arith.addf %add3A_2377, %exp3A_2358 : vector<16xf32>
      %add3A_2379 = arith.addf %add3A_2378, %exp3A_2361 : vector<16xf32>
      %add3A_2380 = arith.addf %add3A_2379, %exp3A_2364 : vector<16xf32>
      %add3A_2381 = arith.addf %add3A_2380, %exp3A_2367 : vector<16xf32>
      %add3A_2382 = arith.addf %add3A_2381, %exp3A_2370 : vector<16xf32>
      %reduce_sum3A_2383 = arith.constant true
      %reduce_sum3A_2384 = vector.broadcast %reduce_sum3A_2383 : i1 to vector<16xi1>
      %reduce_sum3A_2385 = tpu.scan <sum>, %add3A_2382 masked %reduce_sum3A_2384 : vector<16xf32>, vector<16xi1> -> vector<16xf32>
      %reduce_sum3A_2386 = vector.extract %reduce_sum3A_2385[15] : f32 from vector<16xf32>
      %broadcast_in_dim3A_2387 = vector.broadcast %reduce_sum3A_2386 : f32 to vector<16xf32>
      %div3A_2388 = arith.constant 1.000000e+00 : f32
      %div3A_2389 = vector.broadcast %div3A_2388 : f32 to vector<16xf32>
      %div3A_2390 = arith.divf %div3A_2389, %broadcast_in_dim3A_2387 : vector<16xf32>
      %add3A_2391 = arith.constant 0 : i32
      %add3A_2392 = vector.broadcast %add3A_2391 : i32 to vector<16xi32>
      %add3A_2393 = arith.addi %add3A_2392, %iota3A : vector<16xi32>
      %mul3A_2394 = arith.mulf %exp3A_2334, %div3A_2390 : vector<16xf32>
      tpu.vector_store_idx %arg27[%add3A_2393], %mul3A_2394 : memref<208xf32, #tpu.memory_space<vmem>>[vector<16xi32>], vector<16xf32>,
      %add3A_2395 = arith.constant 16 : i32
      %add3A_2396 = vector.broadcast %add3A_2395 : i32 to vector<16xi32>
      %add3A_2397 = arith.addi %add3A_2396, %iota3A : vector<16xi32>
      %mul3A_2398 = arith.mulf %exp3A_2337, %div3A_2390 : vector<16xf32>
      tpu.vector_store_idx %arg27[%add3A_2397], %mul3A_2398 : memref<208xf32, #tpu.memory_space<vmem>>[vector<16xi32>], vector<16xf32>,
      %add3A_2399 = arith.constant 32 : i32
      %add3A_2400 = vector.broadcast %add3A_2399 : i32 to vector<16xi32>
      %add3A_2401 = arith.addi %add3A_2400, %iota3A : vector<16xi32>
      %mul3A_2402 = arith.mulf %exp3A_2340, %div3A_2390 : vector<16xf32>
      tpu.vector_store_idx %arg27[%add3A_2401], %mul3A_2402 : memref<208xf32, #tpu.memory_space<vmem>>[vector<16xi32>], vector<16xf32>,
      %add3A_2403 = arith.constant 48 : i32
      %add3A_2404 = vector.broadcast %add3A_2403 : i32 to vector<16xi32>
      %add3A_2405 = arith.addi %add3A_2404, %iota3A : vector<16xi32>
      %mul3A_2406 = arith.mulf %exp3A_2343, %div3A_2390 : vector<16xf32>
      tpu.vector_store_idx %arg27[%add3A_2405], %mul3A_2406 : memref<208xf32, #tpu.memory_space<vmem>>[vector<16xi32>], vector<16xf32>,
      %add3A_2407 = arith.constant 64 : i32
      %add3A_2408 = vector.broadcast %add3A_2407 : i32 to vector<16xi32>
      %add3A_2409 = arith.addi %add3A_2408, %iota3A : vector<16xi32>
      %mul3A_2410 = arith.mulf %exp3A_2346, %div3A_2390 : vector<16xf32>
      tpu.vector_store_idx %arg27[%add3A_2409], %mul3A_2410 : memref<208xf32, #tpu.memory_space<vmem>>[vector<16xi32>], vector<16xf32>,
      %add3A_2411 = arith.constant 80 : i32
      %add3A_2412 = vector.broadcast %add3A_2411 : i32 to vector<16xi32>
      %add3A_2413 = arith.addi %add3A_2412, %iota3A : vector<16xi32>
      %mul3A_2414 = arith.mulf %exp3A_2349, %div3A_2390 : vector<16xf32>
      tpu.vector_store_idx %arg27[%add3A_2413], %mul3A_2414 : memref<208xf32, #tpu.memory_space<vmem>>[vector<16xi32>], vector<16xf32>,
      %add3A_2415 = arith.constant 96 : i32
      %add3A_2416 = vector.broadcast %add3A_2415 : i32 to vector<16xi32>
      %add3A_2417 = arith.addi %add3A_2416, %iota3A : vector<16xi32>
      %mul3A_2418 = arith.mulf %exp3A_2352, %div3A_2390 : vector<16xf32>
      tpu.vector_store_idx %arg27[%add3A_2417], %mul3A_2418 : memref<208xf32, #tpu.memory_space<vmem>>[vector<16xi32>], vector<16xf32>,
      %add3A_2419 = arith.constant 112 : i32
      %add3A_2420 = vector.broadcast %add3A_2419 : i32 to vector<16xi32>
      %add3A_2421 = arith.addi %add3A_2420, %iota3A : vector<16xi32>
      %mul3A_2422 = arith.mulf %exp3A_2355, %div3A_2390 : vector<16xf32>
      tpu.vector_store_idx %arg27[%add3A_2421], %mul3A_2422 : memref<208xf32, #tpu.memory_space<vmem>>[vector<16xi32>], vector<16xf32>,
      %add3A_2423 = arith.constant 128 : i32
      %add3A_2424 = vector.broadcast %add3A_2423 : i32 to vector<16xi32>
      %add3A_2425 = arith.addi %add3A_2424, %iota3A : vector<16xi32>
      %mul3A_2426 = arith.mulf %exp3A_2358, %div3A_2390 : vector<16xf32>
      tpu.vector_store_idx %arg27[%add3A_2425], %mul3A_2426 : memref<208xf32, #tpu.memory_space<vmem>>[vector<16xi32>], vector<16xf32>,
      %add3A_2427 = arith.constant 144 : i32
      %add3A_2428 = vector.broadcast %add3A_2427 : i32 to vector<16xi32>
      %add3A_2429 = arith.addi %add3A_2428, %iota3A : vector<16xi32>
      %mul3A_2430 = arith.mulf %exp3A_2361, %div3A_2390 : vector<16xf32>
      tpu.vector_store_idx %arg27[%add3A_2429], %mul3A_2430 : memref<208xf32, #tpu.memory_space<vmem>>[vector<16xi32>], vector<16xf32>,
      %add3A_2431 = arith.constant 160 : i32
      %add3A_2432 = vector.broadcast %add3A_2431 : i32 to vector<16xi32>
      %add3A_2433 = arith.addi %add3A_2432, %iota3A : vector<16xi32>
      %mul3A_2434 = arith.mulf %exp3A_2364, %div3A_2390 : vector<16xf32>
      tpu.vector_store_idx %arg27[%add3A_2433], %mul3A_2434 : memref<208xf32, #tpu.memory_space<vmem>>[vector<16xi32>], vector<16xf32>,
      %add3A_2435 = arith.constant 176 : i32
      %add3A_2436 = vector.broadcast %add3A_2435 : i32 to vector<16xi32>
      %add3A_2437 = arith.addi %add3A_2436, %iota3A : vector<16xi32>
      %mul3A_2438 = arith.mulf %exp3A_2367, %div3A_2390 : vector<16xf32>
      tpu.vector_store_idx %arg27[%add3A_2437], %mul3A_2438 : memref<208xf32, #tpu.memory_space<vmem>>[vector<16xi32>], vector<16xf32>,
      %add3A_2439 = arith.constant 192 : i32
      %add3A_2440 = vector.broadcast %add3A_2439 : i32 to vector<16xi32>
      %add3A_2441 = arith.addi %add3A_2440, %iota3A : vector<16xi32>
      %mul3A_2442 = arith.mulf %exp3A_2370, %div3A_2390 : vector<16xf32>
      tpu.vector_store_idx %arg27[%add3A_2441], %mul3A_2442 : memref<208xf32, #tpu.memory_space<vmem>>[vector<16xi32>], vector<16xf32>,
      %broadcast_in_dim3A_2443 = arith.constant 0.000000e+00 : f32
      %broadcast_in_dim3A_2444 = vector.broadcast %broadcast_in_dim3A_2443 : f32 to vector<16xf32>
      %broadcast_in_dim3A_2445 = arith.constant 0.000000e+00 : f32
      %broadcast_in_dim3A_2446 = vector.broadcast %broadcast_in_dim3A_2445 : f32 to vector<16xf32>
      %scan3A_2447 = arith.constant 0 : i32
      %scan3A_2448 = arith.constant 50 : i32
      %scan3A_2449 = arith.addi %scan3A_2447, %scan3A_2448 : i32
      %scan3A_2450 = arith.constant 1 : i32
      %scan3A_2451:2 = scf.for %scan3A_2459 = %scan3A_2447 to %scan3A_2449 step %scan3A_2450 iter_args(%scan3A_2460 = %broadcast_in_dim3A_2444, %scan3A_2461 = %broadcast_in_dim3A_2446) -> (vector<16xf32>, vector<16xf32>)  : i32 {
        %mul3A_2462 = arith.constant 4 : i32
        %mul3A_2463 = arith.muli %scan3A_2459, %mul3A_2462 : i32
        %add3A_2464 = arith.constant 0 : i32
        %add3A_2465 = arith.addi %mul3A_2463, %add3A_2464 : i32
        %broadcast_in_dim3A_2466 = vector.broadcast %add3A_2465 : i32 to vector<16xi32>
        %gather3A_2467 = tpu.vector_load_idx %arg27[%broadcast_in_dim3A_2466] : memref<208xf32, #tpu.memory_space<vmem>>[vector<16xi32>], vector<16xf32>,
        %add3A_2468 = arith.addi %broadcast_in_dim3A_2212, %broadcast_in_dim3A_2466 : vector<16xi32>
        %gather3A_2469 = tpu.vector_load_idx %arg15[%add3A_2468] : memref<6400xi32, #tpu.memory_space<vmem>>[vector<16xi32>], vector<16xi32>,
        %add3A_2470 = arith.addi %gather3A_2469, %iota3A : vector<16xi32>
        %gather3A_2471 = tpu.vector_load_idx %arg21[%broadcast_in_dim3A_2466, %add3A_2470] : memref<208x128xf32, #tpu.memory_space<vmem>>[vector<16xi32>, vector<16xi32>], vector<16xf32>,
        %mul3A_2472 = arith.mulf %gather3A_2467, %gather3A_2471 : vector<16xf32>
        %add3A_2473 = arith.addf %scan3A_2460, %mul3A_2472 : vector<16xf32>
        %add3A_2474 = arith.addi %gather3A_2469, %add3A_7 : vector<16xi32>
        %gather3A_2475 = tpu.vector_load_idx %arg21[%broadcast_in_dim3A_2466, %add3A_2474] : memref<208x128xf32, #tpu.memory_space<vmem>>[vector<16xi32>, vector<16xi32>], vector<16xf32>,
        %mul3A_2476 = arith.mulf %gather3A_2467, %gather3A_2475 : vector<16xf32>
        %add3A_2477 = arith.addf %scan3A_2461, %mul3A_2476 : vector<16xf32>
        %mul3A_2478 = arith.constant 4 : i32
        %mul3A_2479 = arith.muli %scan3A_2459, %mul3A_2478 : i32
        %add3A_2480 = arith.constant 1 : i32
        %add3A_2481 = arith.addi %mul3A_2479, %add3A_2480 : i32
        %broadcast_in_dim3A_2482 = vector.broadcast %add3A_2481 : i32 to vector<16xi32>
        %gather3A_2483 = tpu.vector_load_idx %arg27[%broadcast_in_dim3A_2482] : memref<208xf32, #tpu.memory_space<vmem>>[vector<16xi32>], vector<16xf32>,
        %add3A_2484 = arith.addi %broadcast_in_dim3A_2212, %broadcast_in_dim3A_2482 : vector<16xi32>
        %gather3A_2485 = tpu.vector_load_idx %arg15[%add3A_2484] : memref<6400xi32, #tpu.memory_space<vmem>>[vector<16xi32>], vector<16xi32>,
        %add3A_2486 = arith.addi %gather3A_2485, %iota3A : vector<16xi32>
        %gather3A_2487 = tpu.vector_load_idx %arg21[%broadcast_in_dim3A_2482, %add3A_2486] : memref<208x128xf32, #tpu.memory_space<vmem>>[vector<16xi32>, vector<16xi32>], vector<16xf32>,
        %mul3A_2488 = arith.mulf %gather3A_2483, %gather3A_2487 : vector<16xf32>
        %add3A_2489 = arith.addf %add3A_2473, %mul3A_2488 : vector<16xf32>
        %add3A_2490 = arith.addi %gather3A_2485, %add3A_7 : vector<16xi32>
        %gather3A_2491 = tpu.vector_load_idx %arg21[%broadcast_in_dim3A_2482, %add3A_2490] : memref<208x128xf32, #tpu.memory_space<vmem>>[vector<16xi32>, vector<16xi32>], vector<16xf32>,
        %mul3A_2492 = arith.mulf %gather3A_2483, %gather3A_2491 : vector<16xf32>
        %add3A_2493 = arith.addf %add3A_2477, %mul3A_2492 : vector<16xf32>
        %mul3A_2494 = arith.constant 4 : i32
        %mul3A_2495 = arith.muli %scan3A_2459, %mul3A_2494 : i32
        %add3A_2496 = arith.constant 2 : i32
        %add3A_2497 = arith.addi %mul3A_2495, %add3A_2496 : i32
        %broadcast_in_dim3A_2498 = vector.broadcast %add3A_2497 : i32 to vector<16xi32>
        %gather3A_2499 = tpu.vector_load_idx %arg27[%broadcast_in_dim3A_2498] : memref<208xf32, #tpu.memory_space<vmem>>[vector<16xi32>], vector<16xf32>,
        %add3A_2500 = arith.addi %broadcast_in_dim3A_2212, %broadcast_in_dim3A_2498 : vector<16xi32>
        %gather3A_2501 = tpu.vector_load_idx %arg15[%add3A_2500] : memref<6400xi32, #tpu.memory_space<vmem>>[vector<16xi32>], vector<16xi32>,
        %add3A_2502 = arith.addi %gather3A_2501, %iota3A : vector<16xi32>
        %gather3A_2503 = tpu.vector_load_idx %arg21[%broadcast_in_dim3A_2498, %add3A_2502] : memref<208x128xf32, #tpu.memory_space<vmem>>[vector<16xi32>, vector<16xi32>], vector<16xf32>,
        %mul3A_2504 = arith.mulf %gather3A_2499, %gather3A_2503 : vector<16xf32>
        %add3A_2505 = arith.addf %add3A_2489, %mul3A_2504 : vector<16xf32>
        %add3A_2506 = arith.addi %gather3A_2501, %add3A_7 : vector<16xi32>
        %gather3A_2507 = tpu.vector_load_idx %arg21[%broadcast_in_dim3A_2498, %add3A_2506] : memref<208x128xf32, #tpu.memory_space<vmem>>[vector<16xi32>, vector<16xi32>], vector<16xf32>,
        %mul3A_2508 = arith.mulf %gather3A_2499, %gather3A_2507 : vector<16xf32>
        %add3A_2509 = arith.addf %add3A_2493, %mul3A_2508 : vector<16xf32>
        %mul3A_2510 = arith.constant 4 : i32
        %mul3A_2511 = arith.muli %scan3A_2459, %mul3A_2510 : i32
        %add3A_2512 = arith.constant 3 : i32
        %add3A_2513 = arith.addi %mul3A_2511, %add3A_2512 : i32
        %broadcast_in_dim3A_2514 = vector.broadcast %add3A_2513 : i32 to vector<16xi32>
        %gather3A_2515 = tpu.vector_load_idx %arg27[%broadcast_in_dim3A_2514] : memref<208xf32, #tpu.memory_space<vmem>>[vector<16xi32>], vector<16xf32>,
        %add3A_2516 = arith.addi %broadcast_in_dim3A_2212, %broadcast_in_dim3A_2514 : vector<16xi32>
        %gather3A_2517 = tpu.vector_load_idx %arg15[%add3A_2516] : memref<6400xi32, #tpu.memory_space<vmem>>[vector<16xi32>], vector<16xi32>,
        %add3A_2518 = arith.addi %gather3A_2517, %iota3A : vector<16xi32>
        %gather3A_2519 = tpu.vector_load_idx %arg21[%broadcast_in_dim3A_2514, %add3A_2518] : memref<208x128xf32, #tpu.memory_space<vmem>>[vector<16xi32>, vector<16xi32>], vector<16xf32>,
        %mul3A_2520 = arith.mulf %gather3A_2515, %gather3A_2519 : vector<16xf32>
        %add3A_2521 = arith.addf %add3A_2505, %mul3A_2520 : vector<16xf32>
        %add3A_2522 = arith.addi %gather3A_2517, %add3A_7 : vector<16xi32>
        %gather3A_2523 = tpu.vector_load_idx %arg21[%broadcast_in_dim3A_2514, %add3A_2522] : memref<208x128xf32, #tpu.memory_space<vmem>>[vector<16xi32>, vector<16xi32>], vector<16xf32>,
        %mul3A_2524 = arith.mulf %gather3A_2515, %gather3A_2523 : vector<16xf32>
        %add3A_2525 = arith.addf %add3A_2509, %mul3A_2524 : vector<16xf32>
        scf.yield %add3A_2521, %add3A_2525 : vector<16xf32>, vector<16xf32>
      }
      %scan3A_2452 = arith.constant 50 : i32
      %mul3A_2453 = arith.constant 32 : i32
      %mul3A_2454 = arith.muli %add3A_2208, %mul3A_2453 : i32
      %add3A_2455 = vector.broadcast %mul3A_2454 : i32 to vector<16xi32>
      %add3A_2456 = arith.addi %add3A_2455, %iota3A : vector<16xi32>
      tpu.vector_store_idx %arg26[%add3A_2456], %scan3A_2451#0 : memref<1024xf32, #tpu.memory_space<vmem>>[vector<16xi32>], vector<16xf32>,
      %add3A_2457 = vector.broadcast %mul3A_2454 : i32 to vector<16xi32>
      %add3A_2458 = arith.addi %add3A_2457, %add3A_7 : vector<16xi32>
      tpu.vector_store_idx %arg26[%add3A_2458], %scan3A_2451#1 : memref<1024xf32, #tpu.memory_space<vmem>>[vector<16xi32>], vector<16xf32>,
    }
    %scan3A_1779 = arith.constant 16 : i32
    %dma_wait3A_1780 = arith.constant 0 : i32
    %dma_wait3A_1781 = arith.constant 0 : i32
    %dma_wait3A_1782 = tpu.memref_slice %arg20[%dma_wait3A_1780, %dma_wait3A_1781] : memref<208x128xf32, #tpu.memory_space<vmem>> -> memref<56x128xf32, #tpu.memory_space<vmem>>
    %dma_wait3A_1783 = arith.constant 0 : i32
    %dma_wait3A_1784 = tpu.memref_slice %arg14[%dma_wait3A_1783] : memref<6400xi32, #tpu.memory_space<vmem>> -> memref<56xi32, #tpu.memory_space<vmem>>
    %dma_wait3A_1785 = arith.constant 0 : i32
    %dma_wait3A_1786 = arith.constant 0 : i32
    %dma_wait3A_1787 = tpu.memref_slice %arg8[%dma_wait3A_1785, %dma_wait3A_1786] : memref<251904x128xf32, #tpu.memory_space<hbm>> -> memref<251904x128xf32, #tpu.memory_space<hbm>>
    tpu.wait_indirect_dma semaphore(%arg28 : memref<!tpu.dma_semaphore, #tpu.memory_space<semaphore_mem>>) src(%dma_wait3A_1787 : memref<251904x128xf32, #tpu.memory_space<hbm>>) dst(%dma_wait3A_1782 : memref<56x128xf32, #tpu.memory_space<vmem>>)
    %dma_wait3A_1788 = arith.constant 56 : i32
    %dma_wait3A_1789 = arith.constant 0 : i32
    %dma_wait3A_1790 = tpu.memref_slice %arg20[%dma_wait3A_1788, %dma_wait3A_1789] : memref<208x128xf32, #tpu.memory_space<vmem>> -> memref<48x128xf32, #tpu.memory_space<vmem>>
    %dma_wait3A_1791 = arith.constant 56 : i32
    %dma_wait3A_1792 = tpu.memref_slice %arg14[%dma_wait3A_1791] : memref<6400xi32, #tpu.memory_space<vmem>> -> memref<48xi32, #tpu.memory_space<vmem>>
    %dma_wait3A_1793 = arith.constant 0 : i32
    %dma_wait3A_1794 = arith.constant 0 : i32
    %dma_wait3A_1795 = tpu.memref_slice %arg8[%dma_wait3A_1793, %dma_wait3A_1794] : memref<251904x128xf32, #tpu.memory_space<hbm>> -> memref<251904x128xf32, #tpu.memory_space<hbm>>
    tpu.wait_indirect_dma semaphore(%arg29 : memref<!tpu.dma_semaphore, #tpu.memory_space<semaphore_mem>>) src(%dma_wait3A_1795 : memref<251904x128xf32, #tpu.memory_space<hbm>>) dst(%dma_wait3A_1790 : memref<48x128xf32, #tpu.memory_space<vmem>>)
    %dma_wait3A_1796 = arith.constant 104 : i32
    %dma_wait3A_1797 = arith.constant 0 : i32
    %dma_wait3A_1798 = tpu.memref_slice %arg20[%dma_wait3A_1796, %dma_wait3A_1797] : memref<208x128xf32, #tpu.memory_space<vmem>> -> memref<48x128xf32, #tpu.memory_space<vmem>>
    %dma_wait3A_1799 = arith.constant 104 : i32
    %dma_wait3A_1800 = tpu.memref_slice %arg14[%dma_wait3A_1799] : memref<6400xi32, #tpu.memory_space<vmem>> -> memref<48xi32, #tpu.memory_space<vmem>>
    %dma_wait3A_1801 = arith.constant 0 : i32
    %dma_wait3A_1802 = arith.constant 0 : i32
    %dma_wait3A_1803 = tpu.memref_slice %arg8[%dma_wait3A_1801, %dma_wait3A_1802] : memref<251904x128xf32, #tpu.memory_space<hbm>> -> memref<251904x128xf32, #tpu.memory_space<hbm>>
    tpu.wait_indirect_dma semaphore(%arg28 : memref<!tpu.dma_semaphore, #tpu.memory_space<semaphore_mem>>) src(%dma_wait3A_1803 : memref<251904x128xf32, #tpu.memory_space<hbm>>) dst(%dma_wait3A_1798 : memref<48x128xf32, #tpu.memory_space<vmem>>)
    %dma_wait3A_1804 = arith.constant 152 : i32
    %dma_wait3A_1805 = arith.constant 0 : i32
    %dma_wait3A_1806 = tpu.memref_slice %arg20[%dma_wait3A_1804, %dma_wait3A_1805] : memref<208x128xf32, #tpu.memory_space<vmem>> -> memref<48x128xf32, #tpu.memory_space<vmem>>
    %dma_wait3A_1807 = arith.constant 152 : i32
    %dma_wait3A_1808 = tpu.memref_slice %arg14[%dma_wait3A_1807] : memref<6400xi32, #tpu.memory_space<vmem>> -> memref<48xi32, #tpu.memory_space<vmem>>
    %dma_wait3A_1809 = arith.constant 0 : i32
    %dma_wait3A_1810 = arith.constant 0 : i32
    %dma_wait3A_1811 = tpu.memref_slice %arg8[%dma_wait3A_1809, %dma_wait3A_1810] : memref<251904x128xf32, #tpu.memory_space<hbm>> -> memref<251904x128xf32, #tpu.memory_space<hbm>>
    tpu.wait_indirect_dma semaphore(%arg29 : memref<!tpu.dma_semaphore, #tpu.memory_space<semaphore_mem>>) src(%dma_wait3A_1811 : memref<251904x128xf32, #tpu.memory_space<hbm>>) dst(%dma_wait3A_1806 : memref<48x128xf32, #tpu.memory_space<vmem>>)
    %mul3A_1812 = arith.constant 32 : i32
    %mul3A_1813 = arith.muli %mul3A_2, %mul3A_1812 : i32
    %multiple_of3A_1814 = tpu.assume_multiple %mul3A_1813, 8 : i32
    "tpu.region"() ({
      %run_scoped3A = tpu.sem_alloc : memref<!tpu.dma_semaphore, #tpu.memory_space<semaphore_mem>>
      %dma_start3A_1815 = tpu.memref_slice %arg11[%multiple_of3A_1814] : memref<32768xf32, #tpu.memory_space<hbm>> -> memref<1024xf32, #tpu.memory_space<hbm>>
      %dma_start3A_1816 = tpu.memref_slice %arg11[%multiple_of3A_1814] : memref<32768xf32, #tpu.memory_space<hbm>> -> memref<1024xf32, #tpu.memory_space<hbm>>
      tpu.enqueue_dma source(%arg26 : memref<1024xf32, #tpu.memory_space<vmem>>) target(%dma_start3A_1816 : memref<1024xf32, #tpu.memory_space<hbm>>) target_semaphore(%run_scoped3A : memref<!tpu.dma_semaphore, #tpu.memory_space<semaphore_mem>>)
      %dma_wait3A_1817 = tpu.memref_slice %arg11[%multiple_of3A_1814] : memref<32768xf32, #tpu.memory_space<hbm>> -> memref<1024xf32, #tpu.memory_space<hbm>>
      %dma_wait3A_1818 = tpu.memref_slice %arg11[%multiple_of3A_1814] : memref<32768xf32, #tpu.memory_space<hbm>> -> memref<1024xf32, #tpu.memory_space<hbm>>
      tpu.wait_dma2 semaphore(%run_scoped3A : memref<!tpu.dma_semaphore, #tpu.memory_space<semaphore_mem>>) src(%arg26 : memref<1024xf32, #tpu.memory_space<vmem>>) dst(%dma_wait3A_1818 : memref<1024xf32, #tpu.memory_space<hbm>>)
      tpu.yield
    }) : () -> ()
    return
  }
}

module attributes {stable_mosaic.version = 14 : i64} {
  func.func @_xpose_body(%arg0: i32, %arg1: memref<32x8192xf32, #tpu.memory_space<vmem>>, %arg2: memref<2048x128xf32, #tpu.memory_space<vmem>>) attributes {dimension_semantics = [#tpu.dimension_semantics<arbitrary>], iteration_bounds = array<i64: 13>, scalar_prefetch = 0 : i64, scratch_operands = 0 : i64, tpu.core_type = #tpu.core_type<tc>, window_params = [{transform_indices = @transform_0, window_bounds = array<i64: 32, 8192>}, {transform_indices = @transform_1, window_bounds = array<i64: 2048, 128>}]} {
    %get3A = arith.constant 0 : index
    %get3A_0 = arith.constant 0 : index
    %get3A_1 = vector.load %arg1[%get3A, %get3A_0] : memref<32x8192xf32, #tpu.memory_space<vmem>>, vector<32x8192xf32>
    %slice3A = vector.extract_strided_slice %get3A_1 {offsets = [0, 0], sizes = [32, 2048], strides = [1, 1]} : vector<32x8192xf32> to vector<32x2048xf32>
    %slice3A_2 = vector.extract_strided_slice %get3A_1 {offsets = [0, 2048], sizes = [32, 2048], strides = [1, 1]} : vector<32x8192xf32> to vector<32x2048xf32>
    %slice3A_3 = vector.extract_strided_slice %get3A_1 {offsets = [0, 4096], sizes = [32, 2048], strides = [1, 1]} : vector<32x8192xf32> to vector<32x2048xf32>
    %slice3A_4 = vector.extract_strided_slice %get3A_1 {offsets = [0, 6144], sizes = [32, 2048], strides = [1, 1]} : vector<32x8192xf32> to vector<32x2048xf32>
    %concatenate3A = tpu.concatenate %slice3A, %slice3A_2, %slice3A_3, %slice3A_4 in 0 : vector<32x2048xf32>, vector<32x2048xf32>, vector<32x2048xf32>, vector<32x2048xf32> -> vector<128x2048xf32>
    %transpose3A = tpu.transpose %concatenate3A, [1, 0] : vector<128x2048xf32> -> vector<2048x128xf32>
    %swap3A = arith.constant 0 : index
    %swap3A_5 = arith.constant 0 : index
    %swap3A_6 = vector.load %arg2[%swap3A, %swap3A_5] : memref<2048x128xf32, #tpu.memory_space<vmem>>, vector<2048x128xf32>
    tpu.vector_store %arg2[%swap3A, %swap3A_5], %transpose3A {strides = array<i32>} : memref<2048x128xf32, #tpu.memory_space<vmem>>, vector<2048x128xf32>,
    return
  }
  func.func @transform_0(%arg0: i32) -> (i32, i32) {
    %c0_i32 = arith.constant 0 : i32
    %c0_i32_0 = arith.constant 0 : i32
    return %c0_i32, %arg0 : i32, i32
  }
  func.func @transform_1(%arg0: i32) -> (i32, i32) {
    %c0_i32 = arith.constant 0 : i32
    %c0_i32_0 = arith.constant 0 : i32
    return %arg0, %c0_i32 : i32, i32
  }
}

module attributes {stable_mosaic.version = 14 : i64} {
  func.func @_xpose_body(%arg0: i32, %arg1: memref<32x8192xf32, #tpu.memory_space<vmem>>, %arg2: memref<2048x128xf32, #tpu.memory_space<vmem>>) attributes {dimension_semantics = [#tpu.dimension_semantics<arbitrary>], iteration_bounds = array<i64: 123>, scalar_prefetch = 0 : i64, scratch_operands = 0 : i64, tpu.core_type = #tpu.core_type<tc>, window_params = [{transform_indices = @transform_0, window_bounds = array<i64: 32, 8192>}, {transform_indices = @transform_1, window_bounds = array<i64: 2048, 128>}]} {
    %get3A = arith.constant 0 : index
    %get3A_0 = arith.constant 0 : index
    %get3A_1 = vector.load %arg1[%get3A, %get3A_0] : memref<32x8192xf32, #tpu.memory_space<vmem>>, vector<32x8192xf32>
    %slice3A = vector.extract_strided_slice %get3A_1 {offsets = [0, 0], sizes = [32, 2048], strides = [1, 1]} : vector<32x8192xf32> to vector<32x2048xf32>
    %slice3A_2 = vector.extract_strided_slice %get3A_1 {offsets = [0, 2048], sizes = [32, 2048], strides = [1, 1]} : vector<32x8192xf32> to vector<32x2048xf32>
    %slice3A_3 = vector.extract_strided_slice %get3A_1 {offsets = [0, 4096], sizes = [32, 2048], strides = [1, 1]} : vector<32x8192xf32> to vector<32x2048xf32>
    %slice3A_4 = vector.extract_strided_slice %get3A_1 {offsets = [0, 6144], sizes = [32, 2048], strides = [1, 1]} : vector<32x8192xf32> to vector<32x2048xf32>
    %concatenate3A = tpu.concatenate %slice3A, %slice3A_2, %slice3A_3, %slice3A_4 in 0 : vector<32x2048xf32>, vector<32x2048xf32>, vector<32x2048xf32>, vector<32x2048xf32> -> vector<128x2048xf32>
    %transpose3A = tpu.transpose %concatenate3A, [1, 0] : vector<128x2048xf32> -> vector<2048x128xf32>
    %swap3A = arith.constant 0 : index
    %swap3A_5 = arith.constant 0 : index
    %swap3A_6 = vector.load %arg2[%swap3A, %swap3A_5] : memref<2048x128xf32, #tpu.memory_space<vmem>>, vector<2048x128xf32>
    tpu.vector_store %arg2[%swap3A, %swap3A_5], %transpose3A {strides = array<i32>} : memref<2048x128xf32, #tpu.memory_space<vmem>>, vector<2048x128xf32>,
    return
  }
  func.func @transform_0(%arg0: i32) -> (i32, i32) {
    %c0_i32 = arith.constant 0 : i32
    %c0_i32_0 = arith.constant 0 : i32
    return %c0_i32, %arg0 : i32, i32
  }
  func.func @transform_1(%arg0: i32) -> (i32, i32) {
    %c0_i32 = arith.constant 0 : i32
    %c0_i32_0 = arith.constant 0 : i32
    return %arg0, %c0_i32 : i32, i32
  }
}

module attributes {stable_mosaic.version = 14 : i64} {
  func.func @_score_body(%arg0: memref<1087x32xf32, #tpu.memory_space<vmem>>, %arg1: memref<1x32xf32, #tpu.memory_space<vmem>>, %arg2: memref<1024x32xf32, #tpu.memory_space<vmem>>, %arg3: memref<1087x1024xf32, #tpu.memory_space<vmem>>) attributes {dimension_semantics = [], scalar_prefetch = 0 : i64, scratch_operands = 0 : i64, tpu.core_type = #tpu.core_type<tc>} {
    %get3A = arith.constant 0 : index
    %get3A_0 = arith.constant 0 : index
    %get3A_1 = vector.load %arg0[%get3A, %get3A_0] : memref<1087x32xf32, #tpu.memory_space<vmem>>, vector<1087x32xf32>
    %get3A_2 = arith.constant 0 : index
    %get3A_3 = arith.constant 0 : index
    %get3A_4 = vector.load %arg2[%get3A_2, %get3A_3] : memref<1024x32xf32, #tpu.memory_space<vmem>>, vector<1024x32xf32>
    %get3A_5 = arith.constant 0 : index
    %get3A_6 = arith.constant 0 : index
    %get3A_7 = vector.load %arg1[%get3A_5, %get3A_6] : memref<1x32xf32, #tpu.memory_space<vmem>>, vector<1x32xf32>
    %dot_general3A = arith.constant dense<0.000000e+00> : vector<1087x1024xf32>
    %dot_general3A_8 = tpu.matmul %get3A_1, %get3A_4, %dot_general3A {dimension_numbers = #tpu.dot_dimension_numbers<[1], [1], [0], [0], [0, 0, 1, 0], [], []>, transpose_lhs_hint = false} : vector<1087x32xf32>, vector<1024x32xf32>, vector<1087x1024xf32> -> vector<1087x1024xf32>
    %dot_general3A_9 = arith.constant dense<0.000000e+00> : vector<1x1024xf32>
    %dot_general3A_10 = tpu.matmul %get3A_7, %get3A_4, %dot_general3A_9 {dimension_numbers = #tpu.dot_dimension_numbers<[1], [1], [0], [0], [0, 0, 1, 0], [], []>, transpose_lhs_hint = false} : vector<1x32xf32>, vector<1024x32xf32>, vector<1x1024xf32> -> vector<1x1024xf32>
    %sub3A = vector.broadcast %dot_general3A_10 : vector<1x1024xf32> to vector<1087x1024xf32>
    %sub3A_11 = arith.subf %dot_general3A_8, %sub3A : vector<1087x1024xf32>
    %add3A = arith.constant 1.000000e+00 : f32
    %add3A_12 = vector.broadcast %add3A : f32 to vector<1087x1024xf32>
    %add3A_13 = arith.addf %sub3A_11, %add3A_12 : vector<1087x1024xf32>
    %max3A = arith.constant 0.000000e+00 : f32
    %max3A_14 = vector.broadcast %max3A : f32 to vector<1087x1024xf32>
    %max3A_15 = arith.maximumf %add3A_13, %max3A_14 : vector<1087x1024xf32>
    %swap3A = arith.constant 0 : index
    %swap3A_16 = arith.constant 0 : index
    %swap3A_17 = vector.load %arg3[%swap3A, %swap3A_16] : memref<1087x1024xf32, #tpu.memory_space<vmem>>, vector<1087x1024xf32>
    tpu.vector_store %arg3[%swap3A, %swap3A_16], %max3A_15 {strides = array<i32>} : memref<1087x1024xf32, #tpu.memory_space<vmem>>, vector<1087x1024xf32>,
    return
  }
}

</mosaic_0001>

<sc_bundles>
// kernel: kernel.7.cloned.1.call-start
scs
__scs_entry_jumppad:
0x0: {  	(pc) =	sbr.rel $0x88, $3  }
0x1: {  	(tag) =	ssettag $0x0;
	lr =	simm.s32 $0x1  }
0x2: {  	[smem:$0x3F9A] =	sst lr;
	_ =	strace $0xD0000000  }
0x3: {  	_ = 	snop  }
0x4: {  	_ = 	snop  }
0x5: {  	_ = 	snop  }
0x6: {  	_ = 	snop  }
0x7: {  	_ = 	snop  }
__scs_overlays_trampoline_lowered:
0x8: {  	[smem:$0x3FA9] =	sst s0  }
0x9: {  	[smem:$0x3FAA] =	sst s1  }
0xa: {  	[smem:$0x3FAB] =	sst s2  }
0xb: {  	[smem:$0x3FAC] =	sst s3  }
0xc: {  	[smem:$0x3FAD] =	sst s4  }
0xd: {  	[smem:$0x3FAE] =	sst s5  }
0xe: {  	[smem:$0x3FAF] =	sst s6  }
0xf: {  	[smem:$0x3FB0] =	sst s7  }
0x10: {  	[smem:$0x3FB1] =	sst s8  }
0x11: {  	[smem:$0x3FB2] =	sst s9;
	s0 =	simm.s32 @!p0 $0x0  }
0x12: {  	s1 =	sld [smem:$0x3F98];
	s0 =	simm.s32 @p0 $0x1  }
0x13: {  	[smem:$0x3FB3] =	sst s0;
	s0 =	simm.s32 @!p1 $0x0  }
0x14: {  	s2 =	sld [smem:$0x3F97];
	s0 =	simm.s32 @p1 $0x1  }
0x15: {  	[smem:$0x3FB4] =	sst s0;
	s0 =	simm.s32 @!p2 $0x0  }
0x16: {  	s3 =	sld [smem:$0x3FDB];
	s0 =	simm.s32 @p2 $0x1  }
0x17: {  	s4 =	simm.s32 $0x1BF5;
	[smem:$0x3FB6] =	sst s0  }
0x18: {  	s0 =	sld [smem:$0x3F99];
	_ =	swait.ge [sflag:s4], $0x0  }
0x19: {  	s7 =	sld [smem:$0x3F9A]  }
0x1a: {  	s8 =	sadd.s32 $0xFFFFE003, lr  }
0x1b: {  	s9 =	sadd.s32 $0xFFFFFEF7, lr;
	s5 =	simm.s32 $0xFFFFFFFF;
	p2 =	slt.u32 s8, $0xFFFFF086  }
0x1c: {  	p1 =	slt.u32 s9, $0xF7A;
	s5 =	simm.s32 @!p2 $0x0  }
0x1d: {  	s5 =	simm.s32 @p1 $0x1;
	p0 =	seq.s32 s7, s2  }
0x1e: {  	s7 =	smul.u32 @!p0 $0xF7A, s2;
	p2 =	seq.s32 @!p0 s5, $0x0  }
0x1f: {  	s9 =	smul.u32 $0xF7A, s1;
	s8 =	simm.s32 @!p0 $0x1BF5;
	p2 =	por !p2, p0  }
0x20: {  	[sflag:s8] =	ssyncset.s32 @!p0 $0xFFFFF086;
	s6 =	sadd.s32 @!p0 s3, s7;
	s7 =	simm.s32 @!p0 $0x108  }
0x21: {  	s3 =	sadd.s32 s3, s9;
	s6 =	sadd.s32 @!p0 $0x88, s6;
	s7 =	simm.s32 @p2 $0x1082  }
0x22: {  	[simem:s7], [sflag:s8] =	dma.local @!p0 [hbm:s6], $0xF7A  }
0x23: {  	s9 =	sor.u32 $0xD0000000, s2;
	s6 =	simm.s32 $0x108;
	_ =	swait.ge @!p0 [sflag:s8], $0x0  }
0x24: {  	s3 =	sadd.s32 $0x88, s3;
	s6 =	simm.s32 @!p1 $0x1082;
	[sflag:s4] =	ssyncset.s32 $0xFFFFF086  }
0x25: {  	[simem:s6], [sflag:s4] =	dma.local [hbm:s3], $0xF7A  }
0x26: {  	[smem:$0x3F9A] =	sst s1;
	(tag) =	ssettag s2;
	_ =	strace s9  }
0x27: {  	s1 =	sld [smem:$0x3FAA]  }
0x28: {  	s2 =	sld [smem:$0x3FAB]  }
0x29: {  	s4 =	sld [smem:$0x3FAD]  }
0x2a: {  	p0 =	seq.s32 s5, $0x0;
	s5 =	sld [smem:$0x3FAE]  }
0x2b: {  	s6 =	sld [smem:$0x3FAF]  }
0x2c: {  	s7 =	sld [smem:$0x3FB0]  }
0x2d: {  	s3 =	simm.s32 $0x108;
	s8 =	sld [smem:$0x3FB1]  }
0x2e: {  	s3 =	simm.s32 @!p0 $0x1082;
	s9 =	sld [smem:$0x3FB2]  }
0x2f: {  	lr =	sadd.s32 s0, s3;
	s0 =	sld [smem:$0x3FA9]  }
0x30: {  	s3 =	sld [smem:$0x3FAC]  }
0x31: {  	[smem:$0x3FB5] =	sst s10  }
0x32: {  	s10 =	sld [smem:$0x3FB3];
	_ =	sdelay $0x3  }
0x33: {  	p0 =	seq.s32 s10, $0x1;
	s10 =	sld [smem:$0x3FB5];
	_ =	sdelay $0x3  }
0x34: {  	[smem:$0x3FB5] =	sst s10  }
0x35: {  	s10 =	sld [smem:$0x3FB4];
	_ =	sdelay $0x3  }
0x36: {  	p1 =	seq.s32 s10, $0x1;
	s10 =	sld [smem:$0x3FB5];
	_ =	sdelay $0x3  }
0x37: {  	[smem:$0x3FB5] =	sst s10  }
0x38: {  	s10 =	sld [smem:$0x3FB6]  }
0x39: {  	_ = 	snop;
	(pc) =	sbr.ind lr, $3  }
0x3a: {  	_ = 	snop  }
0x3b: {  	_ = 	snop  }
0x3c: {  	p2 =	seq.s32 s10, $0x1;
	s10 =	sld [smem:$0x3FB5]  }
0x3d: {  	_ =	shalt  }
0x3e: {  	_ =	shalt  }
0x3f: {  	_ =	shalt  }
0x40: {  	_ =	shalt  }
0x41: {  	_ =	shalt  }
0x42: {  	_ =	shalt  }
0x43: {  	_ =	shalt  }
0x44: {  	_ =	shalt  }
0x45: {  	_ =	shalt  }
0x46: {  	_ =	shalt  }
0x47: {  	_ =	shalt  }
0x48: {  	_ =	shalt  }
0x49: {  	_ =	shalt  }
0x4a: {  	_ =	shalt  }
0x4b: {  	_ =	shalt  }
0x4c: {  	_ =	shalt  }
0x4d: {  	_ =	shalt  }
0x4e: {  	_ =	shalt  }
0x4f: {  	_ =	shalt  }
0x50: {  	_ =	shalt  }
0x51: {  	_ =	shalt  }
0x52: {  	_ =	shalt  }
0x53: {  	_ =	shalt  }
0x54: {  	_ =	shalt  }
0x55: {  	_ =	shalt  }
0x56: {  	_ =	shalt  }
0x57: {  	_ =	shalt  }
0x58: {  	_ =	shalt  }
0x59: {  	_ =	shalt  }
0x5a: {  	_ =	shalt  }
0x5b: {  	_ =	shalt  }
0x5c: {  	_ =	shalt  }
0x5d: {  	_ =	shalt  }
0x5e: {  	_ =	shalt  }
0x5f: {  	_ =	shalt  }
0x60: {  	_ =	shalt  }
0x61: {  	_ =	shalt  }
0x62: {  	_ =	shalt  }
0x63: {  	_ =	shalt  }
0x64: {  	_ =	shalt  }
0x65: {  	_ =	shalt  }
0x66: {  	_ =	shalt  }
0x67: {  	_ =	shalt  }
0x68: {  	_ =	shalt  }
0x69: {  	_ =	shalt  }
0x6a: {  	_ =	shalt  }
0x6b: {  	_ =	shalt  }
0x6c: {  	_ =	shalt  }
0x6d: {  	_ =	shalt  }
0x6e: {  	_ =	shalt  }
0x6f: {  	_ =	shalt  }
0x70: {  	_ =	shalt  }
0x71: {  	_ =	shalt  }
0x72: {  	_ =	shalt  }
0x73: {  	_ =	shalt  }
0x74: {  	_ =	shalt  }
0x75: {  	_ =	shalt  }
0x76: {  	_ =	shalt  }
0x77: {  	_ =	shalt  }
0x78: {  	_ =	shalt  }
0x79: {  	_ =	shalt  }
0x7a: {  	_ =	shalt  }
0x7b: {  	_ =	shalt  }
0x7c: {  	_ =	shalt  }
0x7d: {  	_ =	shalt  }
0x7e: {  	_ =	shalt  }
0x7f: {  	_ =	shalt  }
0x80: {  	_ =	shalt  }
0x81: {  	_ =	shalt  }
0x82: {  	_ =	shalt  }
0x83: {  	_ =	shalt  }
0x84: {  	_ =	shalt  }
0x85: {  	_ =	shalt  }
0x86: {  	_ =	shalt  }
0x87: {  	_ =	shalt  }
.Lfunc_end0:
.L_simem_size_0:
called_computation_lowered:
.L_overlay_start_0:
0x88: {  	s2 =	sld [smem:$0x3FD9]  }
0x89: {  	s3 =	sld [smem:$0x3FFE];
	_ =	sdelay $0x1  }
0x8a: {  	s1 =	srdreg.scid  }
0x8b: {  	s0 =	sand.u32 $0x1, s1  }
0x8c: {  	s17 =	sshll.u32 s0, $0xA;
	s2 =	sadd.s32 s3, s2  }
0x8d: {  	s2 =	sadd.s32 s2, s17  }
0x8e: {  	[smem:$0x3FC1] =	sst s2  }
0x8f: {  	_ = 	snop  }
0x90: {  	s2 =	sld [smem:$0x3FD0];
	(tm) =	ssettm $0x1  }
0x91: {  	s18 =	sld [smem:$0x3FFB];
	_ =	sdelay $0x3  }
0x92: {  	_ =	strace s18  }
0x93: {  	s3 =	sld [smem:$0x3FFC];
	_ =	sdelay $0x3  }
0x94: {  	_ =	strace s3  }
0x95: {  	s3 =	sld [smem:$0x3FFD];
	_ =	sdelay $0x3  }
0x96: {  	_ =	strace s3  }
0x97: {  	_ =	strace $0x8FFFFFFF  }
0x98: {  	s19 =	sld [smem:$0x3FDB];
	_ =	sdelay $0x1  }
0x99: {  	s4 =	simm.s32 $_scs_section_size  }
0x9a: {  	s5 =	simm.s32 $_size__tile_overlayer_lowered;
	s6 =	simm.s32 $_tile_overlayer_lowered  }
0x9b: {  	s22 =	simm.s32 $0x1BFF;
	s21 =	sshll.u32 s6, $0x1;
	s3 =	sadd.s32 s4, s19  }
0x9c: {  	s7 =	simm.s32 $0x0;
	s20 =	sshll.u32 s5, $0x1;
	s5 =	sadd.s32 s21, s3  }
0x9d: {  	[timem:s7], [sflag:s22] =	dma.local [hbm:s5], s20  }
0x9e: {  	_ =	swait.ge [sflag:s22], s20  }
0x9f: {  	s4 =	ssub.s32 $0x0, s20;
	[sflag:s22] =	ssyncset.done $0x0  }
0xa0: {  	[sflag:s22] =	ssyncadd.s32 s4;
	_ =	sdelay $0x1  }
0xa1: {  	s23 =	simm.s32 $0x1B8B  }
0xa2: {  	_ =	swait.ge [sflag:s23], $0x1  }
0xa3: {  	[sflag:s23] =	ssyncset.done $0x0  }
0xa4: {  	s25 =	simm.s32 $0x1B8E;
	s24 =	sld [smem:$0x3FFE];
	[sflag:s23] =	ssyncadd.s32 $0xFFFFFFFF  }
0xa5: {  	s26 =	simm.s32 $execute0_lowered;
	[smem:$0x3FD2] =	sst s25  }
0xa6: {  	s5 =	sshll.u32 s26, $0x1;
	_ =	strace $0x80000046;
	[dreg:$0x1] =	wrdreg $0xFFFFFFFF  }
0xa7: {  	s28 =	simm.s32 $_size_execute0_lowered;
	s3 =	sadd.s32 s3, s5;
	[dreg:$0x0] =	wrdreg $0x0  }
0xa8: {  	s5 =	sshll.u32 s28, $0x1;
	[dreg:$0x2] =	wrdreg s3  }
0xa9: {  	[dreg:$0x3] =	wrdreg s5  }
0xaa: {  	[dreg:$0x4] =	wrdreg $0xC0  }
0xab: {  	_ =	task [dreg:s7], $0x5FFFF  }
0xac: {  	[dreg:$0x1] =	wrdreg $0xFFFFFFFF  }
0xad: {  	[dreg:$0x0] =	wrdreg $0x60  }
0xae: {  	[dreg:$0x2] =	wrdreg s2  }
0xaf: {  	[dreg:$0x3] =	wrdreg s24  }
0xb0: {  	[dreg:$0x4] =	wrdreg $0x9  }
0xb1: {  	_ =	task.clear_ibuf [dreg:s7], $0x5FFFF;
	_ =	strace $0x90000046  }
0xb2: {  	s29 =	simm.s32 $0x9;
	_ =	strace $0x80000048  }
0xb3: {  	_ =	swait.ge [sflag:s29], $0x1  }
0xb4: {  	[sflag:s29] =	ssyncadd.s32 $0xFFFFFFFF  }
0xb5: {  	_ =	strace $0x90000048  }
0xb6: {  	_ =	sfence  }
0xb7: {  	s30 =	sld [smem:$0x0];
	_ =	sdelay $0x2  }
0xb8: {  	s31 =	sshll.u32 s1, $0xD;
	s1 =	sshrl.u32 s1, $0x2  }
0xb9: {  	s3 =	sand.u32 $0x4000, s31;
	s1 =	sadd.s32 s1, s30  }
0xba: {  	s0 =	sor.u32 s3, s0;
	s1 =	sshll.u32 s1, $0x11  }
0xbb: {  	s0 =	sor.u32 s1, s0  }
0xbc: {  	s0 =	sadd.s32 $0x8F2B, s0  }
0xbd: {  	[sflag:s0] =	ssyncadd.remote.s32 $0x1  }
0xbe: {  	_ =	sfence.sel $0xFFFF  }
0xbf: {  	[dreg:$0x0] =	wrdreg $0xFFFFFFFF;
	(pc) =	sbr.abs _section_cstart, $3  }
0xc0: {  	[dreg:$0x1] =	wrdreg $0xFFFFFFFF  }
0xc1: {  	_ =	task.clear_ibuf [dreg:s7], $0x2FFFF;
	_ =	strace $0x9FFFFFFF  }
0xc2: {  	(tm) =	ssettm $0x7FFFFFFF  }
0xc3: {  	_ =	shalt  }
tec
execute0_lowered:
.L_overlay_start_1:
0x0: {  	(tag) =	ssettag $0x1  }
0x1: {  	s0 =	srdreg.scid  }
0x2: {  	s0 =	sand.u32 $0x1, s0  }
0x3: {  	s2 =	stileid.u32;
	s1 =	sshll.u32 s0, $0x4  }
0x4: {  	s3 =	sor.u32 s2, s1  }
0x5: {  	s4 =	sshll.u32 s3, $0x5  }
0x6: {  	v0 =	vmov s4  }
0x7: {  	s6 =	sor.u32 $0x2, s4;
	v0 =	vbroadcast v0, $0x0  }
0x8: {  	v60 =	vmov s6  }
0x9: {  	s7 =	sor.u32 $0x3, s4;
	[tilespmem:$0x1F9F0] =	vst v0;
	v0 =	vbroadcast v60, $0x0  }
0xa: {  	v61 =	vmov s7  }
0xb: {  	s8 =	sor.u32 $0x5, s4;
	[tilespmem:$0x1FA10] =	vst v0;
	v0 =	vbroadcast v61, $0x0  }
0xc: {  	v4 =	vmov s8  }
0xd: {  	s9 =	sor.u32 $0x6, s4;
	[tilespmem:$0x1FA20] =	vst v0;
	v0 =	vbroadcast v4, $0x0  }
0xe: {  	v5 =	vmov s9  }
0xf: {  	s11 =	sor.u32 $0x8, s4;
	[tilespmem:$0x1FA40] =	vst v0;
	v0 =	vbroadcast v5, $0x0  }
0x10: {  	v8 =	vmov s11  }
0x11: {  	s12 =	sor.u32 $0x9, s4;
	[tilespmem:$0x1FA50] =	vst v0;
	v0 =	vbroadcast v8, $0x0  }
0x12: {  	v9 =	vmov s12  }
0x13: {  	s14 =	sor.u32 $0xB, s4;
	[tilespmem:$0x1FA70] =	vst v0;
	v0 =	vbroadcast v9, $0x0  }
0x14: {  	v12 =	vmov s14  }
0x15: {  	s15 =	sor.u32 $0xC, s4;
	[tilespmem:$0x1FA80] =	vst v0;
	v0 =	vbroadcast v12, $0x0  }
0x16: {  	v13 =	vmov s15  }
0x17: {  	s17 =	sor.u32 $0xE, s4;
	[tilespmem:$0x1FAA0] =	vst v0;
	v0 =	vbroadcast v13, $0x0  }
0x18: {  	v16 =	vmov s17  }
0x19: {  	s18 =	sor.u32 $0xF, s4;
	[tilespmem:$0x1FAB0] =	vst v0;
	v0 =	vbroadcast v16, $0x0  }
0x1a: {  	v17 =	vmov s18  }
0x1b: {  	s20 =	sor.u32 $0x11, s4;
	[tilespmem:$0x1FAD0] =	vst v0;
	v0 =	vbroadcast v17, $0x0  }
0x1c: {  	s5 =	sor.u32 $0x1, s4;
	v20 =	vmov s20  }
0x1d: {  	s21 =	sor.u32 $0x12, s4;
	v1 =	vmov s5;
	[tilespmem:$0x1FAE0] =	vst v0;
	v0 =	vbroadcast v20, $0x0  }
0x1e: {  	s10 =	sor.u32 $0x7, s4;
	v21 =	vmov s21;
	v59 =	vbroadcast v1, $0x0  }
0x1f: {  	s23 =	sor.u32 $0x14, s4;
	v6 =	vmov s10;
	[tilespmem:$0x1FB00] =	vst v0;
	v0 =	vbroadcast v21, $0x0  }
0x20: {  	s13 =	sor.u32 $0xA, s4;
	v24 =	vmov s23;
	v7 =	vbroadcast v6, $0x0;
	[tilespmem:$0x1FA00] =	vst v59  }
0x21: {  	s24 =	sor.u32 $0x15, s4;
	v10 =	vmov s13;
	[tilespmem:$0x1FB10] =	vst v0;
	v0 =	vbroadcast v24, $0x0  }
0x22: {  	s16 =	sor.u32 $0xD, s4;
	v25 =	vmov s24;
	v11 =	vbroadcast v10, $0x0;
	[tilespmem:$0x1FA60] =	vst v7  }
0x23: {  	s26 =	sor.u32 $0x17, s4;
	v14 =	vmov s16;
	[tilespmem:$0x1FB30] =	vst v0;
	v0 =	vbroadcast v25, $0x0  }
0x24: {  	s19 =	sor.u32 $0x10, s4;
	s5 =	sor.u32 $0x4, s4;
	v28 =	vmov s26;
	v15 =	vbroadcast v14, $0x0;
	[tilespmem:$0x1FA90] =	vst v11  }
0x25: {  	v18 =	vmov s19;
	v62 =	vmov s5;
	s5 =	sor.u32 $0x18, s4;
	[tilespmem:$0x1FB40] =	vst v0;
	v0 =	vbroadcast v28, $0x0  }
0x26: {  	s22 =	sor.u32 $0x13, s4;
	v19 =	vbroadcast v18, $0x0;
	v29 =	vmov s5;
	[tilespmem:$0x1FAC0] =	vst v15  }
0x27: {  	v22 =	vmov s22;
	s7 =	sor.u32 $0x1A, s4;
	[tilespmem:$0x1FB60] =	vst v0;
	v0 =	vbroadcast v29, $0x0  }
0x28: {  	s25 =	sor.u32 $0x16, s4;
	v23 =	vbroadcast v22, $0x0;
	v32 =	vmov s7;
	[tilespmem:$0x1FAF0] =	vst v19  }
0x29: {  	v26 =	vmov s25;
	s8 =	sor.u32 $0x1B, s4;
	[tilespmem:$0x1FB70] =	vst v0;
	v0 =	vbroadcast v32, $0x0  }
0x2a: {  	v27 =	vbroadcast v26, $0x0;
	v33 =	vmov s8;
	[tilespmem:$0x1FB20] =	vst v23  }
0x2b: {  	s11 =	sor.u32 $0x1D, s4;
	[tilespmem:$0x1FB90] =	vst v0;
	v0 =	vbroadcast v33, $0x0  }
0x2c: {  	s6 =	sor.u32 $0x19, s4;
	v36 =	vmov s11;
	v63 =	vbroadcast v62, $0x0;
	[tilespmem:$0x1FB50] =	vst v27  }
0x2d: {  	s9 =	smul.u32 $0x60, s3;
	s12 =	sor.u32 $0x1E, s4;
	v30 =	vmov s6;
	[tilespmem:$0x1FBA0] =	vst v0;
	v0 =	vbroadcast v36, $0x0  }
0x2e: {  	s10 =	sor.u32 $0x1C, s4;
	v37 =	vmov s12;
	v31 =	vbroadcast v30, $0x0;
	[tilespmem:$0x1FA30] =	vst v63  }
0x2f: {  	v34 =	vmov s10;
	s14 =	sadd.s32 $0x21, s9;
	[tilespmem:$0x1FBC0] =	vst v0;
	v0 =	vbroadcast v37, $0x0  }
0x30: {  	v35 =	vbroadcast v34, $0x0;
	s13 =	sadd.s32 $0x20, s9;
	v40 =	vmov s14;
	[tilespmem:$0x1FB80] =	vst v31  }
0x31: {  	s15 =	sadd.s32 $0x22, s9;
	v38 =	vmov s13;
	[tilespmem:$0x1FBD0] =	vst v0;
	v0 =	vbroadcast v40, $0x0  }
0x32: {  	s6 =	sadd.s32 $0x23, s9;
	v41 =	vmov s15;
	[tilespmem:$0x1FBB0] =	vst v35;
	v39 =	vbroadcast v38, $0x0  }
0x33: {  	s16 =	sadd.s32 $0x24, s9;
	v42 =	vmov s6;
	[tilespmem:$0x1FBF0] =	vst v0;
	v0 =	vbroadcast v41, $0x0  }
0x34: {  	s18 =	sadd.s32 $0x26, s9;
	v44 =	vmov s16;
	v43 =	vbroadcast v42, $0x0;
	[tilespmem:$0x1FBE0] =	vst v39  }
0x35: {  	s17 =	sadd.s32 $0x25, s9;
	v46 =	vmov s18;
	[tilespmem:$0x1FC00] =	vst v0;
	v0 =	vbroadcast v44, $0x0  }
0x36: {  	s8 =	rddreg [dreg:$0x0];
	s21 =	sadd.s32 $0x29, s9;
	v45 =	vmov s17;
	v47 =	vbroadcast v46, $0x0;
	[tilespmem:$0x1FC10] =	vst v43  }
0x37: {  	s5 =	rddreg [dreg:$0x1];
	s20 =	sadd.s32 $0x28, s9;
	s25 =	sadd.s32 $0x2C, s9;
	v50 =	vmov s21;
	[tilespmem:$0x1FC20] =	vst v0;
	v0 =	vbroadcast v45, $0x0  }
0x38: {  	s16 =	simm.s32 $0x0;
	v49 =	vmov s20;
	v54 =	vmov s25;
	s13 =	sadd.s32 $0x2E, s9;
	s14 =	sadd.s32 $0x2F, s9;
	v51 =	vbroadcast v50, $0x0;
	[tilespmem:$0x1FC40] =	vst v47  }
0x39: {  	s15 =	sadd.s32 $0x30, s9;
	[smem:$0x7FF] =	sst s16;
	v55 =	vbroadcast v54, $0x0;
	v57 =	vmov s13;
	v58 =	vmov s14;
	s13 =	sadd.s32 $0x32, s9;
	[tilespmem:$0x1FC30] =	vst v0  }
0x3a: {  	s20 =	sadd.s32 $0x33, s9;
	v60 =	vmov s15;
	s15 =	sadd.s32 $0x38, s9;
	v59 =	vbroadcast v58, $0x0;
	v62 =	vmov s13;
	_ =	strace $0x80000047;
	[tilespmem:$0x1FC70] =	vst v51  }
0x3b: {  	v10 =	vmov s15;
	v63 =	vbroadcast v62, $0x0;
	v4 =	vmov s20;
	s20 =	sadd.s32 $0x3B, s9;
	[tilespmem:$0x1FCA0] =	vst v55  }
0x3c: {  	s10 =	smul.u32 $0x320, s3;
	s14 =	sadd.s32 $0x37, s9;
	v11 =	vbroadcast v10, $0x0;
	v14 =	vmov s20;
	[tilespmem:$0x1FCD0] =	vst v59  }
0x3d: {  	s17 =	sshll.u32 s3, $0x7;
	s15 =	sadd.s32 $0x45, s9;
	v15 =	vbroadcast v14, $0x0;
	v9 =	vmov s14;
	s14 =	sadd.s32 $0x44, s9;
	[tilespmem:$0x1FD00] =	vst v63  }
0x3e: {  	s3 =	sshllo.u32 s3, $0x5;
	s1 =	sadd.s32 s17, s5;
	s17 =	sadd.s32 $0x39, s9;
	v2 =	vmov s15;
	v27 =	vmov s14;
	[tilespmem:$0x1FD60] =	vst v11  }
0x3f: {  	v12 =	vmov s17;
	s17 =	sadd.s32 $0x46, s9;
	v24 =	vmov s3;
	v28 =	vbroadcast v27, $0x0;
	[tilespmem:$0x1FD90] =	vst v15  }
0x40: {  	s19 =	sadd.s32 $0x27, s9;
	s24 =	sadd.s32 $0x2B, s9;
	s23 =	sadd.s32 $0x1A00, s5;
	v2 =	vbroadcast v2, $0x0;
	v3 =	vmov s17;
	[tilespmem:$0x1FE00] =	vst v24  }
0x41: {  	v48 =	vmov s19;
	s7 =	sadd.s32 $0x1800, s5;
	s26 =	sadd.s32 $0x1600, s5;
	s14 =	sadd.s32 $0x51, s9;
	v31 =	vbroadcast v3, $0x0;
	[tilespmem:$0x1FE30] =	vst v28  }
0x42: {  	v53 =	vmov s24;
	s24 =	ssub.s32 $0x2, s0;
	s25 =	sadd.s32 $0x36, s9;
	v14 =	vmov s14;
	v0 =	vbroadcast v48, $0x0;
	[dreg:$0x3] =	wrdreg s23;
	[tilespmem:$0x1FE40] =	vst v2  }
0x43: {  	s15 =	sadd.s32 $0x52, s9;
	v8 =	vmov s25;
	s25 =	sadd.s32 $0x4B1200, s1;
	v48 =	vbroadcast v14, $0x0;
	[dreg:$0x4] =	wrdreg s7;
	[tilespmem:$0x1FE50] =	vst v31  }
0x44: {  	[dreg:$0x5] =	wrdreg s26;
	s7 =	sadd.s32 $0x2D, s9;
	s26 =	sshrl.u32 s24, $0x1;
	[tilespmem:$0x1FC50] =	vst v0;
	v0 =	vbroadcast v49, $0x0  }
0x45: {  	s23 =	sadd.s32 $0x35, s9;
	v15 =	vmov s15;
	v56 =	vmov s7;
	s7 =	ssub.s32 s24, s26;
	s26 =	sadd.s32 $0x3F, s9;
	[tilespmem:$0x1FF00] =	vst v48  }
0x46: {  	[dreg:$0xd] =	wrdreg s25;
	s25 =	sadd.s32 $0x4E, s9;
	v6 =	vmov s23;
	v49 =	vbroadcast v15, $0x0;
	v25 =	vmov s26;
	[tilespmem:$0x1FC60] =	vst v0  }
0x47: {  	s22 =	sadd.s32 $0x2A, s9;
	s12 =	sadd.s32 $0x1400, s5;
	v11 =	vmov s25;
	v7 =	vbroadcast v6, $0x0;
	[tilespmem:$0x1FE10] =	vst v25  }
0x48: {  	v52 =	vmov s22;
	[dreg:$0x6] =	wrdreg s12;
	s12 =	sadd.s32 $0x8000, s5;
	s24 =	sadd.s32 $0x3E, s9;
	v43 =	vbroadcast v11, $0x0;
	[tilespmem:$0x1FF10] =	vst v49  }
0x49: {  	[dreg:$0x7] =	wrdreg s12;
	s12 =	sadd.s32 $0x42, s9;
	v18 =	vmov s24;
	v0 =	vbroadcast v52, $0x0;
	[tilespmem:$0x1FD30] =	vst v7  }
0x4a: {  	s20 =	sadd.s32 $0x49, s9;
	v22 =	vmov s12;
	v19 =	vbroadcast v18, $0x0;
	[tilespmem:$0x1FED0] =	vst v43  }
0x4b: {  	s11 =	sadd.s32 s10, s5;
	s24 =	sadd.s32 $0x4D, s9;
	v6 =	vmov s20;
	v23 =	vbroadcast v22, $0x0;
	[tilespmem:$0x1FC80] =	vst v0  }
0x4c: {  	s6 =	sadd.s32 $0xD8000, s5;
	s21 =	sshll.u32 s0, $0x7;
	s20 =	sadd.s32 $0x5A, s9;
	v10 =	vmov s24;
	v36 =	vbroadcast v6, $0x0;
	[tilespmem:$0x1FDC0] =	vst v19  }
0x4d: {  	s19 =	sadd.s32 $0x70000, s5;
	s5 =	sadd.s32 s21, s5;
	s21 =	sadd.s32 $0x3200, s9;
	v44 =	vmov s20;
	v42 =	vbroadcast v10, $0x0;
	[tilespmem:$0x1FDF0] =	vst v23  }
0x4e: {  	[dreg:$0xb] =	wrdreg s21;
	s21 =	sadd.s32 $0x4A, s9;
	v59 =	vbroadcast v44, $0x0;
	[tilespmem:$0x1FE80] =	vst v36  }
0x4f: {  	v7 =	vmov s21;
	v0 =	vbroadcast v53, $0x0;
	[tilespmem:$0x1FEC0] =	vst v42  }
0x50: {  	s24 =	sadd.s32 $0x5C, s9;
	v37 =	vbroadcast v7, $0x0;
	[tilespmem:$0x1FFA0] =	vst v59  }
0x51: {  	v50 =	vmov s24;
	[tilespmem:$0x1FC90] =	vst v0;
	v0 =	vbroadcast v56, $0x0  }
0x52: {  	s21 =	sadd.s32 $0x56, s9;
	v62 =	vbroadcast v50, $0x0;
	[tilespmem:$0x1FE90] =	vst v37  }
0x53: {  	v32 =	vmov s21;
	[tilespmem:$0x1FCB0] =	vst v0;
	v0 =	vbroadcast v57, $0x0  }
0x54: {  	s25 =	sadd.s32 $0x58, s9;
	v53 =	vbroadcast v32, $0x0;
	[tilespmem:$0x1FFD0] =	vst v62  }
0x55: {  	s18 =	sadd.s32 $0x31, s9;
	v38 =	vmov s25;
	[tilespmem:$0x1FCC0] =	vst v0;
	v0 =	vbroadcast v60, $0x0  }
0x56: {  	v61 =	vmov s18;
	v56 =	vbroadcast v38, $0x0;
	[tilespmem:$0x1FF50] =	vst v53  }
0x57: {  	s18 =	sadd.s32 $0x1C00, s11;
	[tilespmem:$0x1FCE0] =	vst v0;
	v0 =	vbroadcast v61, $0x0  }
0x58: {  	[dreg:$0xa] =	wrdreg s18;
	s18 =	sadd.s32 $0x47, s9;
	[tilespmem:$0x1FF70] =	vst v56  }
0x59: {  	s22 =	sadd.s32 $0x34, s9;
	[dreg:$0x8] =	wrdreg s19;
	s19 =	sadd.s32 $0x3A, s9;
	v60 =	vmov s9;
	[tilespmem:$0x1FCF0] =	vst v0;
	v0 =	vbroadcast v4, $0x0;
	v4 =	vmov s18  }
0x5a: {  	v5 =	vmov s22;
	v13 =	vmov s19;
	s19 =	sadd.s32 $0x48, s9;
	[tilespmem:$0x1FFB0] =	vst v60;
	s18 =	sadd.s32 $0x54, s9;
	v33 =	vbroadcast v4, $0x0  }
0x5b: {  	v29 =	vmov s18;
	s18 =	sadd.s32 $0x5E, s9;
	[tilespmem:$0x1FD10] =	vst v0;
	v0 =	vbroadcast v5, $0x0;
	v5 =	vmov s19  }
0x5c: {  	v54 =	vmov s18;
	[tilespmem:$0x1FE60] =	vst v33;
	v34 =	vbroadcast v5, $0x0  }
0x5d: {  	s19 =	sadd.s32 $0x55, s9;
	v63 =	vbroadcast v54, $0x0;
	[tilespmem:$0x1FD20] =	vst v0  }
0x5e: {  	s22 =	sadd.s32 $0x3C, s9;
	v30 =	vmov s19;
	v0 =	vbroadcast v8, $0x0;
	[tilespmem:$0x1FE70] =	vst v34  }
0x5f: {  	v16 =	vmov s22;
	s22 =	sadd.s32 $0x4B, s9;
	v1 =	vbroadcast v30, $0x0;
	[tilespmem:$0x1FFF0] =	vst v63  }
0x60: {  	v8 =	vmov s22;
	[tilespmem:$0x1FD40] =	vst v0;
	v0 =	vbroadcast v9, $0x0  }
0x61: {  	s22 =	sadd.s32 $0x5B, s9;
	v39 =	vbroadcast v8, $0x0;
	[tilespmem:$0x1FF40] =	vst v1  }
0x62: {  	s23 =	sadd.s32 $0x3D, s9;
	v47 =	vmov s22;
	[tilespmem:$0x1FD50] =	vst v0;
	v0 =	vbroadcast v12, $0x0  }
0x63: {  	v17 =	vmov s23;
	s23 =	sadd.s32 $0x4C, s9;
	v61 =	vbroadcast v47, $0x0;
	[tilespmem:$0x1FEA0] =	vst v39  }
0x64: {  	v9 =	vmov s23;
	[tilespmem:$0x1FD70] =	vst v0;
	v0 =	vbroadcast v13, $0x0  }
0x65: {  	s23 =	sadd.s32 $0x57, s9;
	v40 =	vbroadcast v9, $0x0;
	[tilespmem:$0x1FFC0] =	vst v61  }
0x66: {  	s29 =	simm.s32 $0x15200;
	s30 =	simm.s32 $0x16200;
	s31 =	simm.s32 $0x16600;
	v35 =	vmov s23;
	[tilespmem:$0x1FD80] =	vst v0;
	v0 =	vbroadcast v16, $0x0  }
0x67: {  	s28 =	simm.s32 $0x8600;
	p0 =	sne.s32 s2, $0x0;
	s2 =	simm.s32 $0x9E00;
	v55 =	vbroadcast v35, $0x0;
	[tilespmem:$0x1FEB0] =	vst v40  }
0x68: {  	s8 =	sadd.s32 s8, s10;
	s10 =	sadd.s32 $0x40, s9;
	s26 =	sadd.s32 $0x4F, s9;
	[tilespmem:$0x1FDA0] =	vst v0;
	v0 =	vbroadcast v17, $0x0  }
0x69: {  	s4 =	sadd.s32 $0x4A00, s4;
	s0 =	sshll.u32 s0, $0xA;
	v20 =	vmov s10;
	v12 =	vmov s26;
	s26 =	sadd.s32 $0x5F, s9;
	[tilespmem:$0x1FF60] =	vst v55  }
0x6a: {  	s11 =	sadd.s32 $0x41, s9;
	s0 =	sadd.s32 $0x16600, s0;
	s13 =	sadd.s32 $0x43, s9;
	v57 =	vmov s26;
	[tilespmem:$0x1FDB0] =	vst v0;
	v0 =	vbroadcast v20, $0x0  }
0x6b: {  	v26 =	vmov s13;
	s13 =	sadd.s32 $0x50, s9;
	s14 =	sadd.s32 $0x5D, s9;
	s17 =	sadd.s32 $0x53, s9;
	v21 =	vmov s11;
	v45 =	vbroadcast v12, $0x0;
	[tilespmem:$0x1FF80] =	vst v57  }
0x6c: {  	s10 =	simm.s32 $0x17200;
	s11 =	simm.s32 $0x16E00;
	[dreg:$0x9] =	wrdreg s8;
	v13 =	vmov s13;
	[tilespmem:$0x1FDD0] =	vst v0;
	v0 =	vbroadcast v21, $0x0  }
0x6d: {  	s3 =	simm.s32 $0xBA00;
	[dreg:$0xc] =	wrdreg s4;
	s13 =	sadd.s32 $0x59, s9;
	[tilespmem:$0x1FEE0] =	vst v45;
	v46 =	vbroadcast v13, $0x0  }
0x6e: {  	[dreg:$0xf] =	wrdreg s0;
	s15 =	sadd.s32 $0x4B0000, s1;
	s0 =	simm.s32 $0x38;
	v41 =	vmov s13;
	[tilespmem:$0x1FDE0] =	vst v0;
	v0 =	vbroadcast v26, $0x0  }
0x6f: {  	s8 =	simm.s32 $0x1;
	s5 =	sadd.s32 $0x4B1000, s5;
	[dreg:$0x10] =	wrdreg s15;
	v58 =	vbroadcast v41, $0x0;
	[tilespmem:$0x1FEF0] =	vst v46  }
0x70: {  	s4 =	simm.s32 $0x0;
	[dreg:$0xe] =	wrdreg s5;
	s25 =	simm.s32 $0x12200;
	v16 =	vmov s17;
	[tilespmem:$0x1FE20] =	vst v0;
	v0 =	vbroadcast v29, $0x0  }
0x71: {  	s12 =	simm.s32 $0x3;
	s20 =	simm.s32 $0x5200;
	v52 =	vmov s14;
	s24 =	simm.s32 $0x6E00;
	v51 =	vbroadcast v16, $0x0;
	[tilespmem:$0x1FF90] =	vst v58  }
0x72: {  	s21 =	simm.s32 $0x3E00;
	s19 =	simm.s32 $0x1900;
	s22 =	simm.s32 $0x30;
	[tilespmem:$0x1FF30] =	vst v0;
	v0 =	vbroadcast v52, $0x0  }
0x73: {  	s23 =	simm.s32 $0x4E00;
	s9 =	simm.s32 $0x2;
	s17 =	smax.u32 s7, $0x1;
	[tilespmem:$0x1FF20] =	vst v51  }
0x74: {  	vm0 =	vmmov $0xff;
	v33 =	vlaneseq.u32;
	s13 =	simm.s32 $0x4;
	s7 =	simm.s32 $0x6;
	[dreg:$0x11] =	wrdreg s17;
	[tilespmem:$0x1FFE0] =	vst v0  }
.LBB2_1:
0x75: {  	[dreg:$0x12] =	wrdreg s4  }
0x76: {  	s1 =	rddreg [dreg:$0x9]  }
0x77: {  	[tilespmem:s16], [sflag:$0x6] =	stream.linear.gather [hbm4b:s1+s16], $0x1900, $0x38;
	[tilespmem:$0x17300] =	vst v63  }
0x78: {  	_ =	swait.ge [sflag:s7], $0x1900  }
0x79: {  	[sflag:s7] =	ssyncset.done $0x0  }
0x7a: {  	s17 =	rddreg [dreg:$0xa];
	[sflag:s7] =	ssyncadd.s32 $0xFFFFE700  }
0x7b: {  	[tilespmem:s19], [sflag:$0x6] =	stream.linear.gather [hbm4b:s17+s16], $0x1900, $0x38;
	[tilespmem:$0x17300] =	vst v63  }
0x7c: {  	_ =	swait.ge [sflag:s7], $0x1900  }
0x7d: {  	[sflag:s7] =	ssyncset.done $0x0  }
0x7e: {  	s26 =	simm.s32 $0x3200;
	s18 =	rddreg [dreg:$0x3];
	[sflag:s7] =	ssyncadd.s32 $0xFFFFE700  }
0x7f: {  	[tilespmem:s26], [sflag:$0x6] =	stream.linear.gather [hbm4b:s18+s16], $0xC00, $0x38;
	[tilespmem:$0x17300] =	vst v63  }
0x80: {  	_ =	swait.ge [sflag:s7], $0xC00  }
0x81: {  	[sflag:s7] =	ssyncset.done $0x0  }
0x82: {  	s4 =	rddreg [dreg:$0x4];
	[sflag:s7] =	ssyncadd.s32 $0xFFFFF400  }
0x83: {  	[tilespmem:s21], [sflag:$0x6] =	stream.linear.gather [hbm4b:s4+s16], $0xC00, $0x38;
	[tilespmem:$0x17300] =	vst v63  }
0x84: {  	_ =	swait.ge [sflag:s7], $0xC00  }
0x85: {  	[sflag:s7] =	ssyncset.done $0x0  }
0x86: {  	s14 =	simm.s32 $0x4A00;
	s5 =	rddreg [dreg:$0x5];
	[sflag:s7] =	ssyncadd.s32 $0xFFFFF400  }
0x87: {  	[tilespmem:s14], [sflag:$0x6] =	stream.linear.gather [hbm4b:s5+s16], $0x400, $0x38;
	[tilespmem:$0x17300] =	vst v63  }
0x88: {  	_ =	swait.ge [sflag:s7], $0x400  }
0x89: {  	[sflag:s7] =	ssyncset.done $0x0  }
0x8a: {  	s15 =	rddreg [dreg:$0x6];
	[sflag:s7] =	ssyncadd.s32 $0xFFFFFC00  }
0x8b: {  	[tilespmem:s23], [sflag:$0x6] =	stream.linear.gather [hbm4b:s15+s16], $0x400, $0x38;
	[tilespmem:$0x17300] =	vst v63  }
0x8c: {  	_ =	swait.ge [sflag:s7], $0x400  }
0x8d: {  	s26 =	simm.s32 $0x5;
	[sflag:s7] =	ssyncset.done $0x0;
	s17 =	rddreg [dreg:$0x7]  }
0x8e: {  	s5 =	simm.s32 $0x60;
	s18 =	rddreg [dreg:$0xb];
	[sflag:s7] =	ssyncadd.s32 $0xFFFFFC00  }
0x8f: {  	[tilespmem:s25], [sflag:$0x5] =	stream.indirect.gather [hbm4b:s17+s5], $0x80, s18, s5, $0xb8;
	[tilespmem:$0x17300] =	vst v63  }
0x90: {  	_ =	swait.ge [sflag:s26], $0x3000  }
0x91: {  	[sflag:s26] =	ssyncset.done $0x0;
	s4 =	rddreg [dreg:$0x8]  }
0x92: {  	s14 =	simm.s32 $0x20;
	s15 =	rddreg [dreg:$0xc];
	[sflag:s26] =	ssyncadd.s32 $0xFFFFD000  }
0x93: {  	[tilespmem:s29], [sflag:$0x5] =	stream.indirect.gather [hbm4b:s4+s14], $0x80, s15, s14, $0xb8;
	[tilespmem:$0x17300] =	vst v63  }
0x94: {  	_ =	swait.ge [sflag:s26], $0x1000  }
0x95: {  	v0 =	vld [tilespmem:$0x1F9F0];
	_ =	sdelay $0x5  }
0x96: {  	[sflag:s26] =	ssyncset.done $0x0  }
0x97: {  	[sflag:s26] =	ssyncadd.s32 $0xFFFFF000  }
0x98: {  	v0 =	vld.idx.msk [tilespmem:v0+s23+$0x0], $0xffff;
	_ =	sdelay $0x4  }
0x99: {  	v34 =	vor.u32 $0x10, v33;
	v1 =	vadd.s32 v33, v0  }
0x9a: {  	v0 =	vadd.s32 v34, v0;
	_ =	sdelay $0x2  }
0x9b: {  	v16 =	vld [tilespmem:$0x1FA00]  }
0x9c: {  	v1 =	vld.idx.msk [tilespmem:v1+s29+$0x0], $0xffff  }
0x9d: {  	v0 =	vld.idx.msk [tilespmem:v0+s29+$0x0], $0xffff;
	_ =	sdelay $0x3  }
0x9e: {  	[tilespmem:v33+s30+$0x0] =	vst.idx.msk $0xffff, v1  }
0x9f: {  	[tilespmem:v34+s30+$0x0] =	vst.idx.msk $0xffff, v0  }
0xa0: {  	v0 =	vld.idx.msk [tilespmem:v16+s23+$0x0], $0xffff;
	_ =	sdelay $0x3  }
0xa1: {  	v37 =	vor.u32 $0x80, v33  }
0xa2: {  	v38 =	vor.u32 $0x90, v33;
	v17 =	vadd.s32 v37, v0  }
0xa3: {  	v0 =	vadd.s32 v38, v0;
	_ =	sdelay $0x2  }
0xa4: {  	v18 =	vld [tilespmem:$0x1FA10]  }
0xa5: {  	v39 =	vor.u32 $0x20, v33;
	v1 =	vld.idx.msk [tilespmem:v17+s29+$0x0], $0xffff  }
0xa6: {  	v40 =	vor.u32 $0x30, v33;
	v0 =	vld.idx.msk [tilespmem:v0+s29+$0x0], $0xffff;
	_ =	sdelay $0x3  }
0xa7: {  	[tilespmem:v39+s30+$0x0] =	vst.idx.msk $0xffff, v1  }
0xa8: {  	[tilespmem:v40+s30+$0x0] =	vst.idx.msk $0xffff, v0  }
0xa9: {  	v0 =	vld.idx.msk [tilespmem:v18+s23+$0x0], $0xffff;
	_ =	sdelay $0x3  }
0xaa: {  	v8 =	vor.u32 $0x100, v33  }
0xab: {  	v9 =	vor.u32 $0x110, v33;
	v19 =	vadd.s32 v8, v0  }
0xac: {  	v0 =	vadd.s32 v9, v0;
	_ =	sdelay $0x2  }
0xad: {  	v20 =	vld [tilespmem:$0x1FA20]  }
0xae: {  	v41 =	vor.u32 $0x40, v33;
	v1 =	vld.idx.msk [tilespmem:v19+s29+$0x0], $0xffff  }
0xaf: {  	v42 =	vor.u32 $0x50, v33;
	v0 =	vld.idx.msk [tilespmem:v0+s29+$0x0], $0xffff;
	_ =	sdelay $0x3  }
0xb0: {  	[tilespmem:v41+s30+$0x0] =	vst.idx.msk $0xffff, v1  }
0xb1: {  	[tilespmem:v42+s30+$0x0] =	vst.idx.msk $0xffff, v0  }
0xb2: {  	v0 =	vld.idx.msk [tilespmem:v20+s23+$0x0], $0xffff;
	_ =	sdelay $0x3  }
0xb3: {  	v22 =	vor.u32 $0x180, v33  }
0xb4: {  	v19 =	vor.u32 $0x190, v33;
	v21 =	vadd.s32 v22, v0  }
0xb5: {  	v0 =	vadd.s32 v19, v0;
	_ =	sdelay $0x2  }
0xb6: {  	v23 =	vld [tilespmem:$0x1FA30]  }
0xb7: {  	v43 =	vor.u32 $0x60, v33;
	v1 =	vld.idx.msk [tilespmem:v21+s29+$0x0], $0xffff  }
0xb8: {  	v44 =	vor.u32 $0x70, v33;
	v0 =	vld.idx.msk [tilespmem:v0+s29+$0x0], $0xffff;
	_ =	sdelay $0x3  }
0xb9: {  	[tilespmem:v43+s30+$0x0] =	vst.idx.msk $0xffff, v1  }
0xba: {  	[tilespmem:v44+s30+$0x0] =	vst.idx.msk $0xffff, v0  }
0xbb: {  	v0 =	vld.idx.msk [tilespmem:v23+s23+$0x0], $0xffff;
	_ =	sdelay $0x3  }
0xbc: {  	v60 =	vor.u32 $0x200, v33  }
0xbd: {  	v59 =	vor.u32 $0x210, v33;
	v24 =	vadd.s32 v60, v0  }
0xbe: {  	v0 =	vadd.s32 v59, v0;
	_ =	sdelay $0x2  }
0xbf: {  	v25 =	vld [tilespmem:$0x1FA40]  }
0xc0: {  	v1 =	vld.idx.msk [tilespmem:v24+s29+$0x0], $0xffff  }
0xc1: {  	v0 =	vld.idx.msk [tilespmem:v0+s29+$0x0], $0xffff;
	_ =	sdelay $0x3  }
0xc2: {  	[tilespmem:v37+s30+$0x0] =	vst.idx.msk $0xffff, v1  }
0xc3: {  	[tilespmem:v38+s30+$0x0] =	vst.idx.msk $0xffff, v0  }
0xc4: {  	v0 =	vld.idx.msk [tilespmem:v25+s23+$0x0], $0xffff;
	_ =	sdelay $0x3  }
0xc5: {  	v62 =	vor.u32 $0x280, v33  }
0xc6: {  	v61 =	vor.u32 $0x290, v33;
	v26 =	vadd.s32 v62, v0  }
0xc7: {  	v0 =	vadd.s32 v61, v0;
	_ =	sdelay $0x2  }
0xc8: {  	v27 =	vld [tilespmem:$0x1FA50]  }
0xc9: {  	v45 =	vor.u32 $0xA0, v33;
	v1 =	vld.idx.msk [tilespmem:v26+s29+$0x0], $0xffff  }
0xca: {  	v4 =	vor.u32 $0xB0, v33;
	v0 =	vld.idx.msk [tilespmem:v0+s29+$0x0], $0xffff;
	_ =	sdelay $0x3  }
0xcb: {  	[tilespmem:v45+s30+$0x0] =	vst.idx.msk $0xffff, v1  }
0xcc: {  	[tilespmem:v4+s30+$0x0] =	vst.idx.msk $0xffff, v0  }
0xcd: {  	v0 =	vld.idx.msk [tilespmem:v27+s23+$0x0], $0xffff;
	_ =	sdelay $0x3  }
0xce: {  	v6 =	vor.u32 $0x300, v33  }
0xcf: {  	v63 =	vor.u32 $0x310, v33;
	v28 =	vadd.s32 v6, v0  }
0xd0: {  	v0 =	vadd.s32 v63, v0;
	_ =	sdelay $0x2  }
0xd1: {  	v29 =	vld [tilespmem:$0x1FA60]  }
0xd2: {  	v3 =	vor.u32 $0xC0, v33;
	v1 =	vld.idx.msk [tilespmem:v28+s29+$0x0], $0xffff  }
0xd3: {  	v58 =	vor.u32 $0xD0, v33;
	v0 =	vld.idx.msk [tilespmem:v0+s29+$0x0], $0xffff;
	_ =	sdelay $0x3  }
0xd4: {  	[tilespmem:v3+s30+$0x0] =	vst.idx.msk $0xffff, v1  }
0xd5: {  	[tilespmem:v58+s30+$0x0] =	vst.idx.msk $0xffff, v0  }
0xd6: {  	v0 =	vld.idx.msk [tilespmem:v29+s23+$0x0], $0xffff;
	_ =	sdelay $0x3  }
0xd7: {  	v5 =	vor.u32 $0x380, v33  }
0xd8: {  	v11 =	vor.u32 $0x390, v33;
	v30 =	vadd.s32 v5, v0  }
0xd9: {  	v0 =	vadd.s32 v11, v0;
	_ =	sdelay $0x2  }
0xda: {  	v31 =	vld [tilespmem:$0x1FA70]  }
0xdb: {  	v57 =	vor.u32 $0xE0, v33;
	v33 =	vlaneseq.u32;
	v1 =	vld.idx.msk [tilespmem:v30+s29+$0x0], $0xffff  }
0xdc: {  	v56 =	vor.u32 $0xF0, v33;
	v0 =	vld.idx.msk [tilespmem:v0+s29+$0x0], $0xffff;
	_ =	sdelay $0x3  }
0xdd: {  	[tilespmem:v57+s30+$0x0] =	vst.idx.msk $0xffff, v1  }
0xde: {  	[tilespmem:v56+s30+$0x0] =	vst.idx.msk $0xffff, v0  }
0xdf: {  	v0 =	vld.idx.msk [tilespmem:v31+s23+$0x0], $0xffff;
	_ =	sdelay $0x3  }
0xe0: {  	v32 =	vor.u32 $0x400, v33  }
0xe1: {  	v2 =	vor.u32 $0x410, v33;
	v1 =	vadd.s32 v32, v0  }
0xe2: {  	v0 =	vadd.s32 v2, v0;
	_ =	sdelay $0x2  }
0xe3: {  	v35 =	vld [tilespmem:$0x1FA80]  }
0xe4: {  	v1 =	vld.idx.msk [tilespmem:v1+s29+$0x0], $0xffff  }
0xe5: {  	v0 =	vld.idx.msk [tilespmem:v0+s29+$0x0], $0xffff;
	_ =	sdelay $0x3  }
0xe6: {  	[tilespmem:v8+s30+$0x0] =	vst.idx.msk $0xffff, v1  }
0xe7: {  	[tilespmem:v9+s30+$0x0] =	vst.idx.msk $0xffff, v0  }
0xe8: {  	v0 =	vld.idx.msk [tilespmem:v35+s23+$0x0], $0xffff;
	_ =	sdelay $0x3  }
0xe9: {  	v36 =	vor.u32 $0x480, v33  }
0xea: {  	v46 =	vor.u32 $0x490, v33;
	v1 =	vadd.s32 v36, v0  }
0xeb: {  	v0 =	vadd.s32 v46, v0;
	_ =	sdelay $0x2  }
0xec: {  	v47 =	vld [tilespmem:$0x1FA90]  }
0xed: {  	v55 =	vor.u32 $0x120, v33;
	v1 =	vld.idx.msk [tilespmem:v1+s29+$0x0], $0xffff  }
0xee: {  	v54 =	vor.u32 $0x130, v33;
	v0 =	vld.idx.msk [tilespmem:v0+s29+$0x0], $0xffff;
	_ =	sdelay $0x3  }
0xef: {  	[tilespmem:v55+s30+$0x0] =	vst.idx.msk $0xffff, v1  }
0xf0: {  	[tilespmem:v54+s30+$0x0] =	vst.idx.msk $0xffff, v0  }
0xf1: {  	v0 =	vld.idx.msk [tilespmem:v47+s23+$0x0], $0xffff;
	_ =	sdelay $0x3  }
0xf2: {  	v48 =	vor.u32 $0x500, v33  }
0xf3: {  	v49 =	vor.u32 $0x510, v33;
	v1 =	vadd.s32 v48, v0  }
0xf4: {  	v0 =	vadd.s32 v49, v0;
	_ =	sdelay $0x2  }
0xf5: {  	v50 =	vld [tilespmem:$0x1FAA0]  }
0xf6: {  	v53 =	vor.u32 $0x140, v33;
	v1 =	vld.idx.msk [tilespmem:v1+s29+$0x0], $0xffff  }
0xf7: {  	v52 =	vor.u32 $0x150, v33;
	v0 =	vld.idx.msk [tilespmem:v0+s29+$0x0], $0xffff;
	_ =	sdelay $0x3  }
0xf8: {  	[tilespmem:v53+s30+$0x0] =	vst.idx.msk $0xffff, v1  }
0xf9: {  	[tilespmem:v52+s30+$0x0] =	vst.idx.msk $0xffff, v0  }
0xfa: {  	v0 =	vld.idx.msk [tilespmem:v50+s23+$0x0], $0xffff;
	_ =	sdelay $0x3  }
0xfb: {  	v51 =	vor.u32 $0x580, v33  }
0xfc: {  	v7 =	vor.u32 $0x590, v33;
	v1 =	vadd.s32 v51, v0  }
0xfd: {  	v0 =	vadd.s32 v7, v0;
	_ =	sdelay $0x2  }
0xfe: {  	v10 =	vld [tilespmem:$0x1FAB0]  }
0xff: {  	[tilespmem:$0x1F8B0] =	vst v51;
	v51 =	vor.u32 $0x160, v33;
	v1 =	vld.idx.msk [tilespmem:v1+s29+$0x0], $0xffff  }
0x100: {  	v50 =	vor.u32 $0x170, v33;
	v0 =	vld.idx.msk [tilespmem:v0+s29+$0x0], $0xffff;
	_ =	sdelay $0x3  }
0x101: {  	[tilespmem:v51+s30+$0x0] =	vst.idx.msk $0xffff, v1  }
0x102: {  	[tilespmem:v50+s30+$0x0] =	vst.idx.msk $0xffff, v0  }
0x103: {  	v0 =	vld.idx.msk [tilespmem:v10+s23+$0x0], $0xffff;
	_ =	sdelay $0x3  }
0x104: {  	v12 =	vor.u32 $0x600, v33  }
0x105: {  	v13 =	vor.u32 $0x610, v33;
	v1 =	vadd.s32 v12, v0  }
0x106: {  	v0 =	vadd.s32 v13, v0;
	_ =	sdelay $0x2  }
0x107: {  	v14 =	vld [tilespmem:$0x1FAC0]  }
0x108: {  	v1 =	vld.idx.msk [tilespmem:v1+s29+$0x0], $0xffff  }
0x109: {  	v0 =	vld.idx.msk [tilespmem:v0+s29+$0x0], $0xffff;
	_ =	sdelay $0x3  }
0x10a: {  	[tilespmem:v22+s30+$0x0] =	vst.idx.msk $0xffff, v1  }
0x10b: {  	[tilespmem:v19+s30+$0x0] =	vst.idx.msk $0xffff, v0  }
0x10c: {  	v0 =	vld.idx.msk [tilespmem:v14+s23+$0x0], $0xffff;
	_ =	sdelay $0x3  }
0x10d: {  	v15 =	vor.u32 $0x680, v33  }
0x10e: {  	v16 =	vor.u32 $0x690, v33;
	v1 =	vadd.s32 v15, v0  }
0x10f: {  	v0 =	vadd.s32 v16, v0;
	_ =	sdelay $0x2  }
0x110: {  	v17 =	vld [tilespmem:$0x1FAD0]  }
0x111: {  	[tilespmem:$0x1F8A0] =	vst v49;
	v49 =	vor.u32 $0x1A0, v33;
	v1 =	vld.idx.msk [tilespmem:v1+s29+$0x0], $0xffff  }
0x112: {  	[tilespmem:$0x1F890] =	vst v48;
	v48 =	vor.u32 $0x1B0, v33;
	v0 =	vld.idx.msk [tilespmem:v0+s29+$0x0], $0xffff;
	_ =	sdelay $0x3  }
0x113: {  	[tilespmem:v49+s30+$0x0] =	vst.idx.msk $0xffff, v1  }
0x114: {  	[tilespmem:v48+s30+$0x0] =	vst.idx.msk $0xffff, v0  }
0x115: {  	v0 =	vld.idx.msk [tilespmem:v17+s23+$0x0], $0xffff;
	_ =	sdelay $0x3  }
0x116: {  	v18 =	vor.u32 $0x700, v33  }
0x117: {  	v20 =	vor.u32 $0x710, v33;
	v1 =	vadd.s32 v18, v0  }
0x118: {  	v0 =	vadd.s32 v20, v0;
	_ =	sdelay $0x2  }
0x119: {  	v21 =	vld [tilespmem:$0x1FAE0]  }
0x11a: {  	v47 =	vor.u32 $0x1C0, v33;
	v1 =	vld.idx.msk [tilespmem:v1+s29+$0x0], $0xffff  }
0x11b: {  	[tilespmem:$0x1F880] =	vst v46;
	v46 =	vor.u32 $0x1D0, v33;
	v0 =	vld.idx.msk [tilespmem:v0+s29+$0x0], $0xffff;
	_ =	sdelay $0x3  }
0x11c: {  	[tilespmem:v47+s30+$0x0] =	vst.idx.msk $0xffff, v1  }
0x11d: {  	[tilespmem:v46+s30+$0x0] =	vst.idx.msk $0xffff, v0  }
0x11e: {  	v0 =	vld.idx.msk [tilespmem:v21+s23+$0x0], $0xffff;
	_ =	sdelay $0x3  }
0x11f: {  	v23 =	vor.u32 $0x780, v33  }
0x120: {  	v24 =	vor.u32 $0x790, v33;
	v1 =	vadd.s32 v23, v0  }
0x121: {  	v0 =	vadd.s32 v24, v0;
	_ =	sdelay $0x2  }
0x122: {  	v25 =	vld [tilespmem:$0x1FAF0]  }
0x123: {  	[tilespmem:$0x1F930] =	vst v23;
	v23 =	vor.u32 $0x1E0, v33;
	v1 =	vld.idx.msk [tilespmem:v1+s29+$0x0], $0xffff  }
0x124: {  	[tilespmem:$0x1F940] =	vst v24;
	v24 =	vor.u32 $0x1F0, v33;
	v0 =	vld.idx.msk [tilespmem:v0+s29+$0x0], $0xffff;
	_ =	sdelay $0x3  }
0x125: {  	[tilespmem:v23+s30+$0x0] =	vst.idx.msk $0xffff, v1  }
0x126: {  	[tilespmem:v24+s30+$0x0] =	vst.idx.msk $0xffff, v0  }
0x127: {  	v0 =	vld.idx.msk [tilespmem:v25+s23+$0x0], $0xffff;
	_ =	sdelay $0x3  }
0x128: {  	v26 =	vor.u32 $0x800, v33  }
0x129: {  	v27 =	vor.u32 $0x810, v33;
	v1 =	vadd.s32 v26, v0  }
0x12a: {  	v0 =	vadd.s32 v27, v0;
	_ =	sdelay $0x2  }
0x12b: {  	v28 =	vld [tilespmem:$0x1FB00]  }
0x12c: {  	v1 =	vld.idx.msk [tilespmem:v1+s29+$0x0], $0xffff  }
0x12d: {  	v0 =	vld.idx.msk [tilespmem:v0+s29+$0x0], $0xffff;
	_ =	sdelay $0x3  }
0x12e: {  	[tilespmem:v60+s30+$0x0] =	vst.idx.msk $0xffff, v1  }
0x12f: {  	[tilespmem:v59+s30+$0x0] =	vst.idx.msk $0xffff, v0  }
0x130: {  	v0 =	vld.idx.msk [tilespmem:v28+s23+$0x0], $0xffff;
	_ =	sdelay $0x3  }
0x131: {  	v29 =	vor.u32 $0x880, v33  }
0x132: {  	v30 =	vor.u32 $0x890, v33;
	v1 =	vadd.s32 v29, v0  }
0x133: {  	v0 =	vadd.s32 v30, v0;
	_ =	sdelay $0x2  }
0x134: {  	v31 =	vld [tilespmem:$0x1FB10]  }
0x135: {  	v25 =	vor.u32 $0x220, v33;
	v1 =	vld.idx.msk [tilespmem:v1+s29+$0x0], $0xffff  }
0x136: {  	v26 =	vor.u32 $0x230, v33;
	v0 =	vld.idx.msk [tilespmem:v0+s29+$0x0], $0xffff;
	_ =	sdelay $0x3  }
0x137: {  	[tilespmem:v25+s30+$0x0] =	vst.idx.msk $0xffff, v1  }
0x138: {  	[tilespmem:v26+s30+$0x0] =	vst.idx.msk $0xffff, v0  }
0x139: {  	v0 =	vld.idx.msk [tilespmem:v31+s23+$0x0], $0xffff;
	_ =	sdelay $0x3  }
0x13a: {  	[tilespmem:$0x1F850] =	vst v32;
	v32 =	vor.u32 $0x900, v33  }
0x13b: {  	v35 =	vor.u32 $0x910, v33;
	v1 =	vadd.s32 v32, v0  }
0x13c: {  	v0 =	vadd.s32 v35, v0;
	_ =	sdelay $0x2  }
0x13d: {  	[tilespmem:$0x1F870] =	vst v36;
	v36 =	vld [tilespmem:$0x1FB20]  }
0x13e: {  	v27 =	vor.u32 $0x240, v33;
	v1 =	vld.idx.msk [tilespmem:v1+s29+$0x0], $0xffff  }
0x13f: {  	v29 =	vor.u32 $0x250, v33;
	v0 =	vld.idx.msk [tilespmem:v0+s29+$0x0], $0xffff;
	_ =	sdelay $0x3  }
0x140: {  	[tilespmem:v27+s30+$0x0] =	vst.idx.msk $0xffff, v1  }
0x141: {  	[tilespmem:v29+s30+$0x0] =	vst.idx.msk $0xffff, v0  }
0x142: {  	v0 =	vld.idx.msk [tilespmem:v36+s23+$0x0], $0xffff;
	_ =	sdelay $0x3  }
0x143: {  	[tilespmem:$0x1F8C0] =	vst v7;
	v7 =	vor.u32 $0x980, v33  }
0x144: {  	[tilespmem:$0x1F820] =	vst v6;
	v10 =	vor.u32 $0x990, v33;
	v1 =	vadd.s32 v7, v0  }
0x145: {  	[tilespmem:$0x1F830] =	vst v5;
	v0 =	vadd.s32 v10, v0  }
0x146: {  	[tilespmem:$0x1F840] =	vst v11  }
0x147: {  	[tilespmem:$0x1F860] =	vst v2  }
0x148: {  	[tilespmem:$0x1F8D0] =	vst v12  }
0x149: {  	[tilespmem:$0x1F8E0] =	vst v13;
	v30 =	vor.u32 $0x260, v33;
	v1 =	vld.idx.msk [tilespmem:v1+s29+$0x0], $0xffff  }
0x14a: {  	[tilespmem:$0x1F8F0] =	vst v15;
	v31 =	vor.u32 $0x270, v33;
	v0 =	vld.idx.msk [tilespmem:v0+s29+$0x0], $0xffff  }
0x14b: {  	[tilespmem:$0x1F900] =	vst v16  }
0x14c: {  	[tilespmem:$0x1F910] =	vst v18  }
0x14d: {  	[tilespmem:$0x1F920] =	vst v20  }
0x14e: {  	[tilespmem:v30+s30+$0x0] =	vst.idx.msk $0xffff, v1  }
0x14f: {  	[tilespmem:v31+s30+$0x0] =	vst.idx.msk $0xffff, v0  }
0x150: {  	v0 =	vld [tilespmem:$0x1FB30];
	_ =	sdelay $0x7  }
0x151: {  	v0 =	vld.idx.msk [tilespmem:v0+s23+$0x0], $0xffff;
	_ =	sdelay $0x3  }
0x152: {  	v12 =	vor.u32 $0xA00, v33  }
0x153: {  	v13 =	vor.u32 $0xA10, v33;
	v1 =	vadd.s32 v12, v0  }
0x154: {  	v0 =	vadd.s32 v13, v0;
	_ =	sdelay $0x2  }
0x155: {  	v14 =	vld [tilespmem:$0x1FB40]  }
0x156: {  	v1 =	vld.idx.msk [tilespmem:v1+s29+$0x0], $0xffff  }
0x157: {  	v0 =	vld.idx.msk [tilespmem:v0+s29+$0x0], $0xffff;
	_ =	sdelay $0x3  }
0x158: {  	[tilespmem:v62+s30+$0x0] =	vst.idx.msk $0xffff, v1  }
0x159: {  	[tilespmem:v61+s30+$0x0] =	vst.idx.msk $0xffff, v0  }
0x15a: {  	v0 =	vld.idx.msk [tilespmem:v14+s23+$0x0], $0xffff;
	_ =	sdelay $0x3  }
0x15b: {  	v15 =	vor.u32 $0xA80, v33  }
0x15c: {  	v16 =	vor.u32 $0xA90, v33;
	v1 =	vadd.s32 v15, v0  }
0x15d: {  	v0 =	vadd.s32 v16, v0;
	_ =	sdelay $0x2  }
0x15e: {  	v17 =	vld [tilespmem:$0x1FB50]  }
0x15f: {  	v32 =	vor.u32 $0x2A0, v33;
	v1 =	vld.idx.msk [tilespmem:v1+s29+$0x0], $0xffff  }
0x160: {  	v18 =	vor.u32 $0x2B0, v33;
	v0 =	vld.idx.msk [tilespmem:v0+s29+$0x0], $0xffff;
	_ =	sdelay $0x3  }
0x161: {  	[tilespmem:v32+s30+$0x0] =	vst.idx.msk $0xffff, v1  }
0x162: {  	[tilespmem:v18+s30+$0x0] =	vst.idx.msk $0xffff, v0  }
0x163: {  	v0 =	vld.idx.msk [tilespmem:v17+s23+$0x0], $0xffff;
	_ =	sdelay $0x3  }
0x164: {  	v20 =	vor.u32 $0xB00, v33  }
0x165: {  	v21 =	vor.u32 $0xB10, v33;
	v1 =	vadd.s32 v20, v0  }
0x166: {  	v0 =	vadd.s32 v21, v0;
	_ =	sdelay $0x2  }
0x167: {  	v28 =	vld [tilespmem:$0x1FB60]  }
0x168: {  	v21 =	vor.u32 $0x2C0, v33;
	v1 =	vld.idx.msk [tilespmem:v1+s29+$0x0], $0xffff  }
0x169: {  	v16 =	vor.u32 $0x2D0, v33;
	v0 =	vld.idx.msk [tilespmem:v0+s29+$0x0], $0xffff;
	_ =	sdelay $0x3  }
0x16a: {  	[tilespmem:v21+s30+$0x0] =	vst.idx.msk $0xffff, v1  }
0x16b: {  	[tilespmem:v16+s30+$0x0] =	vst.idx.msk $0xffff, v0  }
0x16c: {  	v0 =	vld.idx.msk [tilespmem:v28+s23+$0x0], $0xffff;
	_ =	sdelay $0x3  }
0x16d: {  	v35 =	vor.u32 $0xB80, v33  }
0x16e: {  	v36 =	vor.u32 $0xB90, v33;
	v1 =	vadd.s32 v35, v0  }
0x16f: {  	v0 =	vadd.s32 v36, v0;
	_ =	sdelay $0x2  }
0x170: {  	v7 =	vld [tilespmem:$0x1FB70]  }
0x171: {  	v20 =	vor.u32 $0x2E0, v33;
	v1 =	vld.idx.msk [tilespmem:v1+s29+$0x0], $0xffff  }
0x172: {  	v14 =	vor.u32 $0x2F0, v33;
	v0 =	vld.idx.msk [tilespmem:v0+s29+$0x0], $0xffff;
	_ =	sdelay $0x3  }
0x173: {  	[tilespmem:v20+s30+$0x0] =	vst.idx.msk $0xffff, v1  }
0x174: {  	[tilespmem:v14+s30+$0x0] =	vst.idx.msk $0xffff, v0  }
0x175: {  	v0 =	vld.idx.msk [tilespmem:v7+s23+$0x0], $0xffff;
	_ =	sdelay $0x3  }
0x176: {  	v10 =	vor.u32 $0xC00, v33  }
0x177: {  	v12 =	vor.u32 $0xC10, v33;
	v1 =	vadd.s32 v10, v0  }
0x178: {  	v0 =	vadd.s32 v12, v0;
	_ =	sdelay $0x2  }
0x179: {  	v13 =	vld [tilespmem:$0x1FB80]  }
0x17a: {  	v1 =	vld.idx.msk [tilespmem:v1+s29+$0x0], $0xffff  }
0x17b: {  	v0 =	vld.idx.msk [tilespmem:v0+s29+$0x0], $0xffff;
	_ =	sdelay $0x3  }
0x17c: {  	[tilespmem:v6+s30+$0x0] =	vst.idx.msk $0xffff, v1  }
0x17d: {  	[tilespmem:v63+s30+$0x0] =	vst.idx.msk $0xffff, v0  }
0x17e: {  	v0 =	vld.idx.msk [tilespmem:v13+s23+$0x0], $0xffff;
	_ =	sdelay $0x3  }
0x17f: {  	v15 =	vor.u32 $0xC80, v33  }
0x180: {  	v17 =	vor.u32 $0xC90, v33;
	v1 =	vadd.s32 v15, v0  }
0x181: {  	v0 =	vadd.s32 v17, v0;
	_ =	sdelay $0x2  }
0x182: {  	v28 =	vld [tilespmem:$0x1FB90]  }
0x183: {  	v17 =	vor.u32 $0x320, v33;
	v1 =	vld.idx.msk [tilespmem:v1+s29+$0x0], $0xffff  }
0x184: {  	v12 =	vor.u32 $0x330, v33;
	v0 =	vld.idx.msk [tilespmem:v0+s29+$0x0], $0xffff;
	_ =	sdelay $0x3  }
0x185: {  	[tilespmem:v17+s30+$0x0] =	vst.idx.msk $0xffff, v1  }
0x186: {  	[tilespmem:v12+s30+$0x0] =	vst.idx.msk $0xffff, v0  }
0x187: {  	v0 =	vld.idx.msk [tilespmem:v28+s23+$0x0], $0xffff;
	_ =	sdelay $0x3  }
0x188: {  	v35 =	vor.u32 $0xD00, v33  }
0x189: {  	v36 =	vor.u32 $0xD10, v33;
	v1 =	vadd.s32 v35, v0  }
0x18a: {  	v0 =	vadd.s32 v36, v0;
	_ =	sdelay $0x2  }
0x18b: {  	v6 =	vld [tilespmem:$0x1FBA0]  }
0x18c: {  	v15 =	vor.u32 $0x340, v33;
	v1 =	vld.idx.msk [tilespmem:v1+s29+$0x0], $0xffff  }
0x18d: {  	v10 =	vor.u32 $0x350, v33;
	v0 =	vld.idx.msk [tilespmem:v0+s29+$0x0], $0xffff;
	_ =	sdelay $0x3  }
0x18e: {  	[tilespmem:v15+s30+$0x0] =	vst.idx.msk $0xffff, v1  }
0x18f: {  	[tilespmem:v10+s30+$0x0] =	vst.idx.msk $0xffff, v0  }
0x190: {  	v0 =	vld.idx.msk [tilespmem:v6+s23+$0x0], $0xffff;
	_ =	sdelay $0x3  }
0x191: {  	v7 =	vor.u32 $0xD80, v33  }
0x192: {  	v13 =	vor.u32 $0xD90, v33;
	v1 =	vadd.s32 v7, v0  }
0x193: {  	v0 =	vadd.s32 v13, v0;
	_ =	sdelay $0x2  }
0x194: {  	v28 =	vld [tilespmem:$0x1FBB0]  }
0x195: {  	v7 =	vor.u32 $0x360, v33;
	v1 =	vld.idx.msk [tilespmem:v1+s29+$0x0], $0xffff  }
0x196: {  	v6 =	vor.u32 $0x370, v33;
	v0 =	vld.idx.msk [tilespmem:v0+s29+$0x0], $0xffff;
	_ =	sdelay $0x3  }
0x197: {  	[tilespmem:v7+s30+$0x0] =	vst.idx.msk $0xffff, v1  }
0x198: {  	[tilespmem:v6+s30+$0x0] =	vst.idx.msk $0xffff, v0  }
0x199: {  	v0 =	vld.idx.msk [tilespmem:v28+s23+$0x0], $0xffff;
	_ =	sdelay $0x3  }
0x19a: {  	v35 =	vor.u32 $0xE00, v33  }
0x19b: {  	v36 =	vor.u32 $0xE10, v33;
	v1 =	vadd.s32 v35, v0  }
0x19c: {  	v0 =	vadd.s32 v36, v0;
	_ =	sdelay $0x3  }
0x19d: {  	v1 =	vld.idx.msk [tilespmem:v1+s29+$0x0], $0xffff  }
0x19e: {  	v0 =	vld.idx.msk [tilespmem:v0+s29+$0x0], $0xffff;
	_ =	sdelay $0x3  }
0x19f: {  	[tilespmem:v5+s30+$0x0] =	vst.idx.msk $0xffff, v1  }
0x1a0: {  	[tilespmem:v11+s30+$0x0] =	vst.idx.msk $0xffff, v0;
	v11 =	vld [tilespmem:$0x1FBC0];
	_ =	sdelay $0x7  }
0x1a1: {  	v0 =	vld.idx.msk [tilespmem:v11+s23+$0x0], $0xffff;
	_ =	sdelay $0x3  }
0x1a2: {  	v13 =	vor.u32 $0xE80, v33  }
0x1a3: {  	v28 =	vor.u32 $0xE90, v33;
	v1 =	vadd.s32 v13, v0  }
0x1a4: {  	v0 =	vadd.s32 v28, v0;
	_ =	sdelay $0x2  }
0x1a5: {  	v35 =	vld [tilespmem:$0x1FBD0]  }
0x1a6: {  	v13 =	vor.u32 $0x3A0, v33;
	v1 =	vld.idx.msk [tilespmem:v1+s29+$0x0], $0xffff  }
0x1a7: {  	v5 =	vor.u32 $0x3B0, v33;
	v0 =	vld.idx.msk [tilespmem:v0+s29+$0x0], $0xffff;
	_ =	sdelay $0x3  }
0x1a8: {  	[tilespmem:v13+s30+$0x0] =	vst.idx.msk $0xffff, v1  }
0x1a9: {  	[tilespmem:v5+s30+$0x0] =	vst.idx.msk $0xffff, v0  }
0x1aa: {  	v0 =	vld.idx.msk [tilespmem:v35+s23+$0x0], $0xffff;
	_ =	sdelay $0x3  }
0x1ab: {  	v36 =	vor.u32 $0xF00, v33  }
0x1ac: {  	v11 =	vor.u32 $0xF10, v33;
	v1 =	vadd.s32 v36, v0  }
0x1ad: {  	v0 =	vadd.s32 v11, v0;
	_ =	sdelay $0x2  }
0x1ae: {  	v28 =	vld [tilespmem:$0x1FE00]  }
0x1af: {  	v11 =	vor.u32 $0x3C0, v33;
	v1 =	vld.idx.msk [tilespmem:v1+s29+$0x0], $0xffff  }
0x1b0: {  	v2 =	vor.u32 $0x3D0, v33;
	v0 =	vld.idx.msk [tilespmem:v0+s29+$0x0], $0xffff;
	_ =	sdelay $0x3  }
0x1b1: {  	[tilespmem:v11+s30+$0x0] =	vst.idx.msk $0xffff, v1  }
0x1b2: {  	[tilespmem:v2+s30+$0x0] =	vst.idx.msk $0xffff, v0  }
0x1b3: {  	v0 =	vld.idx.msk [tilespmem:v28+s23+$0x0], $0xffff;
	_ =	sdelay $0x3  }
0x1b4: {  	v35 =	vor.u32 $0xF80, v33  }
0x1b5: {  	v28 =	vor.u32 $0xF90, v33;
	v1 =	vadd.s32 v35, v0  }
0x1b6: {  	v0 =	vadd.s32 v28, v0;
	_ =	sdelay $0x3  }
0x1b7: {  	v36 =	vld.idx.msk [tilespmem:v1+s29+$0x0], $0xffff;
	v1 =	vor.u32 $0x3E0, v33  }
0x1b8: {  	v35 =	vld.idx.msk [tilespmem:v0+s29+$0x0], $0xffff;
	v0 =	vor.u32 $0x3F0, v33;
	_ =	sdelay $0x3  }
0x1b9: {  	[tilespmem:v1+s30+$0x0] =	vst.idx.msk $0xffff, v36  }
0x1ba: {  	s17 =	rddreg [dreg:$0xd];
	[tilespmem:v0+s30+$0x0] =	vst.idx.msk $0xffff, v35  }
0x1bb: {  	[hbm4b:s17+s16] =	stream.linear.scatter [tilespmem:s30], [sflag:$0x6], $0x400, $0x38;
	[tilespmem:$0x17300] =	vst v63  }
0x1bc: {  	_ =	swait.ge [sflag:s7], $0x400  }
0x1bd: {  	v35 =	vld [tilespmem:$0x1FBE0];
	_ =	sdelay $0x5  }
0x1be: {  	[sflag:s7] =	ssyncset.done $0x0  }
0x1bf: {  	[sflag:s7] =	ssyncadd.s32 $0xFFFFFC00  }
0x1c0: {  	v28 =	vld.idx.msk [tilespmem:v35+s21+$0x0], $0xffff;
	_ =	sdelay $0x3  }
0x1c1: {  	v36 =	vor.u32 $0x1000, v33  }
0x1c2: {  	v35 =	vadd.s32 v36, v28;
	_ =	sdelay $0x2  }
0x1c3: {  	v36 =	vor.u32 $0x1010, v33  }
0x1c4: {  	v28 =	vadd.s32 v36, v28  }
0x1c5: {  	v35 =	vld.idx.msk [tilespmem:v35+s25+$0x0], $0xffff;
	_ =	sdelay $0x3  }
0x1c6: {  	v28 =	vld.idx.msk [tilespmem:v28+s25+$0x0], $0xffff  }
0x1c7: {  	[tilespmem:v33+s31+$0x0] =	vst.idx.msk $0xffff, v35;
	v35 =	vld [tilespmem:$0x1FBF0];
	_ =	sdelay $0x6  }
0x1c8: {  	[tilespmem:v34+s31+$0x0] =	vst.idx.msk $0xffff, v28  }
0x1c9: {  	v28 =	vld.idx.msk [tilespmem:v35+s21+$0x0], $0xffff;
	_ =	sdelay $0x3  }
0x1ca: {  	v36 =	vor.u32 $0x1080, v33  }
0x1cb: {  	v35 =	vadd.s32 v36, v28;
	_ =	sdelay $0x2  }
0x1cc: {  	v36 =	vor.u32 $0x1090, v33  }
0x1cd: {  	v28 =	vadd.s32 v36, v28  }
0x1ce: {  	v35 =	vld.idx.msk [tilespmem:v35+s25+$0x0], $0xffff;
	_ =	sdelay $0x3  }
0x1cf: {  	v28 =	vld.idx.msk [tilespmem:v28+s25+$0x0], $0xffff  }
0x1d0: {  	[tilespmem:v39+s31+$0x0] =	vst.idx.msk $0xffff, v35;
	v35 =	vld [tilespmem:$0x1FC00];
	_ =	sdelay $0x6  }
0x1d1: {  	[tilespmem:v40+s31+$0x0] =	vst.idx.msk $0xffff, v28  }
0x1d2: {  	v28 =	vld.idx.msk [tilespmem:v35+s21+$0x0], $0xffff;
	_ =	sdelay $0x3  }
0x1d3: {  	v36 =	vor.u32 $0x1100, v33  }
0x1d4: {  	v35 =	vadd.s32 v36, v28;
	_ =	sdelay $0x2  }
0x1d5: {  	v36 =	vor.u32 $0x1110, v33  }
0x1d6: {  	v28 =	vadd.s32 v36, v28  }
0x1d7: {  	v35 =	vld.idx.msk [tilespmem:v35+s25+$0x0], $0xffff;
	_ =	sdelay $0x3  }
0x1d8: {  	v28 =	vld.idx.msk [tilespmem:v28+s25+$0x0], $0xffff  }
0x1d9: {  	[tilespmem:v41+s31+$0x0] =	vst.idx.msk $0xffff, v35;
	v35 =	vld [tilespmem:$0x1FC10];
	_ =	sdelay $0x6  }
0x1da: {  	[tilespmem:v42+s31+$0x0] =	vst.idx.msk $0xffff, v28  }
0x1db: {  	v28 =	vld.idx.msk [tilespmem:v35+s21+$0x0], $0xffff;
	_ =	sdelay $0x3  }
0x1dc: {  	v36 =	vor.u32 $0x1180, v33  }
0x1dd: {  	v35 =	vadd.s32 v36, v28;
	_ =	sdelay $0x2  }
0x1de: {  	v36 =	vor.u32 $0x1190, v33  }
0x1df: {  	v28 =	vadd.s32 v36, v28  }
0x1e0: {  	v35 =	vld.idx.msk [tilespmem:v35+s25+$0x0], $0xffff;
	_ =	sdelay $0x3  }
0x1e1: {  	v28 =	vld.idx.msk [tilespmem:v28+s25+$0x0], $0xffff  }
0x1e2: {  	[tilespmem:v43+s31+$0x0] =	vst.idx.msk $0xffff, v35;
	v35 =	vld [tilespmem:$0x1FC20];
	_ =	sdelay $0x6  }
0x1e3: {  	[tilespmem:v44+s31+$0x0] =	vst.idx.msk $0xffff, v28  }
0x1e4: {  	v28 =	vld.idx.msk [tilespmem:v35+s21+$0x0], $0xffff;
	_ =	sdelay $0x3  }
0x1e5: {  	v36 =	vor.u32 $0x1200, v33  }
0x1e6: {  	v35 =	vadd.s32 v36, v28;
	_ =	sdelay $0x2  }
0x1e7: {  	v36 =	vor.u32 $0x1210, v33  }
0x1e8: {  	v28 =	vadd.s32 v36, v28  }
0x1e9: {  	v35 =	vld.idx.msk [tilespmem:v35+s25+$0x0], $0xffff;
	_ =	sdelay $0x3  }
0x1ea: {  	v28 =	vld.idx.msk [tilespmem:v28+s25+$0x0], $0xffff  }
0x1eb: {  	[tilespmem:v37+s31+$0x0] =	vst.idx.msk $0xffff, v35;
	v35 =	vld [tilespmem:$0x1FC30];
	_ =	sdelay $0x6  }
0x1ec: {  	[tilespmem:v38+s31+$0x0] =	vst.idx.msk $0xffff, v28  }
0x1ed: {  	v28 =	vld.idx.msk [tilespmem:v35+s21+$0x0], $0xffff;
	_ =	sdelay $0x3  }
0x1ee: {  	v36 =	vor.u32 $0x1280, v33  }
0x1ef: {  	v35 =	vadd.s32 v36, v28;
	_ =	sdelay $0x2  }
0x1f0: {  	v36 =	vor.u32 $0x1290, v33  }
0x1f1: {  	v28 =	vadd.s32 v36, v28  }
0x1f2: {  	v35 =	vld.idx.msk [tilespmem:v35+s25+$0x0], $0xffff;
	_ =	sdelay $0x3  }
0x1f3: {  	v28 =	vld.idx.msk [tilespmem:v28+s25+$0x0], $0xffff  }
0x1f4: {  	[tilespmem:v45+s31+$0x0] =	vst.idx.msk $0xffff, v35;
	v35 =	vld [tilespmem:$0x1FC40];
	_ =	sdelay $0x6  }
0x1f5: {  	[tilespmem:v4+s31+$0x0] =	vst.idx.msk $0xffff, v28  }
0x1f6: {  	v28 =	vld.idx.msk [tilespmem:v35+s21+$0x0], $0xffff;
	_ =	sdelay $0x3  }
0x1f7: {  	v36 =	vor.u32 $0x1300, v33  }
0x1f8: {  	v35 =	vadd.s32 v36, v28;
	_ =	sdelay $0x2  }
0x1f9: {  	[tilespmem:$0x1F800] =	vst v4;
	v4 =	vor.u32 $0x1310, v33  }
0x1fa: {  	v28 =	vadd.s32 v4, v28  }
0x1fb: {  	v35 =	vld.idx.msk [tilespmem:v35+s25+$0x0], $0xffff;
	_ =	sdelay $0x3  }
0x1fc: {  	[tilespmem:$0x1F810] =	vst v3;
	v28 =	vld.idx.msk [tilespmem:v28+s25+$0x0], $0xffff  }
0x1fd: {  	[tilespmem:v3+s31+$0x0] =	vst.idx.msk $0xffff, v35;
	v3 =	vld [tilespmem:$0x1FC50];
	_ =	sdelay $0x6  }
0x1fe: {  	[tilespmem:v58+s31+$0x0] =	vst.idx.msk $0xffff, v28  }
0x1ff: {  	v28 =	vld.idx.msk [tilespmem:v3+s21+$0x0], $0xffff;
	_ =	sdelay $0x3  }
0x200: {  	v4 =	vor.u32 $0x1380, v33  }
0x201: {  	v33 =	vor.u32 $0x1390, v33;
	v35 =	vadd.s32 v4, v28  }
0x202: {  	v28 =	vadd.s32 v33, v28;
	_ =	sdelay $0x2  }
0x203: {  	v58 =	vld [tilespmem:$0x1FC60]  }
0x204: {  	v35 =	vld.idx.msk [tilespmem:v35+s25+$0x0], $0xffff  }
0x205: {  	v28 =	vld.idx.msk [tilespmem:v28+s25+$0x0], $0xffff;
	_ =	sdelay $0x3  }
0x206: {  	[tilespmem:v57+s31+$0x0] =	vst.idx.msk $0xffff, v35  }
0x207: {  	[tilespmem:v56+s31+$0x0] =	vst.idx.msk $0xffff, v28  }
0x208: {  	v28 =	vld.idx.msk [tilespmem:v58+s21+$0x0], $0xffff;
	_ =	sdelay $0x2  }
0x209: {  	v33 =	vlaneseq.u32  }
0x20a: {  	v3 =	vor.u32 $0x1400, v33  }
0x20b: {  	v4 =	vor.u32 $0x1410, v33;
	v35 =	vadd.s32 v3, v28  }
0x20c: {  	v28 =	vadd.s32 v4, v28;
	_ =	sdelay $0x3  }
0x20d: {  	v35 =	vld.idx.msk [tilespmem:v35+s25+$0x0], $0xffff  }
0x20e: {  	v28 =	vld.idx.msk [tilespmem:v28+s25+$0x0], $0xffff;
	_ =	sdelay $0x3  }
0x20f: {  	[tilespmem:v8+s31+$0x0] =	vst.idx.msk $0xffff, v35  }
0x210: {  	[tilespmem:v9+s31+$0x0] =	vst.idx.msk $0xffff, v28;
	v28 =	vld [tilespmem:$0x1FC70];
	_ =	sdelay $0x7  }
0x211: {  	v8 =	vld.idx.msk [tilespmem:v28+s21+$0x0], $0xffff;
	_ =	sdelay $0x3  }
0x212: {  	v35 =	vor.u32 $0x1480, v33  }
0x213: {  	v36 =	vor.u32 $0x1490, v33;
	v9 =	vadd.s32 v35, v8  }
0x214: {  	v8 =	vadd.s32 v36, v8;
	_ =	sdelay $0x3  }
0x215: {  	v9 =	vld.idx.msk [tilespmem:v9+s25+$0x0], $0xffff  }
0x216: {  	v8 =	vld.idx.msk [tilespmem:v8+s25+$0x0], $0xffff;
	_ =	sdelay $0x3  }
0x217: {  	[tilespmem:v55+s31+$0x0] =	vst.idx.msk $0xffff, v9  }
0x218: {  	[tilespmem:v54+s31+$0x0] =	vst.idx.msk $0xffff, v8;
	v54 =	vld [tilespmem:$0x1FC80];
	_ =	sdelay $0x7  }
0x219: {  	v8 =	vld.idx.msk [tilespmem:v54+s21+$0x0], $0xffff;
	_ =	sdelay $0x3  }
0x21a: {  	v55 =	vor.u32 $0x1500, v33  }
0x21b: {  	v56 =	vor.u32 $0x1510, v33;
	v9 =	vadd.s32 v55, v8  }
0x21c: {  	v8 =	vadd.s32 v56, v8;
	_ =	sdelay $0x2  }
0x21d: {  	v57 =	vld [tilespmem:$0x1FC90]  }
0x21e: {  	v9 =	vld.idx.msk [tilespmem:v9+s25+$0x0], $0xffff  }
0x21f: {  	v8 =	vld.idx.msk [tilespmem:v8+s25+$0x0], $0xffff;
	_ =	sdelay $0x3  }
0x220: {  	[tilespmem:v53+s31+$0x0] =	vst.idx.msk $0xffff, v9  }
0x221: {  	[tilespmem:v52+s31+$0x0] =	vst.idx.msk $0xffff, v8  }
0x222: {  	v8 =	vld.idx.msk [tilespmem:v57+s21+$0x0], $0xffff;
	_ =	sdelay $0x3  }
0x223: {  	v58 =	vor.u32 $0x1580, v33  }
0x224: {  	v3 =	vor.u32 $0x1590, v33;
	v9 =	vadd.s32 v58, v8  }
0x225: {  	v8 =	vadd.s32 v3, v8;
	_ =	sdelay $0x2  }
0x226: {  	v4 =	vld [tilespmem:$0x1FCA0]  }
0x227: {  	v9 =	vld.idx.msk [tilespmem:v9+s25+$0x0], $0xffff  }
0x228: {  	v8 =	vld.idx.msk [tilespmem:v8+s25+$0x0], $0xffff;
	_ =	sdelay $0x3  }
0x229: {  	[tilespmem:v51+s31+$0x0] =	vst.idx.msk $0xffff, v9  }
0x22a: {  	[tilespmem:v50+s31+$0x0] =	vst.idx.msk $0xffff, v8  }
0x22b: {  	v8 =	vld.idx.msk [tilespmem:v4+s21+$0x0], $0xffff;
	_ =	sdelay $0x3  }
0x22c: {  	v28 =	vor.u32 $0x1600, v33  }
0x22d: {  	v35 =	vor.u32 $0x1610, v33;
	v9 =	vadd.s32 v28, v8  }
0x22e: {  	v8 =	vadd.s32 v35, v8;
	_ =	sdelay $0x2  }
0x22f: {  	v36 =	vld [tilespmem:$0x1FCB0]  }
0x230: {  	v9 =	vld.idx.msk [tilespmem:v9+s25+$0x0], $0xffff  }
0x231: {  	v8 =	vld.idx.msk [tilespmem:v8+s25+$0x0], $0xffff;
	_ =	sdelay $0x3  }
0x232: {  	[tilespmem:v22+s31+$0x0] =	vst.idx.msk $0xffff, v9  }
0x233: {  	[tilespmem:v19+s31+$0x0] =	vst.idx.msk $0xffff, v8  }
0x234: {  	v8 =	vld.idx.msk [tilespmem:v36+s21+$0x0], $0xffff;
	_ =	sdelay $0x3  }
0x235: {  	v50 =	vor.u32 $0x1680, v33  }
0x236: {  	v51 =	vor.u32 $0x1690, v33;
	v9 =	vadd.s32 v50, v8  }
0x237: {  	v8 =	vadd.s32 v51, v8;
	_ =	sdelay $0x2  }
0x238: {  	v52 =	vld [tilespmem:$0x1FCC0]  }
0x239: {  	v9 =	vld.idx.msk [tilespmem:v9+s25+$0x0], $0xffff  }
0x23a: {  	v8 =	vld.idx.msk [tilespmem:v8+s25+$0x0], $0xffff;
	_ =	sdelay $0x3  }
0x23b: {  	[tilespmem:v49+s31+$0x0] =	vst.idx.msk $0xffff, v9  }
0x23c: {  	[tilespmem:v48+s31+$0x0] =	vst.idx.msk $0xffff, v8  }
0x23d: {  	v8 =	vld.idx.msk [tilespmem:v52+s21+$0x0], $0xffff;
	_ =	sdelay $0x3  }
0x23e: {  	v53 =	vor.u32 $0x1700, v33  }
0x23f: {  	v54 =	vor.u32 $0x1710, v33;
	v9 =	vadd.s32 v53, v8  }
0x240: {  	v8 =	vadd.s32 v54, v8;
	_ =	sdelay $0x2  }
0x241: {  	v55 =	vld [tilespmem:$0x1FCD0]  }
0x242: {  	v9 =	vld.idx.msk [tilespmem:v9+s25+$0x0], $0xffff  }
0x243: {  	v8 =	vld.idx.msk [tilespmem:v8+s25+$0x0], $0xffff;
	_ =	sdelay $0x3  }
0x244: {  	[tilespmem:v47+s31+$0x0] =	vst.idx.msk $0xffff, v9  }
0x245: {  	[tilespmem:v46+s31+$0x0] =	vst.idx.msk $0xffff, v8  }
0x246: {  	v8 =	vld.idx.msk [tilespmem:v55+s21+$0x0], $0xffff;
	_ =	sdelay $0x3  }
0x247: {  	v56 =	vor.u32 $0x1780, v33  }
0x248: {  	v57 =	vor.u32 $0x1790, v33;
	v9 =	vadd.s32 v56, v8  }
0x249: {  	v8 =	vadd.s32 v57, v8;
	_ =	sdelay $0x2  }
0x24a: {  	v58 =	vld [tilespmem:$0x1FCE0]  }
0x24b: {  	v9 =	vld.idx.msk [tilespmem:v9+s25+$0x0], $0xffff  }
0x24c: {  	v8 =	vld.idx.msk [tilespmem:v8+s25+$0x0], $0xffff;
	_ =	sdelay $0x3  }
0x24d: {  	[tilespmem:v23+s31+$0x0] =	vst.idx.msk $0xffff, v9  }
0x24e: {  	[tilespmem:v24+s31+$0x0] =	vst.idx.msk $0xffff, v8  }
0x24f: {  	v8 =	vld.idx.msk [tilespmem:v58+s21+$0x0], $0xffff;
	_ =	sdelay $0x3  }
0x250: {  	v3 =	vor.u32 $0x1800, v33  }
0x251: {  	v4 =	vor.u32 $0x1810, v33;
	v9 =	vadd.s32 v3, v8  }
0x252: {  	v8 =	vadd.s32 v4, v8;
	_ =	sdelay $0x2  }
0x253: {  	v22 =	vld [tilespmem:$0x1FCF0]  }
0x254: {  	v9 =	vld.idx.msk [tilespmem:v9+s25+$0x0], $0xffff  }
0x255: {  	v8 =	vld.idx.msk [tilespmem:v8+s25+$0x0], $0xffff;
	_ =	sdelay $0x3  }
0x256: {  	[tilespmem:v60+s31+$0x0] =	vst.idx.msk $0xffff, v9  }
0x257: {  	[tilespmem:v59+s31+$0x0] =	vst.idx.msk $0xffff, v8  }
0x258: {  	v8 =	vld.idx.msk [tilespmem:v22+s21+$0x0], $0xffff;
	_ =	sdelay $0x3  }
0x259: {  	v23 =	vor.u32 $0x1880, v33  }
0x25a: {  	v9 =	vadd.s32 v23, v8;
	_ =	sdelay $0x2  }
0x25b: {  	v24 =	vor.u32 $0x1890, v33  }
0x25c: {  	v8 =	vadd.s32 v24, v8  }
0x25d: {  	v9 =	vld.idx.msk [tilespmem:v9+s25+$0x0], $0xffff;
	_ =	sdelay $0x3  }
0x25e: {  	v8 =	vld.idx.msk [tilespmem:v8+s25+$0x0], $0xffff  }
0x25f: {  	[tilespmem:v25+s31+$0x0] =	vst.idx.msk $0xffff, v9;
	v25 =	vld [tilespmem:$0x1FD00];
	_ =	sdelay $0x6  }
0x260: {  	[tilespmem:v26+s31+$0x0] =	vst.idx.msk $0xffff, v8  }
0x261: {  	v8 =	vld.idx.msk [tilespmem:v25+s21+$0x0], $0xffff;
	_ =	sdelay $0x3  }
0x262: {  	v26 =	vor.u32 $0x1900, v33  }
0x263: {  	v28 =	vor.u32 $0x1910, v33;
	v9 =	vadd.s32 v26, v8  }
0x264: {  	v8 =	vadd.s32 v28, v8;
	_ =	sdelay $0x2  }
0x265: {  	v35 =	vld [tilespmem:$0x1FD10]  }
0x266: {  	v9 =	vld.idx.msk [tilespmem:v9+s25+$0x0], $0xffff  }
0x267: {  	v8 =	vld.idx.msk [tilespmem:v8+s25+$0x0], $0xffff;
	_ =	sdelay $0x3  }
0x268: {  	[tilespmem:v27+s31+$0x0] =	vst.idx.msk $0xffff, v9  }
0x269: {  	[tilespmem:v29+s31+$0x0] =	vst.idx.msk $0xffff, v8  }
0x26a: {  	v8 =	vld.idx.msk [tilespmem:v35+s21+$0x0], $0xffff;
	_ =	sdelay $0x3  }
0x26b: {  	v36 =	vor.u32 $0x1980, v33  }
0x26c: {  	v46 =	vor.u32 $0x1990, v33;
	v9 =	vadd.s32 v36, v8  }
0x26d: {  	v8 =	vadd.s32 v46, v8;
	_ =	sdelay $0x2  }
0x26e: {  	v47 =	vld [tilespmem:$0x1FD20]  }
0x26f: {  	v9 =	vld.idx.msk [tilespmem:v9+s25+$0x0], $0xffff  }
0x270: {  	v8 =	vld.idx.msk [tilespmem:v8+s25+$0x0], $0xffff;
	_ =	sdelay $0x3  }
0x271: {  	[tilespmem:v30+s31+$0x0] =	vst.idx.msk $0xffff, v9  }
0x272: {  	[tilespmem:v31+s31+$0x0] =	vst.idx.msk $0xffff, v8  }
0x273: {  	v8 =	vld.idx.msk [tilespmem:v47+s21+$0x0], $0xffff;
	_ =	sdelay $0x3  }
0x274: {  	v48 =	vor.u32 $0x1A00, v33  }
0x275: {  	v49 =	vor.u32 $0x1A10, v33;
	v9 =	vadd.s32 v48, v8  }
0x276: {  	v8 =	vadd.s32 v49, v8;
	_ =	sdelay $0x2  }
0x277: {  	v50 =	vld [tilespmem:$0x1FD30]  }
0x278: {  	v9 =	vld.idx.msk [tilespmem:v9+s25+$0x0], $0xffff  }
0x279: {  	v8 =	vld.idx.msk [tilespmem:v8+s25+$0x0], $0xffff;
	_ =	sdelay $0x3  }
0x27a: {  	[tilespmem:v62+s31+$0x0] =	vst.idx.msk $0xffff, v9  }
0x27b: {  	[tilespmem:v61+s31+$0x0] =	vst.idx.msk $0xffff, v8  }
0x27c: {  	v8 =	vld.idx.msk [tilespmem:v50+s21+$0x0], $0xffff;
	_ =	sdelay $0x3  }
0x27d: {  	v51 =	vor.u32 $0x1A80, v33  }
0x27e: {  	v52 =	vor.u32 $0x1A90, v33;
	v9 =	vadd.s32 v51, v8  }
0x27f: {  	v8 =	vadd.s32 v52, v8;
	_ =	sdelay $0x2  }
0x280: {  	v53 =	vld [tilespmem:$0x1FD40]  }
0x281: {  	v9 =	vld.idx.msk [tilespmem:v9+s25+$0x0], $0xffff  }
0x282: {  	v8 =	vld.idx.msk [tilespmem:v8+s25+$0x0], $0xffff;
	_ =	sdelay $0x3  }
0x283: {  	[tilespmem:v32+s31+$0x0] =	vst.idx.msk $0xffff, v9  }
0x284: {  	[tilespmem:v18+s31+$0x0] =	vst.idx.msk $0xffff, v8  }
0x285: {  	v8 =	vld.idx.msk [tilespmem:v53+s21+$0x0], $0xffff;
	_ =	sdelay $0x3  }
0x286: {  	v54 =	vor.u32 $0x1B00, v33  }
0x287: {  	v55 =	vor.u32 $0x1B10, v33;
	v9 =	vadd.s32 v54, v8  }
0x288: {  	v8 =	vadd.s32 v55, v8;
	_ =	sdelay $0x2  }
0x289: {  	v56 =	vld [tilespmem:$0x1FD50]  }
0x28a: {  	v9 =	vld.idx.msk [tilespmem:v9+s25+$0x0], $0xffff  }
0x28b: {  	v8 =	vld.idx.msk [tilespmem:v8+s25+$0x0], $0xffff;
	_ =	sdelay $0x3  }
0x28c: {  	[tilespmem:v21+s31+$0x0] =	vst.idx.msk $0xffff, v9  }
0x28d: {  	[tilespmem:v16+s31+$0x0] =	vst.idx.msk $0xffff, v8  }
0x28e: {  	v8 =	vld.idx.msk [tilespmem:v56+s21+$0x0], $0xffff;
	_ =	sdelay $0x3  }
0x28f: {  	v57 =	vor.u32 $0x1B80, v33  }
0x290: {  	v58 =	vor.u32 $0x1B90, v33;
	v9 =	vadd.s32 v57, v8  }
0x291: {  	v8 =	vadd.s32 v58, v8;
	_ =	sdelay $0x2  }
0x292: {  	v59 =	vld [tilespmem:$0x1FD60]  }
0x293: {  	v9 =	vld.idx.msk [tilespmem:v9+s25+$0x0], $0xffff  }
0x294: {  	v8 =	vld.idx.msk [tilespmem:v8+s25+$0x0], $0xffff;
	_ =	sdelay $0x3  }
0x295: {  	[tilespmem:v20+s31+$0x0] =	vst.idx.msk $0xffff, v9  }
0x296: {  	[tilespmem:v14+s31+$0x0] =	vst.idx.msk $0xffff, v8  }
0x297: {  	v8 =	vld.idx.msk [tilespmem:v59+s21+$0x0], $0xffff;
	_ =	sdelay $0x3  }
0x298: {  	v60 =	vor.u32 $0x1C00, v33  }
0x299: {  	v61 =	vor.u32 $0x1C10, v33;
	v9 =	vadd.s32 v60, v8  }
0x29a: {  	v8 =	vadd.s32 v61, v8  }
0x29b: {  	v62 =	vld [tilespmem:$0x1F820];
	_ =	sdelay $0x1  }
0x29c: {  	v4 =	vld [tilespmem:$0x1FD70]  }
0x29d: {  	v9 =	vld.idx.msk [tilespmem:v9+s25+$0x0], $0xffff  }
0x29e: {  	v8 =	vld.idx.msk [tilespmem:v8+s25+$0x0], $0xffff;
	_ =	sdelay $0x3  }
0x29f: {  	[tilespmem:v62+s31+$0x0] =	vst.idx.msk $0xffff, v9  }
0x2a0: {  	[tilespmem:v63+s31+$0x0] =	vst.idx.msk $0xffff, v8  }
0x2a1: {  	v8 =	vld.idx.msk [tilespmem:v4+s21+$0x0], $0xffff;
	_ =	sdelay $0x3  }
0x2a2: {  	v14 =	vor.u32 $0x1C80, v33  }
0x2a3: {  	v16 =	vor.u32 $0x1C90, v33;
	v9 =	vadd.s32 v14, v8  }
0x2a4: {  	v8 =	vadd.s32 v16, v8;
	_ =	sdelay $0x2  }
0x2a5: {  	v18 =	vld [tilespmem:$0x1FD80]  }
0x2a6: {  	v9 =	vld.idx.msk [tilespmem:v9+s25+$0x0], $0xffff  }
0x2a7: {  	v8 =	vld.idx.msk [tilespmem:v8+s25+$0x0], $0xffff;
	_ =	sdelay $0x3  }
0x2a8: {  	[tilespmem:v17+s31+$0x0] =	vst.idx.msk $0xffff, v9  }
0x2a9: {  	[tilespmem:v12+s31+$0x0] =	vst.idx.msk $0xffff, v8  }
0x2aa: {  	v8 =	vld.idx.msk [tilespmem:v18+s21+$0x0], $0xffff;
	_ =	sdelay $0x3  }
0x2ab: {  	v19 =	vor.u32 $0x1D00, v33  }
0x2ac: {  	v20 =	vor.u32 $0x1D10, v33;
	v9 =	vadd.s32 v19, v8  }
0x2ad: {  	v8 =	vadd.s32 v20, v8;
	_ =	sdelay $0x2  }
0x2ae: {  	v21 =	vld [tilespmem:$0x1FD90]  }
0x2af: {  	v9 =	vld.idx.msk [tilespmem:v9+s25+$0x0], $0xffff  }
0x2b0: {  	v8 =	vld.idx.msk [tilespmem:v8+s25+$0x0], $0xffff;
	_ =	sdelay $0x3  }
0x2b1: {  	[tilespmem:v15+s31+$0x0] =	vst.idx.msk $0xffff, v9  }
0x2b2: {  	[tilespmem:v10+s31+$0x0] =	vst.idx.msk $0xffff, v8  }
0x2b3: {  	v8 =	vld.idx.msk [tilespmem:v21+s21+$0x0], $0xffff;
	_ =	sdelay $0x3  }
0x2b4: {  	v22 =	vor.u32 $0x1D80, v33  }
0x2b5: {  	v23 =	vor.u32 $0x1D90, v33;
	v9 =	vadd.s32 v22, v8  }
0x2b6: {  	v8 =	vadd.s32 v23, v8;
	_ =	sdelay $0x2  }
0x2b7: {  	v24 =	vld [tilespmem:$0x1FDA0]  }
0x2b8: {  	v9 =	vld.idx.msk [tilespmem:v9+s25+$0x0], $0xffff  }
0x2b9: {  	v8 =	vld.idx.msk [tilespmem:v8+s25+$0x0], $0xffff;
	_ =	sdelay $0x3  }
0x2ba: {  	[tilespmem:v7+s31+$0x0] =	vst.idx.msk $0xffff, v9  }
0x2bb: {  	[tilespmem:v6+s31+$0x0] =	vst.idx.msk $0xffff, v8  }
0x2bc: {  	v6 =	vld.idx.msk [tilespmem:v24+s21+$0x0], $0xffff;
	_ =	sdelay $0x3  }
0x2bd: {  	v25 =	vor.u32 $0x1E00, v33  }
0x2be: {  	v26 =	vor.u32 $0x1E10, v33;
	v7 =	vadd.s32 v25, v6  }
0x2bf: {  	v6 =	vadd.s32 v26, v6  }
0x2c0: {  	v27 =	vld [tilespmem:$0x1F830]  }
0x2c1: {  	v28 =	vld [tilespmem:$0x1F840]  }
0x2c2: {  	v29 =	vld [tilespmem:$0x1FDB0]  }
0x2c3: {  	v7 =	vld.idx.msk [tilespmem:v7+s25+$0x0], $0xffff  }
0x2c4: {  	v6 =	vld.idx.msk [tilespmem:v6+s25+$0x0], $0xffff;
	_ =	sdelay $0x3  }
0x2c5: {  	[tilespmem:v27+s31+$0x0] =	vst.idx.msk $0xffff, v7  }
0x2c6: {  	[tilespmem:v28+s31+$0x0] =	vst.idx.msk $0xffff, v6  }
0x2c7: {  	v6 =	vld.idx.msk [tilespmem:v29+s21+$0x0], $0xffff;
	_ =	sdelay $0x3  }
0x2c8: {  	v30 =	vor.u32 $0x1E80, v33  }
0x2c9: {  	v31 =	vor.u32 $0x1E90, v33;
	v7 =	vadd.s32 v30, v6  }
0x2ca: {  	v6 =	vadd.s32 v31, v6;
	_ =	sdelay $0x2  }
0x2cb: {  	v32 =	vld [tilespmem:$0x1FDC0]  }
0x2cc: {  	v7 =	vld.idx.msk [tilespmem:v7+s25+$0x0], $0xffff  }
0x2cd: {  	v6 =	vld.idx.msk [tilespmem:v6+s25+$0x0], $0xffff;
	_ =	sdelay $0x3  }
0x2ce: {  	[tilespmem:v13+s31+$0x0] =	vst.idx.msk $0xffff, v7  }
0x2cf: {  	[tilespmem:v5+s31+$0x0] =	vst.idx.msk $0xffff, v6  }
0x2d0: {  	v4 =	vld.idx.msk [tilespmem:v32+s21+$0x0], $0xffff;
	_ =	sdelay $0x3  }
0x2d1: {  	v35 =	vor.u32 $0x1F00, v33  }
0x2d2: {  	v36 =	vor.u32 $0x1F10, v33;
	v5 =	vadd.s32 v35, v4  }
0x2d3: {  	v4 =	vadd.s32 v36, v4;
	_ =	sdelay $0x2  }
0x2d4: {  	v46 =	vld [tilespmem:$0x1FE10]  }
0x2d5: {  	v5 =	vld.idx.msk [tilespmem:v5+s25+$0x0], $0xffff  }
0x2d6: {  	v4 =	vld.idx.msk [tilespmem:v4+s25+$0x0], $0xffff;
	_ =	sdelay $0x3  }
0x2d7: {  	[tilespmem:v11+s31+$0x0] =	vst.idx.msk $0xffff, v5  }
0x2d8: {  	[tilespmem:v2+s31+$0x0] =	vst.idx.msk $0xffff, v4  }
0x2d9: {  	v2 =	vld.idx.msk [tilespmem:v46+s21+$0x0], $0xffff;
	_ =	sdelay $0x3  }
0x2da: {  	v47 =	vor.u32 $0x1F80, v33  }
0x2db: {  	v48 =	vor.u32 $0x1F90, v33;
	v3 =	vadd.s32 v47, v2  }
0x2dc: {  	v2 =	vadd.s32 v48, v2;
	_ =	sdelay $0x2  }
0x2dd: {  	v49 =	vld [tilespmem:$0x1FDD0]  }
0x2de: {  	v3 =	vld.idx.msk [tilespmem:v3+s25+$0x0], $0xffff  }
0x2df: {  	v2 =	vld.idx.msk [tilespmem:v2+s25+$0x0], $0xffff;
	_ =	sdelay $0x3  }
0x2e0: {  	[tilespmem:v1+s31+$0x0] =	vst.idx.msk $0xffff, v3  }
0x2e1: {  	[tilespmem:v0+s31+$0x0] =	vst.idx.msk $0xffff, v2  }
0x2e2: {  	v0 =	vld.idx.msk [tilespmem:v49+s21+$0x0], $0xffff;
	_ =	sdelay $0x3  }
0x2e3: {  	v50 =	vor.u32 $0x2000, v33  }
0x2e4: {  	v51 =	vor.u32 $0x2010, v33;
	v1 =	vadd.s32 v50, v0  }
0x2e5: {  	v0 =	vadd.s32 v51, v0  }
0x2e6: {  	v52 =	vld [tilespmem:$0x1F850]  }
0x2e7: {  	v53 =	vld [tilespmem:$0x1F860]  }
0x2e8: {  	v54 =	vld [tilespmem:$0x1FDE0]  }
0x2e9: {  	v1 =	vld.idx.msk [tilespmem:v1+s25+$0x0], $0xffff  }
0x2ea: {  	v0 =	vld.idx.msk [tilespmem:v0+s25+$0x0], $0xffff;
	_ =	sdelay $0x3  }
0x2eb: {  	[tilespmem:v52+s31+$0x0] =	vst.idx.msk $0xffff, v1  }
0x2ec: {  	[tilespmem:v53+s31+$0x0] =	vst.idx.msk $0xffff, v0  }
0x2ed: {  	v0 =	vld.idx.msk [tilespmem:v54+s21+$0x0], $0xffff;
	_ =	sdelay $0x3  }
0x2ee: {  	v55 =	vor.u32 $0x2080, v33  }
0x2ef: {  	v56 =	vor.u32 $0x2090, v33;
	v1 =	vadd.s32 v55, v0  }
0x2f0: {  	v0 =	vadd.s32 v56, v0;
	_ =	sdelay $0x2  }
0x2f1: {  	v59 =	vld [tilespmem:$0x1FDF0]  }
0x2f2: {  	v57 =	vor.u32 $0x420, v33;
	v1 =	vld.idx.msk [tilespmem:v1+s25+$0x0], $0xffff  }
0x2f3: {  	v58 =	vor.u32 $0x430, v33;
	v0 =	vld.idx.msk [tilespmem:v0+s25+$0x0], $0xffff;
	_ =	sdelay $0x3  }
0x2f4: {  	[tilespmem:v57+s31+$0x0] =	vst.idx.msk $0xffff, v1  }
0x2f5: {  	[tilespmem:v58+s31+$0x0] =	vst.idx.msk $0xffff, v0  }
0x2f6: {  	v0 =	vld.idx.msk [tilespmem:v59+s21+$0x0], $0xffff;
	_ =	sdelay $0x3  }
0x2f7: {  	v60 =	vor.u32 $0x2100, v33  }
0x2f8: {  	v61 =	vor.u32 $0x2110, v33;
	v1 =	vadd.s32 v60, v0  }
0x2f9: {  	v0 =	vadd.s32 v61, v0;
	_ =	sdelay $0x2  }
0x2fa: {  	v6 =	vld [tilespmem:$0x1FE20]  }
0x2fb: {  	v62 =	vor.u32 $0x440, v33;
	v1 =	vld.idx.msk [tilespmem:v1+s25+$0x0], $0xffff  }
0x2fc: {  	v63 =	vor.u32 $0x450, v33;
	v0 =	vld.idx.msk [tilespmem:v0+s25+$0x0], $0xffff;
	_ =	sdelay $0x3  }
0x2fd: {  	[tilespmem:v62+s31+$0x0] =	vst.idx.msk $0xffff, v1  }
0x2fe: {  	[tilespmem:v63+s31+$0x0] =	vst.idx.msk $0xffff, v0  }
0x2ff: {  	v0 =	vld.idx.msk [tilespmem:v6+s21+$0x0], $0xffff;
	_ =	sdelay $0x3  }
0x300: {  	v7 =	vor.u32 $0x2180, v33  }
0x301: {  	v8 =	vor.u32 $0x2190, v33;
	v1 =	vadd.s32 v7, v0  }
0x302: {  	v0 =	vadd.s32 v8, v0;
	_ =	sdelay $0x2  }
0x303: {  	v11 =	vld [tilespmem:$0x1FE30]  }
0x304: {  	v9 =	vor.u32 $0x460, v33;
	v1 =	vld.idx.msk [tilespmem:v1+s25+$0x0], $0xffff  }
0x305: {  	v10 =	vor.u32 $0x470, v33;
	v0 =	vld.idx.msk [tilespmem:v0+s25+$0x0], $0xffff;
	_ =	sdelay $0x3  }
0x306: {  	[tilespmem:v9+s31+$0x0] =	vst.idx.msk $0xffff, v1  }
0x307: {  	[tilespmem:v10+s31+$0x0] =	vst.idx.msk $0xffff, v0  }
0x308: {  	v0 =	vld.idx.msk [tilespmem:v11+s21+$0x0], $0xffff;
	_ =	sdelay $0x3  }
0x309: {  	v12 =	vor.u32 $0x2200, v33  }
0x30a: {  	v13 =	vor.u32 $0x2210, v33;
	v1 =	vadd.s32 v12, v0  }
0x30b: {  	v0 =	vadd.s32 v13, v0  }
0x30c: {  	v14 =	vld [tilespmem:$0x1F870]  }
0x30d: {  	v15 =	vld [tilespmem:$0x1F880]  }
0x30e: {  	v16 =	vld [tilespmem:$0x1FE40]  }
0x30f: {  	v1 =	vld.idx.msk [tilespmem:v1+s25+$0x0], $0xffff  }
0x310: {  	v0 =	vld.idx.msk [tilespmem:v0+s25+$0x0], $0xffff;
	_ =	sdelay $0x3  }
0x311: {  	[tilespmem:v14+s31+$0x0] =	vst.idx.msk $0xffff, v1  }
0x312: {  	[tilespmem:v15+s31+$0x0] =	vst.idx.msk $0xffff, v0  }
0x313: {  	v0 =	vld.idx.msk [tilespmem:v16+s21+$0x0], $0xffff;
	_ =	sdelay $0x3  }
0x314: {  	v17 =	vor.u32 $0x2280, v33  }
0x315: {  	v18 =	vor.u32 $0x2290, v33;
	v1 =	vadd.s32 v17, v0  }
0x316: {  	v0 =	vadd.s32 v18, v0;
	_ =	sdelay $0x2  }
0x317: {  	v21 =	vld [tilespmem:$0x1FE50]  }
0x318: {  	v19 =	vor.u32 $0x4A0, v33;
	v1 =	vld.idx.msk [tilespmem:v1+s25+$0x0], $0xffff  }
0x319: {  	v20 =	vor.u32 $0x4B0, v33;
	v0 =	vld.idx.msk [tilespmem:v0+s25+$0x0], $0xffff;
	_ =	sdelay $0x3  }
0x31a: {  	[tilespmem:v19+s31+$0x0] =	vst.idx.msk $0xffff, v1  }
0x31b: {  	[tilespmem:v20+s31+$0x0] =	vst.idx.msk $0xffff, v0  }
0x31c: {  	v0 =	vld.idx.msk [tilespmem:v21+s21+$0x0], $0xffff;
	_ =	sdelay $0x3  }
0x31d: {  	v22 =	vor.u32 $0x2300, v33  }
0x31e: {  	v23 =	vor.u32 $0x2310, v33;
	v1 =	vadd.s32 v22, v0  }
0x31f: {  	v0 =	vadd.s32 v23, v0;
	_ =	sdelay $0x2  }
0x320: {  	v26 =	vld [tilespmem:$0x1FE60]  }
0x321: {  	v24 =	vor.u32 $0x4C0, v33;
	v1 =	vld.idx.msk [tilespmem:v1+s25+$0x0], $0xffff  }
0x322: {  	v25 =	vor.u32 $0x4D0, v33;
	v0 =	vld.idx.msk [tilespmem:v0+s25+$0x0], $0xffff;
	_ =	sdelay $0x3  }
0x323: {  	[tilespmem:v24+s31+$0x0] =	vst.idx.msk $0xffff, v1  }
0x324: {  	[tilespmem:v25+s31+$0x0] =	vst.idx.msk $0xffff, v0  }
0x325: {  	v0 =	vld.idx.msk [tilespmem:v26+s21+$0x0], $0xffff;
	_ =	sdelay $0x3  }
0x326: {  	v27 =	vor.u32 $0x2380, v33  }
0x327: {  	v28 =	vor.u32 $0x2390, v33;
	v1 =	vadd.s32 v27, v0  }
0x328: {  	v0 =	vadd.s32 v28, v0;
	_ =	sdelay $0x2  }
0x329: {  	v31 =	vld [tilespmem:$0x1FE70]  }
0x32a: {  	v29 =	vor.u32 $0x4E0, v33;
	v1 =	vld.idx.msk [tilespmem:v1+s25+$0x0], $0xffff  }
0x32b: {  	v30 =	vor.u32 $0x4F0, v33;
	v0 =	vld.idx.msk [tilespmem:v0+s25+$0x0], $0xffff;
	_ =	sdelay $0x3  }
0x32c: {  	[tilespmem:v29+s31+$0x0] =	vst.idx.msk $0xffff, v1  }
0x32d: {  	[tilespmem:v30+s31+$0x0] =	vst.idx.msk $0xffff, v0  }
0x32e: {  	v0 =	vld.idx.msk [tilespmem:v31+s21+$0x0], $0xffff;
	_ =	sdelay $0x3  }
0x32f: {  	v32 =	vor.u32 $0x2400, v33  }
0x330: {  	v35 =	vor.u32 $0x2410, v33;
	v1 =	vadd.s32 v32, v0  }
0x331: {  	v0 =	vadd.s32 v35, v0  }
0x332: {  	v36 =	vld [tilespmem:$0x1F890]  }
0x333: {  	v46 =	vld [tilespmem:$0x1F8A0]  }
0x334: {  	v47 =	vld [tilespmem:$0x1FE80]  }
0x335: {  	v1 =	vld.idx.msk [tilespmem:v1+s25+$0x0], $0xffff  }
0x336: {  	v0 =	vld.idx.msk [tilespmem:v0+s25+$0x0], $0xffff;
	_ =	sdelay $0x3  }
0x337: {  	[tilespmem:v36+s31+$0x0] =	vst.idx.msk $0xffff, v1  }
0x338: {  	[tilespmem:v46+s31+$0x0] =	vst.idx.msk $0xffff, v0  }
0x339: {  	v0 =	vld.idx.msk [tilespmem:v47+s21+$0x0], $0xffff;
	_ =	sdelay $0x3  }
0x33a: {  	v48 =	vor.u32 $0x2480, v33  }
0x33b: {  	v49 =	vor.u32 $0x2490, v33;
	v1 =	vadd.s32 v48, v0  }
0x33c: {  	v0 =	vadd.s32 v49, v0;
	_ =	sdelay $0x2  }
0x33d: {  	v52 =	vld [tilespmem:$0x1FE90]  }
0x33e: {  	v50 =	vor.u32 $0x520, v33;
	v1 =	vld.idx.msk [tilespmem:v1+s25+$0x0], $0xffff  }
0x33f: {  	v51 =	vor.u32 $0x530, v33;
	v0 =	vld.idx.msk [tilespmem:v0+s25+$0x0], $0xffff;
	_ =	sdelay $0x3  }
0x340: {  	[tilespmem:v50+s31+$0x0] =	vst.idx.msk $0xffff, v1  }
0x341: {  	[tilespmem:v51+s31+$0x0] =	vst.idx.msk $0xffff, v0  }
0x342: {  	v0 =	vld.idx.msk [tilespmem:v52+s21+$0x0], $0xffff;
	_ =	sdelay $0x3  }
0x343: {  	v53 =	vor.u32 $0x2500, v33  }
0x344: {  	v54 =	vor.u32 $0x2510, v33;
	v1 =	vadd.s32 v53, v0  }
0x345: {  	v0 =	vadd.s32 v54, v0;
	_ =	sdelay $0x2  }
0x346: {  	v57 =	vld [tilespmem:$0x1FEA0]  }
0x347: {  	v55 =	vor.u32 $0x540, v33;
	v1 =	vld.idx.msk [tilespmem:v1+s25+$0x0], $0xffff  }
0x348: {  	v56 =	vor.u32 $0x550, v33;
	v0 =	vld.idx.msk [tilespmem:v0+s25+$0x0], $0xffff;
	_ =	sdelay $0x3  }
0x349: {  	[tilespmem:v55+s31+$0x0] =	vst.idx.msk $0xffff, v1  }
0x34a: {  	[tilespmem:v56+s31+$0x0] =	vst.idx.msk $0xffff, v0  }
0x34b: {  	v0 =	vld.idx.msk [tilespmem:v57+s21+$0x0], $0xffff;
	_ =	sdelay $0x3  }
0x34c: {  	v58 =	vor.u32 $0x2580, v33  }
0x34d: {  	v59 =	vor.u32 $0x2590, v33;
	v1 =	vadd.s32 v58, v0  }
0x34e: {  	v0 =	vadd.s32 v59, v0;
	_ =	sdelay $0x2  }
0x34f: {  	v62 =	vld [tilespmem:$0x1FEB0]  }
0x350: {  	v60 =	vor.u32 $0x560, v33;
	v1 =	vld.idx.msk [tilespmem:v1+s25+$0x0], $0xffff  }
0x351: {  	v61 =	vor.u32 $0x570, v33;
	v0 =	vld.idx.msk [tilespmem:v0+s25+$0x0], $0xffff;
	_ =	sdelay $0x3  }
0x352: {  	[tilespmem:v60+s31+$0x0] =	vst.idx.msk $0xffff, v1  }
0x353: {  	[tilespmem:v61+s31+$0x0] =	vst.idx.msk $0xffff, v0  }
0x354: {  	v0 =	vld.idx.msk [tilespmem:v62+s21+$0x0], $0xffff;
	_ =	sdelay $0x3  }
0x355: {  	v63 =	vor.u32 $0x2600, v33  }
0x356: {  	v4 =	vor.u32 $0x2610, v33;
	v1 =	vadd.s32 v63, v0  }
0x357: {  	v0 =	vadd.s32 v4, v0  }
0x358: {  	v5 =	vld [tilespmem:$0x1F8B0]  }
0x359: {  	v6 =	vld [tilespmem:$0x1F8C0]  }
0x35a: {  	v7 =	vld [tilespmem:$0x1FEC0]  }
0x35b: {  	v1 =	vld.idx.msk [tilespmem:v1+s25+$0x0], $0xffff  }
0x35c: {  	v0 =	vld.idx.msk [tilespmem:v0+s25+$0x0], $0xffff;
	_ =	sdelay $0x3  }
0x35d: {  	[tilespmem:v5+s31+$0x0] =	vst.idx.msk $0xffff, v1  }
0x35e: {  	[tilespmem:v6+s31+$0x0] =	vst.idx.msk $0xffff, v0  }
0x35f: {  	v0 =	vld.idx.msk [tilespmem:v7+s21+$0x0], $0xffff;
	_ =	sdelay $0x3  }
0x360: {  	v8 =	vor.u32 $0x2680, v33  }
0x361: {  	v9 =	vor.u32 $0x2690, v33;
	v1 =	vadd.s32 v8, v0  }
0x362: {  	v0 =	vadd.s32 v9, v0;
	_ =	sdelay $0x2  }
0x363: {  	v12 =	vld [tilespmem:$0x1FED0]  }
0x364: {  	v10 =	vor.u32 $0x5A0, v33;
	v1 =	vld.idx.msk [tilespmem:v1+s25+$0x0], $0xffff  }
0x365: {  	v11 =	vor.u32 $0x5B0, v33;
	v0 =	vld.idx.msk [tilespmem:v0+s25+$0x0], $0xffff;
	_ =	sdelay $0x3  }
0x366: {  	[tilespmem:v10+s31+$0x0] =	vst.idx.msk $0xffff, v1  }
0x367: {  	[tilespmem:v11+s31+$0x0] =	vst.idx.msk $0xffff, v0  }
0x368: {  	v0 =	vld.idx.msk [tilespmem:v12+s21+$0x0], $0xffff;
	_ =	sdelay $0x3  }
0x369: {  	v13 =	vor.u32 $0x2700, v33  }
0x36a: {  	v14 =	vor.u32 $0x2710, v33;
	v1 =	vadd.s32 v13, v0  }
0x36b: {  	v0 =	vadd.s32 v14, v0;
	_ =	sdelay $0x2  }
0x36c: {  	v17 =	vld [tilespmem:$0x1FEE0]  }
0x36d: {  	v15 =	vor.u32 $0x5C0, v33;
	v1 =	vld.idx.msk [tilespmem:v1+s25+$0x0], $0xffff  }
0x36e: {  	v16 =	vor.u32 $0x5D0, v33;
	v0 =	vld.idx.msk [tilespmem:v0+s25+$0x0], $0xffff;
	_ =	sdelay $0x3  }
0x36f: {  	[tilespmem:v15+s31+$0x0] =	vst.idx.msk $0xffff, v1  }
0x370: {  	[tilespmem:v16+s31+$0x0] =	vst.idx.msk $0xffff, v0  }
0x371: {  	v0 =	vld.idx.msk [tilespmem:v17+s21+$0x0], $0xffff;
	_ =	sdelay $0x3  }
0x372: {  	v18 =	vor.u32 $0x2780, v33  }
0x373: {  	v19 =	vor.u32 $0x2790, v33;
	v1 =	vadd.s32 v18, v0  }
0x374: {  	v0 =	vadd.s32 v19, v0;
	_ =	sdelay $0x2  }
0x375: {  	v22 =	vld [tilespmem:$0x1FEF0]  }
0x376: {  	v20 =	vor.u32 $0x5E0, v33;
	v1 =	vld.idx.msk [tilespmem:v1+s25+$0x0], $0xffff  }
0x377: {  	v21 =	vor.u32 $0x5F0, v33;
	v0 =	vld.idx.msk [tilespmem:v0+s25+$0x0], $0xffff;
	_ =	sdelay $0x3  }
0x378: {  	[tilespmem:v20+s31+$0x0] =	vst.idx.msk $0xffff, v1  }
0x379: {  	[tilespmem:v21+s31+$0x0] =	vst.idx.msk $0xffff, v0  }
0x37a: {  	v0 =	vld.idx.msk [tilespmem:v22+s21+$0x0], $0xffff;
	_ =	sdelay $0x3  }
0x37b: {  	v23 =	vor.u32 $0x2800, v33  }
0x37c: {  	v24 =	vor.u32 $0x2810, v33;
	v1 =	vadd.s32 v23, v0  }
0x37d: {  	v0 =	vadd.s32 v24, v0  }
0x37e: {  	v25 =	vld [tilespmem:$0x1F8D0]  }
0x37f: {  	v26 =	vld [tilespmem:$0x1F8E0]  }
0x380: {  	v27 =	vld [tilespmem:$0x1FF00]  }
0x381: {  	v1 =	vld.idx.msk [tilespmem:v1+s25+$0x0], $0xffff  }
0x382: {  	v0 =	vld.idx.msk [tilespmem:v0+s25+$0x0], $0xffff;
	_ =	sdelay $0x3  }
0x383: {  	[tilespmem:v25+s31+$0x0] =	vst.idx.msk $0xffff, v1  }
0x384: {  	[tilespmem:v26+s31+$0x0] =	vst.idx.msk $0xffff, v0  }
0x385: {  	v0 =	vld.idx.msk [tilespmem:v27+s21+$0x0], $0xffff;
	_ =	sdelay $0x3  }
0x386: {  	v28 =	vor.u32 $0x2880, v33  }
0x387: {  	v29 =	vor.u32 $0x2890, v33;
	v1 =	vadd.s32 v28, v0  }
0x388: {  	v0 =	vadd.s32 v29, v0;
	_ =	sdelay $0x2  }
0x389: {  	v32 =	vld [tilespmem:$0x1FF10]  }
0x38a: {  	v30 =	vor.u32 $0x620, v33;
	v1 =	vld.idx.msk [tilespmem:v1+s25+$0x0], $0xffff  }
0x38b: {  	v31 =	vor.u32 $0x630, v33;
	v0 =	vld.idx.msk [tilespmem:v0+s25+$0x0], $0xffff;
	_ =	sdelay $0x3  }
0x38c: {  	[tilespmem:v30+s31+$0x0] =	vst.idx.msk $0xffff, v1  }
0x38d: {  	[tilespmem:v31+s31+$0x0] =	vst.idx.msk $0xffff, v0  }
0x38e: {  	v0 =	vld.idx.msk [tilespmem:v32+s21+$0x0], $0xffff;
	_ =	sdelay $0x3  }
0x38f: {  	v35 =	vor.u32 $0x2900, v33  }
0x390: {  	v36 =	vor.u32 $0x2910, v33;
	v1 =	vadd.s32 v35, v0  }
0x391: {  	v0 =	vadd.s32 v36, v0;
	_ =	sdelay $0x2  }
0x392: {  	v48 =	vld [tilespmem:$0x1FF20]  }
0x393: {  	v46 =	vor.u32 $0x640, v33;
	v1 =	vld.idx.msk [tilespmem:v1+s25+$0x0], $0xffff  }
0x394: {  	v47 =	vor.u32 $0x650, v33;
	v0 =	vld.idx.msk [tilespmem:v0+s25+$0x0], $0xffff;
	_ =	sdelay $0x3  }
0x395: {  	[tilespmem:v46+s31+$0x0] =	vst.idx.msk $0xffff, v1  }
0x396: {  	[tilespmem:v47+s31+$0x0] =	vst.idx.msk $0xffff, v0  }
0x397: {  	v0 =	vld.idx.msk [tilespmem:v48+s21+$0x0], $0xffff;
	_ =	sdelay $0x3  }
0x398: {  	v49 =	vor.u32 $0x2980, v33  }
0x399: {  	v50 =	vor.u32 $0x2990, v33;
	v1 =	vadd.s32 v49, v0  }
0x39a: {  	v0 =	vadd.s32 v50, v0;
	_ =	sdelay $0x2  }
0x39b: {  	v53 =	vld [tilespmem:$0x1FF30]  }
0x39c: {  	v51 =	vor.u32 $0x660, v33;
	v1 =	vld.idx.msk [tilespmem:v1+s25+$0x0], $0xffff  }
0x39d: {  	v52 =	vor.u32 $0x670, v33;
	v0 =	vld.idx.msk [tilespmem:v0+s25+$0x0], $0xffff;
	_ =	sdelay $0x3  }
0x39e: {  	[tilespmem:v51+s31+$0x0] =	vst.idx.msk $0xffff, v1  }
0x39f: {  	[tilespmem:v52+s31+$0x0] =	vst.idx.msk $0xffff, v0  }
0x3a0: {  	v0 =	vld.idx.msk [tilespmem:v53+s21+$0x0], $0xffff;
	_ =	sdelay $0x3  }
0x3a1: {  	v54 =	vor.u32 $0x2A00, v33  }
0x3a2: {  	v55 =	vor.u32 $0x2A10, v33;
	v1 =	vadd.s32 v54, v0  }
0x3a3: {  	v0 =	vadd.s32 v55, v0  }
0x3a4: {  	v56 =	vld [tilespmem:$0x1F8F0]  }
0x3a5: {  	v57 =	vld [tilespmem:$0x1F900]  }
0x3a6: {  	v58 =	vld [tilespmem:$0x1FF40]  }
0x3a7: {  	v1 =	vld.idx.msk [tilespmem:v1+s25+$0x0], $0xffff  }
0x3a8: {  	v0 =	vld.idx.msk [tilespmem:v0+s25+$0x0], $0xffff;
	_ =	sdelay $0x3  }
0x3a9: {  	[tilespmem:v56+s31+$0x0] =	vst.idx.msk $0xffff, v1  }
0x3aa: {  	[tilespmem:v57+s31+$0x0] =	vst.idx.msk $0xffff, v0  }
0x3ab: {  	v0 =	vld.idx.msk [tilespmem:v58+s21+$0x0], $0xffff;
	_ =	sdelay $0x3  }
0x3ac: {  	v59 =	vor.u32 $0x2A80, v33  }
0x3ad: {  	v60 =	vor.u32 $0x2A90, v33;
	v1 =	vadd.s32 v59, v0  }
0x3ae: {  	v0 =	vadd.s32 v60, v0;
	_ =	sdelay $0x2  }
0x3af: {  	v63 =	vld [tilespmem:$0x1FF50]  }
0x3b0: {  	v61 =	vor.u32 $0x6A0, v33;
	v1 =	vld.idx.msk [tilespmem:v1+s25+$0x0], $0xffff  }
0x3b1: {  	v62 =	vor.u32 $0x6B0, v33;
	v0 =	vld.idx.msk [tilespmem:v0+s25+$0x0], $0xffff;
	_ =	sdelay $0x3  }
0x3b2: {  	[tilespmem:v61+s31+$0x0] =	vst.idx.msk $0xffff, v1  }
0x3b3: {  	[tilespmem:v62+s31+$0x0] =	vst.idx.msk $0xffff, v0  }
0x3b4: {  	v0 =	vld.idx.msk [tilespmem:v63+s21+$0x0], $0xffff;
	_ =	sdelay $0x3  }
0x3b5: {  	v4 =	vor.u32 $0x2B00, v33  }
0x3b6: {  	v5 =	vor.u32 $0x2B10, v33;
	v1 =	vadd.s32 v4, v0  }
0x3b7: {  	v0 =	vadd.s32 v5, v0;
	_ =	sdelay $0x2  }
0x3b8: {  	v8 =	vld [tilespmem:$0x1FF60]  }
0x3b9: {  	v6 =	vor.u32 $0x6C0, v33;
	v1 =	vld.idx.msk [tilespmem:v1+s25+$0x0], $0xffff  }
0x3ba: {  	v7 =	vor.u32 $0x6D0, v33;
	v0 =	vld.idx.msk [tilespmem:v0+s25+$0x0], $0xffff;
	_ =	sdelay $0x3  }
0x3bb: {  	[tilespmem:v6+s31+$0x0] =	vst.idx.msk $0xffff, v1  }
0x3bc: {  	[tilespmem:v7+s31+$0x0] =	vst.idx.msk $0xffff, v0  }
0x3bd: {  	v0 =	vld.idx.msk [tilespmem:v8+s21+$0x0], $0xffff;
	_ =	sdelay $0x3  }
0x3be: {  	v9 =	vor.u32 $0x2B80, v33  }
0x3bf: {  	v10 =	vor.u32 $0x2B90, v33;
	v1 =	vadd.s32 v9, v0  }
0x3c0: {  	v0 =	vadd.s32 v10, v0;
	_ =	sdelay $0x2  }
0x3c1: {  	v13 =	vld [tilespmem:$0x1FF70]  }
0x3c2: {  	v11 =	vor.u32 $0x6E0, v33;
	v1 =	vld.idx.msk [tilespmem:v1+s25+$0x0], $0xffff  }
0x3c3: {  	v12 =	vor.u32 $0x6F0, v33;
	v0 =	vld.idx.msk [tilespmem:v0+s25+$0x0], $0xffff;
	_ =	sdelay $0x3  }
0x3c4: {  	[tilespmem:v11+s31+$0x0] =	vst.idx.msk $0xffff, v1  }
0x3c5: {  	[tilespmem:v12+s31+$0x0] =	vst.idx.msk $0xffff, v0  }
0x3c6: {  	v0 =	vld.idx.msk [tilespmem:v13+s21+$0x0], $0xffff;
	_ =	sdelay $0x3  }
0x3c7: {  	v14 =	vor.u32 $0x2C00, v33  }
0x3c8: {  	v15 =	vor.u32 $0x2C10, v33;
	v1 =	vadd.s32 v14, v0  }
0x3c9: {  	v0 =	vadd.s32 v15, v0  }
0x3ca: {  	v16 =	vld [tilespmem:$0x1F910]  }
0x3cb: {  	v17 =	vld [tilespmem:$0x1F920]  }
0x3cc: {  	v18 =	vld [tilespmem:$0x1FF90]  }
0x3cd: {  	v1 =	vld.idx.msk [tilespmem:v1+s25+$0x0], $0xffff  }
0x3ce: {  	v0 =	vld.idx.msk [tilespmem:v0+s25+$0x0], $0xffff;
	_ =	sdelay $0x3  }
0x3cf: {  	[tilespmem:v16+s31+$0x0] =	vst.idx.msk $0xffff, v1  }
0x3d0: {  	[tilespmem:v17+s31+$0x0] =	vst.idx.msk $0xffff, v0  }
0x3d1: {  	v0 =	vld.idx.msk [tilespmem:v18+s21+$0x0], $0xffff;
	_ =	sdelay $0x3  }
0x3d2: {  	v19 =	vor.u32 $0x2C80, v33  }
0x3d3: {  	v20 =	vor.u32 $0x2C90, v33;
	v1 =	vadd.s32 v19, v0  }
0x3d4: {  	v0 =	vadd.s32 v20, v0;
	_ =	sdelay $0x2  }
0x3d5: {  	v23 =	vld [tilespmem:$0x1FFA0]  }
0x3d6: {  	v21 =	vor.u32 $0x720, v33;
	v1 =	vld.idx.msk [tilespmem:v1+s25+$0x0], $0xffff  }
0x3d7: {  	v22 =	vor.u32 $0x730, v33;
	v0 =	vld.idx.msk [tilespmem:v0+s25+$0x0], $0xffff;
	_ =	sdelay $0x3  }
0x3d8: {  	[tilespmem:v21+s31+$0x0] =	vst.idx.msk $0xffff, v1  }
0x3d9: {  	[tilespmem:v22+s31+$0x0] =	vst.idx.msk $0xffff, v0  }
0x3da: {  	v0 =	vld.idx.msk [tilespmem:v23+s21+$0x0], $0xffff;
	_ =	sdelay $0x3  }
0x3db: {  	v24 =	vor.u32 $0x2D00, v33  }
0x3dc: {  	v25 =	vor.u32 $0x2D10, v33;
	v1 =	vadd.s32 v24, v0  }
0x3dd: {  	v0 =	vadd.s32 v25, v0;
	_ =	sdelay $0x2  }
0x3de: {  	v28 =	vld [tilespmem:$0x1FFC0]  }
0x3df: {  	v26 =	vor.u32 $0x740, v33;
	v1 =	vld.idx.msk [tilespmem:v1+s25+$0x0], $0xffff  }
0x3e0: {  	v27 =	vor.u32 $0x750, v33;
	v0 =	vld.idx.msk [tilespmem:v0+s25+$0x0], $0xffff;
	_ =	sdelay $0x3  }
0x3e1: {  	[tilespmem:v26+s31+$0x0] =	vst.idx.msk $0xffff, v1  }
0x3e2: {  	[tilespmem:v27+s31+$0x0] =	vst.idx.msk $0xffff, v0  }
0x3e3: {  	v0 =	vld.idx.msk [tilespmem:v28+s21+$0x0], $0xffff;
	_ =	sdelay $0x3  }
0x3e4: {  	v29 =	vor.u32 $0x2D80, v33  }
0x3e5: {  	v30 =	vor.u32 $0x2D90, v33;
	v1 =	vadd.s32 v29, v0  }
0x3e6: {  	v0 =	vadd.s32 v30, v0;
	_ =	sdelay $0x2  }
0x3e7: {  	v35 =	vld [tilespmem:$0x1FFD0]  }
0x3e8: {  	v31 =	vor.u32 $0x760, v33;
	v1 =	vld.idx.msk [tilespmem:v1+s25+$0x0], $0xffff  }
0x3e9: {  	v32 =	vor.u32 $0x770, v33;
	v0 =	vld.idx.msk [tilespmem:v0+s25+$0x0], $0xffff;
	_ =	sdelay $0x3  }
0x3ea: {  	[tilespmem:v31+s31+$0x0] =	vst.idx.msk $0xffff, v1  }
0x3eb: {  	[tilespmem:v32+s31+$0x0] =	vst.idx.msk $0xffff, v0  }
0x3ec: {  	v0 =	vld.idx.msk [tilespmem:v35+s21+$0x0], $0xffff;
	_ =	sdelay $0x3  }
0x3ed: {  	v36 =	vor.u32 $0x2E00, v33  }
0x3ee: {  	v46 =	vor.u32 $0x2E10, v33;
	v1 =	vadd.s32 v36, v0  }
0x3ef: {  	v0 =	vadd.s32 v46, v0  }
0x3f0: {  	v47 =	vld [tilespmem:$0x1F930]  }
0x3f1: {  	v48 =	vld [tilespmem:$0x1F940]  }
0x3f2: {  	v49 =	vld [tilespmem:$0x1FFE0]  }
0x3f3: {  	v1 =	vld.idx.msk [tilespmem:v1+s25+$0x0], $0xffff  }
0x3f4: {  	v0 =	vld.idx.msk [tilespmem:v0+s25+$0x0], $0xffff;
	_ =	sdelay $0x3  }
0x3f5: {  	[tilespmem:v47+s31+$0x0] =	vst.idx.msk $0xffff, v1  }
0x3f6: {  	[tilespmem:v48+s31+$0x0] =	vst.idx.msk $0xffff, v0  }
0x3f7: {  	v0 =	vld.idx.msk [tilespmem:v49+s21+$0x0], $0xffff;
	_ =	sdelay $0x3  }
0x3f8: {  	v50 =	vor.u32 $0x2E80, v33  }
0x3f9: {  	v51 =	vor.u32 $0x2E90, v33;
	v1 =	vadd.s32 v50, v0  }
0x3fa: {  	v0 =	vadd.s32 v51, v0;
	_ =	sdelay $0x2  }
0x3fb: {  	v54 =	vld [tilespmem:$0x1FFF0]  }
0x3fc: {  	v52 =	vor.u32 $0x7A0, v33;
	v1 =	vld.idx.msk [tilespmem:v1+s25+$0x0], $0xffff  }
0x3fd: {  	v53 =	vor.u32 $0x7B0, v33;
	v0 =	vld.idx.msk [tilespmem:v0+s25+$0x0], $0xffff;
	_ =	sdelay $0x3  }
0x3fe: {  	[tilespmem:v52+s31+$0x0] =	vst.idx.msk $0xffff, v1  }
0x3ff: {  	[tilespmem:v53+s31+$0x0] =	vst.idx.msk $0xffff, v0  }
0x400: {  	v0 =	vld.idx.msk [tilespmem:v54+s21+$0x0], $0xffff;
	_ =	sdelay $0x3  }
0x401: {  	v55 =	vor.u32 $0x2F00, v33  }
0x402: {  	v56 =	vor.u32 $0x2F10, v33;
	v1 =	vadd.s32 v55, v0  }
0x403: {  	v0 =	vadd.s32 v56, v0;
	_ =	sdelay $0x2  }
0x404: {  	v59 =	vld [tilespmem:$0x1FF80]  }
0x405: {  	v57 =	vor.u32 $0x7C0, v33;
	v1 =	vld.idx.msk [tilespmem:v1+s25+$0x0], $0xffff  }
0x406: {  	v58 =	vor.u32 $0x7D0, v33;
	v0 =	vld.idx.msk [tilespmem:v0+s25+$0x0], $0xffff;
	_ =	sdelay $0x3  }
0x407: {  	[tilespmem:v57+s31+$0x0] =	vst.idx.msk $0xffff, v1  }
0x408: {  	[tilespmem:v58+s31+$0x0] =	vst.idx.msk $0xffff, v0  }
0x409: {  	v0 =	vld.idx.msk [tilespmem:v59+s21+$0x0], $0xffff;
	_ =	sdelay $0x3  }
0x40a: {  	v60 =	vor.u32 $0x2F80, v33  }
0x40b: {  	v61 =	vor.u32 $0x2F90, v33;
	v1 =	vadd.s32 v60, v0  }
0x40c: {  	v0 =	vadd.s32 v61, v0;
	_ =	sdelay $0x3  }
0x40d: {  	v62 =	vor.u32 $0x7E0, v33;
	v1 =	vld.idx.msk [tilespmem:v1+s25+$0x0], $0xffff  }
0x40e: {  	v63 =	vor.u32 $0x7F0, v33;
	v0 =	vld.idx.msk [tilespmem:v0+s25+$0x0], $0xffff;
	_ =	sdelay $0x3  }
0x40f: {  	s4 =	rddreg [dreg:$0xe];
	[tilespmem:v62+s31+$0x0] =	vst.idx.msk $0xffff, v1  }
0x410: {  	s1 =	simm.s32 @!p0 $0x0;
	s5 =	rddreg [dreg:$0xf];
	[tilespmem:v63+s31+$0x0] =	vst.idx.msk $0xffff, v0  }
0x411: {  	[hbm4b:s4+s1] =	stream.linear.scatter @!p0 [tilespmem:s5], [sflag:$0x6], $0x400, $0x38;
	[tilespmem:$0x17300] =	vst v63  }
0x412: {  	s1 =	simm.s32 @!p0 $0x6  }
0x413: {  	_ =	swait.ge @!p0 [sflag:s1], $0x400  }
0x414: {  	[tilespmem:$0x1F950] =	vst v34  }
0x415: {  	[tilespmem:$0x1F960] =	vst v37  }
0x416: {  	[tilespmem:$0x1F970] =	vst v38  }
0x417: {  	[tilespmem:$0x1F980] =	vst v39  }
0x418: {  	[tilespmem:$0x1F990] =	vst v40  }
0x419: {  	[sflag:s1] =	ssyncset.done @!p0 $0x0;
	[tilespmem:$0x1F9A0] =	vst v41  }
0x41a: {  	[tilespmem:$0x1F9B0] =	vst v42;
	[sflag:s1] =	ssyncadd.s32 @!p0 $0xFFFFFC00  }
0x41b: {  	[tilespmem:s20], [sflag:$0x1] =	stream.indirect.gather [hbm4b:s6+s0], $0x80, s16, s0, $0xb8;
	[tilespmem:$0x17300] =	vst v63  }
0x41c: {  	[tilespmem:$0x1F9C0] =	vst v43  }
0x41d: {  	[tilespmem:s24], [sflag:$0x2] =	stream.indirect.gather [hbm4b:s6+s22], $0x80, s0, s22, $0xb8;
	[tilespmem:$0x17300] =	vst v63  }
0x41e: {  	s18 =	simm.s32 $0x68;
	[tilespmem:$0x1F9D0] =	vst v44  }
0x41f: {  	[tilespmem:s28], [sflag:$0x1] =	stream.indirect.gather [hbm4b:s6+s22], $0x80, s18, s22, $0xb8;
	[tilespmem:$0x17300] =	vst v63  }
0x420: {  	s15 =	simm.s32 $0x0;
	s26 =	simm.s32 $0x98;
	[tilespmem:$0x1F9E0] =	vst v45  }
0x421: {  	[tilespmem:s2], [sflag:$0x2] =	stream.indirect.gather [hbm4b:s6+s22], $0x80, s26, s22, $0xb8;
	[tilespmem:$0x17300] =	vst v63  }
.LBB2_2:
0x422: {  	s16 =	sshllo.u32 s15, $0x1  }
0x423: {  	s17 =	smul.u32 $0xC8, s16;
	_ =	sdelay $0x1  }
0x424: {  	[tilespmem:s3], [sflag:$0x3] =	stream.indirect.gather [hbm4b:s6+s0], $0x80, s17, s0, $0xb8;
	[tilespmem:$0x17300] =	vst v63  }
0x425: {  	s4 =	simm.s32 $0xD600;
	s1 =	sadd.s32 $0x38, s17  }
0x426: {  	[tilespmem:s4], [sflag:$0x4] =	stream.indirect.gather [hbm4b:s6+s22], $0x80, s1, s22, $0xb8;
	[tilespmem:$0x17300] =	vst v63  }
0x427: {  	s5 =	simm.s32 $0xEE00;
	s4 =	sadd.s32 $0x68, s17  }
0x428: {  	[tilespmem:s5], [sflag:$0x3] =	stream.indirect.gather [hbm4b:s6+s22], $0x80, s4, s22, $0xb8;
	[tilespmem:$0x17300] =	vst v63  }
0x429: {  	s14 =	simm.s32 $0x10600;
	s7 =	sadd.s32 $0x98, s17  }
0x42a: {  	[tilespmem:s14], [sflag:$0x4] =	stream.indirect.gather [hbm4b:s6+s22], $0x80, s7, s22, $0xb8;
	[tilespmem:$0x17300] =	vst v63  }
0x42b: {  	_ =	swait.ge [sflag:s8], $0x1C00  }
0x42c: {  	[sflag:s8] =	ssyncset.done $0x0  }
0x42d: {  	[sflag:s8] =	ssyncadd.s32 $0xFFFFE400  }
0x42e: {  	_ =	swait.ge [sflag:s9], $0x1800  }
0x42f: {  	[sflag:s9] =	ssyncset.done $0x0  }
0x430: {  	[sflag:s9] =	ssyncadd.s32 $0xFFFFE800  }
0x431: {  	_ =	swait.ge [sflag:s8], $0x1800  }
0x432: {  	[sflag:s8] =	ssyncset.done $0x0  }
0x433: {  	s18 =	smul.u32 $0x190, s15;
	[sflag:s8] =	ssyncadd.s32 $0xFFFFE800  }
0x434: {  	_ =	swait.ge [sflag:s9], $0x1800  }
0x435: {  	v3 =	vadd.s32 s18, v40;
	v4 =	vld [tilespmem:$0x1FFB0];
	_ =	sdelay $0x2  }
0x436: {  	[sflag:s9] =	ssyncset.done $0x0  }
0x437: {  	s26 =	sshll.u32 s15, $0x1;
	[sflag:s9] =	ssyncadd.s32 $0xFFFFE800  }
0x438: {  	v8 =	vadd.s32 s18, v43;
	v6 =	vor.u32 s26, v4;
	v4 =	vld.idx.msk [tilespmem:v3+s19+$0x0], $0xffff  }
0x439: {  	v3 =	vld [tilespmem:$0x1F810];
	_ =	sdelay $0x2  }
0x43a: {  	v0 =	vor.u32 s18, v33  }
0x43b: {  	v1 =	vadd.s32 s18, v34;
	v10 =	vld.idx.msk [tilespmem:v8+s19+$0x0], $0xffff  }
0x43c: {  	v8 =	vld [tilespmem:$0x1F800];
	v3 =	vadd.s32 s18, v3  }
0x43d: {  	v12 =	vadd.s32 s18, v37;
	v6 =	vld.idx.msk [tilespmem:v6+s21+$0x0], $0xffff  }
0x43e: {  	v15 =	vadd.s32 s18, v45  }
0x43f: {  	v2 =	vadd.s32 s18, v39;
	v0 =	vld.idx.msk [tilespmem:v0+s19+$0x0], $0xffff  }
0x440: {  	v47 =	vmul.u32 $0x80, v33;
	v5 =	vadd.s32 s18, v41;
	v7 =	vadd.s32 s18, v42;
	v1 =	vld.idx.msk [tilespmem:v1+s19+$0x0], $0xffff  }
0x441: {  	v9 =	vadd.s32 s18, v44;
	s14 =	simm.s32 $0x0;
	v16 =	vadd.s32 s18, v8;
	v8 =	vld.idx.msk [tilespmem:v3+s19+$0x0], $0xffff;
	v3 =	vmov s26  }
0x442: {  	v14 =	vadd.s32 s18, v38;
	v13 =	vld.idx.msk [tilespmem:v12+s19+$0x0], $0xffff;
	v12 =	vshll.u32 v3, $0x7;
	v3 =	vadd.s32 s14, v6  }
0x443: {  	v59 =	vmov s18;
	v21 =	vor.u32 $0x6000, v47;
	v15 =	vld.idx.msk [tilespmem:v15+s19+$0x0], $0xffff;
	v17 =	vand.u32 $0xFFFFFF80, v3  }
0x444: {  	v31 =	vor.u32 $0x800, v47;
	v2 =	vld.idx.msk [tilespmem:v2+s19+$0x0], $0xffff;
	v3 =	vand.u32 $0x7F, v3;
	v19 =	vadd.s32 v12, v17  }
0x445: {  	v32 =	vor.u32 $0x1000, v47;
	v33 =	vor.u32 $0x2000, v47;
	v5 =	vld.idx.msk [tilespmem:v5+s19+$0x0], $0xffff;
	v3 =	vor.u32 v3, v19  }
0x446: {  	v52 =	vor.u32 $0x2800, v47;
	v36 =	vor.u32 $0x3000, v47;
	v17 =	vld.idx.msk [tilespmem:v16+s19+$0x0], $0xffff;
	v16 =	vadd.s32 s14, v8  }
0x447: {  	v53 =	vor.u32 $0x4000, v47;
	[tilespmem:$0x1F740] =	vst v21;
	v7 =	vld.idx.msk [tilespmem:v7+s19+$0x0], $0xffff;
	v27 =	vadd.s32 s14, v13;
	v21 =	vadd.s32 v21, v16  }
0x448: {  	v55 =	vor.u32 $0x5000, v47;
	v11 =	vld.idx.msk [tilespmem:v9+s19+$0x0], $0xffff;
	v29 =	vadd.s32 s14, v15;
	v27 =	vadd.s32 v53, v27  }
0x449: {  	v35 =	vor.u32 $0x3800, v47;
	v14 =	vld.idx.msk [tilespmem:v14+s19+$0x0], $0xffff;
	v29 =	vadd.s32 v55, v29;
	v19 =	vadd.s32 s14, v1  }
0x44a: {  	v54 =	vor.u32 $0x4800, v47;
	v20 =	vadd.s32 s14, v2;
	v16 =	vld.idx.msk [tilespmem:v3+s25+$0x0], $0xffff;
	v3 =	vadd.s32 v31, v19  }
0x44b: {  	[tilespmem:$0x1F750] =	vst v31;
	v22 =	vadd.s32 s14, v4;
	v31 =	vor.u32 $0x1800, v47;
	v19 =	vadd.s32 v32, v20  }
0x44c: {  	v9 =	vimm.f32 $0.0e+00;
	v23 =	vadd.s32 s14, v5;
	v20 =	vld.idx.msk [tilespmem:v21+s20+$0x0], $0xffff;
	v21 =	vadd.s32 v31, v22  }
0x44d: {  	v24 =	vadd.s32 s14, v7;
	v25 =	vadd.s32 s14, v10;
	v46 =	vld.idx.msk [tilespmem:v27+s20+$0x0], $0xffff;
	v22 =	vadd.s32 v33, v23  }
0x44e: {  	[tilespmem:$0x1F7A0] =	vst v36;
	v26 =	vadd.s32 s14, v11;
	v23 =	vadd.s32 v52, v24;
	v24 =	vadd.s32 v36, v25;
	v36 =	vld.idx.msk [tilespmem:v29+s20+$0x0], $0xffff  }
0x44f: {  	s1 =	simm.s32 $0x1;
	v18 =	vadd.s32 s14, v0;
	v28 =	vadd.s32 s14, v14;
	v25 =	vadd.s32 v35, v26;
	v26 =	vld.idx.msk [tilespmem:v3+s20+$0x0], $0xffff  }
0x450: {  	v61 =	vadd.s32 s1, v1;
	v39 =	vadd.s32 s1, v2;
	v63 =	vadd.s32 s1, v5;
	v19 =	vld.idx.msk [tilespmem:v19+s20+$0x0], $0xffff  }
0x451: {  	v38 =	vadd.s32 s1, v7;
	v62 =	vadd.s32 s1, v10;
	v57 =	vadd.s32 v47, v18;
	v18 =	vld.idx.msk [tilespmem:v21+s20+$0x0], $0xffff  }
0x452: {  	v60 =	vadd.s32 s1, v15;
	v56 =	vadd.s32 v54, v28;
	v28 =	vadd.s32 s1, v11;
	v22 =	vld.idx.msk [tilespmem:v22+s20+$0x0], $0xffff  }
0x453: {  	v37 =	vadd.s32 s1, v4;
	v27 =	vimm.f32 $0.0e+00;
	v48 =	vadd.s32 s1, v6;
	v23 =	vld.idx.msk [tilespmem:v23+s20+$0x0], $0xffff  }
0x454: {  	[tilespmem:$0x1F760] =	vst v32;
	v49 =	vand.u32 $0xFFFFFF80, v48;
	v30 =	vadd.s32 s14, v17;
	v40 =	vadd.s32 s1, v17;
	v24 =	vld.idx.msk [tilespmem:v24+s20+$0x0], $0xffff  }
0x455: {  	v32 =	vadd.s32 s1, v14;
	[tilespmem:$0x1F770] =	vst v31;
	v31 =	vor.u32 $0x5800, v47;
	v29 =	vimm.f32 $0.0e+00;
	v25 =	vld.idx.msk [tilespmem:v25+s20+$0x0], $0xffff  }
0x456: {  	[tilespmem:$0x1F780] =	vst v33;
	v58 =	vadd.s32 v31, v30;
	v3 =	vmul.f32 v20, v16;
	v20 =	vmul.f32 v26, v16  }
0x457: {  	[tilespmem:$0x1F7F0] =	vst v31;
	v30 =	vadd.s32 s1, v0;
	v31 =	vadd.s32 s1, v13;
	v19 =	vmul.f32 v19, v16  }
0x458: {  	[tilespmem:$0x1F790] =	vst v52;
	v3 =	vadd.f32 v3, v9;
	v21 =	vadd.f32 v20, v9;
	v18 =	vmul.f32 v18, v16  }
0x459: {  	[tilespmem:$0x1F7B0] =	vst v35;
	v20 =	vadd.f32 v19, v9;
	v19 =	vmul.f32 v22, v16;
	v43 =	vmul.f32 v23, v16  }
0x45a: {  	[tilespmem:$0x1F7C0] =	vst v53;
	v45 =	vld.idx.msk [tilespmem:v57+s20+$0x0], $0xffff;
	v26 =	vimm.f32 $0.0e+00;
	v44 =	vmul.f32 v24, v16;
	v41 =	vmul.f32 v25, v16  }
0x45b: {  	[tilespmem:$0x1F7D0] =	vst v54;
	v35 =	vld.idx.msk [tilespmem:v56+s20+$0x0], $0xffff;
	v25 =	vimm.f32 $0.0e+00;
	v24 =	vimm.f32 $0.0e+00;
	v22 =	vimm.f32 $0.0e+00  }
0x45c: {  	[tilespmem:$0x1F7E0] =	vst v55;
	s14 =	simm.s32 $0x2;
	v42 =	vld.idx.msk [tilespmem:v58+s20+$0x0], $0xffff;
	v23 =	vimm.f32 $0.0e+00;
	v18 =	vadd.f32 v18, v9;
	v19 =	vadd.f32 v19, v9  }
.LBB2_3:
0x45d: {  	p1 =	sne.s32 s14, $0x1F;
	v48 =	vand.u32 $0x7F, v48;
	v49 =	vadd.s32 v12, v49;
	v46 =	vmul.f32 v46, v16  }
0x45e: {  	v50 =	vor.u32 $0x6000, v47;
	v48 =	vor.u32 v48, v49;
	v49 =	vadd.s32 s1, v8;
	s1 =	smov.u32 s14  }
0x45f: {  	v51 =	vor.u32 $0x800, v47;
	v52 =	vor.u32 $0x1000, v47;
	v49 =	vadd.s32 v50, v49  }
0x460: {  	v53 =	vor.u32 $0x2000, v47;
	v54 =	vor.u32 $0x2800, v47;
	v50 =	vor.u32 $0x1800, v47  }
0x461: {  	v55 =	vor.u32 $0x3000, v47;
	v56 =	vor.u32 $0x3800, v47;
	v57 =	vor.u32 $0x4000, v47  }
0x462: {  	v58 =	vor.u32 $0x4800, v47;
	v33 =	vor.u32 $0x5000, v47;
	v34 =	vor.u32 $0x5800, v47  }
0x463: {  	v51 =	vadd.s32 v51, v61;
	v39 =	vadd.s32 v52, v39;
	v37 =	vadd.s32 v50, v37;
	v48 =	vld.idx.msk [tilespmem:v48+s25+$0x0], $0xffff  }
0x464: {  	v38 =	vadd.s32 v54, v38;
	v52 =	vadd.s32 v55, v62;
	v50 =	vadd.s32 v53, v63;
	v49 =	vld.idx.msk [tilespmem:v49+s20+$0x0], $0xffff  }
0x465: {  	v28 =	vadd.s32 v56, v28;
	v54 =	vadd.s32 v58, v32;
	v53 =	vadd.s32 v57, v31  }
0x466: {  	v55 =	vadd.s32 v47, v30;
	v33 =	vadd.s32 v33, v60;
	v34 =	vadd.s32 v34, v40  }
0x467: {  	v9 =	vadd.f32 v43, v9;
	v30 =	vmul.f32 v45, v16;
	v31 =	vmul.f32 v35, v16  }
0x468: {  	v29 =	vadd.f32 v44, v29;
	v35 =	vmul.f32 v36, v16;
	v36 =	vmul.f32 v42, v16;
	v32 =	vld.idx.msk [tilespmem:v51+s20+$0x0], $0xffff  }
0x469: {  	v26 =	vadd.f32 v41, v26;
	v25 =	vadd.f32 v30, v25;
	v16 =	vmov v48;
	v40 =	vld.idx.msk [tilespmem:v39+s20+$0x0], $0xffff  }
0x46a: {  	v24 =	vadd.f32 v46, v24;
	v27 =	vadd.f32 v31, v27;
	v41 =	vld.idx.msk [tilespmem:v37+s20+$0x0], $0xffff;
	v37 =	vmul.f32 v49, v16  }
0x46b: {  	v22 =	vadd.f32 v35, v22;
	v23 =	vadd.f32 v36, v23;
	v42 =	vld.idx.msk [tilespmem:v50+s20+$0x0], $0xffff  }
0x46c: {  	v61 =	vadd.s32 s14, v1;
	v30 =	vadd.s32 s14, v0;
	v43 =	vld.idx.msk [tilespmem:v38+s20+$0x0], $0xffff;
	v3 =	vadd.f32 v37, v3  }
0x46d: {  	v63 =	vadd.s32 s14, v5;
	v39 =	vadd.s32 s14, v2;
	v37 =	vadd.s32 s14, v4;
	v44 =	vld.idx.msk [tilespmem:v52+s20+$0x0], $0xffff  }
0x46e: {  	v62 =	vadd.s32 s14, v10;
	v38 =	vadd.s32 s14, v7;
	v35 =	vmul.f32 v32, v16;
	v50 =	vld.idx.msk [tilespmem:v28+s20+$0x0], $0xffff  }
0x46f: {  	v31 =	vadd.s32 s14, v13;
	v28 =	vadd.s32 s14, v11;
	v36 =	vmul.f32 v40, v16;
	v46 =	vld.idx.msk [tilespmem:v53+s20+$0x0], $0xffff  }
.Ltmp0:
0x470: {  	v32 =	vadd.s32 s14, v14;
	v21 =	vadd.f32 v35, v21;
	v41 =	vmul.f32 v41, v16;
	v35 =	vld.idx.msk [tilespmem:v54+s20+$0x0], $0xffff;
	(pc) =	sbr.rel @p1 .LBB2_3-.Ltmp0, $4  }
0x471: {  	v60 =	vadd.s32 s14, v15;
	v20 =	vadd.f32 v36, v20;
	v49 =	vmul.f32 v42, v16;
	v36 =	vld.idx.msk [tilespmem:v33+s20+$0x0], $0xffff  }
0x472: {  	v40 =	vadd.s32 s14, v17;
	v18 =	vadd.f32 v41, v18;
	v43 =	vmul.f32 v43, v16;
	v42 =	vld.idx.msk [tilespmem:v34+s20+$0x0], $0xffff  }
0x473: {  	v48 =	vadd.s32 s14, v6;
	v19 =	vadd.f32 v49, v19;
	v44 =	vmul.f32 v44, v16;
	v45 =	vld.idx.msk [tilespmem:v55+s20+$0x0], $0xffff  }
0x474: {  	s14 =	sadd.s32 $0x1, s14;
	v49 =	vand.u32 $0xFFFFFF80, v48;
	v41 =	vmul.f32 v50, v16  }
0x475: {  	v0 =	vadd.s32 v12, v49;
	v1 =	vand.u32 $0x7F, v48  }
0x476: {  	v0 =	vor.u32 v1, v0;
	v1 =	vadd.s32 s1, v8;
	v8 =	vld [tilespmem:$0x1F780]  }
0x477: {  	v50 =	vld [tilespmem:$0x1F740]  }
0x478: {  	v49 =	vld [tilespmem:$0x1F750]  }
0x479: {  	v51 =	vld [tilespmem:$0x1F760]  }
0x47a: {  	v58 =	vld [tilespmem:$0x1F7B0]  }
0x47b: {  	v7 =	vadd.s32 v8, v63;
	v63 =	vmov v8;
	v8 =	vadd.f32 v43, v9;
	v43 =	vld [tilespmem:$0x1F790]  }
0x47c: {  	v55 =	vld [tilespmem:$0x1F7C0]  }
0x47d: {  	v4 =	vadd.s32 v47, v30;
	v2 =	vadd.s32 v49, v61;
	v61 =	vld [tilespmem:$0x1F770]  }
0x47e: {  	v54 =	vld [tilespmem:$0x1F7D0]  }
0x47f: {  	v53 =	vld [tilespmem:$0x1F7E0];
	v1 =	vadd.s32 v50, v1  }
0x480: {  	v9 =	vadd.s32 v43, v38;
	v38 =	vld [tilespmem:$0x1F7A0]  }
0x481: {  	v52 =	vld [tilespmem:$0x1F7F0];
	v5 =	vadd.s32 v51, v39  }
0x482: {  	v4 =	vld.idx.msk [tilespmem:v4+s20+$0x0], $0xffff;
	v6 =	vadd.s32 v61, v37  }
0x483: {  	v0 =	vld.idx.msk [tilespmem:v0+s25+$0x0], $0xffff  }
0x484: {  	v1 =	vld.idx.msk [tilespmem:v1+s20+$0x0], $0xffff  }
0x485: {  	v10 =	vadd.f32 v44, v29;
	v11 =	vmul.f32 v46, v16;
	v2 =	vld.idx.msk [tilespmem:v2+s20+$0x0], $0xffff;
	v12 =	vadd.s32 v38, v62  }
0x486: {  	v15 =	vmul.f32 v35, v16;
	v17 =	vmul.f32 v36, v16;
	v13 =	vadd.s32 v58, v28;
	v5 =	vld.idx.msk [tilespmem:v5+s20+$0x0], $0xffff  }
0x487: {  	v48 =	vadd.f32 v41, v26;
	v14 =	vmul.f32 v45, v16;
	v28 =	vadd.s32 v55, v31;
	v6 =	vld.idx.msk [tilespmem:v6+s20+$0x0], $0xffff  }
0x488: {  	v11 =	vadd.f32 v11, v24;
	v15 =	vadd.f32 v15, v27;
	v56 =	vadd.s32 v54, v32;
	v7 =	vld.idx.msk [tilespmem:v7+s20+$0x0], $0xffff  }
0x489: {  	v16 =	vmul.f32 v42, v16;
	v14 =	vadd.f32 v14, v25;
	v57 =	vadd.s32 v53, v60;
	v9 =	vld.idx.msk [tilespmem:v9+s20+$0x0], $0xffff  }
0x48a: {  	v27 =	vadd.s32 v52, v40;
	v4 =	vmul.f32 v4, v0;
	v2 =	vmul.f32 v2, v0;
	v12 =	vld.idx.msk [tilespmem:v12+s20+$0x0], $0xffff  }
0x48b: {  	v17 =	vadd.f32 v17, v22;
	v16 =	vadd.f32 v16, v23;
	v13 =	vld.idx.msk [tilespmem:v13+s20+$0x0], $0xffff;
	v5 =	vmul.f32 v5, v0  }
0x48c: {  	v4 =	vadd.f32 v4, v14;
	v14 =	vld.idx.msk [tilespmem:v28+s20+$0x0], $0xffff;
	v2 =	vadd.f32 v2, v21;
	v6 =	vmul.f32 v6, v0  }
0x48d: {  	v1 =	vmul.f32 v1, v0;
	v7 =	vmul.f32 v7, v0;
	v5 =	vadd.f32 v5, v20;
	v20 =	vld.idx.msk [tilespmem:v56+s20+$0x0], $0xffff  }
0x48e: {  	v21 =	vld.idx.msk [tilespmem:v57+s20+$0x0], $0xffff;
	v9 =	vmul.f32 v9, v0;
	v6 =	vadd.f32 v6, v18;
	v18 =	vmax.f32 v4, v2  }
0x48f: {  	v22 =	vld.idx.msk [tilespmem:v27+s20+$0x0], $0xffff;
	v7 =	vadd.f32 v7, v19;
	v18 =	vmax.f32 v18, v5;
	v12 =	vmul.f32 v12, v0  }
0x490: {  	v13 =	vmul.f32 v13, v0;
	v8 =	vadd.f32 v9, v8;
	v9 =	vmax.f32 v18, v6  }
0x491: {  	v14 =	vmul.f32 v14, v0;
	v9 =	vmax.f32 v9, v7;
	v10 =	vadd.f32 v12, v10  }
0x492: {  	v13 =	vadd.f32 v13, v48;
	v9 =	vmax.f32 v9, v8;
	v12 =	vmul.f32 v20, v0  }
0x493: {  	v11 =	vadd.f32 v14, v11;
	v18 =	vmul.f32 v21, v0;
	v9 =	vmax.f32 v9, v10  }
0x494: {  	v0 =	vmul.f32 v22, v0;
	v12 =	vadd.f32 v12, v15;
	v9 =	vmax.f32 v9, v13  }
0x495: {  	v14 =	vadd.f32 v18, v17;
	v9 =	vmax.f32 v9, v11  }
0x496: {  	v1 =	vadd.f32 v1, v3;
	v0 =	vadd.f32 v0, v16;
	v3 =	vmax.f32 v9, v12  }
0x497: {  	v3 =	vmax.f32 v3, v14  }
0x498: {  	v1 =	vnsel vm0, $0xF149F2CA, v1;
	v3 =	vmax.f32 v3, v0  }
0x499: {  	v3 =	vmax.f32 v3, v1  }
0x49a: {  	(xrf0) =	vmax.scan.msk.f32 $0xffff, v3;
	_ =	sdelay $0x5  }
0x49b: {  	v3, _, _ =	vpop (xrf0)  }
0x49c: {  	v3 =	vbroadcast v3, $0xF;
	_ =	sdelay $0x1  }
0x49d: {  	v4 =	vsub.f32 v4, v3  }
0x49e: {  	v2 =	vsub.f32 v2, v3  }
0x49f: {  	v4 =	vmul.f32 $1.442695020e+00, v4  }
0x4a0: {  	v5 =	vsub.f32 v5, v3;
	v2 =	vmul.f32 $1.442695020e+00, v2  }
0x4a1: {  	(erf) = vpow2.f32 v4  }
0x4a2: {  	v4 =	vsub.f32 v6, v3;
	(erf) = vpow2.f32 v2;
	v2 =	vmul.f32 $1.442695020e+00, v5;
	_ =	sdelay $0x1  }
0x4a3: {  	(erf) = vpow2.f32 v2;
	v2 =	vmul.f32 $1.442695020e+00, v4;
	v4 =	vsub.f32 v7, v3;
	_ =	sdelay $0x1  }
0x4a4: {  	(erf) = vpow2.f32 v2;
	v2 =	vmul.f32 $1.442695020e+00, v4;
	v4 =	vsub.f32 v8, v3;
	_ =	sdelay $0x1  }
0x4a5: {  	(erf) = vpow2.f32 v2;
	v2 =	vmul.f32 $1.442695020e+00, v4;
	v4 =	vsub.f32 v10, v3;
	_ =	sdelay $0x1  }
0x4a6: {  	v5 =	vsub.f32 v13, v3  }
0x4a7: {  	v6 =	vpop (erf);
	(erf) = vpow2.f32 v2;
	v2 =	vmul.f32 $1.442695020e+00, v4  }
0x4a8: {  	v5 =	vmul.f32 $1.442695020e+00, v5;
	v4 =	vpop (erf)  }
0x4a9: {  	(erf) = vpow2.f32 v2;
	v2 =	vsub.f32 v11, v3;
	v7 =	vadd.f32 v4, v6  }
0x4aa: {  	v8 =	vpop (erf);
	(erf) = vpow2.f32 v5  }
0x4ab: {  	v5 =	vsub.f32 v12, v3;
	v2 =	vmul.f32 $1.442695020e+00, v2;
	v7 =	vadd.f32 v7, v8  }
0x4ac: {  	v9 =	vpop (erf)  }
0x4ad: {  	(erf) = vpow2.f32 v2;
	v2 =	vmul.f32 $1.442695020e+00, v5;
	v5 =	vadd.f32 v7, v9;
	_ =	sdelay $0x1  }
0x4ae: {  	v10 =	vsub.f32 v14, v3;
	v7 =	vpop (erf)  }
0x4af: {  	v0 =	vsub.f32 v0, v3;
	(erf) = vpow2.f32 v2;
	v2 =	vadd.f32 v5, v7  }
0x4b0: {  	v10 =	vmul.f32 $1.442695020e+00, v10;
	v5 =	vpop (erf)  }
0x4b1: {  	v1 =	vsub.f32 v1, v3;
	v0 =	vmul.f32 $1.442695020e+00, v0;
	v2 =	vadd.f32 v2, v5  }
0x4b2: {  	(erf) = vpow2.f32 v10;
	v3 =	vpop (erf)  }
0x4b3: {  	(erf) = vpow2.f32 v0;
	v0 =	vmul.f32 $1.442695020e+00, v1;
	v1 =	vadd.f32 v2, v3;
	_ =	sdelay $0x1  }
0x4b4: {  	v2 =	vpop (erf)  }
0x4b5: {  	(erf) = vpow2.f32 v0;
	v0 =	vadd.f32 v1, v2  }
0x4b6: {  	v1 =	vpop (erf)  }
0x4b7: {  	v0 =	vadd.f32 v0, v1  }
0x4b8: {  	v10 =	vpop (erf)  }
0x4b9: {  	v0 =	vadd.f32 v0, v10  }
0x4ba: {  	v11 =	vpop (erf)  }
0x4bb: {  	v0 =	vadd.f32 v0, v11  }
0x4bc: {  	v12 =	vpop (erf)  }
0x4bd: {  	v0 =	vadd.f32 v0, v12  }
0x4be: {  	v13 =	vpop (erf)  }
0x4bf: {  	v0 =	vadd.f32 v0, v13;
	_ =	sdelay $0x1  }
0x4c0: {  	(xrf2) =	vadd.scan.msk.f32 $0xffff, v0;
	_ =	sdelay $0x9  }
0x4c1: {  	v0, _, _ =	vpop (xrf2)  }
0x4c2: {  	v0 =	vbroadcast v0, $0xF;
	_ =	sdelay $0x1  }
0x4c3: {  	(erf) = vrcp.f32 v0;
	_ =	sdelay $0x4  }
0x4c4: {  	v40 =	vld [tilespmem:$0x1F950]  }
0x4c5: {  	v29 =	vld [tilespmem:$0x1F980]  }
0x4c6: {  	v30 =	vld [tilespmem:$0x1F990];
	v39 =	vlaneseq.u32  }
0x4c7: {  	v31 =	vld [tilespmem:$0x1F9A0]  }
0x4c8: {  	v32 =	vld [tilespmem:$0x1F9B0];
	v0 =	vpop (erf)  }
0x4c9: {  	v33 =	vld [tilespmem:$0x1F9C0];
	v6 =	vmul.f32 v0, v6  }
0x4ca: {  	v34 =	vld [tilespmem:$0x1F9D0];
	v4 =	vmul.f32 v0, v4  }
0x4cb: {  	v36 =	vld [tilespmem:$0x1F960];
	[tilespmem:v39+s10+$0x0] =	vst.idx.msk $0xffff, v6;
	v6 =	vmul.f32 v0, v8  }
0x4cc: {  	v28 =	vld [tilespmem:$0x1F970];
	[tilespmem:v40+s10+$0x0] =	vst.idx.msk $0xffff, v4;
	v4 =	vmul.f32 v0, v9  }
0x4cd: {  	v35 =	vld [tilespmem:$0x1F9E0];
	[tilespmem:v29+s10+$0x0] =	vst.idx.msk $0xffff, v6;
	v6 =	vmul.f32 v0, v7  }
0x4ce: {  	[tilespmem:v30+s10+$0x0] =	vst.idx.msk $0xffff, v4;
	v4 =	vmul.f32 v0, v5  }
0x4cf: {  	v3 =	vmul.f32 v0, v3;
	[tilespmem:v31+s10+$0x0] =	vst.idx.msk $0xffff, v6  }
0x4d0: {  	v2 =	vmul.f32 v0, v2;
	[tilespmem:v32+s10+$0x0] =	vst.idx.msk $0xffff, v4  }
0x4d1: {  	v1 =	vmul.f32 v0, v1;
	[tilespmem:v33+s10+$0x0] =	vst.idx.msk $0xffff, v3  }
0x4d2: {  	[tilespmem:v34+s10+$0x0] =	vst.idx.msk $0xffff, v2;
	v2 =	vmul.f32 v0, v10  }
0x4d3: {  	[tilespmem:v36+s10+$0x0] =	vst.idx.msk $0xffff, v1;
	v1 =	vmul.f32 v0, v11  }
0x4d4: {  	[tilespmem:v28+s10+$0x0] =	vst.idx.msk $0xffff, v2  }
0x4d5: {  	[tilespmem:v35+s10+$0x0] =	vst.idx.msk $0xffff, v1;
	v1 =	vld [tilespmem:$0x1F800];
	_ =	sdelay $0x5  }
0x4d6: {  	v2 =	vmul.f32 v0, v12;
	_ =	sdelay $0x1  }
0x4d7: {  	[tilespmem:v1+s10+$0x0] =	vst.idx.msk $0xffff, v2;
	v2 =	vld [tilespmem:$0x1F810];
	_ =	sdelay $0x2  }
0x4d8: {  	s7 =	simm.s32 $0x0  }
0x4d9: {  	s4 =	simm.s32 $0x3;
	v3 =	vadd.s32 s7, v59  }
0x4da: {  	v7 =	vadd.s32 s4, v59  }
0x4db: {  	s14 =	simm.s32 $0x2;
	v0 =	vmul.f32 v0, v13  }
0x4dc: {  	v1 =	vadd.s32 s14, v59  }
0x4dd: {  	s18 =	simm.s32 $0x1;
	[tilespmem:v2+s10+$0x0] =	vst.idx.msk $0xffff, v0  }
0x4de: {  	v0 =	vadd.s32 s18, v59;
	v2 =	vld.idx.msk [tilespmem:v3+s19+$0x0], $0xffff  }
0x4df: {  	s1 =	simm.s32 $0x4;
	v5 =	vmov s18;
	v7 =	vld.idx.msk [tilespmem:v7+s19+$0x0], $0xffff  }
0x4e0: {  	v60 =	vmov s1;
	v8 =	vmov s7;
	v6 =	vshll.u32 v5, $0x7;
	s7 =	simm.s32 $0x6  }
0x4e1: {  	v4 =	vimm.f32 $0.0e+00;
	v10 =	vmov s4;
	v19 =	vadd.s32 s7, v59;
	v1 =	vld.idx.msk [tilespmem:v1+s19+$0x0], $0xffff  }
0x4e2: {  	v15 =	vshll.u32 v10, $0x7;
	v12 =	vshll.u32 v8, $0x7;
	v3 =	vmov s14  }
0x4e3: {  	v9 =	vshll.u32 v3, $0x7;
	v0 =	vld.idx.msk [tilespmem:v0+s19+$0x0], $0xffff;
	v11 =	vadd.s32 v39, v2;
	v2 =	vadd.s32 v40, v2  }
0x4e4: {  	v17 =	vadd.s32 v40, v7;
	v13 =	vand.u32 $0xFFFFFF80, v11;
	v14 =	vand.u32 $0xFFFFFF80, v2  }
0x4e5: {  	v2 =	vand.u32 $0x7F, v2;
	v13 =	vadd.s32 v12, v13;
	v12 =	vadd.s32 v12, v14  }
0x4e6: {  	v11 =	vand.u32 $0x7F, v11;
	v14 =	vadd.s32 v39, v1;
	v2 =	vor.u32 v2, v12  }
0x4e7: {  	v16 =	vand.u32 $0xFFFFFF80, v14;
	v14 =	vand.u32 $0x7F, v14;
	v11 =	vor.u32 v11, v13  }
0x4e8: {  	v12 =	vadd.s32 v39, v0;
	v0 =	vadd.s32 v40, v0;
	v16 =	vadd.s32 v9, v16  }
0x4e9: {  	v13 =	vand.u32 $0xFFFFFF80, v0;
	v14 =	vor.u32 v14, v16;
	v16 =	vand.u32 $0xFFFFFF80, v12  }
0x4ea: {  	v8 =	vld.idx.msk [tilespmem:v8+s10+$0x0], $0xffff;
	v13 =	vadd.s32 v6, v13;
	v6 =	vadd.s32 v6, v16;
	v16 =	vadd.s32 s1, v59  }
0x4eb: {  	v7 =	vadd.s32 v39, v7;
	v1 =	vadd.s32 v40, v1;
	v0 =	vand.u32 $0x7F, v0;
	v2 =	vld.idx.msk [tilespmem:v2+s20+$0x0], $0xffff  }
0x4ec: {  	s5 =	simm.s32 $0x5;
	v18 =	vand.u32 $0x7F, v1;
	v12 =	vand.u32 $0x7F, v12;
	v13 =	vor.u32 v0, v13;
	v11 =	vld.idx.msk [tilespmem:v11+s20+$0x0], $0xffff  }
0x4ed: {  	v0 =	vld.idx.msk [tilespmem:v3+s10+$0x0], $0xffff;
	v3 =	vand.u32 $0xFFFFFF80, v1;
	v1 =	vmov s5;
	v6 =	vor.u32 v12, v6  }
0x4ee: {  	v12 =	vand.u32 $0xFFFFFF80, v7;
	v3 =	vadd.s32 v9, v3;
	v9 =	vadd.s32 s5, v59;
	v14 =	vld.idx.msk [tilespmem:v14+s20+$0x0], $0xffff  }
0x4ef: {  	v7 =	vand.u32 $0x7F, v7;
	v12 =	vadd.s32 v15, v12;
	v18 =	vor.u32 v18, v3;
	v16 =	vld.idx.msk [tilespmem:v16+s19+$0x0], $0xffff  }
0x4f0: {  	v5 =	vld.idx.msk [tilespmem:v5+s10+$0x0], $0xffff;
	v12 =	vor.u32 v7, v12;
	v3 =	vand.u32 $0xFFFFFF80, v17;
	v2 =	vmul.f32 v2, v8  }
0x4f1: {  	v13 =	vld.idx.msk [tilespmem:v13+s20+$0x0], $0xffff;
	v7 =	vmul.f32 v11, v8;
	v8 =	vand.u32 $0x7F, v17;
	v11 =	vadd.s32 v15, v3  }
0x4f2: {  	v23 =	vmov s7;
	s18 =	simm.s32 $0x7;
	v6 =	vld.idx.msk [tilespmem:v6+s20+$0x0], $0xffff;
	v17 =	vshll.u32 v1, $0x7;
	v8 =	vor.u32 v8, v11  }
0x4f3: {  	v9 =	vld.idx.msk [tilespmem:v9+s19+$0x0], $0xffff;
	v11 =	vadd.s32 s18, v59;
	v3 =	vmul.f32 v14, v0;
	v15 =	vadd.f32 v2, v4  }
0x4f4: {  	v22 =	vld.idx.msk [tilespmem:v19+s19+$0x0], $0xffff;
	v4 =	vadd.f32 v7, v4;
	v2 =	vshll.u32 v60, $0x7;
	v14 =	vadd.s32 v39, v16  }
0x4f5: {  	v7 =	vshll.u32 v23, $0x7;
	v16 =	vadd.s32 v40, v16;
	v19 =	vand.u32 $0xFFFFFF80, v14  }
0x4f6: {  	v20 =	vand.u32 $0xFFFFFF80, v16;
	v13 =	vmul.f32 v13, v5;
	v14 =	vand.u32 $0x7F, v14  }
0x4f7: {  	v5 =	vmul.f32 v6, v5;
	v21 =	vadd.s32 v2, v19;
	v19 =	vadd.s32 v2, v20  }
0x4f8: {  	v12 =	vld.idx.msk [tilespmem:v12+s20+$0x0], $0xffff;
	v2 =	vmov s18;
	v20 =	vand.u32 $0x7F, v16;
	v16 =	vadd.s32 v39, v9  }
0x4f9: {  	v6 =	vld.idx.msk [tilespmem:v10+s10+$0x0], $0xffff;
	v10 =	vadd.s32 v40, v9;
	v19 =	vor.u32 v20, v19;
	v20 =	vadd.s32 v39, v22  }
0x4fa: {  	v11 =	vld.idx.msk [tilespmem:v11+s19+$0x0], $0xffff;
	v9 =	vadd.f32 v5, v4;
	v14 =	vor.u32 v14, v21;
	v21 =	vand.u32 $0xFFFFFF80, v10  }
0x4fb: {  	v10 =	vand.u32 $0x7F, v10;
	v22 =	vadd.s32 v40, v22;
	v4 =	vand.u32 $0xFFFFFF80, v20  }
0x4fc: {  	v8 =	vld.idx.msk [tilespmem:v8+s20+$0x0], $0xffff;
	v13 =	vadd.f32 v13, v15;
	v5 =	vand.u32 $0x7F, v20;
	v4 =	vadd.s32 v7, v4  }
0x4fd: {  	v62 =	vadd.s32 v17, v21;
	v20 =	vor.u32 v5, v4;
	v4 =	vand.u32 $0xFFFFFF80, v16;
	v5 =	vld.idx.msk [tilespmem:v60+s10+$0x0], $0xffff  }
0x4fe: {  	v12 =	vmul.f32 v12, v6;
	v21 =	vadd.s32 v17, v4;
	v4 =	vshll.u32 v2, $0x7;
	v17 =	vld.idx.msk [tilespmem:v18+s20+$0x0], $0xffff  }
0x4ff: {  	s14 =	simm.s32 $0xB;
	v18 =	vor.u32 v10, v62;
	v10 =	vld.idx.msk [tilespmem:v23+s10+$0x0], $0xffff;
	v23 =	vand.u32 $0xFFFFFF80, v22;
	v15 =	vadd.s32 v40, v11  }
.LBB2_5:
0x500: {  	s4 =	sadd.s32 $0xFFFFFFFD, s14  }
0x501: {  	s18 =	sadd.s32 $0xFFFFFFFE, s14;
	v19 =	vld.idx.msk [tilespmem:v19+s20+$0x0], $0xffff;
	v16 =	vand.u32 $0x7F, v16;
	v22 =	vand.u32 $0x7F, v22;
	v7 =	vadd.s32 v7, v23;
	s5 =	smov.u32 s14;
	s1 =	sadd.s32 $0x4, s14  }
0x502: {  	p1 =	sne.s32 s14, $0xC7;
	v6 =	vmul.f32 v8, v6;
	v23 =	vadd.s32 s4, v59;
	v24 =	vadd.s32 s18, v59;
	s7 =	sadd.s32 $0xFFFFFFFF, s5;
	v20 =	vld.idx.msk [tilespmem:v20+s20+$0x0], $0xffff  }
0x503: {  	v3 =	vadd.f32 v3, v9;
	v25 =	vmov s7;
	v8 =	vadd.s32 s7, v59;
	v14 =	vld.idx.msk [tilespmem:v14+s20+$0x0], $0xffff  }
0x504: {  	v11 =	vadd.s32 v39, v11;
	v9 =	vmov s18;
	v26 =	vmul.f32 v17, v0  }
0x505: {  	v16 =	vor.u32 v16, v21;
	v17 =	vand.u32 $0xFFFFFF80, v11;
	v12 =	vadd.f32 v12, v3  }
0x506: {  	v3 =	vand.u32 $0x7F, v11;
	v11 =	vadd.s32 v4, v17;
	v13 =	vadd.f32 v26, v13;
	v0 =	vmovc v10;
	v18 =	vld.idx.msk [tilespmem:v18+s20+$0x0], $0xffff  }
0x507: {  	v21 =	vor.u32 v22, v7;
	v11 =	vor.u32 v3, v11;
	v17 =	vmul.f32 v19, v5;
	v10 =	vld.idx.msk [tilespmem:v23+s19+$0x0], $0xffff  }
0x508: {  	v7 =	vand.u32 $0xFFFFFF80, v15;
	v6 =	vadd.f32 v6, v13;
	v3 =	vmul.f32 v20, v0;
	v19 =	vld.idx.msk [tilespmem:v24+s19+$0x0], $0xffff  }
0x509: {  	v4 =	vadd.s32 v4, v7;
	v5 =	vmul.f32 v14, v5;
	v14 =	vand.u32 $0x7F, v15;
	v13 =	vld.idx.msk [tilespmem:v1+s10+$0x0], $0xffff;
	v1 =	vmovc v9  }
0x50a: {  	v15 =	vadd.f32 v17, v6;
	v14 =	vor.u32 v14, v4;
	v9 =	vld.idx.msk [tilespmem:v16+s20+$0x0], $0xffff  }
0x50b: {  	v17 =	vadd.s32 s5, v59;
	v22 =	vshll.u32 v1, $0x7;
	v12 =	vadd.f32 v5, v12;
	v23 =	vld.idx.msk [tilespmem:v8+s19+$0x0], $0xffff  }
0x50c: {  	v7 =	vshll.u32 v25, $0x7;
	v5 =	vmov s4;
	v8 =	vmov s5;
	v24 =	vld.idx.msk [tilespmem:v11+s20+$0x0], $0xffff  }
0x50d: {  	v16 =	vshll.u32 v5, $0x7;
	v11 =	vadd.s32 v39, v10;
	v10 =	vadd.s32 v40, v10  }
0x50e: {  	v4 =	vshll.u32 v8, $0x7;
	v20 =	vand.u32 $0xFFFFFF80, v11;
	v26 =	vand.u32 $0xFFFFFF80, v10;
	v6 =	vld.idx.msk [tilespmem:v2+s10+$0x0], $0xffff;
	v2 =	vmovc v8  }
0x50f: {  	v10 =	vand.u32 $0x7F, v10;
	v20 =	vadd.s32 v16, v20;
	v18 =	vmul.f32 v18, v13;
	v8 =	vld.idx.msk [tilespmem:v14+s20+$0x0], $0xffff  }
0x510: {  	v26 =	vadd.s32 v16, v26;
	v14 =	vand.u32 $0x7F, v11;
	v9 =	vmul.f32 v9, v13  }
0x511: {  	v16 =	vadd.s32 v39, v19;
	v13 =	vadd.s32 v40, v19;
	v27 =	vadd.s32 v39, v23;
	v11 =	vld.idx.msk [tilespmem:v17+s19+$0x0], $0xffff  }
0x512: {  	v19 =	vor.u32 v10, v26;
	v10 =	vand.u32 $0xFFFFFF80, v27;
	v17 =	vand.u32 $0x7F, v27;
	v5 =	vld.idx.msk [tilespmem:v5+s10+$0x0], $0xffff  }
.Ltmp1:
0x513: {  	v26 =	vand.u32 $0xFFFFFF80, v13;
	v9 =	vadd.f32 v9, v12;
	v10 =	vadd.s32 v7, v10;
	(pc) =	sbr.rel @p1 .LBB2_5-.Ltmp1, $4  }
0x514: {  	v14 =	vor.u32 v14, v20;
	v27 =	vand.u32 $0x7F, v13;
	v20 =	vor.u32 v17, v10;
	v17 =	vld.idx.msk [tilespmem:v21+s20+$0x0], $0xffff  }
0x515: {  	v26 =	vadd.s32 v22, v26;
	v10 =	vand.u32 $0xFFFFFF80, v16;
	v12 =	vmul.f32 v24, v6  }
0x516: {  	v13 =	vadd.f32 v18, v15;
	v21 =	vadd.s32 v22, v10;
	v22 =	vadd.s32 v40, v23  }
0x517: {  	s14 =	smov.u32 s1;
	v18 =	vor.u32 v27, v26;
	v23 =	vand.u32 $0xFFFFFF80, v22;
	v15 =	vadd.s32 v40, v11;
	v10 =	vld.idx.msk [tilespmem:v25+s10+$0x0], $0xffff  }
0x518: {  	_ =	sdelay $0x1  }
0x519: {  	v16 =	vand.u32 $0x7F, v16  }
0x51a: {  	v11 =	vadd.s32 v39, v11;
	v16 =	vor.u32 v16, v21  }
0x51b: {  	v19 =	vld.idx.msk [tilespmem:v19+s20+$0x0], $0xffff;
	v22 =	vand.u32 $0x7F, v22;
	v7 =	vadd.s32 v7, v23;
	v21 =	vand.u32 $0xFFFFFF80, v11  }
0x51c: {  	v20 =	vld.idx.msk [tilespmem:v20+s20+$0x0], $0xffff;
	v11 =	vand.u32 $0x7F, v11;
	v7 =	vor.u32 v22, v7;
	v21 =	vadd.s32 v4, v21  }
0x51d: {  	v14 =	vld.idx.msk [tilespmem:v14+s20+$0x0], $0xffff;
	v11 =	vor.u32 v11, v21;
	v21 =	vand.u32 $0xFFFFFF80, v15  }
0x51e: {  	v1 =	vld.idx.msk [tilespmem:v1+s10+$0x0], $0xffff;
	v15 =	vand.u32 $0x7F, v15;
	v4 =	vadd.s32 v4, v21  }
0x51f: {  	v0 =	vmul.f32 v17, v0;
	v4 =	vor.u32 v15, v4;
	v16 =	vld.idx.msk [tilespmem:v16+s20+$0x0], $0xffff  }
0x520: {  	v3 =	vadd.f32 v3, v9;
	v9 =	vld.idx.msk [tilespmem:v18+s20+$0x0], $0xffff  }
0x521: {  	v6 =	vmul.f32 v8, v6;
	v0 =	vadd.f32 v0, v13;
	v7 =	vld.idx.msk [tilespmem:v7+s20+$0x0], $0xffff  }
0x522: {  	v3 =	vadd.f32 v12, v3;
	v8 =	vld.idx.msk [tilespmem:v11+s20+$0x0], $0xffff;
	v11 =	vmul.f32 v14, v5  }
0x523: {  	v2 =	vld.idx.msk [tilespmem:v2+s10+$0x0], $0xffff;
	v0 =	vadd.f32 v6, v0;
	v5 =	vmul.f32 v19, v5  }
0x524: {  	v3 =	vadd.f32 v11, v3;
	v4 =	vld.idx.msk [tilespmem:v4+s20+$0x0], $0xffff;
	v6 =	vmul.f32 v16, v1  }
0x525: {  	v0 =	vadd.f32 v5, v0;
	v1 =	vmul.f32 v9, v1  }
0x526: {  	s1 =	sshll.u32 s15, $0x6;
	v5 =	vmul.f32 v20, v10;
	v3 =	vadd.f32 v6, v3  }
0x527: {  	v0 =	vadd.f32 v1, v0;
	v1 =	vmul.f32 v7, v10;
	v6 =	vor.u32 s1, v39  }
0x528: {  	v7 =	vmul.f32 v8, v2;
	v3 =	vadd.f32 v5, v3;
	v5 =	vor.u32 s1, v40  }
0x529: {  	s7 =	smin.u32 s26, $0x1D;
	v2 =	vmul.f32 v4, v2;
	v0 =	vadd.f32 v1, v0  }
0x52a: {  	s1 =	smul.u32 $0x320, s7;
	v1 =	vadd.f32 v7, v3  }
0x52b: {  	v0 =	vadd.f32 v2, v0  }
0x52c: {  	s1 =	sshrl.u32 s1, $0x2;
	[tilespmem:v6+s11+$0x0] =	vst.idx.msk $0xffff, v1  }
0x52d: {  	s4 =	sadd.s32 $0x190, s1;
	[tilespmem:v5+s11+$0x0] =	vst.idx.msk $0xffff, v0  }
0x52e: {  	[tilespmem:s20], [sflag:$0x1] =	stream.indirect.gather [hbm4b:s6+s0], $0x80, s4, s0, $0xb8;
	[tilespmem:$0x17300] =	vst v63  }
0x52f: {  	s14 =	sadd.s32 $0x1C8, s1  }
0x530: {  	[tilespmem:s24], [sflag:$0x2] =	stream.indirect.gather [hbm4b:s6+s22], $0x80, s14, s22, $0xb8;
	[tilespmem:$0x17300] =	vst v63  }
0x531: {  	s18 =	sadd.s32 $0x1F8, s1  }
0x532: {  	[tilespmem:s28], [sflag:$0x1] =	stream.indirect.gather [hbm4b:s6+s22], $0x80, s18, s22, $0xb8;
	[tilespmem:$0x17300] =	vst v63  }
0x533: {  	s1 =	sadd.s32 $0x228, s1  }
0x534: {  	[tilespmem:s2], [sflag:$0x2] =	stream.indirect.gather [hbm4b:s6+s22], $0x80, s1, s22, $0xb8;
	[tilespmem:$0x17300] =	vst v63  }
0x535: {  	_ =	swait.ge [sflag:s12], $0x1C00  }
0x536: {  	[sflag:s12] =	ssyncset.done $0x0  }
0x537: {  	[sflag:s12] =	ssyncadd.s32 $0xFFFFE400  }
0x538: {  	_ =	swait.ge [sflag:s13], $0x1800  }
0x539: {  	[sflag:s13] =	ssyncset.done $0x0  }
0x53a: {  	[sflag:s13] =	ssyncadd.s32 $0xFFFFE800  }
0x53b: {  	_ =	swait.ge [sflag:s12], $0x1800  }
0x53c: {  	v3 =	vadd.s32 s17, v30;
	[sflag:s12] =	ssyncset.done $0x0  }
0x53d: {  	[sflag:s12] =	ssyncadd.s32 $0xFFFFE800  }
0x53e: {  	v0 =	vadd.s32 s17, v39;
	_ =	swait.ge [sflag:s13], $0x1800  }
0x53f: {  	v1 =	vadd.s32 s17, v40;
	[sflag:s13] =	ssyncset.done $0x0  }
0x540: {  	v2 =	vadd.s32 s17, v29;
	v9 =	vld [tilespmem:$0x1F810];
	[sflag:s13] =	ssyncadd.s32 $0xFFFFE800  }
0x541: {  	v8 =	vadd.s32 s17, v34;
	v4 =	vld.idx.msk [tilespmem:v3+s19+$0x0], $0xffff  }
0x542: {  	v3 =	vld [tilespmem:$0x1FFB0]  }
0x543: {  	v5 =	vadd.s32 s17, v31;
	v0 =	vld.idx.msk [tilespmem:v0+s19+$0x0], $0xffff  }
0x544: {  	v7 =	vadd.s32 s17, v33;
	v1 =	vld.idx.msk [tilespmem:v1+s19+$0x0], $0xffff  }
0x545: {  	v6 =	vadd.s32 s17, v32;
	v2 =	vld.idx.msk [tilespmem:v2+s19+$0x0], $0xffff  }
0x546: {  	v12 =	vadd.s32 s17, v36;
	v41 =	vld.idx.msk [tilespmem:v8+s19+$0x0], $0xffff  }
0x547: {  	v8 =	vld [tilespmem:$0x1F800];
	v3 =	vor.u32 s16, v3  }
0x548: {  	v5 =	vld.idx.msk [tilespmem:v5+s19+$0x0], $0xffff;
	v11 =	vadd.s32 s17, v9  }
0x549: {  	s26 =	simm.s32 $0x0;
	v13 =	vadd.s32 s17, v28;
	v40 =	vld.idx.msk [tilespmem:v7+s19+$0x0], $0xffff  }
0x54a: {  	v14 =	vadd.s32 s17, v35;
	v32 =	vld.idx.msk [tilespmem:v6+s19+$0x0], $0xffff;
	v19 =	vadd.s32 s26, v4  }
0x54b: {  	v44 =	vld.idx.msk [tilespmem:v12+s19+$0x0], $0xffff;
	v19 =	vadd.s32 v61, v19  }
0x54c: {  	v18 =	vmov s16;
	v16 =	vadd.s32 s17, v8;
	v45 =	vld.idx.msk [tilespmem:v3+s21+$0x0], $0xffff  }
0x54d: {  	v7 =	vshll.u32 v18, $0x7;
	v6 =	vld.idx.msk [tilespmem:v11+s19+$0x0], $0xffff  }
0x54e: {  	v46 =	vld.idx.msk [tilespmem:v13+s19+$0x0], $0xffff;
	v15 =	vadd.s32 s26, v1;
	v18 =	vadd.s32 s26, v5;
	v24 =	vadd.s32 s26, v40  }
0x54f: {  	v57 =	vld.idx.msk [tilespmem:v14+s19+$0x0], $0xffff;
	v12 =	vadd.s32 v49, v15;
	v18 =	vadd.s32 v63, v18;
	v3 =	vadd.s32 s26, v0  }
0x550: {  	v17 =	vadd.s32 v47, v3;
	v3 =	vadd.s32 s26, v2;
	v26 =	vld.idx.msk [tilespmem:v19+s3+$0x0], $0xffff;
	v19 =	vadd.s32 v38, v24  }
0x551: {  	v20 =	vadd.s32 v51, v3;
	v3 =	vld.idx.msk [tilespmem:v16+s19+$0x0], $0xffff;
	v16 =	vadd.s32 s26, v32;
	v21 =	vadd.s32 s26, v45  }
0x552: {  	v22 =	vadd.s32 v43, v16;
	v23 =	vadd.s32 s26, v6;
	v16 =	vand.u32 $0xFFFFFF80, v21  }
0x553: {  	v23 =	vadd.s32 v50, v23;
	v21 =	vand.u32 $0x7F, v21;
	v16 =	vadd.s32 v7, v16  }
0x554: {  	v12 =	vld.idx.msk [tilespmem:v12+s3+$0x0], $0xffff;
	v21 =	vor.u32 v21, v16  }
0x555: {  	v59 =	vmov s17;
	v25 =	vadd.s32 s26, v41;
	v27 =	vadd.s32 s26, v46;
	v18 =	vld.idx.msk [tilespmem:v18+s3+$0x0], $0xffff  }
0x556: {  	v28 =	vadd.s32 s26, v57;
	s17 =	simm.s32 $0x1;
	v25 =	vadd.s32 v58, v25;
	v27 =	vadd.s32 v54, v27;
	v17 =	vld.idx.msk [tilespmem:v17+s3+$0x0], $0xffff  }
0x557: {  	v33 =	vadd.s32 v53, v28;
	v34 =	vadd.s32 s17, v2;
	v24 =	vadd.s32 s26, v44;
	v39 =	vld.idx.msk [tilespmem:v19+s3+$0x0], $0xffff  }
0x558: {  	v60 =	vadd.s32 s17, v4;
	v62 =	vadd.s32 s17, v5;
	v24 =	vadd.s32 v55, v24;
	v31 =	vld.idx.msk [tilespmem:v23+s3+$0x0], $0xffff  }
0x559: {  	v9 =	vmovc v4;
	v10 =	vmovc v5;
	v42 =	vadd.s32 s17, v32;
	v28 =	vadd.s32 s17, v40;
	v37 =	vadd.s32 v61, v60;
	v29 =	vld.idx.msk [tilespmem:v21+s25+$0x0], $0xffff  }
0x55a: {  	v13 =	vmovc v40;
	v14 =	vmovc v44;
	v36 =	vadd.s32 v63, v62;
	v35 =	vadd.s32 v43, v42;
	v60 =	vimm.f32 $0.0e+00;
	v20 =	vld.idx.msk [tilespmem:v20+s3+$0x0], $0xffff  }
0x55b: {  	v8 =	vmovc v46;
	v11 =	vmovc v32;
	v32 =	vadd.s32 s17, v41;
	v19 =	vadd.s32 s17, v57;
	v30 =	vld.idx.msk [tilespmem:v22+s3+$0x0], $0xffff;
	v22 =	vadd.s32 s26, v3  }
0x55c: {  	[tilespmem:$0x1F720] =	vst v0;
	v56 =	vmovc v57;
	v5 =	vmovc v43;
	v25 =	vld.idx.msk [tilespmem:v25+s3+$0x0], $0xffff;
	v16 =	vimm.f32 $0.0e+00;
	v23 =	vadd.s32 s17, v0;
	v48 =	vadd.s32 v52, v22  }
0x55d: {  	v4 =	vmovc v63;
	v15 =	vmovc v41;
	v24 =	vld.idx.msk [tilespmem:v24+s3+$0x0], $0xffff;
	v22 =	vadd.s32 s17, v44;
	v40 =	vadd.s32 v47, v23;
	v23 =	vadd.s32 s17, v46  }
0x55e: {  	[tilespmem:$0x1F700] =	vst v6;
	v6 =	vmovc v1;
	v21 =	vadd.s32 s17, v1;
	v17 =	vmul.f32 v17, v29;
	v31 =	vmul.f32 v31, v29  }
0x55f: {  	v41 =	vadd.s32 v49, v21;
	v21 =	vld.idx.msk [tilespmem:v33+s3+$0x0], $0xffff;
	v57 =	vmul.f32 v12, v29;
	v46 =	vmul.f32 v20, v29  }
0x560: {  	v1 =	vmovc v38;
	v38 =	vadd.s32 v51, v34;
	v62 =	vmul.f32 v26, v29;
	v43 =	vmul.f32 v18, v29  }
0x561: {  	v27 =	vld.idx.msk [tilespmem:v27+s3+$0x0], $0xffff;
	v0 =	vmovc v49;
	v49 =	vadd.s32 s17, v45;
	v63 =	vmul.f32 v30, v29;
	v44 =	vmul.f32 v39, v29  }
0x562: {  	[tilespmem:$0x1F730] =	vst v3;
	v3 =	vmovc v61;
	v61 =	vmul.f32 v25, v29;
	v42 =	vmul.f32 v24, v29;
	v30 =	vimm.f32 $0.0e+00  }
0x563: {  	v25 =	vimm.f32 $0.0e+00;
	v26 =	vimm.f32 $0.0e+00;
	v24 =	vimm.f32 $0.0e+00  }
0x564: {  	v48 =	vld.idx.msk [tilespmem:v48+s3+$0x0], $0xffff;
	v20 =	vimm.f32 $0.0e+00;
	v39 =	vmul.f32 v21, v29;
	v12 =	vadd.f32 v31, v16  }
0x565: {  	[tilespmem:$0x1F710] =	vst v7;
	v7 =	vmovc v2;
	v21 =	vimm.f32 $0.0e+00;
	v17 =	vadd.f32 v17, v16;
	v18 =	vadd.f32 v57, v16  }
0x566: {  	s1 =	simm.s32 $0x2;
	v2 =	vmovc v51;
	v31 =	vimm.f32 $0.0e+00;
	v57 =	vmovc v45;
	v45 =	vmul.f32 v27, v29;
	v27 =	vimm.f32 $0.0e+00  }
.LBB2_7:
0x567: {  	_ =	sdelay $0x1  }
0x568: {  	v33 =	vand.u32 $0xFFFFFF80, v49;
	v29 =	vmul.f32 v48, v29;
	v48 =	vand.u32 $0x7F, v49;
	v49 =	vld [tilespmem:$0x1F710];
	_ =	sdelay $0x2  }
0x569: {  	v51 =	vld [tilespmem:$0x1F700];
	_ =	sdelay $0x1  }
0x56a: {  	v34 =	vld.idx.msk [tilespmem:v40+s3+$0x0], $0xffff;
	v28 =	vadd.s32 v1, v28;
	v33 =	vadd.s32 v49, v33  }
0x56b: {  	v31 =	vadd.f32 v43, v31;
	v43 =	vld.idx.msk [tilespmem:v36+s3+$0x0], $0xffff;
	v33 =	vor.u32 v48, v33  }
0x56c: {  	v27 =	vadd.f32 v44, v27;
	v44 =	vld.idx.msk [tilespmem:v35+s3+$0x0], $0xffff  }
0x56d: {  	v35 =	vadd.s32 v55, v22;
	v22 =	vld [tilespmem:$0x1F720];
	v40 =	vadd.s32 s17, v51  }
0x56e: {  	v51 =	vld.idx.msk [tilespmem:v37+s3+$0x0], $0xffff;
	v40 =	vadd.s32 v50, v40  }
0x56f: {  	v20 =	vadd.f32 v39, v20;
	v39 =	vld.idx.msk [tilespmem:v28+s3+$0x0], $0xffff  }
0x570: {  	v32 =	vadd.s32 v58, v32;
	v16 =	vadd.f32 v46, v16;
	v21 =	vadd.f32 v29, v21;
	v29 =	vld.idx.msk [tilespmem:v33+s25+$0x0], $0xffff  }
0x571: {  	v60 =	vadd.f32 v62, v60;
	v30 =	vadd.f32 v63, v30;
	v33 =	vadd.s32 v53, v19;
	v19 =	vld [tilespmem:$0x1F730]  }
0x572: {  	v25 =	vadd.f32 v61, v25;
	v26 =	vadd.f32 v42, v26;
	v36 =	vadd.s32 v54, v23;
	v50 =	vld.idx.msk [tilespmem:v38+s3+$0x0], $0xffff  }
0x573: {  	v24 =	vadd.f32 v45, v24;
	v61 =	vadd.s32 s1, v9;
	v62 =	vadd.s32 s1, v10;
	v42 =	vld.idx.msk [tilespmem:v40+s3+$0x0], $0xffff  }
0x574: {  	v63 =	vadd.s32 s1, v11;
	v37 =	vadd.s32 s1, v6;
	v38 =	vadd.s32 s1, v7;
	v49 =	vld.idx.msk [tilespmem:v41+s3+$0x0], $0xffff  }
0x575: {  	v28 =	vadd.s32 s1, v13;
	v41 =	vadd.s32 v0, v37;
	v38 =	vadd.s32 v2, v38;
	v53 =	vld.idx.msk [tilespmem:v32+s3+$0x0], $0xffff  }
0x576: {  	v37 =	vadd.s32 v3, v61;
	v23 =	vadd.s32 s1, v22;
	v54 =	vld.idx.msk [tilespmem:v35+s3+$0x0], $0xffff;
	v19 =	vadd.s32 s17, v19  }
0x577: {  	v22 =	vadd.s32 s1, v14;
	v55 =	vld.idx.msk [tilespmem:v36+s3+$0x0], $0xffff;
	v36 =	vadd.s32 v4, v62;
	v45 =	vadd.s32 v52, v19  }
0x578: {  	v35 =	vadd.s32 v5, v63;
	v33 =	vld.idx.msk [tilespmem:v33+s3+$0x0], $0xffff;
	v34 =	vmul.f32 v34, v29;
	v42 =	vmul.f32 v42, v29  }
0x579: {  	p1 =	sne.s32 s1, $0x1F;
	v40 =	vadd.s32 v47, v23;
	v46 =	vmul.f32 v50, v29;
	v50 =	vld [tilespmem:$0x1F740];
	v62 =	vmul.f32 v51, v29  }
.Ltmp2:
0x57a: {  	v23 =	vadd.s32 s1, v8;
	v43 =	vmul.f32 v43, v29;
	v61 =	vmul.f32 v53, v29;
	v53 =	vld [tilespmem:$0x1F7E0];
	(pc) =	sbr.rel @p1 .LBB2_7-.Ltmp2, $4  }
0x57b: {  	v32 =	vadd.s32 s1, v15;
	v63 =	vmul.f32 v44, v29;
	v44 =	vmul.f32 v39, v29;
	v52 =	vld [tilespmem:$0x1F7F0]  }
0x57c: {  	v19 =	vadd.s32 s1, v56;
	v12 =	vadd.f32 v42, v12;
	v48 =	vld.idx.msk [tilespmem:v45+s3+$0x0], $0xffff;
	v45 =	vmul.f32 v49, v29  }
0x57d: {  	s17 =	smov.u32 s1;
	v17 =	vadd.f32 v34, v17;
	v42 =	vmul.f32 v54, v29;
	v54 =	vld [tilespmem:$0x1F7D0];
	v39 =	vmul.f32 v33, v29  }
0x57e: {  	s1 =	sadd.s32 $0x1, s1;
	v49 =	vadd.s32 s17, v57;
	v18 =	vadd.f32 v45, v18;
	v45 =	vmul.f32 v55, v29;
	v55 =	vld [tilespmem:$0x1F7C0]  }
0x57f: {  	v3 =	vld [tilespmem:$0x1F710];
	_ =	sdelay $0x3  }
0x580: {  	v0 =	vand.u32 $0xFFFFFF80, v49  }
0x581: {  	v2 =	vand.u32 $0x7F, v49;
	v0 =	vadd.s32 v3, v0  }
0x582: {  	v33 =	vld.idx.msk [tilespmem:v40+s3+$0x0], $0xffff;
	v0 =	vor.u32 v2, v0  }
0x583: {  	v2 =	vld [tilespmem:$0x1F700]  }
0x584: {  	v4 =	vld.idx.msk [tilespmem:v41+s3+$0x0], $0xffff  }
0x585: {  	v5 =	vld.idx.msk [tilespmem:v38+s3+$0x0], $0xffff;
	v1 =	vadd.s32 v1, v28  }
0x586: {  	v7 =	vadd.f32 v46, v16;
	v3 =	vld [tilespmem:$0x1F730]  }
0x587: {  	v9 =	vadd.f32 v62, v60;
	v11 =	vadd.f32 v43, v31;
	v13 =	vadd.s32 v58, v32;
	v0 =	vld.idx.msk [tilespmem:v0+s25+$0x0], $0xffff  }
0x588: {  	v10 =	vld.idx.msk [tilespmem:v37+s3+$0x0], $0xffff;
	v14 =	vadd.f32 v63, v30;
	v22 =	vadd.s32 v55, v22;
	v2 =	vadd.s32 s17, v2  }
0x589: {  	v15 =	vld.idx.msk [tilespmem:v36+s3+$0x0], $0xffff;
	v16 =	vadd.f32 v44, v27;
	v25 =	vadd.f32 v61, v25;
	v2 =	vadd.s32 v50, v2  }
0x58a: {  	v26 =	vadd.f32 v42, v26;
	v19 =	vadd.s32 v53, v19;
	v23 =	vadd.s32 v54, v23;
	v8 =	vld.idx.msk [tilespmem:v1+s3+$0x0], $0xffff  }
0x58b: {  	v20 =	vadd.f32 v39, v20;
	v6 =	vmul.f32 v48, v29;
	v54 =	vld.idx.msk [tilespmem:v35+s3+$0x0], $0xffff;
	v3 =	vadd.s32 s17, v3  }
0x58c: {  	v13 =	vld.idx.msk [tilespmem:v13+s3+$0x0], $0xffff;
	v3 =	vadd.s32 v52, v3;
	v1 =	vmul.f32 v33, v0;
	v4 =	vmul.f32 v4, v0  }
0x58d: {  	v24 =	vadd.f32 v45, v24;
	v6 =	vadd.f32 v6, v21;
	v21 =	vld.idx.msk [tilespmem:v22+s3+$0x0], $0xffff;
	v5 =	vmul.f32 v5, v0  }
0x58e: {  	v10 =	vmul.f32 v10, v0;
	v2 =	vld.idx.msk [tilespmem:v2+s3+$0x0], $0xffff;
	v1 =	vadd.f32 v1, v17;
	v4 =	vadd.f32 v4, v18  }
0x58f: {  	v15 =	vmul.f32 v15, v0;
	v8 =	vmul.f32 v8, v0;
	v17 =	vld.idx.msk [tilespmem:v23+s3+$0x0], $0xffff;
	v5 =	vadd.f32 v5, v7  }
0x590: {  	v7 =	vld.idx.msk [tilespmem:v19+s3+$0x0], $0xffff;
	v18 =	vmul.f32 v54, v0;
	v9 =	vadd.f32 v10, v9;
	v10 =	vmax.f32 v1, v4  }
0x591: {  	v3 =	vld.idx.msk [tilespmem:v3+s3+$0x0], $0xffff;
	v13 =	vmul.f32 v13, v0;
	v11 =	vadd.f32 v15, v11;
	v10 =	vmax.f32 v10, v5  }
0x592: {  	v15 =	vmul.f32 v21, v0;
	v14 =	vadd.f32 v18, v14;
	v10 =	vmax.f32 v10, v9  }
0x593: {  	v8 =	vadd.f32 v8, v16;
	v13 =	vadd.f32 v13, v25;
	v10 =	vmax.f32 v10, v11  }
0x594: {  	v15 =	vadd.f32 v15, v26;
	v16 =	vmul.f32 v17, v0;
	v10 =	vmax.f32 v10, v14  }
0x595: {  	v2 =	vmul.f32 v2, v0;
	v7 =	vmul.f32 v7, v0;
	v10 =	vmax.f32 v10, v8  }
0x596: {  	v0 =	vmul.f32 v3, v0;
	v3 =	vadd.f32 v16, v24;
	v10 =	vmax.f32 v10, v13  }
0x597: {  	v7 =	vadd.f32 v7, v20;
	v10 =	vmax.f32 v10, v15  }
0x598: {  	v2 =	vadd.f32 v2, v12;
	v0 =	vadd.f32 v0, v6;
	v6 =	vmax.f32 v10, v3  }
0x599: {  	v6 =	vmax.f32 v6, v7  }
0x59a: {  	v2 =	vnsel vm0, $0xF149F2CA, v2;
	v6 =	vmax.f32 v6, v0  }
0x59b: {  	v6 =	vmax.f32 v6, v2  }
0x59c: {  	(xrf0) =	vmax.scan.msk.f32 $0xffff, v6;
	_ =	sdelay $0x5  }
0x59d: {  	v6, _, _ =	vpop (xrf0)  }
0x59e: {  	v6 =	vbroadcast v6, $0xF;
	_ =	sdelay $0x1  }
0x59f: {  	v1 =	vsub.f32 v1, v6  }
0x5a0: {  	v4 =	vsub.f32 v4, v6  }
0x5a1: {  	v1 =	vmul.f32 $1.442695020e+00, v1  }
0x5a2: {  	v5 =	vsub.f32 v5, v6;
	v4 =	vmul.f32 $1.442695020e+00, v4  }
0x5a3: {  	(erf) = vpow2.f32 v1  }
0x5a4: {  	v1 =	vmul.f32 $1.442695020e+00, v5;
	(erf) = vpow2.f32 v4;
	v4 =	vsub.f32 v9, v6;
	_ =	sdelay $0x1  }
0x5a5: {  	(erf) = vpow2.f32 v1;
	v1 =	vmul.f32 $1.442695020e+00, v4;
	v4 =	vsub.f32 v11, v6;
	_ =	sdelay $0x1  }
0x5a6: {  	(erf) = vpow2.f32 v1;
	v1 =	vmul.f32 $1.442695020e+00, v4;
	v4 =	vsub.f32 v14, v6;
	_ =	sdelay $0x1  }
0x5a7: {  	(erf) = vpow2.f32 v1;
	v1 =	vmul.f32 $1.442695020e+00, v4;
	v4 =	vsub.f32 v8, v6;
	_ =	sdelay $0x2  }
0x5a8: {  	v8 =	vpop (erf)  }
0x5a9: {  	v5 =	vsub.f32 v13, v6;
	(erf) = vpow2.f32 v1;
	v1 =	vmul.f32 $1.442695020e+00, v4;
	v4 =	vpop (erf)  }
0x5aa: {  	v9 =	vadd.f32 v4, v8  }
0x5ab: {  	v5 =	vmul.f32 $1.442695020e+00, v5;
	(erf) = vpow2.f32 v1;
	v1 =	vsub.f32 v15, v6  }
0x5ac: {  	v3 =	vsub.f32 v3, v6;
	v10 =	vpop (erf)  }
0x5ad: {  	(erf) = vpow2.f32 v5;
	v1 =	vmul.f32 $1.442695020e+00, v1;
	v5 =	vadd.f32 v9, v10  }
0x5ae: {  	v9 =	vpop (erf)  }
0x5af: {  	(erf) = vpow2.f32 v1;
	v1 =	vmul.f32 $1.442695020e+00, v3;
	v3 =	vadd.f32 v5, v9;
	_ =	sdelay $0x1  }
0x5b0: {  	v7 =	vsub.f32 v7, v6;
	v5 =	vpop (erf)  }
0x5b1: {  	(erf) = vpow2.f32 v1;
	v1 =	vadd.f32 v3, v5  }
0x5b2: {  	v0 =	vsub.f32 v0, v6;
	v7 =	vmul.f32 $1.442695020e+00, v7;
	v3 =	vpop (erf)  }
0x5b3: {  	v2 =	vsub.f32 v2, v6;
	v1 =	vadd.f32 v1, v3  }
0x5b4: {  	v0 =	vmul.f32 $1.442695020e+00, v0;
	(erf) = vpow2.f32 v7;
	v6 =	vpop (erf)  }
0x5b5: {  	v1 =	vadd.f32 v1, v6  }
0x5b6: {  	(erf) = vpow2.f32 v0;
	v0 =	vmul.f32 $1.442695020e+00, v2  }
0x5b7: {  	v2 =	vpop (erf)  }
0x5b8: {  	(erf) = vpow2.f32 v0;
	v0 =	vadd.f32 v1, v2  }
0x5b9: {  	v1 =	vpop (erf)  }
0x5ba: {  	v0 =	vadd.f32 v0, v1  }
0x5bb: {  	v7 =	vpop (erf)  }
0x5bc: {  	v0 =	vadd.f32 v0, v7  }
0x5bd: {  	v11 =	vpop (erf)  }
0x5be: {  	v0 =	vadd.f32 v0, v11  }
0x5bf: {  	v12 =	vpop (erf)  }
0x5c0: {  	v0 =	vadd.f32 v0, v12  }
0x5c1: {  	v13 =	vpop (erf)  }
0x5c2: {  	v0 =	vadd.f32 v0, v13;
	_ =	sdelay $0x1  }
0x5c3: {  	(xrf2) =	vadd.scan.msk.f32 $0xffff, v0;
	_ =	sdelay $0x9  }
0x5c4: {  	v0, _, _ =	vpop (xrf2)  }
0x5c5: {  	v0 =	vbroadcast v0, $0xF;
	_ =	sdelay $0x1  }
0x5c6: {  	(erf) = vrcp.f32 v0;
	_ =	sdelay $0x4  }
0x5c7: {  	v34 =	vld [tilespmem:$0x1F950]  }
0x5c8: {  	v39 =	vld [tilespmem:$0x1F980]  }
0x5c9: {  	v40 =	vld [tilespmem:$0x1F990];
	v33 =	vlaneseq.u32  }
0x5ca: {  	v41 =	vld [tilespmem:$0x1F9A0]  }
0x5cb: {  	v42 =	vld [tilespmem:$0x1F9B0];
	v0 =	vpop (erf)  }
0x5cc: {  	v43 =	vld [tilespmem:$0x1F9C0];
	v8 =	vmul.f32 v0, v8  }
0x5cd: {  	v44 =	vld [tilespmem:$0x1F9D0];
	v4 =	vmul.f32 v0, v4  }
0x5ce: {  	v37 =	vld [tilespmem:$0x1F960];
	[tilespmem:v33+s10+$0x0] =	vst.idx.msk $0xffff, v8;
	v8 =	vmul.f32 v0, v10  }
0x5cf: {  	v38 =	vld [tilespmem:$0x1F970];
	[tilespmem:v34+s10+$0x0] =	vst.idx.msk $0xffff, v4;
	v4 =	vmul.f32 v0, v9  }
0x5d0: {  	v45 =	vld [tilespmem:$0x1F9E0];
	v5 =	vmul.f32 v0, v5;
	[tilespmem:v39+s10+$0x0] =	vst.idx.msk $0xffff, v8  }
0x5d1: {  	v3 =	vmul.f32 v0, v3;
	[tilespmem:v40+s10+$0x0] =	vst.idx.msk $0xffff, v4  }
0x5d2: {  	v4 =	vmul.f32 v0, v6;
	[tilespmem:v41+s10+$0x0] =	vst.idx.msk $0xffff, v5  }
0x5d3: {  	v2 =	vmul.f32 v0, v2;
	[tilespmem:v42+s10+$0x0] =	vst.idx.msk $0xffff, v3  }
0x5d4: {  	v1 =	vmul.f32 v0, v1;
	[tilespmem:v43+s10+$0x0] =	vst.idx.msk $0xffff, v4  }
0x5d5: {  	[tilespmem:v44+s10+$0x0] =	vst.idx.msk $0xffff, v2;
	v2 =	vmul.f32 v0, v7  }
0x5d6: {  	[tilespmem:v37+s10+$0x0] =	vst.idx.msk $0xffff, v1;
	v1 =	vmul.f32 v0, v11  }
0x5d7: {  	[tilespmem:v38+s10+$0x0] =	vst.idx.msk $0xffff, v2  }
0x5d8: {  	[tilespmem:v45+s10+$0x0] =	vst.idx.msk $0xffff, v1;
	v1 =	vld [tilespmem:$0x1F800];
	_ =	sdelay $0x5  }
0x5d9: {  	v2 =	vmul.f32 v0, v12;
	_ =	sdelay $0x1  }
0x5da: {  	[tilespmem:v1+s10+$0x0] =	vst.idx.msk $0xffff, v2;
	v2 =	vld [tilespmem:$0x1F810];
	_ =	sdelay $0x2  }
0x5db: {  	s1 =	simm.s32 $0x0  }
0x5dc: {  	s14 =	simm.s32 $0x4;
	v3 =	vadd.s32 s1, v59  }
0x5dd: {  	v17 =	vadd.s32 s14, v59  }
0x5de: {  	s4 =	simm.s32 $0x2;
	v0 =	vmul.f32 v0, v13  }
0x5df: {  	v1 =	vadd.s32 s4, v59  }
0x5e0: {  	s5 =	simm.s32 $0x1;
	s18 =	simm.s32 $0x6;
	[tilespmem:v2+s10+$0x0] =	vst.idx.msk $0xffff, v0  }
0x5e1: {  	s7 =	simm.s32 $0x3;
	v23 =	vmov s18;
	v0 =	vadd.s32 s5, v59;
	v2 =	vld.idx.msk [tilespmem:v3+s19+$0x0], $0xffff  }
0x5e2: {  	v19 =	vadd.s32 s18, v59;
	v21 =	vmov s14;
	v10 =	vmov s7;
	v17 =	vld.idx.msk [tilespmem:v17+s19+$0x0], $0xffff  }
0x5e3: {  	v20 =	vshll.u32 v21, $0x7;
	v15 =	vshll.u32 v10, $0x7;
	v5 =	vmov s5  }
0x5e4: {  	v8 =	vmov s1;
	v6 =	vshll.u32 v5, $0x7;
	v4 =	vimm.f32 $0.0e+00;
	v1 =	vld.idx.msk [tilespmem:v1+s19+$0x0], $0xffff  }
0x5e5: {  	v7 =	vadd.s32 s7, v59;
	v12 =	vshll.u32 v8, $0x7;
	v3 =	vmov s4  }
0x5e6: {  	v9 =	vshll.u32 v3, $0x7;
	v0 =	vld.idx.msk [tilespmem:v0+s19+$0x0], $0xffff;
	v11 =	vadd.s32 v33, v2;
	v2 =	vadd.s32 v34, v2  }
0x5e7: {  	v22 =	vld.idx.msk [tilespmem:v19+s19+$0x0], $0xffff;
	v19 =	vadd.s32 v33, v17;
	v17 =	vadd.s32 v34, v17;
	v13 =	vand.u32 $0xFFFFFF80, v11  }
0x5e8: {  	v14 =	vand.u32 $0xFFFFFF80, v2;
	v2 =	vand.u32 $0x7F, v2;
	v11 =	vand.u32 $0x7F, v11  }
0x5e9: {  	v13 =	vadd.s32 v12, v13;
	v12 =	vadd.s32 v12, v14;
	v14 =	vadd.s32 v33, v1  }
0x5ea: {  	v7 =	vld.idx.msk [tilespmem:v7+s19+$0x0], $0xffff;
	v1 =	vadd.s32 v34, v1;
	v2 =	vor.u32 v2, v12;
	v16 =	vand.u32 $0xFFFFFF80, v14  }
0x5eb: {  	v14 =	vand.u32 $0x7F, v14;
	v12 =	vadd.s32 v33, v0;
	v0 =	vadd.s32 v34, v0  }
0x5ec: {  	v11 =	vor.u32 v11, v13;
	v16 =	vadd.s32 v9, v16;
	v13 =	vand.u32 $0xFFFFFF80, v0  }
0x5ed: {  	v0 =	vand.u32 $0x7F, v0;
	v14 =	vor.u32 v14, v16;
	v16 =	vand.u32 $0xFFFFFF80, v12  }
0x5ee: {  	v8 =	vld.idx.msk [tilespmem:v8+s10+$0x0], $0xffff;
	v12 =	vand.u32 $0x7F, v12;
	v13 =	vadd.s32 v6, v13;
	v6 =	vadd.s32 v6, v16  }
0x5ef: {  	s17 =	simm.s32 $0x5;
	v16 =	vand.u32 $0xFFFFFF80, v1;
	v13 =	vor.u32 v0, v13;
	v0 =	vld.idx.msk [tilespmem:v3+s10+$0x0], $0xffff;
	v3 =	vadd.s32 v34, v7  }
0x5f0: {  	v9 =	vadd.s32 v9, v16;
	v16 =	vadd.s32 s17, v59;
	v7 =	vadd.s32 v33, v7;
	v2 =	vld.idx.msk [tilespmem:v2+s3+$0x0], $0xffff  }
0x5f1: {  	v55 =	vand.u32 $0xFFFFFF80, v19;
	v6 =	vor.u32 v12, v6;
	v11 =	vld.idx.msk [tilespmem:v11+s3+$0x0], $0xffff;
	v12 =	vand.u32 $0xFFFFFF80, v7  }
0x5f2: {  	v56 =	vand.u32 $0xFFFFFF80, v17;
	v7 =	vand.u32 $0x7F, v7;
	v12 =	vadd.s32 v15, v12  }
0x5f3: {  	v58 =	vand.u32 $0x7F, v17;
	v60 =	vand.u32 $0x7F, v19;
	v14 =	vld.idx.msk [tilespmem:v14+s3+$0x0], $0xffff;
	v7 =	vor.u32 v7, v12  }
0x5f4: {  	v5 =	vld.idx.msk [tilespmem:v5+s10+$0x0], $0xffff;
	v24 =	vadd.s32 v20, v55;
	v18 =	vand.u32 $0x7F, v1;
	v12 =	vand.u32 $0xFFFFFF80, v3  }
0x5f5: {  	v1 =	vmov s17;
	v9 =	vor.u32 v18, v9;
	v12 =	vadd.s32 v15, v12;
	v16 =	vld.idx.msk [tilespmem:v16+s19+$0x0], $0xffff  }
0x5f6: {  	s26 =	simm.s32 $0x7;
	v13 =	vld.idx.msk [tilespmem:v13+s3+$0x0], $0xffff;
	v2 =	vmul.f32 v2, v8;
	v8 =	vmul.f32 v11, v8;
	v11 =	vand.u32 $0x7F, v3  }
0x5f7: {  	v18 =	vshll.u32 v1, $0x7;
	v15 =	vadd.s32 s26, v59;
	v12 =	vor.u32 v11, v12;
	v11 =	vld.idx.msk [tilespmem:v6+s3+$0x0], $0xffff  }
0x5f8: {  	v6 =	vshll.u32 v23, $0x7;
	v3 =	vmul.f32 v14, v0;
	v14 =	vadd.f32 v2, v4;
	v57 =	vld.idx.msk [tilespmem:v7+s3+$0x0], $0xffff  }
0x5f9: {  	v8 =	vadd.f32 v8, v4;
	v2 =	vmov s26;
	v7 =	vld.idx.msk [tilespmem:v10+s10+$0x0], $0xffff;
	v10 =	vadd.s32 v20, v56  }
0x5fa: {  	v17 =	vadd.s32 v33, v16;
	v20 =	vadd.s32 v34, v16;
	v16 =	vadd.s32 v33, v22  }
0x5fb: {  	v19 =	vor.u32 v58, v10;
	v13 =	vmul.f32 v13, v5;
	v10 =	vand.u32 $0xFFFFFF80, v16  }
0x5fc: {  	v5 =	vmul.f32 v11, v5;
	v11 =	vld.idx.msk [tilespmem:v15+s19+$0x0], $0xffff;
	v15 =	vand.u32 $0x7F, v16;
	v62 =	vadd.s32 v6, v10  }
0x5fd: {  	v61 =	vand.u32 $0xFFFFFF80, v20;
	v63 =	vand.u32 $0x7F, v20;
	v20 =	vor.u32 v15, v62;
	v15 =	vld.idx.msk [tilespmem:v9+s3+$0x0], $0xffff  }
0x5fe: {  	v4 =	vshll.u32 v2, $0x7;
	v22 =	vadd.s32 v34, v22;
	v16 =	vor.u32 v60, v24;
	v9 =	vld.idx.msk [tilespmem:v23+s10+$0x0], $0xffff  }
0x5ff: {  	v25 =	vadd.s32 v18, v61;
	v13 =	vadd.f32 v13, v14;
	v10 =	vadd.f32 v5, v8;
	v8 =	vld.idx.msk [tilespmem:v12+s3+$0x0], $0xffff  }
0x600: {  	v23 =	vand.u32 $0xFFFFFF80, v22;
	v5 =	vld.idx.msk [tilespmem:v21+s10+$0x0], $0xffff;
	v21 =	vand.u32 $0xFFFFFF80, v17;
	v12 =	vmul.f32 v57, v7  }
0x601: {  	s14 =	simm.s32 $0xB;
	v21 =	vadd.s32 v18, v21;
	v18 =	vor.u32 v63, v25;
	v14 =	vadd.s32 v34, v11  }
.LBB2_9:
0x602: {  	s4 =	sadd.s32 $0xFFFFFFFD, s14  }
0x603: {  	s5 =	sadd.s32 $0xFFFFFFFE, s14;
	v19 =	vld.idx.msk [tilespmem:v19+s3+$0x0], $0xffff;
	v17 =	vand.u32 $0x7F, v17;
	v22 =	vand.u32 $0x7F, v22;
	v6 =	vadd.s32 v6, v23;
	s7 =	smov.u32 s14;
	s1 =	sadd.s32 $0x4, s14  }
0x604: {  	p1 =	sne.s32 s14, $0xC7;
	v7 =	vmul.f32 v8, v7;
	v23 =	vadd.s32 s4, v59;
	v24 =	vadd.s32 s5, v59;
	s17 =	sadd.s32 $0xFFFFFFFF, s7;
	v20 =	vld.idx.msk [tilespmem:v20+s3+$0x0], $0xffff  }
0x605: {  	v3 =	vadd.f32 v3, v10;
	v25 =	vmov s17;
	v8 =	vadd.s32 s17, v59;
	v16 =	vld.idx.msk [tilespmem:v16+s3+$0x0], $0xffff  }
0x606: {  	v11 =	vadd.s32 v33, v11;
	v10 =	vmov s5;
	v26 =	vmul.f32 v15, v0  }
0x607: {  	v15 =	vor.u32 v17, v21;
	v17 =	vand.u32 $0xFFFFFF80, v11;
	v12 =	vadd.f32 v12, v3  }
0x608: {  	v3 =	vand.u32 $0x7F, v11;
	v11 =	vadd.s32 v4, v17;
	v13 =	vadd.f32 v26, v13;
	v0 =	vmovc v9;
	v18 =	vld.idx.msk [tilespmem:v18+s3+$0x0], $0xffff  }
0x609: {  	v21 =	vor.u32 v22, v6;
	v11 =	vor.u32 v3, v11;
	v17 =	vmul.f32 v19, v5;
	v9 =	vld.idx.msk [tilespmem:v23+s19+$0x0], $0xffff  }
0x60a: {  	v6 =	vand.u32 $0xFFFFFF80, v14;
	v7 =	vadd.f32 v7, v13;
	v3 =	vmul.f32 v20, v0;
	v19 =	vld.idx.msk [tilespmem:v24+s19+$0x0], $0xffff  }
0x60b: {  	v14 =	vand.u32 $0x7F, v14;
	v4 =	vadd.s32 v4, v6;
	v5 =	vmul.f32 v16, v5;
	v13 =	vld.idx.msk [tilespmem:v1+s10+$0x0], $0xffff;
	v1 =	vmovc v10  }
0x60c: {  	v14 =	vor.u32 v14, v4;
	v23 =	vadd.f32 v17, v7;
	v10 =	vld.idx.msk [tilespmem:v15+s3+$0x0], $0xffff  }
0x60d: {  	v22 =	vshll.u32 v1, $0x7;
	v15 =	vadd.s32 s7, v59;
	v12 =	vadd.f32 v5, v12;
	v24 =	vld.idx.msk [tilespmem:v8+s19+$0x0], $0xffff  }
0x60e: {  	v6 =	vshll.u32 v25, $0x7;
	v5 =	vmov s4;
	v8 =	vmov s7;
	v26 =	vld.idx.msk [tilespmem:v11+s3+$0x0], $0xffff  }
0x60f: {  	v16 =	vshll.u32 v5, $0x7;
	v11 =	vadd.s32 v33, v9;
	v9 =	vadd.s32 v34, v9  }
0x610: {  	v4 =	vshll.u32 v8, $0x7;
	v17 =	vand.u32 $0xFFFFFF80, v11;
	v20 =	vand.u32 $0xFFFFFF80, v9;
	v7 =	vld.idx.msk [tilespmem:v2+s10+$0x0], $0xffff;
	v2 =	vmovc v8  }
0x611: {  	v9 =	vand.u32 $0x7F, v9;
	v27 =	vadd.s32 v16, v17;
	v18 =	vmul.f32 v18, v13;
	v8 =	vld.idx.msk [tilespmem:v14+s3+$0x0], $0xffff  }
0x612: {  	v16 =	vadd.s32 v16, v20;
	v14 =	vand.u32 $0x7F, v11;
	v10 =	vmul.f32 v10, v13  }
0x613: {  	v17 =	vadd.s32 v33, v19;
	v13 =	vadd.s32 v34, v19;
	v20 =	vadd.s32 v33, v24;
	v11 =	vld.idx.msk [tilespmem:v15+s19+$0x0], $0xffff  }
0x614: {  	v19 =	vor.u32 v9, v16;
	v9 =	vand.u32 $0xFFFFFF80, v20;
	v15 =	vand.u32 $0x7F, v20;
	v5 =	vld.idx.msk [tilespmem:v5+s10+$0x0], $0xffff  }
.Ltmp3:
0x615: {  	v28 =	vand.u32 $0xFFFFFF80, v13;
	v10 =	vadd.f32 v10, v12;
	v9 =	vadd.s32 v6, v9;
	(pc) =	sbr.rel @p1 .LBB2_9-.Ltmp3, $4  }
0x616: {  	v16 =	vor.u32 v14, v27;
	v14 =	vand.u32 $0x7F, v13;
	v20 =	vor.u32 v15, v9;
	v15 =	vld.idx.msk [tilespmem:v21+s3+$0x0], $0xffff  }
0x617: {  	v27 =	vadd.s32 v22, v28;
	v9 =	vand.u32 $0xFFFFFF80, v17;
	v12 =	vmul.f32 v26, v7  }
0x618: {  	v13 =	vadd.f32 v18, v23;
	v21 =	vadd.s32 v22, v9;
	v22 =	vadd.s32 v34, v24  }
0x619: {  	s14 =	smov.u32 s1;
	v18 =	vor.u32 v14, v27;
	v23 =	vand.u32 $0xFFFFFF80, v22;
	v14 =	vadd.s32 v34, v11;
	v9 =	vld.idx.msk [tilespmem:v25+s10+$0x0], $0xffff  }
0x61a: {  	_ =	sdelay $0x1  }
0x61b: {  	v17 =	vand.u32 $0x7F, v17  }
0x61c: {  	v17 =	vor.u32 v17, v21  }
0x61d: {  	v11 =	vadd.s32 v33, v11;
	v19 =	vld.idx.msk [tilespmem:v19+s3+$0x0], $0xffff;
	v22 =	vand.u32 $0x7F, v22  }
0x61e: {  	v6 =	vadd.s32 v6, v23;
	v20 =	vld.idx.msk [tilespmem:v20+s3+$0x0], $0xffff;
	v49 =	vand.u32 $0xFFFFFF80, v14;
	v48 =	vand.u32 $0xFFFFFF80, v11  }
0x61f: {  	v16 =	vld.idx.msk [tilespmem:v16+s3+$0x0], $0xffff;
	v11 =	vand.u32 $0x7F, v11;
	v6 =	vor.u32 v22, v6;
	v21 =	vadd.s32 v4, v48  }
0x620: {  	v1 =	vld.idx.msk [tilespmem:v1+s10+$0x0], $0xffff;
	v50 =	vand.u32 $0x7F, v14;
	v51 =	vadd.s32 v4, v49;
	v11 =	vor.u32 v11, v21  }
0x621: {  	v0 =	vmul.f32 v15, v0;
	v4 =	vor.u32 v50, v51;
	v52 =	vld.idx.msk [tilespmem:v17+s3+$0x0], $0xffff  }
0x622: {  	v3 =	vadd.f32 v3, v10;
	v53 =	vld.idx.msk [tilespmem:v18+s3+$0x0], $0xffff  }
0x623: {  	v7 =	vmul.f32 v8, v7;
	v2 =	vld.idx.msk [tilespmem:v2+s10+$0x0], $0xffff;
	v0 =	vadd.f32 v0, v13  }
0x624: {  	v3 =	vadd.f32 v12, v3;
	v55 =	vmul.f32 v16, v5;
	v6 =	vld.idx.msk [tilespmem:v6+s3+$0x0], $0xffff  }
0x625: {  	v56 =	vmul.f32 v19, v5;
	v0 =	vadd.f32 v7, v0;
	v54 =	vld.idx.msk [tilespmem:v11+s3+$0x0], $0xffff  }
0x626: {  	v3 =	vadd.f32 v55, v3;
	v4 =	vld.idx.msk [tilespmem:v4+s3+$0x0], $0xffff;
	v57 =	vmul.f32 v52, v1  }
0x627: {  	v0 =	vadd.f32 v56, v0;
	v1 =	vmul.f32 v53, v1  }
0x628: {  	s1 =	sshll.u32 s16, $0x5;
	v58 =	vmul.f32 v20, v9;
	v3 =	vadd.f32 v57, v3  }
0x629: {  	s15 =	sadd.s32 $0x1, s15;
	v60 =	vor.u32 s1, v33;
	v59 =	vmul.f32 v6, v9;
	v0 =	vadd.f32 v1, v0  }
0x62a: {  	v62 =	vor.u32 s1, v34;
	p1 =	sne.s32 s15, $0x10;
	v61 =	vmul.f32 v54, v2;
	v3 =	vadd.f32 v58, v3  }
.Ltmp4:
0x62b: {  	v2 =	vmul.f32 v4, v2;
	v0 =	vadd.f32 v59, v0;
	(pc) =	sbr.rel @p1 .LBB2_2-.Ltmp4, $4  }
0x62c: {  	v63 =	vadd.f32 v61, v3  }
0x62d: {  	v0 =	vadd.f32 v2, v0  }
0x62e: {  	[tilespmem:v60+s11+$0x0] =	vst.idx.msk $0xffff, v63  }
0x62f: {  	[tilespmem:v62+s11+$0x0] =	vst.idx.msk $0xffff, v0  }
0x630: {  	_ =	swait.ge [sflag:s8], $0x1C00  }
0x631: {  	[sflag:s8] =	ssyncset.done $0x0  }
0x632: {  	[sflag:s8] =	ssyncadd.s32 $0xFFFFE400  }
0x633: {  	_ =	swait.ge [sflag:s9], $0x1800  }
0x634: {  	[sflag:s9] =	ssyncset.done $0x0  }
0x635: {  	[sflag:s9] =	ssyncadd.s32 $0xFFFFE800  }
0x636: {  	_ =	swait.ge [sflag:s8], $0x1800  }
0x637: {  	[sflag:s8] =	ssyncset.done $0x0  }
0x638: {  	[sflag:s8] =	ssyncadd.s32 $0xFFFFE800  }
0x639: {  	_ =	swait.ge [sflag:s9], $0x1800  }
0x63a: {  	s16 =	simm.s32 $0x0;
	[sflag:s9] =	ssyncset.done $0x0  }
0x63b: {  	s7 =	simm.s32 $0x6;
	s1 =	rddreg [dreg:$0x10];
	[sflag:s9] =	ssyncadd.s32 $0xFFFFE800  }
0x63c: {  	[hbm4b:s1+s16] =	stream.linear.scatter [tilespmem:s11], [sflag:$0x6], $0x400, $0x38;
	[tilespmem:$0x17300] =	vst v63  }
0x63d: {  	_ =	swait.ge [sflag:s7], $0x400  }
0x63e: {  	s4 =	rddreg [dreg:$0x12]  }
0x63f: {  	s26 =	rddreg [dreg:$0x11];
	s4 =	sadd.s32 $0x1, s4  }
0x640: {  	p1 =	sne.s32 s4, s26  }
.Ltmp5:
0x641: {  	_ = 	snop;
	(pc) =	sbr.rel @p1 .LBB2_1-.Ltmp5, $3  }
0x642: {  	_ =	sdelay $0x1  }
0x643: {  	[sflag:s7] =	ssyncset.done $0x0  }
0x644: {  	[sflag:s7] =	ssyncadd.s32 $0xFFFFFC00  }
0x645: {  	_ =	sfence.sel $0x180000  }
0x646: {  	[bflag:$0x0] =	sbarrier.arrive $0xFFFF  }
0x647: {  	_ =	strace $0x90000047  }
0x648: {  	[bflag:$0x2] =	sbarrier.arrive $0xFFFF  }
0x649: {  	s0 =	rddreg [dreg:$0x2]  }
0x64a: {  	s0 =	sadd.s32 @!p0 $0x100000, s0  }
0x64b: {  	[sflag:s0] =	ssyncadd.tile.s32 @!p0 $0x1;
	_ =	shalt  }
.Lfunc_end2:
_tile_overlayer_lowered:
.L_overlay_start_2:
0x64c: {  	(tag) =	ssettag $0x2  }
0x64d: {  	s0 =	rddreg [dreg:$0x0];
	s2 =	stileid.u32  }
0x64e: {  	s1 =	rddreg [dreg:$0x1];
	p0 =	sne.s32 s2, $0x0  }
0x64f: {  	s3 =	rddreg [dreg:$0x2];
	[bflag:$0x3] =	sbarrier.arrive $0xFFFF;
	s2 =	simm.s32 @!p0 $0x1C06  }
0x650: {  	[timem:s3], [sflag:s2] =	dma.local @!p0 [hbm:s0], s1  }
0x651: {  	s0 =	simm.s32 @!p0 $0x6  }
0x652: {  	_ =	swait.ge @!p0 [sflag:s0], s1  }
0x653: {  	s1 =	ssub.s32 @!p0 $0x0, s1;
	[sflag:s0] =	ssyncset.done @!p0 $0x0  }
0x654: {  	[sflag:s0] =	ssyncadd.s32 @!p0 s1  }
0x655: {  	[bflag:$0x3] =	sbarrier.arrive $0xFFFF  }
0x656: {  	_ =	shalt  }

</sc_bundles>
